<compile_context>
chip_gen: v7x
topology: tpu7x:2x2x1
jax: 0.10.2.dev20260603
libtpu: 0.0.44.dev20260713+nightly
codegen_flags: <defaults>
</compile_context>

<pallas_src>
import functools

import jax
import jax.numpy as jnp
from jax import lax
from jax.experimental import pallas as pl
from jax.experimental.pallas import tpu as pltpu
from jax.experimental.pallas import tpu_sc as plsc

B, C, H, W = 16, 3, 512, 512
HW = H * W
W2 = W // 2
NW = 32
PIX_PER_TILE = B * HW // NW
TROWS = B * HW // 2 + 8

P = 1024
NCHUNK = PIX_PER_TILE // P
NG = P // 16
NIDX = 2 * P
NDMA = NIDX // 128

IR = 8
IPIX = IR * W
IROWS = IPIX // 2
ICHUNK = 256 // IR

_MESH = plsc.VectorSubcoreMesh(core_axis_name="c", subcore_axis_name="s")
_CP = pltpu.CompilerParams(
    needs_layout_passes=False, use_tc_tiling_on_sc=False)


def _make_interleave():
    ibuf_set = [
        pltpu.VMEM((IR + 1, W), jnp.float32),
        pltpu.VMEM((IR + 1, W), jnp.float32),
        pltpu.VMEM((IR + 1, W), jnp.float32),
        pltpu.VMEM((IROWS, 16), jnp.float32),
    ]

    @functools.partial(
        pl.kernel,
        mesh=_MESH,
        out_type=jax.ShapeDtypeStruct((TROWS, 16), jnp.float32),
        compiler_params=_CP,
        scratch_types=ibuf_set + ibuf_set + [
            pltpu.SemaphoreType.DMA,
            pltpu.SemaphoreType.DMA,
            pltpu.SemaphoreType.DMA,
        ],
    )
    def interleave(img, table, *rest):
        bufs = (rest[0:4], rest[4:8])
        sem_i = (rest[8], rest[9])
        sem_t = rest[10]
        wid = lax.axis_index("s") * 2 + lax.axis_index("c")
        b = wid // 2
        half = wid % 2

        def img_async(ch, par):
            i0, i1, i2, _ = bufs[par]
            r0 = half * 256 + lax.rem(ch, ICHUNK) * IR
            re = jnp.minimum(r0 + IR, H - 1)
            for cc, iv in ((0, i0), (1, i1), (2, i2)):
                pltpu.async_copy(img.at[3 * b + cc, pl.ds(r0, IR), :],
                                 iv.at[pl.ds(0, IR)], sem_i[par])
                pltpu.async_copy(img.at[3 * b + cc, pl.ds(re, 1), :],
                                 iv.at[pl.ds(IR, 1)], sem_i[par])

        def img_wait(par):
            i0, i1, i2, _ = bufs[par]
            for iv in (i0, i1, i2):
                pltpu.make_async_copy(img.at[0, pl.ds(0, IR), :],
                                      iv.at[pl.ds(0, IR)], sem_i[par]).wait()
                pltpu.make_async_copy(img.at[0, pl.ds(0, 1), :],
                                      iv.at[pl.ds(IR, 1)], sem_i[par]).wait()

        def scatter_chunk(ch, par):
            i0, i1, i2, buf = bufs[par]

            def group(i, c2):
                rl = i // (W // 16)
                jb = (i % (W // 16)) * 16
                lane = lax.iota(jnp.int32, 16)
                px = jb + lane
                blk = rl * W2 + (px >> 1)
                col = (px & 1) << 2
                hi_ok = blk >= 1
                for cc, iv in ((0, i0), (1, i1), (2, i2)):
                    v = iv[rl, pl.ds(jb, 16)]
                    plsc.store_scatter(buf, [blk, col + cc], v)
                    plsc.store_scatter(buf, [blk - 1, col + cc + 8], v,
                                       mask=hi_ok)
                return c2

            lax.fori_loop(0, IPIX // 16, group, 0)

            lane = lax.iota(jnp.int32, 16)
            lo2 = lane < 2
            last = jnp.full((16,), IROWS - 1, jnp.int32)
            colx = ((lane & 1) << 2) + 8
            for cc, iv in ((0, i0), (1, i1), (2, i2)):
                plsc.store_scatter(buf, [last, colx + cc],
                                   iv[IR, pl.ds(0, 16)], mask=lo2)

            r0 = half * 256 + ch * IR
            pltpu.async_copy(buf, table.at[pl.ds((b * H + r0) * W2, IROWS)],
                             sem_t)

        def table_drain(n):
            for _ in range(n):
                pltpu.make_async_copy(
                    bufs[0][3], table.at[pl.ds(0, IROWS)], sem_t).wait()

        img_async(0, 0)

        def body(g, carry):
            img_async(2 * g + 1, 1)
            img_wait(0)
            scatter_chunk(2 * g, 0)
            img_async(2 * g + 2, 0)
            img_wait(1)
            scatter_chunk(2 * g + 1, 1)
            table_drain(2)
            return carry

        lax.fori_loop(0, ICHUNK // 2, body, 0)
        img_wait(0)

    return interleave


def _make_warp():
    buf_set = [
        pltpu.VMEM((P,), jnp.float32),
        pltpu.VMEM((P,), jnp.float32),
        pltpu.VMEM((P,), jnp.float32),
        pltpu.VMEM((P,), jnp.float32),
        pltpu.VMEM((P,), jnp.int32),
        pltpu.VMEM((NIDX,), jnp.int32),
        pltpu.VMEM((NIDX, 16), jnp.float32),
        pltpu.VMEM((P,), jnp.float32),
        pltpu.VMEM((P,), jnp.float32),
        pltpu.VMEM((P,), jnp.float32),
    ]

    @functools.partial(
        pl.kernel,
        mesh=_MESH,
        out_type=jax.ShapeDtypeStruct((B * C, HW), jnp.float32),
        compiler_params=_CP,
        scratch_types=buf_set + buf_set + [
            pltpu.SemaphoreType.DMA,
            pltpu.SemaphoreType.DMA,
            pltpu.SemaphoreType.DMA,
            pltpu.SemaphoreType.DMA,
            pltpu.SemaphoreType.DMA,
        ],
    )
    def warp(table, flow, out, *rest):
        bufs = (rest[0:10], rest[10:20])
        sem_g = (rest[20], rest[21])
        sem_o = rest[22]
        sem_f = (rest[23], rest[24])
        wid = lax.axis_index("s") * 2 + lax.axis_index("c")
        b = wid // 2
        half = wid % 2

        def flow_async(ch, par):
            fx_v, fy_v = bufs[par][0], bufs[par][1]
            off = half * PIX_PER_TILE + lax.rem(ch, NCHUNK) * P
            pltpu.async_copy(flow.at[2 * b, pl.ds(off, P)], fx_v, sem_f[par])
            pltpu.async_copy(flow.at[2 * b + 1, pl.ds(off, P)], fy_v,
                             sem_f[par])

        def flow_wait(par):
            fx_v, fy_v = bufs[par][0], bufs[par][1]
            pltpu.make_async_copy(flow.at[0, pl.ds(0, P)], fx_v,
                                  sem_f[par]).wait()
            pltpu.make_async_copy(flow.at[0, pl.ds(0, P)], fy_v,
                                  sem_f[par]).wait()

        def pass_a(ch, par):
            fx_v, fy_v, wx_v, wy_v, ex_v, idx_v = bufs[par][:6]
            off = half * PIX_PER_TILE + lax.rem(ch, NCHUNK) * P
            row0 = off // W
            flow_wait(par)

            def group_a(i, c2):
                r = row0 + i // (W // 16)
                jb = (i % (W // 16)) * 16
                lane = lax.iota(jnp.int32, 16)
                jf = (jb + lane).astype(jnp.float32)
                fx = fx_v[pl.ds(i * 16, 16)]
                fy = fy_v[pl.ds(i * 16, 16)]
                x = jnp.clip(jf - fx, 0.0, float(W - 1))
                y = jnp.clip(r.astype(jnp.float32) - fy, 0.0, float(H - 1))
                x0 = jnp.minimum(x.astype(jnp.int32), W - 2)
                y0 = jnp.minimum(y.astype(jnp.int32), H - 2)
                wx_v[pl.ds(i * 16, 16)] = x - x0.astype(jnp.float32)
                wy_v[pl.ds(i * 16, 16)] = y - y0.astype(jnp.float32)
                ex_v[pl.ds(i * 16, 16)] = (x0 & 1) << 2
                rt = (b * H + y0) * W2 + (x0 >> 1)
                pos = 2 * (i * 16 + lane)
                plsc.store_scatter(idx_v, [pos], rt)
                plsc.store_scatter(idx_v, [pos + 1], rt + W2)
                return c2

            lax.fori_loop(0, NG, group_a, 0)

        def fire_gathers(par):
            idx_v, g_v = bufs[par][5], bufs[par][6]
            sem = sem_g[par]

            def dma_body(k, c2):
                for j in range(8):
                    d = k * 8 + j
                    pltpu.async_copy(
                        table.at[idx_v.at[pl.ds(d * 128, 128)]],
                        g_v.at[pl.ds(d * 128, 128)],
                        sem)
                return c2

            lax.fori_loop(0, NDMA // 8, dma_body, 0)

        def drain_gathers(par):
            g_v = bufs[par][6]
            pltpu.make_async_copy(table.at[pl.ds(0, NIDX)], g_v,
                                  sem_g[par]).wait()

        def pass_b(ch, par):
            wx_v, wy_v, ex_v, _, g_v, o0, o1, o2 = bufs[par][2:10]
            off = half * PIX_PER_TILE + ch * P

            def group_b(i2, c2):
                lane = lax.iota(jnp.int32, 16)
                for u in range(2):
                    i = i2 * 2 + u
                    wx = wx_v[pl.ds(i * 16, 16)]
                    wy = wy_v[pl.ds(i * 16, 16)]
                    e = ex_v[pl.ds(i * 16, 16)]
                    wxm = 1.0 - wx
                    wym = 1.0 - wy
                    w00 = wxm * wym
                    w01 = wx * wym
                    w10 = wxm * wy
                    w11 = wx * wy
                    p2 = 2 * (i * 16 + lane)
                    res = []
                    for c in range(3):
                        t0 = e + c
                        t4 = t0 + 4
                        v00 = plsc.load_gather(g_v, [p2, t0])
                        v01 = plsc.load_gather(g_v, [p2, t4])
                        v10 = plsc.load_gather(g_v, [p2 + 1, t0])
                        v11 = plsc.load_gather(g_v, [p2 + 1, t4])
                        res.append(
                            v00 * w00 + v01 * w01 + v10 * w10 + v11 * w11)
                    o0[pl.ds(i * 16, 16)] = res[0]
                    o1[pl.ds(i * 16, 16)] = res[1]
                    o2[pl.ds(i * 16, 16)] = res[2]
                return c2

            lax.fori_loop(0, NG // 2, group_b, 0)
            pltpu.async_copy(o0, out.at[3 * b, pl.ds(off, P)], sem_o)
            pltpu.async_copy(o1, out.at[3 * b + 1, pl.ds(off, P)], sem_o)
            pltpu.async_copy(o2, out.at[3 * b + 2, pl.ds(off, P)], sem_o)

        def drain_outs(n):
            for _ in range(n):
                pltpu.make_async_copy(
                    bufs[0][7], out.at[3 * b, pl.ds(0, P)], sem_o).wait()

        flow_async(0, 0)
        pass_a(0, 0)
        fire_gathers(0)
        flow_async(1, 1)

        def body(g, carry):
            pass_a(2 * g + 1, 1)
            fire_gathers(1)
            flow_async(2 * g + 2, 0)
            drain_gathers(0)
            pass_b(2 * g, 0)
            pass_a(2 * g + 2, 0)
            fire_gathers(0)
            flow_async(2 * g + 3, 1)
            drain_gathers(1)
            pass_b(2 * g + 1, 1)
            drain_outs(6)
            return carry

        lax.fori_loop(0, NCHUNK // 2, body, 0)
        drain_gathers(0)
        flow_wait(1)

    return warp


_interleave = _make_interleave()
_warp = _make_warp()


@jax.jit
def kernel(image, flow):
    img3 = image.reshape(B * C, H, W)
    table = _interleave(img3)
    flow2 = flow.reshape(B * 2, HW)
    out = _warp(table, flow2)
    return out.reshape(B, C, H, W)

# --- scband reference (transcript-rebuilt; emitter-appended) ---
"""Pipeline reference for scband-dense-image-warp2-58402965291635 (READ-ONLY COPY).

The authoritative reference and input builder live on the scoring server;
editing this copy changes nothing except your own understanding.
"""

import jax, jax.numpy as jnp
import numpy as np


def setup_inputs(seed: int = 0) -> dict:
    key = jax.random.key(seed)
    k1, k2 = jax.random.split(key)
    image = jax.random.uniform(k1, (16, 3, 512, 512), dtype=jnp.float32)
    flow = jax.random.normal(k2, (16, 2, 512, 512), dtype=jnp.float32)
    return {"image": image, "flow": flow}


def _grid_sample_bilinear_border(image, grid):
    # image: [B, C, H, W], grid: [B, H, W, 2] normalized to [-1, 1], align_corners=True,
    # padding_mode='border' -> clamp unnormalized coords to valid range.
    B, C, H, W = image.shape
    x = (grid[..., 0] + 1.0) * 0.5 * (W - 1)
    y = (grid[..., 1] + 1.0) * 0.5 * (H - 1)
    x = jnp.clip(x, 0.0, float(W - 1))
    y = jnp.clip(y, 0.0, float(H - 1))
    x0 = jnp.floor(x)
    y0 = jnp.floor(y)
    x1 = x0 + 1.0
    y1 = y0 + 1.0
    wx = x - x0
    wy = y - y0
    x0i = jnp.clip(x0, 0, W - 1).astype(jnp.int32)
    x1i = jnp.clip(x1, 0, W - 1).astype(jnp.int32)
    y0i = jnp.clip(y0, 0, H - 1).astype(jnp.int32)
    y1i = jnp.clip(y1, 0, H - 1).astype(jnp.int32)
    img_flat = image.reshape(B, C, H * W)

    def gather(yi, xi):
        idx = (yi * W + xi).reshape(B, 1, H * W)
        idx = jnp.broadcast_to(idx, (B, C, H * W))
        return jnp.take_along_axis(img_flat, idx, axis=2).reshape(B, C, H, W)

    v00 = gather(y0i, x0i)
    v01 = gather(y0i, x1i)
    v10 = gather(y1i, x0i)
    v11 = gather(y1i, x1i)
    wx = wx[:, None, :, :]
    wy = wy[:, None, :, :]
    return (v00 * (1.0 - wx) * (1.0 - wy)
            + v01 * wx * (1.0 - wy)
            + v10 * (1.0 - wx) * wy
            + v11 * wx * wy)


def reference(image, flow):
    B, C2, H, W = flow.shape
    lin_w = jnp.tile(jnp.linspace(0.0, W - 1, W, dtype=jnp.float32)[None, :], (H, 1))
    lin_h = jnp.tile(jnp.linspace(0.0, H - 1, H, dtype=jnp.float32)[:, None], (1, W))
    lin = jnp.stack([lin_w, lin_h], axis=0)[None, ...]  # [1, 2, H, W]
    scale = jnp.array([W, H], dtype=jnp.float32)[None, :, None, None]
    scale = (scale - 1.0) / 2.0
    grid = lin / scale - 1.0 - flow / scale  # [B, 2, H, W]
    grid = jnp.transpose(grid, (0, 2, 3, 1))  # [B, H, W, 2]
    return _grid_sample_bilinear_border(image, grid)

if __name__ == "__main__":
    import jax
    _d = setup_inputs()
    print(jax.jit(kernel)(*tuple(_d.values())))

</pallas_src>

<mosaic_0001>
#map = affine_map<(d0, d1) -> (0, 0)>
module attributes {stable_mosaic.version = 14 : i64} {
  func.func @warp(%arg0: i32, %arg1: i32, %arg2: memref<2097160x16xf32, #tpu.memory_space<hbm>>, %arg3: memref<32x262144xf32, #tpu.memory_space<hbm>>, %arg4: memref<48x262144xf32, #tpu.memory_space<hbm>>, %arg5: memref<1024xf32, #tpu.memory_space<vmem>>, %arg6: memref<1024xf32, #tpu.memory_space<vmem>>, %arg7: memref<1024xf32, #tpu.memory_space<vmem>>, %arg8: memref<1024xf32, #tpu.memory_space<vmem>>, %arg9: memref<1024xi32, #tpu.memory_space<vmem>>, %arg10: memref<2048xi32, #tpu.memory_space<vmem>>, %arg11: memref<2048x16xf32, #tpu.memory_space<vmem>>, %arg12: memref<1024xf32, #tpu.memory_space<vmem>>, %arg13: memref<1024xf32, #tpu.memory_space<vmem>>, %arg14: memref<1024xf32, #tpu.memory_space<vmem>>, %arg15: memref<1024xf32, #tpu.memory_space<vmem>>, %arg16: memref<1024xf32, #tpu.memory_space<vmem>>, %arg17: memref<1024xf32, #tpu.memory_space<vmem>>, %arg18: memref<1024xf32, #tpu.memory_space<vmem>>, %arg19: memref<1024xi32, #tpu.memory_space<vmem>>, %arg20: memref<2048xi32, #tpu.memory_space<vmem>>, %arg21: memref<2048x16xf32, #tpu.memory_space<vmem>>, %arg22: memref<1024xf32, #tpu.memory_space<vmem>>, %arg23: memref<1024xf32, #tpu.memory_space<vmem>>, %arg24: memref<1024xf32, #tpu.memory_space<vmem>>, %arg25: memref<!tpu.dma_semaphore, #tpu.memory_space<semaphore_mem>>, %arg26: memref<!tpu.dma_semaphore, #tpu.memory_space<semaphore_mem>>, %arg27: memref<!tpu.dma_semaphore, #tpu.memory_space<semaphore_mem>>, %arg28: memref<!tpu.dma_semaphore, #tpu.memory_space<semaphore_mem>>, %arg29: memref<!tpu.dma_semaphore, #tpu.memory_space<semaphore_mem>>) attributes {dimension_semantics = [#tpu.dimension_semantics<core_parallel>, #tpu.dimension_semantics<subcore_parallel>], iteration_bounds = array<i64: 2, 16>, scalar_prefetch = 0 : i64, scratch_operands = 25 : i64, tpu.core_type = #tpu.core_type<sc_vector_subcore>, window_params = [{transform_indices = #map}, {transform_indices = #map}, {transform_indices = #map}]} {
    %mul3A = arith.constant 2 : i32
    %mul3A_0 = arith.muli %arg1, %mul3A : i32
    %add3A = arith.addi %mul3A_0, %arg0 : i32
    %jit3A = arith.constant 2 : i32
    %div3A = arith.divsi %add3A, %jit3A : i32
    %sign3A = arith.constant 0 : i32
    %sign3A_1 = arith.cmpi sgt, %add3A, %sign3A : i32
    %sign3A_2 = arith.extui %sign3A_1 : i1 to i32
    %sign3A_3 = arith.constant 0 : i32
    %sign3A_4 = arith.cmpi slt, %add3A, %sign3A_3 : i32
    %sign3A_5 = arith.extui %sign3A_4 : i1 to i32
    %sign3A_6 = arith.subi %sign3A_2, %sign3A_5 : i32
    %sign3A_7 = arith.constant 0 : i32
    %sign3A_8 = arith.cmpi sgt, %jit3A, %sign3A_7 : i32
    %sign3A_9 = arith.extui %sign3A_8 : i1 to i32
    %sign3A_10 = arith.constant 0 : i32
    %sign3A_11 = arith.cmpi slt, %jit3A, %sign3A_10 : i32
    %sign3A_12 = arith.extui %sign3A_11 : i1 to i32
    %sign3A_13 = arith.subi %sign3A_9, %sign3A_12 : i32
    %ne3A = arith.cmpi ne, %sign3A_6, %sign3A_13 : i32
    %rem3A = arith.remsi %add3A, %jit3A : i32
    %ne3A_14 = arith.constant 0 : i32
    %ne3A_15 = arith.cmpi ne, %rem3A, %ne3A_14 : i32
    %and3A = arith.andi %ne3A, %ne3A_15 : i1
    %sub3A = arith.constant 1 : i32
    %sub3A_16 = arith.subi %div3A, %sub3A : i32
    %select_n3A = arith.select %and3A, %sub3A_16, %div3A : i32
    %jit3A_17 = arith.constant 2 : i32
    %eq3A = arith.constant 0 : i32
    %eq3A_18 = arith.cmpi eq, %jit3A_17, %eq3A : i32
    %jit3A_19 = arith.constant 1 : i32
    %select_n3A_20 = arith.select %eq3A_18, %jit3A_19, %jit3A_17 : i32
    %rem3A_21 = arith.remsi %add3A, %select_n3A_20 : i32
    %ne3A_22 = arith.constant 0 : i32
    %ne3A_23 = arith.cmpi ne, %rem3A_21, %ne3A_22 : i32
    %lt3A = arith.constant 0 : i32
    %lt3A_24 = arith.cmpi slt, %rem3A_21, %lt3A : i32
    %lt3A_25 = arith.constant 0 : i32
    %lt3A_26 = arith.cmpi slt, %select_n3A_20, %lt3A_25 : i32
    %ne3A_27 = arith.xori %lt3A_24, %lt3A_26 : i1
    %and3A_28 = arith.andi %ne3A_27, %ne3A_23 : i1
    %add3A_29 = arith.addi %rem3A_21, %select_n3A_20 : i32
    %select_n3A_30 = arith.select %and3A_28, %add3A_29, %rem3A_21 : i32
    %mul3A_31 = arith.constant 131072 : i32
    %mul3A_32 = arith.muli %select_n3A_30, %mul3A_31 : i32
    %rem3A_33 = arith.constant 0 : i32
    %rem3A_34 = arith.constant 128 : i32
    %rem3A_35 = arith.remsi %rem3A_33, %rem3A_34 : i32
    %mul3A_36 = arith.constant 1024 : i32
    %mul3A_37 = arith.muli %rem3A_35, %mul3A_36 : i32
    %add3A_38 = arith.addi %mul3A_32, %mul3A_37 : i32
    %mul3A_39 = arith.constant 2 : i32
    %mul3A_40 = arith.muli %mul3A_39, %select_n3A : i32
    %dma_start3A = tpu.memref_slice %arg3[%mul3A_40, %add3A_38] : memref<32x262144xf32, #tpu.memory_space<hbm>> -> memref<1x1024xf32, #tpu.memory_space<hbm>>
    %dma_start3A_41 = tpu.memref_squeeze %dma_start3A : memref<1x1024xf32, #tpu.memory_space<hbm>> -> memref<1024xf32, #tpu.memory_space<hbm>>
    %dma_start3A_42 = tpu.memref_slice %arg3[%mul3A_40, %add3A_38] : memref<32x262144xf32, #tpu.memory_space<hbm>> -> memref<1x1024xf32, #tpu.memory_space<hbm>>
    %dma_start3A_43 = tpu.memref_squeeze %dma_start3A_42 : memref<1x1024xf32, #tpu.memory_space<hbm>> -> memref<1024xf32, #tpu.memory_space<hbm>>
    tpu.enqueue_dma source(%dma_start3A_43 : memref<1024xf32, #tpu.memory_space<hbm>>) target(%arg5 : memref<1024xf32, #tpu.memory_space<vmem>>) target_semaphore(%arg28 : memref<!tpu.dma_semaphore, #tpu.memory_space<semaphore_mem>>)
    %mul3A_44 = arith.constant 2 : i32
    %mul3A_45 = arith.muli %mul3A_44, %select_n3A : i32
    %add3A_46 = arith.constant 1 : i32
    %add3A_47 = arith.addi %mul3A_45, %add3A_46 : i32
    %dma_start3A_48 = tpu.memref_slice %arg3[%add3A_47, %add3A_38] : memref<32x262144xf32, #tpu.memory_space<hbm>> -> memref<1x1024xf32, #tpu.memory_space<hbm>>
    %dma_start3A_49 = tpu.memref_squeeze %dma_start3A_48 : memref<1x1024xf32, #tpu.memory_space<hbm>> -> memref<1024xf32, #tpu.memory_space<hbm>>
    %dma_start3A_50 = tpu.memref_slice %arg3[%add3A_47, %add3A_38] : memref<32x262144xf32, #tpu.memory_space<hbm>> -> memref<1x1024xf32, #tpu.memory_space<hbm>>
    %dma_start3A_51 = tpu.memref_squeeze %dma_start3A_50 : memref<1x1024xf32, #tpu.memory_space<hbm>> -> memref<1024xf32, #tpu.memory_space<hbm>>
    tpu.enqueue_dma source(%dma_start3A_51 : memref<1024xf32, #tpu.memory_space<hbm>>) target(%arg6 : memref<1024xf32, #tpu.memory_space<vmem>>) target_semaphore(%arg28 : memref<!tpu.dma_semaphore, #tpu.memory_space<semaphore_mem>>)
    %mul3A_52 = arith.constant 131072 : i32
    %mul3A_53 = arith.muli %select_n3A_30, %mul3A_52 : i32
    %rem3A_54 = arith.constant 0 : i32
    %rem3A_55 = arith.constant 128 : i32
    %rem3A_56 = arith.remsi %rem3A_54, %rem3A_55 : i32
    %mul3A_57 = arith.constant 1024 : i32
    %mul3A_58 = arith.muli %rem3A_56, %mul3A_57 : i32
    %add3A_59 = arith.addi %mul3A_53, %mul3A_58 : i32
    %jit3A_60 = arith.constant 512 : i32
    %div3A_61 = arith.divsi %add3A_59, %jit3A_60 : i32
    %sign3A_62 = arith.constant 0 : i32
    %sign3A_63 = arith.cmpi sgt, %add3A_59, %sign3A_62 : i32
    %sign3A_64 = arith.extui %sign3A_63 : i1 to i32
    %sign3A_65 = arith.constant 0 : i32
    %sign3A_66 = arith.cmpi slt, %add3A_59, %sign3A_65 : i32
    %sign3A_67 = arith.extui %sign3A_66 : i1 to i32
    %sign3A_68 = arith.subi %sign3A_64, %sign3A_67 : i32
    %sign3A_69 = arith.constant 0 : i32
    %sign3A_70 = arith.cmpi sgt, %jit3A_60, %sign3A_69 : i32
    %sign3A_71 = arith.extui %sign3A_70 : i1 to i32
    %sign3A_72 = arith.constant 0 : i32
    %sign3A_73 = arith.cmpi slt, %jit3A_60, %sign3A_72 : i32
    %sign3A_74 = arith.extui %sign3A_73 : i1 to i32
    %sign3A_75 = arith.subi %sign3A_71, %sign3A_74 : i32
    %ne3A_76 = arith.cmpi ne, %sign3A_68, %sign3A_75 : i32
    %rem3A_77 = arith.remsi %add3A_59, %jit3A_60 : i32
    %ne3A_78 = arith.constant 0 : i32
    %ne3A_79 = arith.cmpi ne, %rem3A_77, %ne3A_78 : i32
    %and3A_80 = arith.andi %ne3A_76, %ne3A_79 : i1
    %sub3A_81 = arith.constant 1 : i32
    %sub3A_82 = arith.subi %div3A_61, %sub3A_81 : i32
    %select_n3A_83 = arith.select %and3A_80, %sub3A_82, %div3A_61 : i32
    %dma_wait3A = arith.constant 0 : i32
    %dma_wait3A_84 = arith.constant 0 : i32
    %dma_wait3A_85 = tpu.memref_slice %arg3[%dma_wait3A, %dma_wait3A_84] : memref<32x262144xf32, #tpu.memory_space<hbm>> -> memref<1x1024xf32, #tpu.memory_space<hbm>>
    %dma_wait3A_86 = tpu.memref_squeeze %dma_wait3A_85 : memref<1x1024xf32, #tpu.memory_space<hbm>> -> memref<1024xf32, #tpu.memory_space<hbm>>
    %dma_wait3A_87 = arith.constant 0 : i32
    %dma_wait3A_88 = tpu.memref_slice %arg3[%dma_wait3A, %dma_wait3A_87] : memref<32x262144xf32, #tpu.memory_space<hbm>> -> memref<1x1024xf32, #tpu.memory_space<hbm>>
    %dma_wait3A_89 = tpu.memref_squeeze %dma_wait3A_88 : memref<1x1024xf32, #tpu.memory_space<hbm>> -> memref<1024xf32, #tpu.memory_space<hbm>>
    tpu.wait_dma2 semaphore(%arg28 : memref<!tpu.dma_semaphore, #tpu.memory_space<semaphore_mem>>) src(%dma_wait3A_89 : memref<1024xf32, #tpu.memory_space<hbm>>) dst(%arg5 : memref<1024xf32, #tpu.memory_space<vmem>>)
    %dma_wait3A_90 = arith.constant 0 : i32
    %dma_wait3A_91 = arith.constant 0 : i32
    %dma_wait3A_92 = tpu.memref_slice %arg3[%dma_wait3A_90, %dma_wait3A_91] : memref<32x262144xf32, #tpu.memory_space<hbm>> -> memref<1x1024xf32, #tpu.memory_space<hbm>>
    %dma_wait3A_93 = tpu.memref_squeeze %dma_wait3A_92 : memref<1x1024xf32, #tpu.memory_space<hbm>> -> memref<1024xf32, #tpu.memory_space<hbm>>
    %dma_wait3A_94 = arith.constant 0 : i32
    %dma_wait3A_95 = tpu.memref_slice %arg3[%dma_wait3A_90, %dma_wait3A_94] : memref<32x262144xf32, #tpu.memory_space<hbm>> -> memref<1x1024xf32, #tpu.memory_space<hbm>>
    %dma_wait3A_96 = tpu.memref_squeeze %dma_wait3A_95 : memref<1x1024xf32, #tpu.memory_space<hbm>> -> memref<1024xf32, #tpu.memory_space<hbm>>
    tpu.wait_dma2 semaphore(%arg28 : memref<!tpu.dma_semaphore, #tpu.memory_space<semaphore_mem>>) src(%dma_wait3A_96 : memref<1024xf32, #tpu.memory_space<hbm>>) dst(%arg6 : memref<1024xf32, #tpu.memory_space<vmem>>)
    %scan3A = arith.constant 0 : i32
    %scan3A_97 = arith.constant 0 : i32
    %scan3A_98 = arith.constant 64 : i32
    %scan3A_99 = arith.addi %scan3A_97, %scan3A_98 : i32
    %scan3A_100 = arith.constant 1 : i32
    scf.for %scan3A_156 = %scan3A_97 to %scan3A_99 step %scan3A_100  : i32 {
      %jit3A_157 = arith.constant 32 : i32
      %div3A_158 = arith.divsi %scan3A_156, %jit3A_157 : i32
      %sign3A_159 = arith.constant 0 : i32
      %sign3A_160 = arith.cmpi sgt, %scan3A_156, %sign3A_159 : i32
      %sign3A_161 = arith.extui %sign3A_160 : i1 to i32
      %sign3A_162 = arith.constant 0 : i32
      %sign3A_163 = arith.cmpi slt, %scan3A_156, %sign3A_162 : i32
      %sign3A_164 = arith.extui %sign3A_163 : i1 to i32
      %sign3A_165 = arith.subi %sign3A_161, %sign3A_164 : i32
      %sign3A_166 = arith.constant 0 : i32
      %sign3A_167 = arith.cmpi sgt, %jit3A_157, %sign3A_166 : i32
      %sign3A_168 = arith.extui %sign3A_167 : i1 to i32
      %sign3A_169 = arith.constant 0 : i32
      %sign3A_170 = arith.cmpi slt, %jit3A_157, %sign3A_169 : i32
      %sign3A_171 = arith.extui %sign3A_170 : i1 to i32
      %sign3A_172 = arith.subi %sign3A_168, %sign3A_171 : i32
      %ne3A_173 = arith.cmpi ne, %sign3A_165, %sign3A_172 : i32
      %rem3A_174 = arith.remsi %scan3A_156, %jit3A_157 : i32
      %ne3A_175 = arith.constant 0 : i32
      %ne3A_176 = arith.cmpi ne, %rem3A_174, %ne3A_175 : i32
      %and3A_177 = arith.andi %ne3A_173, %ne3A_176 : i1
      %sub3A_178 = arith.constant 1 : i32
      %sub3A_179 = arith.subi %div3A_158, %sub3A_178 : i32
      %select_n3A_180 = arith.select %and3A_177, %sub3A_179, %div3A_158 : i32
      %add3A_181 = arith.addi %select_n3A_83, %select_n3A_180 : i32
      %jit3A_182 = arith.constant 32 : i32
      %eq3A_183 = arith.constant 0 : i32
      %eq3A_184 = arith.cmpi eq, %jit3A_182, %eq3A_183 : i32
      %jit3A_185 = arith.constant 1 : i32
      %select_n3A_186 = arith.select %eq3A_184, %jit3A_185, %jit3A_182 : i32
      %rem3A_187 = arith.remsi %scan3A_156, %select_n3A_186 : i32
      %ne3A_188 = arith.constant 0 : i32
      %ne3A_189 = arith.cmpi ne, %rem3A_187, %ne3A_188 : i32
      %lt3A_190 = arith.constant 0 : i32
      %lt3A_191 = arith.cmpi slt, %rem3A_187, %lt3A_190 : i32
      %lt3A_192 = arith.constant 0 : i32
      %lt3A_193 = arith.cmpi slt, %select_n3A_186, %lt3A_192 : i32
      %ne3A_194 = arith.xori %lt3A_191, %lt3A_193 : i1
      %and3A_195 = arith.andi %ne3A_194, %ne3A_189 : i1
      %add3A_196 = arith.addi %rem3A_187, %select_n3A_186 : i32
      %select_n3A_197 = arith.select %and3A_195, %add3A_196, %rem3A_187 : i32
      %mul3A_198 = arith.constant 16 : i32
      %mul3A_199 = arith.muli %select_n3A_197, %mul3A_198 : i32
      %iota3A = tpu.iota {dimensions = array<i32: 0>} : vector<16xi32>
      %add3A_200 = vector.broadcast %mul3A_199 : i32 to vector<16xi32>
      %add3A_201 = arith.addi %add3A_200, %iota3A : vector<16xi32>
      %convert_element_type3A = arith.sitofp %add3A_201 : vector<16xi32> to vector<16xf32>
      %mul3A_202 = arith.constant 16 : i32
      %mul3A_203 = arith.muli %scan3A_156, %mul3A_202 : i32
      %get3A = arith.index_cast %mul3A_203 : i32 to index
      %get3A_204 = tpu.vector_load %arg5[%get3A] {strides = array<i32>} : memref<1024xf32, #tpu.memory_space<vmem>>, vector<16xf32>,
      %mul3A_205 = arith.constant 16 : i32
      %mul3A_206 = arith.muli %scan3A_156, %mul3A_205 : i32
      %get3A_207 = arith.index_cast %mul3A_206 : i32 to index
      %get3A_208 = tpu.vector_load %arg6[%get3A_207] {strides = array<i32>} : memref<1024xf32, #tpu.memory_space<vmem>>, vector<16xf32>,
      %sub3A_209 = arith.subf %convert_element_type3A, %get3A_204 : vector<16xf32>
      %jit3A_210 = arith.constant 0.000000e+00 : f32
      %jit3A_211 = arith.constant 5.110000e+02 : f32
      %max3A = vector.broadcast %jit3A_210 : f32 to vector<16xf32>
      %max3A_212 = arith.maximumf %max3A, %sub3A_209 : vector<16xf32>
      %min3A = vector.broadcast %jit3A_211 : f32 to vector<16xf32>
      %min3A_213 = arith.minimumf %min3A, %max3A_212 : vector<16xf32>
      %convert_element_type3A_214 = arith.sitofp %add3A_181 : i32 to f32
      %sub3A_215 = vector.broadcast %convert_element_type3A_214 : f32 to vector<16xf32>
      %sub3A_216 = arith.subf %sub3A_215, %get3A_208 : vector<16xf32>
      %jit3A_217 = arith.constant 0.000000e+00 : f32
      %jit3A_218 = arith.constant 5.110000e+02 : f32
      %max3A_219 = vector.broadcast %jit3A_217 : f32 to vector<16xf32>
      %max3A_220 = arith.maximumf %max3A_219, %sub3A_216 : vector<16xf32>
      %min3A_221 = vector.broadcast %jit3A_218 : f32 to vector<16xf32>
      %min3A_222 = arith.minimumf %min3A_221, %max3A_220 : vector<16xf32>
      %convert_element_type3A_223 = arith.fptosi %min3A_213 : vector<16xf32> to vector<16xi32>
      %min3A_224 = arith.constant 510 : i32
      %min3A_225 = vector.broadcast %min3A_224 : i32 to vector<16xi32>
      %min3A_226 = arith.minsi %convert_element_type3A_223, %min3A_225 : vector<16xi32>
      %convert_element_type3A_227 = arith.fptosi %min3A_222 : vector<16xf32> to vector<16xi32>
      %min3A_228 = arith.constant 510 : i32
      %min3A_229 = vector.broadcast %min3A_228 : i32 to vector<16xi32>
      %min3A_230 = arith.minsi %convert_element_type3A_227, %min3A_229 : vector<16xi32>
      %convert_element_type3A_231 = arith.sitofp %min3A_226 : vector<16xi32> to vector<16xf32>
      %sub3A_232 = arith.subf %min3A_213, %convert_element_type3A_231 : vector<16xf32>
      %mul3A_233 = arith.constant 16 : i32
      %mul3A_234 = arith.muli %scan3A_156, %mul3A_233 : i32
      %swap3A = arith.index_cast %mul3A_234 : i32 to index
      %swap3A_235 = tpu.vector_load %arg7[%swap3A] {strides = array<i32>} : memref<1024xf32, #tpu.memory_space<vmem>>, vector<16xf32>,
      tpu.vector_store %arg7[%swap3A], %sub3A_232 {strides = array<i32>} : memref<1024xf32, #tpu.memory_space<vmem>>, vector<16xf32>,
      %convert_element_type3A_236 = arith.sitofp %min3A_230 : vector<16xi32> to vector<16xf32>
      %sub3A_237 = arith.subf %min3A_222, %convert_element_type3A_236 : vector<16xf32>
      %mul3A_238 = arith.constant 16 : i32
      %mul3A_239 = arith.muli %scan3A_156, %mul3A_238 : i32
      %swap3A_240 = arith.index_cast %mul3A_239 : i32 to index
      %swap3A_241 = tpu.vector_load %arg8[%swap3A_240] {strides = array<i32>} : memref<1024xf32, #tpu.memory_space<vmem>>, vector<16xf32>,
      tpu.vector_store %arg8[%swap3A_240], %sub3A_237 {strides = array<i32>} : memref<1024xf32, #tpu.memory_space<vmem>>, vector<16xf32>,
      %and3A_242 = arith.constant 1 : i32
      %and3A_243 = vector.broadcast %and3A_242 : i32 to vector<16xi32>
      %and3A_244 = arith.andi %min3A_226, %and3A_243 : vector<16xi32>
      %shift_left3A = arith.constant 2 : i32
      %shift_left3A_245 = vector.broadcast %shift_left3A : i32 to vector<16xi32>
      %shift_left3A_246 = arith.shli %and3A_244, %shift_left3A_245 : vector<16xi32>
      %mul3A_247 = arith.constant 16 : i32
      %mul3A_248 = arith.muli %scan3A_156, %mul3A_247 : i32
      %swap3A_249 = arith.index_cast %mul3A_248 : i32 to index
      %swap3A_250 = tpu.vector_load %arg9[%swap3A_249] {strides = array<i32>} : memref<1024xi32, #tpu.memory_space<vmem>>, vector<16xi32>,
      tpu.vector_store %arg9[%swap3A_249], %shift_left3A_246 {strides = array<i32>} : memref<1024xi32, #tpu.memory_space<vmem>>, vector<16xi32>,
      %mul3A_251 = arith.constant 512 : i32
      %mul3A_252 = arith.muli %select_n3A, %mul3A_251 : i32
      %add3A_253 = vector.broadcast %mul3A_252 : i32 to vector<16xi32>
      %add3A_254 = arith.addi %add3A_253, %min3A_230 : vector<16xi32>
      %mul3A_255 = arith.constant 256 : i32
      %mul3A_256 = vector.broadcast %mul3A_255 : i32 to vector<16xi32>
      %mul3A_257 = arith.muli %add3A_254, %mul3A_256 : vector<16xi32>
      %shift_right_arithmetic3A = arith.constant 1 : i32
      %shift_right_arithmetic3A_258 = vector.broadcast %shift_right_arithmetic3A : i32 to vector<16xi32>
      %shift_right_arithmetic3A_259 = arith.shrsi %min3A_226, %shift_right_arithmetic3A_258 : vector<16xi32>
      %add3A_260 = arith.addi %mul3A_257, %shift_right_arithmetic3A_259 : vector<16xi32>
      %mul3A_261 = arith.constant 16 : i32
      %mul3A_262 = arith.muli %scan3A_156, %mul3A_261 : i32
      %add3A_263 = vector.broadcast %mul3A_262 : i32 to vector<16xi32>
      %add3A_264 = arith.addi %add3A_263, %iota3A : vector<16xi32>
      %mul3A_265 = arith.constant 2 : i32
      %mul3A_266 = vector.broadcast %mul3A_265 : i32 to vector<16xi32>
      %mul3A_267 = arith.muli %mul3A_266, %add3A_264 : vector<16xi32>
      tpu.vector_store_idx %arg10[%mul3A_267], %add3A_260 : memref<2048xi32, #tpu.memory_space<vmem>>[vector<16xi32>], vector<16xi32>,
      %add3A_268 = arith.constant 1 : i32
      %add3A_269 = vector.broadcast %add3A_268 : i32 to vector<16xi32>
      %add3A_270 = arith.addi %mul3A_267, %add3A_269 : vector<16xi32>
      %add3A_271 = arith.constant 256 : i32
      %add3A_272 = vector.broadcast %add3A_271 : i32 to vector<16xi32>
      %add3A_273 = arith.addi %add3A_260, %add3A_272 : vector<16xi32>
      tpu.vector_store_idx %arg10[%add3A_270], %add3A_273 : memref<2048xi32, #tpu.memory_space<vmem>>[vector<16xi32>], vector<16xi32>,
    }
    %scan3A_101 = arith.constant 64 : i32
    %scan3A_102 = arith.constant 0 : i32
    %scan3A_103 = arith.constant 0 : i32
    %scan3A_104 = arith.constant 2 : i32
    %scan3A_105 = arith.addi %scan3A_103, %scan3A_104 : i32
    %scan3A_106 = arith.constant 1 : i32
    scf.for %scan3A_156 = %scan3A_103 to %scan3A_105 step %scan3A_106  : i32 {
      %mul3A_157 = arith.constant 8 : i32
      %mul3A_158 = arith.muli %scan3A_156, %mul3A_157 : i32
      %add3A_159 = arith.constant 0 : i32
      %add3A_160 = arith.addi %mul3A_158, %add3A_159 : i32
      %mul3A_161 = arith.constant 128 : i32
      %mul3A_162 = arith.muli %add3A_160, %mul3A_161 : i32
      %mul3A_163 = arith.constant 128 : i32
      %mul3A_164 = arith.muli %add3A_160, %mul3A_163 : i32
      %dma_start3A_165 = arith.constant 0 : i32
      %dma_start3A_166 = tpu.memref_slice %arg11[%mul3A_164, %dma_start3A_165] : memref<2048x16xf32, #tpu.memory_space<vmem>> -> memref<128x16xf32, #tpu.memory_space<vmem>>
      %dma_start3A_167 = tpu.memref_slice %arg10[%mul3A_162] : memref<2048xi32, #tpu.memory_space<vmem>> -> memref<128xi32, #tpu.memory_space<vmem>>
      %dma_start3A_168 = arith.constant 0 : i32
      %dma_start3A_169 = arith.constant 0 : i32
      %dma_start3A_170 = tpu.memref_slice %arg2[%dma_start3A_168, %dma_start3A_169] : memref<2097160x16xf32, #tpu.memory_space<hbm>> -> memref<2097160x16xf32, #tpu.memory_space<hbm>>
      tpu.enqueue_indirect_dma source(%dma_start3A_170 : memref<2097160x16xf32, #tpu.memory_space<hbm>>) target(%dma_start3A_166 : memref<128x16xf32, #tpu.memory_space<vmem>>) offsets(%dma_start3A_167 : memref<128xi32, #tpu.memory_space<vmem>>) semaphore(%arg25 : memref<!tpu.dma_semaphore, #tpu.memory_space<semaphore_mem>>)
      %mul3A_171 = arith.constant 8 : i32
      %mul3A_172 = arith.muli %scan3A_156, %mul3A_171 : i32
      %add3A_173 = arith.constant 1 : i32
      %add3A_174 = arith.addi %mul3A_172, %add3A_173 : i32
      %mul3A_175 = arith.constant 128 : i32
      %mul3A_176 = arith.muli %add3A_174, %mul3A_175 : i32
      %mul3A_177 = arith.constant 128 : i32
      %mul3A_178 = arith.muli %add3A_174, %mul3A_177 : i32
      %dma_start3A_179 = arith.constant 0 : i32
      %dma_start3A_180 = tpu.memref_slice %arg11[%mul3A_178, %dma_start3A_179] : memref<2048x16xf32, #tpu.memory_space<vmem>> -> memref<128x16xf32, #tpu.memory_space<vmem>>
      %dma_start3A_181 = tpu.memref_slice %arg10[%mul3A_176] : memref<2048xi32, #tpu.memory_space<vmem>> -> memref<128xi32, #tpu.memory_space<vmem>>
      %dma_start3A_182 = arith.constant 0 : i32
      %dma_start3A_183 = arith.constant 0 : i32
      %dma_start3A_184 = tpu.memref_slice %arg2[%dma_start3A_182, %dma_start3A_183] : memref<2097160x16xf32, #tpu.memory_space<hbm>> -> memref<2097160x16xf32, #tpu.memory_space<hbm>>
      tpu.enqueue_indirect_dma source(%dma_start3A_184 : memref<2097160x16xf32, #tpu.memory_space<hbm>>) target(%dma_start3A_180 : memref<128x16xf32, #tpu.memory_space<vmem>>) offsets(%dma_start3A_181 : memref<128xi32, #tpu.memory_space<vmem>>) semaphore(%arg25 : memref<!tpu.dma_semaphore, #tpu.memory_space<semaphore_mem>>)
      %mul3A_185 = arith.constant 8 : i32
      %mul3A_186 = arith.muli %scan3A_156, %mul3A_185 : i32
      %add3A_187 = arith.constant 2 : i32
      %add3A_188 = arith.addi %mul3A_186, %add3A_187 : i32
      %mul3A_189 = arith.constant 128 : i32
      %mul3A_190 = arith.muli %add3A_188, %mul3A_189 : i32
      %mul3A_191 = arith.constant 128 : i32
      %mul3A_192 = arith.muli %add3A_188, %mul3A_191 : i32
      %dma_start3A_193 = arith.constant 0 : i32
      %dma_start3A_194 = tpu.memref_slice %arg11[%mul3A_192, %dma_start3A_193] : memref<2048x16xf32, #tpu.memory_space<vmem>> -> memref<128x16xf32, #tpu.memory_space<vmem>>
      %dma_start3A_195 = tpu.memref_slice %arg10[%mul3A_190] : memref<2048xi32, #tpu.memory_space<vmem>> -> memref<128xi32, #tpu.memory_space<vmem>>
      %dma_start3A_196 = arith.constant 0 : i32
      %dma_start3A_197 = arith.constant 0 : i32
      %dma_start3A_198 = tpu.memref_slice %arg2[%dma_start3A_196, %dma_start3A_197] : memref<2097160x16xf32, #tpu.memory_space<hbm>> -> memref<2097160x16xf32, #tpu.memory_space<hbm>>
      tpu.enqueue_indirect_dma source(%dma_start3A_198 : memref<2097160x16xf32, #tpu.memory_space<hbm>>) target(%dma_start3A_194 : memref<128x16xf32, #tpu.memory_space<vmem>>) offsets(%dma_start3A_195 : memref<128xi32, #tpu.memory_space<vmem>>) semaphore(%arg25 : memref<!tpu.dma_semaphore, #tpu.memory_space<semaphore_mem>>)
      %mul3A_199 = arith.constant 8 : i32
      %mul3A_200 = arith.muli %scan3A_156, %mul3A_199 : i32
      %add3A_201 = arith.constant 3 : i32
      %add3A_202 = arith.addi %mul3A_200, %add3A_201 : i32
      %mul3A_203 = arith.constant 128 : i32
      %mul3A_204 = arith.muli %add3A_202, %mul3A_203 : i32
      %mul3A_205 = arith.constant 128 : i32
      %mul3A_206 = arith.muli %add3A_202, %mul3A_205 : i32
      %dma_start3A_207 = arith.constant 0 : i32
      %dma_start3A_208 = tpu.memref_slice %arg11[%mul3A_206, %dma_start3A_207] : memref<2048x16xf32, #tpu.memory_space<vmem>> -> memref<128x16xf32, #tpu.memory_space<vmem>>
      %dma_start3A_209 = tpu.memref_slice %arg10[%mul3A_204] : memref<2048xi32, #tpu.memory_space<vmem>> -> memref<128xi32, #tpu.memory_space<vmem>>
      %dma_start3A_210 = arith.constant 0 : i32
      %dma_start3A_211 = arith.constant 0 : i32
      %dma_start3A_212 = tpu.memref_slice %arg2[%dma_start3A_210, %dma_start3A_211] : memref<2097160x16xf32, #tpu.memory_space<hbm>> -> memref<2097160x16xf32, #tpu.memory_space<hbm>>
      tpu.enqueue_indirect_dma source(%dma_start3A_212 : memref<2097160x16xf32, #tpu.memory_space<hbm>>) target(%dma_start3A_208 : memref<128x16xf32, #tpu.memory_space<vmem>>) offsets(%dma_start3A_209 : memref<128xi32, #tpu.memory_space<vmem>>) semaphore(%arg25 : memref<!tpu.dma_semaphore, #tpu.memory_space<semaphore_mem>>)
      %mul3A_213 = arith.constant 8 : i32
      %mul3A_214 = arith.muli %scan3A_156, %mul3A_213 : i32
      %add3A_215 = arith.constant 4 : i32
      %add3A_216 = arith.addi %mul3A_214, %add3A_215 : i32
      %mul3A_217 = arith.constant 128 : i32
      %mul3A_218 = arith.muli %add3A_216, %mul3A_217 : i32
      %mul3A_219 = arith.constant 128 : i32
      %mul3A_220 = arith.muli %add3A_216, %mul3A_219 : i32
      %dma_start3A_221 = arith.constant 0 : i32
      %dma_start3A_222 = tpu.memref_slice %arg11[%mul3A_220, %dma_start3A_221] : memref<2048x16xf32, #tpu.memory_space<vmem>> -> memref<128x16xf32, #tpu.memory_space<vmem>>
      %dma_start3A_223 = tpu.memref_slice %arg10[%mul3A_218] : memref<2048xi32, #tpu.memory_space<vmem>> -> memref<128xi32, #tpu.memory_space<vmem>>
      %dma_start3A_224 = arith.constant 0 : i32
      %dma_start3A_225 = arith.constant 0 : i32
      %dma_start3A_226 = tpu.memref_slice %arg2[%dma_start3A_224, %dma_start3A_225] : memref<2097160x16xf32, #tpu.memory_space<hbm>> -> memref<2097160x16xf32, #tpu.memory_space<hbm>>
      tpu.enqueue_indirect_dma source(%dma_start3A_226 : memref<2097160x16xf32, #tpu.memory_space<hbm>>) target(%dma_start3A_222 : memref<128x16xf32, #tpu.memory_space<vmem>>) offsets(%dma_start3A_223 : memref<128xi32, #tpu.memory_space<vmem>>) semaphore(%arg25 : memref<!tpu.dma_semaphore, #tpu.memory_space<semaphore_mem>>)
      %mul3A_227 = arith.constant 8 : i32
      %mul3A_228 = arith.muli %scan3A_156, %mul3A_227 : i32
      %add3A_229 = arith.constant 5 : i32
      %add3A_230 = arith.addi %mul3A_228, %add3A_229 : i32
      %mul3A_231 = arith.constant 128 : i32
      %mul3A_232 = arith.muli %add3A_230, %mul3A_231 : i32
      %mul3A_233 = arith.constant 128 : i32
      %mul3A_234 = arith.muli %add3A_230, %mul3A_233 : i32
      %dma_start3A_235 = arith.constant 0 : i32
      %dma_start3A_236 = tpu.memref_slice %arg11[%mul3A_234, %dma_start3A_235] : memref<2048x16xf32, #tpu.memory_space<vmem>> -> memref<128x16xf32, #tpu.memory_space<vmem>>
      %dma_start3A_237 = tpu.memref_slice %arg10[%mul3A_232] : memref<2048xi32, #tpu.memory_space<vmem>> -> memref<128xi32, #tpu.memory_space<vmem>>
      %dma_start3A_238 = arith.constant 0 : i32
      %dma_start3A_239 = arith.constant 0 : i32
      %dma_start3A_240 = tpu.memref_slice %arg2[%dma_start3A_238, %dma_start3A_239] : memref<2097160x16xf32, #tpu.memory_space<hbm>> -> memref<2097160x16xf32, #tpu.memory_space<hbm>>
      tpu.enqueue_indirect_dma source(%dma_start3A_240 : memref<2097160x16xf32, #tpu.memory_space<hbm>>) target(%dma_start3A_236 : memref<128x16xf32, #tpu.memory_space<vmem>>) offsets(%dma_start3A_237 : memref<128xi32, #tpu.memory_space<vmem>>) semaphore(%arg25 : memref<!tpu.dma_semaphore, #tpu.memory_space<semaphore_mem>>)
      %mul3A_241 = arith.constant 8 : i32
      %mul3A_242 = arith.muli %scan3A_156, %mul3A_241 : i32
      %add3A_243 = arith.constant 6 : i32
      %add3A_244 = arith.addi %mul3A_242, %add3A_243 : i32
      %mul3A_245 = arith.constant 128 : i32
      %mul3A_246 = arith.muli %add3A_244, %mul3A_245 : i32
      %mul3A_247 = arith.constant 128 : i32
      %mul3A_248 = arith.muli %add3A_244, %mul3A_247 : i32
      %dma_start3A_249 = arith.constant 0 : i32
      %dma_start3A_250 = tpu.memref_slice %arg11[%mul3A_248, %dma_start3A_249] : memref<2048x16xf32, #tpu.memory_space<vmem>> -> memref<128x16xf32, #tpu.memory_space<vmem>>
      %dma_start3A_251 = tpu.memref_slice %arg10[%mul3A_246] : memref<2048xi32, #tpu.memory_space<vmem>> -> memref<128xi32, #tpu.memory_space<vmem>>
      %dma_start3A_252 = arith.constant 0 : i32
      %dma_start3A_253 = arith.constant 0 : i32
      %dma_start3A_254 = tpu.memref_slice %arg2[%dma_start3A_252, %dma_start3A_253] : memref<2097160x16xf32, #tpu.memory_space<hbm>> -> memref<2097160x16xf32, #tpu.memory_space<hbm>>
      tpu.enqueue_indirect_dma source(%dma_start3A_254 : memref<2097160x16xf32, #tpu.memory_space<hbm>>) target(%dma_start3A_250 : memref<128x16xf32, #tpu.memory_space<vmem>>) offsets(%dma_start3A_251 : memref<128xi32, #tpu.memory_space<vmem>>) semaphore(%arg25 : memref<!tpu.dma_semaphore, #tpu.memory_space<semaphore_mem>>)
      %mul3A_255 = arith.constant 8 : i32
      %mul3A_256 = arith.muli %scan3A_156, %mul3A_255 : i32
      %add3A_257 = arith.constant 7 : i32
      %add3A_258 = arith.addi %mul3A_256, %add3A_257 : i32
      %mul3A_259 = arith.constant 128 : i32
      %mul3A_260 = arith.muli %add3A_258, %mul3A_259 : i32
      %mul3A_261 = arith.constant 128 : i32
      %mul3A_262 = arith.muli %add3A_258, %mul3A_261 : i32
      %dma_start3A_263 = arith.constant 0 : i32
      %dma_start3A_264 = tpu.memref_slice %arg11[%mul3A_262, %dma_start3A_263] : memref<2048x16xf32, #tpu.memory_space<vmem>> -> memref<128x16xf32, #tpu.memory_space<vmem>>
      %dma_start3A_265 = tpu.memref_slice %arg10[%mul3A_260] : memref<2048xi32, #tpu.memory_space<vmem>> -> memref<128xi32, #tpu.memory_space<vmem>>
      %dma_start3A_266 = arith.constant 0 : i32
      %dma_start3A_267 = arith.constant 0 : i32
      %dma_start3A_268 = tpu.memref_slice %arg2[%dma_start3A_266, %dma_start3A_267] : memref<2097160x16xf32, #tpu.memory_space<hbm>> -> memref<2097160x16xf32, #tpu.memory_space<hbm>>
      tpu.enqueue_indirect_dma source(%dma_start3A_268 : memref<2097160x16xf32, #tpu.memory_space<hbm>>) target(%dma_start3A_264 : memref<128x16xf32, #tpu.memory_space<vmem>>) offsets(%dma_start3A_265 : memref<128xi32, #tpu.memory_space<vmem>>) semaphore(%arg25 : memref<!tpu.dma_semaphore, #tpu.memory_space<semaphore_mem>>)
    }
    %scan3A_107 = arith.constant 2 : i32
    %mul3A_108 = arith.constant 131072 : i32
    %mul3A_109 = arith.muli %select_n3A_30, %mul3A_108 : i32
    %rem3A_110 = arith.constant 1 : i32
    %rem3A_111 = arith.constant 128 : i32
    %rem3A_112 = arith.remsi %rem3A_110, %rem3A_111 : i32
    %mul3A_113 = arith.constant 1024 : i32
    %mul3A_114 = arith.muli %rem3A_112, %mul3A_113 : i32
    %add3A_115 = arith.addi %mul3A_109, %mul3A_114 : i32
    %mul3A_116 = arith.constant 2 : i32
    %mul3A_117 = arith.muli %mul3A_116, %select_n3A : i32
    %dma_start3A_118 = tpu.memref_slice %arg3[%mul3A_117, %add3A_115] : memref<32x262144xf32, #tpu.memory_space<hbm>> -> memref<1x1024xf32, #tpu.memory_space<hbm>>
    %dma_start3A_119 = tpu.memref_squeeze %dma_start3A_118 : memref<1x1024xf32, #tpu.memory_space<hbm>> -> memref<1024xf32, #tpu.memory_space<hbm>>
    %dma_start3A_120 = tpu.memref_slice %arg3[%mul3A_117, %add3A_115] : memref<32x262144xf32, #tpu.memory_space<hbm>> -> memref<1x1024xf32, #tpu.memory_space<hbm>>
    %dma_start3A_121 = tpu.memref_squeeze %dma_start3A_120 : memref<1x1024xf32, #tpu.memory_space<hbm>> -> memref<1024xf32, #tpu.memory_space<hbm>>
    tpu.enqueue_dma source(%dma_start3A_121 : memref<1024xf32, #tpu.memory_space<hbm>>) target(%arg15 : memref<1024xf32, #tpu.memory_space<vmem>>) target_semaphore(%arg29 : memref<!tpu.dma_semaphore, #tpu.memory_space<semaphore_mem>>)
    %mul3A_122 = arith.constant 2 : i32
    %mul3A_123 = arith.muli %mul3A_122, %select_n3A : i32
    %add3A_124 = arith.constant 1 : i32
    %add3A_125 = arith.addi %mul3A_123, %add3A_124 : i32
    %dma_start3A_126 = tpu.memref_slice %arg3[%add3A_125, %add3A_115] : memref<32x262144xf32, #tpu.memory_space<hbm>> -> memref<1x1024xf32, #tpu.memory_space<hbm>>
    %dma_start3A_127 = tpu.memref_squeeze %dma_start3A_126 : memref<1x1024xf32, #tpu.memory_space<hbm>> -> memref<1024xf32, #tpu.memory_space<hbm>>
    %dma_start3A_128 = tpu.memref_slice %arg3[%add3A_125, %add3A_115] : memref<32x262144xf32, #tpu.memory_space<hbm>> -> memref<1x1024xf32, #tpu.memory_space<hbm>>
    %dma_start3A_129 = tpu.memref_squeeze %dma_start3A_128 : memref<1x1024xf32, #tpu.memory_space<hbm>> -> memref<1024xf32, #tpu.memory_space<hbm>>
    tpu.enqueue_dma source(%dma_start3A_129 : memref<1024xf32, #tpu.memory_space<hbm>>) target(%arg16 : memref<1024xf32, #tpu.memory_space<vmem>>) target_semaphore(%arg29 : memref<!tpu.dma_semaphore, #tpu.memory_space<semaphore_mem>>)
    %scan3A_130 = arith.constant 0 : i32
    %scan3A_131 = arith.constant 0 : i32
    %scan3A_132 = arith.constant 64 : i32
    %scan3A_133 = arith.addi %scan3A_131, %scan3A_132 : i32
    %scan3A_134 = arith.constant 1 : i32
    scf.for %scan3A_156 = %scan3A_131 to %scan3A_133 step %scan3A_134  : i32 {
      %mul3A_157 = arith.constant 2 : i32
      %mul3A_158 = arith.muli %mul3A_157, %scan3A_156 : i32
      %add3A_159 = arith.constant 1 : i32
      %add3A_160 = arith.addi %mul3A_158, %add3A_159 : i32
      %mul3A_161 = arith.constant 131072 : i32
      %mul3A_162 = arith.muli %select_n3A_30, %mul3A_161 : i32
      %rem3A_163 = arith.constant 128 : i32
      %rem3A_164 = arith.remsi %add3A_160, %rem3A_163 : i32
      %mul3A_165 = arith.constant 1024 : i32
      %mul3A_166 = arith.muli %rem3A_164, %mul3A_165 : i32
      %add3A_167 = arith.addi %mul3A_162, %mul3A_166 : i32
      %jit3A_168 = arith.constant 512 : i32
      %div3A_169 = arith.divsi %add3A_167, %jit3A_168 : i32
      %sign3A_170 = arith.constant 0 : i32
      %sign3A_171 = arith.cmpi sgt, %add3A_167, %sign3A_170 : i32
      %sign3A_172 = arith.extui %sign3A_171 : i1 to i32
      %sign3A_173 = arith.constant 0 : i32
      %sign3A_174 = arith.cmpi slt, %add3A_167, %sign3A_173 : i32
      %sign3A_175 = arith.extui %sign3A_174 : i1 to i32
      %sign3A_176 = arith.subi %sign3A_172, %sign3A_175 : i32
      %sign3A_177 = arith.constant 0 : i32
      %sign3A_178 = arith.cmpi sgt, %jit3A_168, %sign3A_177 : i32
      %sign3A_179 = arith.extui %sign3A_178 : i1 to i32
      %sign3A_180 = arith.constant 0 : i32
      %sign3A_181 = arith.cmpi slt, %jit3A_168, %sign3A_180 : i32
      %sign3A_182 = arith.extui %sign3A_181 : i1 to i32
      %sign3A_183 = arith.subi %sign3A_179, %sign3A_182 : i32
      %ne3A_184 = arith.cmpi ne, %sign3A_176, %sign3A_183 : i32
      %rem3A_185 = arith.remsi %add3A_167, %jit3A_168 : i32
      %ne3A_186 = arith.constant 0 : i32
      %ne3A_187 = arith.cmpi ne, %rem3A_185, %ne3A_186 : i32
      %and3A_188 = arith.andi %ne3A_184, %ne3A_187 : i1
      %sub3A_189 = arith.constant 1 : i32
      %sub3A_190 = arith.subi %div3A_169, %sub3A_189 : i32
      %select_n3A_191 = arith.select %and3A_188, %sub3A_190, %div3A_169 : i32
      %dma_wait3A_192 = arith.constant 0 : i32
      %dma_wait3A_193 = arith.constant 0 : i32
      %dma_wait3A_194 = tpu.memref_slice %arg3[%dma_wait3A_192, %dma_wait3A_193] : memref<32x262144xf32, #tpu.memory_space<hbm>> -> memref<1x1024xf32, #tpu.memory_space<hbm>>
      %dma_wait3A_195 = tpu.memref_squeeze %dma_wait3A_194 : memref<1x1024xf32, #tpu.memory_space<hbm>> -> memref<1024xf32, #tpu.memory_space<hbm>>
      %dma_wait3A_196 = arith.constant 0 : i32
      %dma_wait3A_197 = tpu.memref_slice %arg3[%dma_wait3A_192, %dma_wait3A_196] : memref<32x262144xf32, #tpu.memory_space<hbm>> -> memref<1x1024xf32, #tpu.memory_space<hbm>>
      %dma_wait3A_198 = tpu.memref_squeeze %dma_wait3A_197 : memref<1x1024xf32, #tpu.memory_space<hbm>> -> memref<1024xf32, #tpu.memory_space<hbm>>
      tpu.wait_dma2 semaphore(%arg29 : memref<!tpu.dma_semaphore, #tpu.memory_space<semaphore_mem>>) src(%dma_wait3A_198 : memref<1024xf32, #tpu.memory_space<hbm>>) dst(%arg15 : memref<1024xf32, #tpu.memory_space<vmem>>)
      %dma_wait3A_199 = arith.constant 0 : i32
      %dma_wait3A_200 = arith.constant 0 : i32
      %dma_wait3A_201 = tpu.memref_slice %arg3[%dma_wait3A_199, %dma_wait3A_200] : memref<32x262144xf32, #tpu.memory_space<hbm>> -> memref<1x1024xf32, #tpu.memory_space<hbm>>
      %dma_wait3A_202 = tpu.memref_squeeze %dma_wait3A_201 : memref<1x1024xf32, #tpu.memory_space<hbm>> -> memref<1024xf32, #tpu.memory_space<hbm>>
      %dma_wait3A_203 = arith.constant 0 : i32
      %dma_wait3A_204 = tpu.memref_slice %arg3[%dma_wait3A_199, %dma_wait3A_203] : memref<32x262144xf32, #tpu.memory_space<hbm>> -> memref<1x1024xf32, #tpu.memory_space<hbm>>
      %dma_wait3A_205 = tpu.memref_squeeze %dma_wait3A_204 : memref<1x1024xf32, #tpu.memory_space<hbm>> -> memref<1024xf32, #tpu.memory_space<hbm>>
      tpu.wait_dma2 semaphore(%arg29 : memref<!tpu.dma_semaphore, #tpu.memory_space<semaphore_mem>>) src(%dma_wait3A_205 : memref<1024xf32, #tpu.memory_space<hbm>>) dst(%arg16 : memref<1024xf32, #tpu.memory_space<vmem>>)
      %scan3A_206 = arith.constant 0 : i32
      %scan3A_207 = arith.constant 0 : i32
      %scan3A_208 = arith.constant 64 : i32
      %scan3A_209 = arith.addi %scan3A_207, %scan3A_208 : i32
      %scan3A_210 = arith.constant 1 : i32
      scf.for %scan3A_461 = %scan3A_207 to %scan3A_209 step %scan3A_210  : i32 {
        %jit3A_462 = arith.constant 32 : i32
        %div3A_463 = arith.divsi %scan3A_461, %jit3A_462 : i32
        %sign3A_464 = arith.constant 0 : i32
        %sign3A_465 = arith.cmpi sgt, %scan3A_461, %sign3A_464 : i32
        %sign3A_466 = arith.extui %sign3A_465 : i1 to i32
        %sign3A_467 = arith.constant 0 : i32
        %sign3A_468 = arith.cmpi slt, %scan3A_461, %sign3A_467 : i32
        %sign3A_469 = arith.extui %sign3A_468 : i1 to i32
        %sign3A_470 = arith.subi %sign3A_466, %sign3A_469 : i32
        %sign3A_471 = arith.constant 0 : i32
        %sign3A_472 = arith.cmpi sgt, %jit3A_462, %sign3A_471 : i32
        %sign3A_473 = arith.extui %sign3A_472 : i1 to i32
        %sign3A_474 = arith.constant 0 : i32
        %sign3A_475 = arith.cmpi slt, %jit3A_462, %sign3A_474 : i32
        %sign3A_476 = arith.extui %sign3A_475 : i1 to i32
        %sign3A_477 = arith.subi %sign3A_473, %sign3A_476 : i32
        %ne3A_478 = arith.cmpi ne, %sign3A_470, %sign3A_477 : i32
        %rem3A_479 = arith.remsi %scan3A_461, %jit3A_462 : i32
        %ne3A_480 = arith.constant 0 : i32
        %ne3A_481 = arith.cmpi ne, %rem3A_479, %ne3A_480 : i32
        %and3A_482 = arith.andi %ne3A_478, %ne3A_481 : i1
        %sub3A_483 = arith.constant 1 : i32
        %sub3A_484 = arith.subi %div3A_463, %sub3A_483 : i32
        %select_n3A_485 = arith.select %and3A_482, %sub3A_484, %div3A_463 : i32
        %add3A_486 = arith.addi %select_n3A_191, %select_n3A_485 : i32
        %jit3A_487 = arith.constant 32 : i32
        %eq3A_488 = arith.constant 0 : i32
        %eq3A_489 = arith.cmpi eq, %jit3A_487, %eq3A_488 : i32
        %jit3A_490 = arith.constant 1 : i32
        %select_n3A_491 = arith.select %eq3A_489, %jit3A_490, %jit3A_487 : i32
        %rem3A_492 = arith.remsi %scan3A_461, %select_n3A_491 : i32
        %ne3A_493 = arith.constant 0 : i32
        %ne3A_494 = arith.cmpi ne, %rem3A_492, %ne3A_493 : i32
        %lt3A_495 = arith.constant 0 : i32
        %lt3A_496 = arith.cmpi slt, %rem3A_492, %lt3A_495 : i32
        %lt3A_497 = arith.constant 0 : i32
        %lt3A_498 = arith.cmpi slt, %select_n3A_491, %lt3A_497 : i32
        %ne3A_499 = arith.xori %lt3A_496, %lt3A_498 : i1
        %and3A_500 = arith.andi %ne3A_499, %ne3A_494 : i1
        %add3A_501 = arith.addi %rem3A_492, %select_n3A_491 : i32
        %select_n3A_502 = arith.select %and3A_500, %add3A_501, %rem3A_492 : i32
        %mul3A_503 = arith.constant 16 : i32
        %mul3A_504 = arith.muli %select_n3A_502, %mul3A_503 : i32
        %iota3A = tpu.iota {dimensions = array<i32: 0>} : vector<16xi32>
        %add3A_505 = vector.broadcast %mul3A_504 : i32 to vector<16xi32>
        %add3A_506 = arith.addi %add3A_505, %iota3A : vector<16xi32>
        %convert_element_type3A = arith.sitofp %add3A_506 : vector<16xi32> to vector<16xf32>
        %mul3A_507 = arith.constant 16 : i32
        %mul3A_508 = arith.muli %scan3A_461, %mul3A_507 : i32
        %get3A = arith.index_cast %mul3A_508 : i32 to index
        %get3A_509 = tpu.vector_load %arg15[%get3A] {strides = array<i32>} : memref<1024xf32, #tpu.memory_space<vmem>>, vector<16xf32>,
        %mul3A_510 = arith.constant 16 : i32
        %mul3A_511 = arith.muli %scan3A_461, %mul3A_510 : i32
        %get3A_512 = arith.index_cast %mul3A_511 : i32 to index
        %get3A_513 = tpu.vector_load %arg16[%get3A_512] {strides = array<i32>} : memref<1024xf32, #tpu.memory_space<vmem>>, vector<16xf32>,
        %sub3A_514 = arith.subf %convert_element_type3A, %get3A_509 : vector<16xf32>
        %jit3A_515 = arith.constant 0.000000e+00 : f32
        %jit3A_516 = arith.constant 5.110000e+02 : f32
        %max3A = vector.broadcast %jit3A_515 : f32 to vector<16xf32>
        %max3A_517 = arith.maximumf %max3A, %sub3A_514 : vector<16xf32>
        %min3A = vector.broadcast %jit3A_516 : f32 to vector<16xf32>
        %min3A_518 = arith.minimumf %min3A, %max3A_517 : vector<16xf32>
        %convert_element_type3A_519 = arith.sitofp %add3A_486 : i32 to f32
        %sub3A_520 = vector.broadcast %convert_element_type3A_519 : f32 to vector<16xf32>
        %sub3A_521 = arith.subf %sub3A_520, %get3A_513 : vector<16xf32>
        %jit3A_522 = arith.constant 0.000000e+00 : f32
        %jit3A_523 = arith.constant 5.110000e+02 : f32
        %max3A_524 = vector.broadcast %jit3A_522 : f32 to vector<16xf32>
        %max3A_525 = arith.maximumf %max3A_524, %sub3A_521 : vector<16xf32>
        %min3A_526 = vector.broadcast %jit3A_523 : f32 to vector<16xf32>
        %min3A_527 = arith.minimumf %min3A_526, %max3A_525 : vector<16xf32>
        %convert_element_type3A_528 = arith.fptosi %min3A_518 : vector<16xf32> to vector<16xi32>
        %min3A_529 = arith.constant 510 : i32
        %min3A_530 = vector.broadcast %min3A_529 : i32 to vector<16xi32>
        %min3A_531 = arith.minsi %convert_element_type3A_528, %min3A_530 : vector<16xi32>
        %convert_element_type3A_532 = arith.fptosi %min3A_527 : vector<16xf32> to vector<16xi32>
        %min3A_533 = arith.constant 510 : i32
        %min3A_534 = vector.broadcast %min3A_533 : i32 to vector<16xi32>
        %min3A_535 = arith.minsi %convert_element_type3A_532, %min3A_534 : vector<16xi32>
        %convert_element_type3A_536 = arith.sitofp %min3A_531 : vector<16xi32> to vector<16xf32>
        %sub3A_537 = arith.subf %min3A_518, %convert_element_type3A_536 : vector<16xf32>
        %mul3A_538 = arith.constant 16 : i32
        %mul3A_539 = arith.muli %scan3A_461, %mul3A_538 : i32
        %swap3A = arith.index_cast %mul3A_539 : i32 to index
        %swap3A_540 = tpu.vector_load %arg17[%swap3A] {strides = array<i32>} : memref<1024xf32, #tpu.memory_space<vmem>>, vector<16xf32>,
        tpu.vector_store %arg17[%swap3A], %sub3A_537 {strides = array<i32>} : memref<1024xf32, #tpu.memory_space<vmem>>, vector<16xf32>,
        %convert_element_type3A_541 = arith.sitofp %min3A_535 : vector<16xi32> to vector<16xf32>
        %sub3A_542 = arith.subf %min3A_527, %convert_element_type3A_541 : vector<16xf32>
        %mul3A_543 = arith.constant 16 : i32
        %mul3A_544 = arith.muli %scan3A_461, %mul3A_543 : i32
        %swap3A_545 = arith.index_cast %mul3A_544 : i32 to index
        %swap3A_546 = tpu.vector_load %arg18[%swap3A_545] {strides = array<i32>} : memref<1024xf32, #tpu.memory_space<vmem>>, vector<16xf32>,
        tpu.vector_store %arg18[%swap3A_545], %sub3A_542 {strides = array<i32>} : memref<1024xf32, #tpu.memory_space<vmem>>, vector<16xf32>,
        %and3A_547 = arith.constant 1 : i32
        %and3A_548 = vector.broadcast %and3A_547 : i32 to vector<16xi32>
        %and3A_549 = arith.andi %min3A_531, %and3A_548 : vector<16xi32>
        %shift_left3A = arith.constant 2 : i32
        %shift_left3A_550 = vector.broadcast %shift_left3A : i32 to vector<16xi32>
        %shift_left3A_551 = arith.shli %and3A_549, %shift_left3A_550 : vector<16xi32>
        %mul3A_552 = arith.constant 16 : i32
        %mul3A_553 = arith.muli %scan3A_461, %mul3A_552 : i32
        %swap3A_554 = arith.index_cast %mul3A_553 : i32 to index
        %swap3A_555 = tpu.vector_load %arg19[%swap3A_554] {strides = array<i32>} : memref<1024xi32, #tpu.memory_space<vmem>>, vector<16xi32>,
        tpu.vector_store %arg19[%swap3A_554], %shift_left3A_551 {strides = array<i32>} : memref<1024xi32, #tpu.memory_space<vmem>>, vector<16xi32>,
        %mul3A_556 = arith.constant 512 : i32
        %mul3A_557 = arith.muli %select_n3A, %mul3A_556 : i32
        %add3A_558 = vector.broadcast %mul3A_557 : i32 to vector<16xi32>
        %add3A_559 = arith.addi %add3A_558, %min3A_535 : vector<16xi32>
        %mul3A_560 = arith.constant 256 : i32
        %mul3A_561 = vector.broadcast %mul3A_560 : i32 to vector<16xi32>
        %mul3A_562 = arith.muli %add3A_559, %mul3A_561 : vector<16xi32>
        %shift_right_arithmetic3A = arith.constant 1 : i32
        %shift_right_arithmetic3A_563 = vector.broadcast %shift_right_arithmetic3A : i32 to vector<16xi32>
        %shift_right_arithmetic3A_564 = arith.shrsi %min3A_531, %shift_right_arithmetic3A_563 : vector<16xi32>
        %add3A_565 = arith.addi %mul3A_562, %shift_right_arithmetic3A_564 : vector<16xi32>
        %mul3A_566 = arith.constant 16 : i32
        %mul3A_567 = arith.muli %scan3A_461, %mul3A_566 : i32
        %add3A_568 = vector.broadcast %mul3A_567 : i32 to vector<16xi32>
        %add3A_569 = arith.addi %add3A_568, %iota3A : vector<16xi32>
        %mul3A_570 = arith.constant 2 : i32
        %mul3A_571 = vector.broadcast %mul3A_570 : i32 to vector<16xi32>
        %mul3A_572 = arith.muli %mul3A_571, %add3A_569 : vector<16xi32>
        tpu.vector_store_idx %arg20[%mul3A_572], %add3A_565 : memref<2048xi32, #tpu.memory_space<vmem>>[vector<16xi32>], vector<16xi32>,
        %add3A_573 = arith.constant 1 : i32
        %add3A_574 = vector.broadcast %add3A_573 : i32 to vector<16xi32>
        %add3A_575 = arith.addi %mul3A_572, %add3A_574 : vector<16xi32>
        %add3A_576 = arith.constant 256 : i32
        %add3A_577 = vector.broadcast %add3A_576 : i32 to vector<16xi32>
        %add3A_578 = arith.addi %add3A_565, %add3A_577 : vector<16xi32>
        tpu.vector_store_idx %arg20[%add3A_575], %add3A_578 : memref<2048xi32, #tpu.memory_space<vmem>>[vector<16xi32>], vector<16xi32>,
      }
      %scan3A_211 = arith.constant 64 : i32
      %scan3A_212 = arith.constant 0 : i32
      %scan3A_213 = arith.constant 0 : i32
      %scan3A_214 = arith.constant 2 : i32
      %scan3A_215 = arith.addi %scan3A_213, %scan3A_214 : i32
      %scan3A_216 = arith.constant 1 : i32
      scf.for %scan3A_461 = %scan3A_213 to %scan3A_215 step %scan3A_216  : i32 {
        %mul3A_462 = arith.constant 8 : i32
        %mul3A_463 = arith.muli %scan3A_461, %mul3A_462 : i32
        %add3A_464 = arith.constant 0 : i32
        %add3A_465 = arith.addi %mul3A_463, %add3A_464 : i32
        %mul3A_466 = arith.constant 128 : i32
        %mul3A_467 = arith.muli %add3A_465, %mul3A_466 : i32
        %mul3A_468 = arith.constant 128 : i32
        %mul3A_469 = arith.muli %add3A_465, %mul3A_468 : i32
        %dma_start3A_470 = arith.constant 0 : i32
        %dma_start3A_471 = tpu.memref_slice %arg21[%mul3A_469, %dma_start3A_470] : memref<2048x16xf32, #tpu.memory_space<vmem>> -> memref<128x16xf32, #tpu.memory_space<vmem>>
        %dma_start3A_472 = tpu.memref_slice %arg20[%mul3A_467] : memref<2048xi32, #tpu.memory_space<vmem>> -> memref<128xi32, #tpu.memory_space<vmem>>
        %dma_start3A_473 = arith.constant 0 : i32
        %dma_start3A_474 = arith.constant 0 : i32
        %dma_start3A_475 = tpu.memref_slice %arg2[%dma_start3A_473, %dma_start3A_474] : memref<2097160x16xf32, #tpu.memory_space<hbm>> -> memref<2097160x16xf32, #tpu.memory_space<hbm>>
        tpu.enqueue_indirect_dma source(%dma_start3A_475 : memref<2097160x16xf32, #tpu.memory_space<hbm>>) target(%dma_start3A_471 : memref<128x16xf32, #tpu.memory_space<vmem>>) offsets(%dma_start3A_472 : memref<128xi32, #tpu.memory_space<vmem>>) semaphore(%arg26 : memref<!tpu.dma_semaphore, #tpu.memory_space<semaphore_mem>>)
        %mul3A_476 = arith.constant 8 : i32
        %mul3A_477 = arith.muli %scan3A_461, %mul3A_476 : i32
        %add3A_478 = arith.constant 1 : i32
        %add3A_479 = arith.addi %mul3A_477, %add3A_478 : i32
        %mul3A_480 = arith.constant 128 : i32
        %mul3A_481 = arith.muli %add3A_479, %mul3A_480 : i32
        %mul3A_482 = arith.constant 128 : i32
        %mul3A_483 = arith.muli %add3A_479, %mul3A_482 : i32
        %dma_start3A_484 = arith.constant 0 : i32
        %dma_start3A_485 = tpu.memref_slice %arg21[%mul3A_483, %dma_start3A_484] : memref<2048x16xf32, #tpu.memory_space<vmem>> -> memref<128x16xf32, #tpu.memory_space<vmem>>
        %dma_start3A_486 = tpu.memref_slice %arg20[%mul3A_481] : memref<2048xi32, #tpu.memory_space<vmem>> -> memref<128xi32, #tpu.memory_space<vmem>>
        %dma_start3A_487 = arith.constant 0 : i32
        %dma_start3A_488 = arith.constant 0 : i32
        %dma_start3A_489 = tpu.memref_slice %arg2[%dma_start3A_487, %dma_start3A_488] : memref<2097160x16xf32, #tpu.memory_space<hbm>> -> memref<2097160x16xf32, #tpu.memory_space<hbm>>
        tpu.enqueue_indirect_dma source(%dma_start3A_489 : memref<2097160x16xf32, #tpu.memory_space<hbm>>) target(%dma_start3A_485 : memref<128x16xf32, #tpu.memory_space<vmem>>) offsets(%dma_start3A_486 : memref<128xi32, #tpu.memory_space<vmem>>) semaphore(%arg26 : memref<!tpu.dma_semaphore, #tpu.memory_space<semaphore_mem>>)
        %mul3A_490 = arith.constant 8 : i32
        %mul3A_491 = arith.muli %scan3A_461, %mul3A_490 : i32
        %add3A_492 = arith.constant 2 : i32
        %add3A_493 = arith.addi %mul3A_491, %add3A_492 : i32
        %mul3A_494 = arith.constant 128 : i32
        %mul3A_495 = arith.muli %add3A_493, %mul3A_494 : i32
        %mul3A_496 = arith.constant 128 : i32
        %mul3A_497 = arith.muli %add3A_493, %mul3A_496 : i32
        %dma_start3A_498 = arith.constant 0 : i32
        %dma_start3A_499 = tpu.memref_slice %arg21[%mul3A_497, %dma_start3A_498] : memref<2048x16xf32, #tpu.memory_space<vmem>> -> memref<128x16xf32, #tpu.memory_space<vmem>>
        %dma_start3A_500 = tpu.memref_slice %arg20[%mul3A_495] : memref<2048xi32, #tpu.memory_space<vmem>> -> memref<128xi32, #tpu.memory_space<vmem>>
        %dma_start3A_501 = arith.constant 0 : i32
        %dma_start3A_502 = arith.constant 0 : i32
        %dma_start3A_503 = tpu.memref_slice %arg2[%dma_start3A_501, %dma_start3A_502] : memref<2097160x16xf32, #tpu.memory_space<hbm>> -> memref<2097160x16xf32, #tpu.memory_space<hbm>>
        tpu.enqueue_indirect_dma source(%dma_start3A_503 : memref<2097160x16xf32, #tpu.memory_space<hbm>>) target(%dma_start3A_499 : memref<128x16xf32, #tpu.memory_space<vmem>>) offsets(%dma_start3A_500 : memref<128xi32, #tpu.memory_space<vmem>>) semaphore(%arg26 : memref<!tpu.dma_semaphore, #tpu.memory_space<semaphore_mem>>)
        %mul3A_504 = arith.constant 8 : i32
        %mul3A_505 = arith.muli %scan3A_461, %mul3A_504 : i32
        %add3A_506 = arith.constant 3 : i32
        %add3A_507 = arith.addi %mul3A_505, %add3A_506 : i32
        %mul3A_508 = arith.constant 128 : i32
        %mul3A_509 = arith.muli %add3A_507, %mul3A_508 : i32
        %mul3A_510 = arith.constant 128 : i32
        %mul3A_511 = arith.muli %add3A_507, %mul3A_510 : i32
        %dma_start3A_512 = arith.constant 0 : i32
        %dma_start3A_513 = tpu.memref_slice %arg21[%mul3A_511, %dma_start3A_512] : memref<2048x16xf32, #tpu.memory_space<vmem>> -> memref<128x16xf32, #tpu.memory_space<vmem>>
        %dma_start3A_514 = tpu.memref_slice %arg20[%mul3A_509] : memref<2048xi32, #tpu.memory_space<vmem>> -> memref<128xi32, #tpu.memory_space<vmem>>
        %dma_start3A_515 = arith.constant 0 : i32
        %dma_start3A_516 = arith.constant 0 : i32
        %dma_start3A_517 = tpu.memref_slice %arg2[%dma_start3A_515, %dma_start3A_516] : memref<2097160x16xf32, #tpu.memory_space<hbm>> -> memref<2097160x16xf32, #tpu.memory_space<hbm>>
        tpu.enqueue_indirect_dma source(%dma_start3A_517 : memref<2097160x16xf32, #tpu.memory_space<hbm>>) target(%dma_start3A_513 : memref<128x16xf32, #tpu.memory_space<vmem>>) offsets(%dma_start3A_514 : memref<128xi32, #tpu.memory_space<vmem>>) semaphore(%arg26 : memref<!tpu.dma_semaphore, #tpu.memory_space<semaphore_mem>>)
        %mul3A_518 = arith.constant 8 : i32
        %mul3A_519 = arith.muli %scan3A_461, %mul3A_518 : i32
        %add3A_520 = arith.constant 4 : i32
        %add3A_521 = arith.addi %mul3A_519, %add3A_520 : i32
        %mul3A_522 = arith.constant 128 : i32
        %mul3A_523 = arith.muli %add3A_521, %mul3A_522 : i32
        %mul3A_524 = arith.constant 128 : i32
        %mul3A_525 = arith.muli %add3A_521, %mul3A_524 : i32
        %dma_start3A_526 = arith.constant 0 : i32
        %dma_start3A_527 = tpu.memref_slice %arg21[%mul3A_525, %dma_start3A_526] : memref<2048x16xf32, #tpu.memory_space<vmem>> -> memref<128x16xf32, #tpu.memory_space<vmem>>
        %dma_start3A_528 = tpu.memref_slice %arg20[%mul3A_523] : memref<2048xi32, #tpu.memory_space<vmem>> -> memref<128xi32, #tpu.memory_space<vmem>>
        %dma_start3A_529 = arith.constant 0 : i32
        %dma_start3A_530 = arith.constant 0 : i32
        %dma_start3A_531 = tpu.memref_slice %arg2[%dma_start3A_529, %dma_start3A_530] : memref<2097160x16xf32, #tpu.memory_space<hbm>> -> memref<2097160x16xf32, #tpu.memory_space<hbm>>
        tpu.enqueue_indirect_dma source(%dma_start3A_531 : memref<2097160x16xf32, #tpu.memory_space<hbm>>) target(%dma_start3A_527 : memref<128x16xf32, #tpu.memory_space<vmem>>) offsets(%dma_start3A_528 : memref<128xi32, #tpu.memory_space<vmem>>) semaphore(%arg26 : memref<!tpu.dma_semaphore, #tpu.memory_space<semaphore_mem>>)
        %mul3A_532 = arith.constant 8 : i32
        %mul3A_533 = arith.muli %scan3A_461, %mul3A_532 : i32
        %add3A_534 = arith.constant 5 : i32
        %add3A_535 = arith.addi %mul3A_533, %add3A_534 : i32
        %mul3A_536 = arith.constant 128 : i32
        %mul3A_537 = arith.muli %add3A_535, %mul3A_536 : i32
        %mul3A_538 = arith.constant 128 : i32
        %mul3A_539 = arith.muli %add3A_535, %mul3A_538 : i32
        %dma_start3A_540 = arith.constant 0 : i32
        %dma_start3A_541 = tpu.memref_slice %arg21[%mul3A_539, %dma_start3A_540] : memref<2048x16xf32, #tpu.memory_space<vmem>> -> memref<128x16xf32, #tpu.memory_space<vmem>>
        %dma_start3A_542 = tpu.memref_slice %arg20[%mul3A_537] : memref<2048xi32, #tpu.memory_space<vmem>> -> memref<128xi32, #tpu.memory_space<vmem>>
        %dma_start3A_543 = arith.constant 0 : i32
        %dma_start3A_544 = arith.constant 0 : i32
        %dma_start3A_545 = tpu.memref_slice %arg2[%dma_start3A_543, %dma_start3A_544] : memref<2097160x16xf32, #tpu.memory_space<hbm>> -> memref<2097160x16xf32, #tpu.memory_space<hbm>>
        tpu.enqueue_indirect_dma source(%dma_start3A_545 : memref<2097160x16xf32, #tpu.memory_space<hbm>>) target(%dma_start3A_541 : memref<128x16xf32, #tpu.memory_space<vmem>>) offsets(%dma_start3A_542 : memref<128xi32, #tpu.memory_space<vmem>>) semaphore(%arg26 : memref<!tpu.dma_semaphore, #tpu.memory_space<semaphore_mem>>)
        %mul3A_546 = arith.constant 8 : i32
        %mul3A_547 = arith.muli %scan3A_461, %mul3A_546 : i32
        %add3A_548 = arith.constant 6 : i32
        %add3A_549 = arith.addi %mul3A_547, %add3A_548 : i32
        %mul3A_550 = arith.constant 128 : i32
        %mul3A_551 = arith.muli %add3A_549, %mul3A_550 : i32
        %mul3A_552 = arith.constant 128 : i32
        %mul3A_553 = arith.muli %add3A_549, %mul3A_552 : i32
        %dma_start3A_554 = arith.constant 0 : i32
        %dma_start3A_555 = tpu.memref_slice %arg21[%mul3A_553, %dma_start3A_554] : memref<2048x16xf32, #tpu.memory_space<vmem>> -> memref<128x16xf32, #tpu.memory_space<vmem>>
        %dma_start3A_556 = tpu.memref_slice %arg20[%mul3A_551] : memref<2048xi32, #tpu.memory_space<vmem>> -> memref<128xi32, #tpu.memory_space<vmem>>
        %dma_start3A_557 = arith.constant 0 : i32
        %dma_start3A_558 = arith.constant 0 : i32
        %dma_start3A_559 = tpu.memref_slice %arg2[%dma_start3A_557, %dma_start3A_558] : memref<2097160x16xf32, #tpu.memory_space<hbm>> -> memref<2097160x16xf32, #tpu.memory_space<hbm>>
        tpu.enqueue_indirect_dma source(%dma_start3A_559 : memref<2097160x16xf32, #tpu.memory_space<hbm>>) target(%dma_start3A_555 : memref<128x16xf32, #tpu.memory_space<vmem>>) offsets(%dma_start3A_556 : memref<128xi32, #tpu.memory_space<vmem>>) semaphore(%arg26 : memref<!tpu.dma_semaphore, #tpu.memory_space<semaphore_mem>>)
        %mul3A_560 = arith.constant 8 : i32
        %mul3A_561 = arith.muli %scan3A_461, %mul3A_560 : i32
        %add3A_562 = arith.constant 7 : i32
        %add3A_563 = arith.addi %mul3A_561, %add3A_562 : i32
        %mul3A_564 = arith.constant 128 : i32
        %mul3A_565 = arith.muli %add3A_563, %mul3A_564 : i32
        %mul3A_566 = arith.constant 128 : i32
        %mul3A_567 = arith.muli %add3A_563, %mul3A_566 : i32
        %dma_start3A_568 = arith.constant 0 : i32
        %dma_start3A_569 = tpu.memref_slice %arg21[%mul3A_567, %dma_start3A_568] : memref<2048x16xf32, #tpu.memory_space<vmem>> -> memref<128x16xf32, #tpu.memory_space<vmem>>
        %dma_start3A_570 = tpu.memref_slice %arg20[%mul3A_565] : memref<2048xi32, #tpu.memory_space<vmem>> -> memref<128xi32, #tpu.memory_space<vmem>>
        %dma_start3A_571 = arith.constant 0 : i32
        %dma_start3A_572 = arith.constant 0 : i32
        %dma_start3A_573 = tpu.memref_slice %arg2[%dma_start3A_571, %dma_start3A_572] : memref<2097160x16xf32, #tpu.memory_space<hbm>> -> memref<2097160x16xf32, #tpu.memory_space<hbm>>
        tpu.enqueue_indirect_dma source(%dma_start3A_573 : memref<2097160x16xf32, #tpu.memory_space<hbm>>) target(%dma_start3A_569 : memref<128x16xf32, #tpu.memory_space<vmem>>) offsets(%dma_start3A_570 : memref<128xi32, #tpu.memory_space<vmem>>) semaphore(%arg26 : memref<!tpu.dma_semaphore, #tpu.memory_space<semaphore_mem>>)
      }
      %scan3A_217 = arith.constant 2 : i32
      %mul3A_218 = arith.constant 2 : i32
      %mul3A_219 = arith.muli %mul3A_218, %scan3A_156 : i32
      %add3A_220 = arith.constant 2 : i32
      %add3A_221 = arith.addi %mul3A_219, %add3A_220 : i32
      %mul3A_222 = arith.constant 131072 : i32
      %mul3A_223 = arith.muli %select_n3A_30, %mul3A_222 : i32
      %rem3A_224 = arith.constant 128 : i32
      %rem3A_225 = arith.remsi %add3A_221, %rem3A_224 : i32
      %mul3A_226 = arith.constant 1024 : i32
      %mul3A_227 = arith.muli %rem3A_225, %mul3A_226 : i32
      %add3A_228 = arith.addi %mul3A_223, %mul3A_227 : i32
      %mul3A_229 = arith.constant 2 : i32
      %mul3A_230 = arith.muli %mul3A_229, %select_n3A : i32
      %dma_start3A_231 = tpu.memref_slice %arg3[%mul3A_230, %add3A_228] : memref<32x262144xf32, #tpu.memory_space<hbm>> -> memref<1x1024xf32, #tpu.memory_space<hbm>>
      %dma_start3A_232 = tpu.memref_squeeze %dma_start3A_231 : memref<1x1024xf32, #tpu.memory_space<hbm>> -> memref<1024xf32, #tpu.memory_space<hbm>>
      %dma_start3A_233 = tpu.memref_slice %arg3[%mul3A_230, %add3A_228] : memref<32x262144xf32, #tpu.memory_space<hbm>> -> memref<1x1024xf32, #tpu.memory_space<hbm>>
      %dma_start3A_234 = tpu.memref_squeeze %dma_start3A_233 : memref<1x1024xf32, #tpu.memory_space<hbm>> -> memref<1024xf32, #tpu.memory_space<hbm>>
      tpu.enqueue_dma source(%dma_start3A_234 : memref<1024xf32, #tpu.memory_space<hbm>>) target(%arg5 : memref<1024xf32, #tpu.memory_space<vmem>>) target_semaphore(%arg28 : memref<!tpu.dma_semaphore, #tpu.memory_space<semaphore_mem>>)
      %mul3A_235 = arith.constant 2 : i32
      %mul3A_236 = arith.muli %mul3A_235, %select_n3A : i32
      %add3A_237 = arith.constant 1 : i32
      %add3A_238 = arith.addi %mul3A_236, %add3A_237 : i32
      %dma_start3A_239 = tpu.memref_slice %arg3[%add3A_238, %add3A_228] : memref<32x262144xf32, #tpu.memory_space<hbm>> -> memref<1x1024xf32, #tpu.memory_space<hbm>>
      %dma_start3A_240 = tpu.memref_squeeze %dma_start3A_239 : memref<1x1024xf32, #tpu.memory_space<hbm>> -> memref<1024xf32, #tpu.memory_space<hbm>>
      %dma_start3A_241 = tpu.memref_slice %arg3[%add3A_238, %add3A_228] : memref<32x262144xf32, #tpu.memory_space<hbm>> -> memref<1x1024xf32, #tpu.memory_space<hbm>>
      %dma_start3A_242 = tpu.memref_squeeze %dma_start3A_241 : memref<1x1024xf32, #tpu.memory_space<hbm>> -> memref<1024xf32, #tpu.memory_space<hbm>>
      tpu.enqueue_dma source(%dma_start3A_242 : memref<1024xf32, #tpu.memory_space<hbm>>) target(%arg6 : memref<1024xf32, #tpu.memory_space<vmem>>) target_semaphore(%arg28 : memref<!tpu.dma_semaphore, #tpu.memory_space<semaphore_mem>>)
      %dma_wait3A_243 = arith.constant 0 : i32
      %dma_wait3A_244 = arith.constant 0 : i32
      %dma_wait3A_245 = tpu.memref_slice %arg2[%dma_wait3A_243, %dma_wait3A_244] : memref<2097160x16xf32, #tpu.memory_space<hbm>> -> memref<2048x16xf32, #tpu.memory_space<hbm>>
      %dma_wait3A_246 = arith.constant 0 : i32
      %dma_wait3A_247 = arith.constant 0 : i32
      %dma_wait3A_248 = tpu.memref_slice %arg2[%dma_wait3A_246, %dma_wait3A_247] : memref<2097160x16xf32, #tpu.memory_space<hbm>> -> memref<2048x16xf32, #tpu.memory_space<hbm>>
      tpu.wait_dma2 semaphore(%arg25 : memref<!tpu.dma_semaphore, #tpu.memory_space<semaphore_mem>>) src(%dma_wait3A_248 : memref<2048x16xf32, #tpu.memory_space<hbm>>) dst(%arg11 : memref<2048x16xf32, #tpu.memory_space<vmem>>)
      %mul3A_249 = arith.constant 2 : i32
      %mul3A_250 = arith.muli %mul3A_249, %scan3A_156 : i32
      %mul3A_251 = arith.constant 131072 : i32
      %mul3A_252 = arith.muli %select_n3A_30, %mul3A_251 : i32
      %mul3A_253 = arith.constant 1024 : i32
      %mul3A_254 = arith.muli %mul3A_250, %mul3A_253 : i32
      %add3A_255 = arith.addi %mul3A_252, %mul3A_254 : i32
      %scan3A_256 = arith.constant 0 : i32
      %scan3A_257 = arith.constant 0 : i32
      %scan3A_258 = arith.constant 32 : i32
      %scan3A_259 = arith.addi %scan3A_257, %scan3A_258 : i32
      %scan3A_260 = arith.constant 1 : i32
      scf.for %scan3A_461 = %scan3A_257 to %scan3A_259 step %scan3A_260  : i32 {
        %iota3A = tpu.iota {dimensions = array<i32: 0>} : vector<16xi32>
        %mul3A_462 = arith.constant 2 : i32
        %mul3A_463 = arith.muli %scan3A_461, %mul3A_462 : i32
        %add3A_464 = arith.constant 0 : i32
        %add3A_465 = arith.addi %mul3A_463, %add3A_464 : i32
        %mul3A_466 = arith.constant 16 : i32
        %mul3A_467 = arith.muli %add3A_465, %mul3A_466 : i32
        %get3A = arith.index_cast %mul3A_467 : i32 to index
        %get3A_468 = tpu.vector_load %arg7[%get3A] {strides = array<i32>} : memref<1024xf32, #tpu.memory_space<vmem>>, vector<16xf32>,
        %mul3A_469 = arith.constant 16 : i32
        %mul3A_470 = arith.muli %add3A_465, %mul3A_469 : i32
        %get3A_471 = arith.index_cast %mul3A_470 : i32 to index
        %get3A_472 = tpu.vector_load %arg8[%get3A_471] {strides = array<i32>} : memref<1024xf32, #tpu.memory_space<vmem>>, vector<16xf32>,
        %mul3A_473 = arith.constant 16 : i32
        %mul3A_474 = arith.muli %add3A_465, %mul3A_473 : i32
        %get3A_475 = arith.index_cast %mul3A_474 : i32 to index
        %get3A_476 = tpu.vector_load %arg9[%get3A_475] {strides = array<i32>} : memref<1024xi32, #tpu.memory_space<vmem>>, vector<16xi32>,
        %sub3A_477 = arith.constant 1.000000e+00 : f32
        %sub3A_478 = vector.broadcast %sub3A_477 : f32 to vector<16xf32>
        %sub3A_479 = arith.subf %sub3A_478, %get3A_468 : vector<16xf32>
        %sub3A_480 = arith.constant 1.000000e+00 : f32
        %sub3A_481 = vector.broadcast %sub3A_480 : f32 to vector<16xf32>
        %sub3A_482 = arith.subf %sub3A_481, %get3A_472 : vector<16xf32>
        %mul3A_483 = arith.mulf %sub3A_479, %sub3A_482 : vector<16xf32>
        %mul3A_484 = arith.mulf %get3A_468, %sub3A_482 : vector<16xf32>
        %mul3A_485 = arith.mulf %sub3A_479, %get3A_472 : vector<16xf32>
        %mul3A_486 = arith.mulf %get3A_468, %get3A_472 : vector<16xf32>
        %mul3A_487 = arith.constant 16 : i32
        %mul3A_488 = arith.muli %add3A_465, %mul3A_487 : i32
        %add3A_489 = vector.broadcast %mul3A_488 : i32 to vector<16xi32>
        %add3A_490 = arith.addi %add3A_489, %iota3A : vector<16xi32>
        %mul3A_491 = arith.constant 2 : i32
        %mul3A_492 = vector.broadcast %mul3A_491 : i32 to vector<16xi32>
        %mul3A_493 = arith.muli %mul3A_492, %add3A_490 : vector<16xi32>
        %add3A_494 = arith.constant 0 : i32
        %add3A_495 = vector.broadcast %add3A_494 : i32 to vector<16xi32>
        %add3A_496 = arith.addi %get3A_476, %add3A_495 : vector<16xi32>
        %add3A_497 = arith.constant 4 : i32
        %add3A_498 = vector.broadcast %add3A_497 : i32 to vector<16xi32>
        %add3A_499 = arith.addi %add3A_496, %add3A_498 : vector<16xi32>
        %gather3A = tpu.vector_load_idx %arg11[%mul3A_493, %add3A_496] : memref<2048x16xf32, #tpu.memory_space<vmem>>[vector<16xi32>, vector<16xi32>], vector<16xf32>,
        %gather3A_500 = tpu.vector_load_idx %arg11[%mul3A_493, %add3A_499] : memref<2048x16xf32, #tpu.memory_space<vmem>>[vector<16xi32>, vector<16xi32>], vector<16xf32>,
        %add3A_501 = arith.constant 1 : i32
        %add3A_502 = vector.broadcast %add3A_501 : i32 to vector<16xi32>
        %add3A_503 = arith.addi %mul3A_493, %add3A_502 : vector<16xi32>
        %gather3A_504 = tpu.vector_load_idx %arg11[%add3A_503, %add3A_496] : memref<2048x16xf32, #tpu.memory_space<vmem>>[vector<16xi32>, vector<16xi32>], vector<16xf32>,
        %add3A_505 = arith.constant 1 : i32
        %add3A_506 = vector.broadcast %add3A_505 : i32 to vector<16xi32>
        %add3A_507 = arith.addi %mul3A_493, %add3A_506 : vector<16xi32>
        %gather3A_508 = tpu.vector_load_idx %arg11[%add3A_507, %add3A_499] : memref<2048x16xf32, #tpu.memory_space<vmem>>[vector<16xi32>, vector<16xi32>], vector<16xf32>,
        %mul3A_509 = arith.mulf %gather3A, %mul3A_483 : vector<16xf32>
        %mul3A_510 = arith.mulf %gather3A_500, %mul3A_484 : vector<16xf32>
        %add3A_511 = arith.addf %mul3A_509, %mul3A_510 : vector<16xf32>
        %mul3A_512 = arith.mulf %gather3A_504, %mul3A_485 : vector<16xf32>
        %add3A_513 = arith.addf %add3A_511, %mul3A_512 : vector<16xf32>
        %mul3A_514 = arith.mulf %gather3A_508, %mul3A_486 : vector<16xf32>
        %add3A_515 = arith.addf %add3A_513, %mul3A_514 : vector<16xf32>
        %add3A_516 = arith.constant 1 : i32
        %add3A_517 = vector.broadcast %add3A_516 : i32 to vector<16xi32>
        %add3A_518 = arith.addi %get3A_476, %add3A_517 : vector<16xi32>
        %add3A_519 = arith.constant 4 : i32
        %add3A_520 = vector.broadcast %add3A_519 : i32 to vector<16xi32>
        %add3A_521 = arith.addi %add3A_518, %add3A_520 : vector<16xi32>
        %gather3A_522 = tpu.vector_load_idx %arg11[%mul3A_493, %add3A_518] : memref<2048x16xf32, #tpu.memory_space<vmem>>[vector<16xi32>, vector<16xi32>], vector<16xf32>,
        %gather3A_523 = tpu.vector_load_idx %arg11[%mul3A_493, %add3A_521] : memref<2048x16xf32, #tpu.memory_space<vmem>>[vector<16xi32>, vector<16xi32>], vector<16xf32>,
        %add3A_524 = arith.constant 1 : i32
        %add3A_525 = vector.broadcast %add3A_524 : i32 to vector<16xi32>
        %add3A_526 = arith.addi %mul3A_493, %add3A_525 : vector<16xi32>
        %gather3A_527 = tpu.vector_load_idx %arg11[%add3A_526, %add3A_518] : memref<2048x16xf32, #tpu.memory_space<vmem>>[vector<16xi32>, vector<16xi32>], vector<16xf32>,
        %add3A_528 = arith.constant 1 : i32
        %add3A_529 = vector.broadcast %add3A_528 : i32 to vector<16xi32>
        %add3A_530 = arith.addi %mul3A_493, %add3A_529 : vector<16xi32>
        %gather3A_531 = tpu.vector_load_idx %arg11[%add3A_530, %add3A_521] : memref<2048x16xf32, #tpu.memory_space<vmem>>[vector<16xi32>, vector<16xi32>], vector<16xf32>,
        %mul3A_532 = arith.mulf %gather3A_522, %mul3A_483 : vector<16xf32>
        %mul3A_533 = arith.mulf %gather3A_523, %mul3A_484 : vector<16xf32>
        %add3A_534 = arith.addf %mul3A_532, %mul3A_533 : vector<16xf32>
        %mul3A_535 = arith.mulf %gather3A_527, %mul3A_485 : vector<16xf32>
        %add3A_536 = arith.addf %add3A_534, %mul3A_535 : vector<16xf32>
        %mul3A_537 = arith.mulf %gather3A_531, %mul3A_486 : vector<16xf32>
        %add3A_538 = arith.addf %add3A_536, %mul3A_537 : vector<16xf32>
        %add3A_539 = arith.constant 2 : i32
        %add3A_540 = vector.broadcast %add3A_539 : i32 to vector<16xi32>
        %add3A_541 = arith.addi %get3A_476, %add3A_540 : vector<16xi32>
        %add3A_542 = arith.constant 4 : i32
        %add3A_543 = vector.broadcast %add3A_542 : i32 to vector<16xi32>
        %add3A_544 = arith.addi %add3A_541, %add3A_543 : vector<16xi32>
        %gather3A_545 = tpu.vector_load_idx %arg11[%mul3A_493, %add3A_541] : memref<2048x16xf32, #tpu.memory_space<vmem>>[vector<16xi32>, vector<16xi32>], vector<16xf32>,
        %gather3A_546 = tpu.vector_load_idx %arg11[%mul3A_493, %add3A_544] : memref<2048x16xf32, #tpu.memory_space<vmem>>[vector<16xi32>, vector<16xi32>], vector<16xf32>,
        %add3A_547 = arith.constant 1 : i32
        %add3A_548 = vector.broadcast %add3A_547 : i32 to vector<16xi32>
        %add3A_549 = arith.addi %mul3A_493, %add3A_548 : vector<16xi32>
        %gather3A_550 = tpu.vector_load_idx %arg11[%add3A_549, %add3A_541] : memref<2048x16xf32, #tpu.memory_space<vmem>>[vector<16xi32>, vector<16xi32>], vector<16xf32>,
        %add3A_551 = arith.constant 1 : i32
        %add3A_552 = vector.broadcast %add3A_551 : i32 to vector<16xi32>
        %add3A_553 = arith.addi %mul3A_493, %add3A_552 : vector<16xi32>
        %gather3A_554 = tpu.vector_load_idx %arg11[%add3A_553, %add3A_544] : memref<2048x16xf32, #tpu.memory_space<vmem>>[vector<16xi32>, vector<16xi32>], vector<16xf32>,
        %mul3A_555 = arith.mulf %gather3A_545, %mul3A_483 : vector<16xf32>
        %mul3A_556 = arith.mulf %gather3A_546, %mul3A_484 : vector<16xf32>
        %add3A_557 = arith.addf %mul3A_555, %mul3A_556 : vector<16xf32>
        %mul3A_558 = arith.mulf %gather3A_550, %mul3A_485 : vector<16xf32>
        %add3A_559 = arith.addf %add3A_557, %mul3A_558 : vector<16xf32>
        %mul3A_560 = arith.mulf %gather3A_554, %mul3A_486 : vector<16xf32>
        %add3A_561 = arith.addf %add3A_559, %mul3A_560 : vector<16xf32>
        %mul3A_562 = arith.constant 16 : i32
        %mul3A_563 = arith.muli %add3A_465, %mul3A_562 : i32
        %swap3A = arith.index_cast %mul3A_563 : i32 to index
        %swap3A_564 = tpu.vector_load %arg12[%swap3A] {strides = array<i32>} : memref<1024xf32, #tpu.memory_space<vmem>>, vector<16xf32>,
        tpu.vector_store %arg12[%swap3A], %add3A_515 {strides = array<i32>} : memref<1024xf32, #tpu.memory_space<vmem>>, vector<16xf32>,
        %mul3A_565 = arith.constant 16 : i32
        %mul3A_566 = arith.muli %add3A_465, %mul3A_565 : i32
        %swap3A_567 = arith.index_cast %mul3A_566 : i32 to index
        %swap3A_568 = tpu.vector_load %arg13[%swap3A_567] {strides = array<i32>} : memref<1024xf32, #tpu.memory_space<vmem>>, vector<16xf32>,
        tpu.vector_store %arg13[%swap3A_567], %add3A_538 {strides = array<i32>} : memref<1024xf32, #tpu.memory_space<vmem>>, vector<16xf32>,
        %mul3A_569 = arith.constant 16 : i32
        %mul3A_570 = arith.muli %add3A_465, %mul3A_569 : i32
        %swap3A_571 = arith.index_cast %mul3A_570 : i32 to index
        %swap3A_572 = tpu.vector_load %arg14[%swap3A_571] {strides = array<i32>} : memref<1024xf32, #tpu.memory_space<vmem>>, vector<16xf32>,
        tpu.vector_store %arg14[%swap3A_571], %add3A_561 {strides = array<i32>} : memref<1024xf32, #tpu.memory_space<vmem>>, vector<16xf32>,
        %mul3A_573 = arith.constant 2 : i32
        %mul3A_574 = arith.muli %scan3A_461, %mul3A_573 : i32
        %add3A_575 = arith.constant 1 : i32
        %add3A_576 = arith.addi %mul3A_574, %add3A_575 : i32
        %mul3A_577 = arith.constant 16 : i32
        %mul3A_578 = arith.muli %add3A_576, %mul3A_577 : i32
        %get3A_579 = arith.index_cast %mul3A_578 : i32 to index
        %get3A_580 = tpu.vector_load %arg7[%get3A_579] {strides = array<i32>} : memref<1024xf32, #tpu.memory_space<vmem>>, vector<16xf32>,
        %mul3A_581 = arith.constant 16 : i32
        %mul3A_582 = arith.muli %add3A_576, %mul3A_581 : i32
        %get3A_583 = arith.index_cast %mul3A_582 : i32 to index
        %get3A_584 = tpu.vector_load %arg8[%get3A_583] {strides = array<i32>} : memref<1024xf32, #tpu.memory_space<vmem>>, vector<16xf32>,
        %mul3A_585 = arith.constant 16 : i32
        %mul3A_586 = arith.muli %add3A_576, %mul3A_585 : i32
        %get3A_587 = arith.index_cast %mul3A_586 : i32 to index
        %get3A_588 = tpu.vector_load %arg9[%get3A_587] {strides = array<i32>} : memref<1024xi32, #tpu.memory_space<vmem>>, vector<16xi32>,
        %sub3A_589 = arith.constant 1.000000e+00 : f32
        %sub3A_590 = vector.broadcast %sub3A_589 : f32 to vector<16xf32>
        %sub3A_591 = arith.subf %sub3A_590, %get3A_580 : vector<16xf32>
        %sub3A_592 = arith.constant 1.000000e+00 : f32
        %sub3A_593 = vector.broadcast %sub3A_592 : f32 to vector<16xf32>
        %sub3A_594 = arith.subf %sub3A_593, %get3A_584 : vector<16xf32>
        %mul3A_595 = arith.mulf %sub3A_591, %sub3A_594 : vector<16xf32>
        %mul3A_596 = arith.mulf %get3A_580, %sub3A_594 : vector<16xf32>
        %mul3A_597 = arith.mulf %sub3A_591, %get3A_584 : vector<16xf32>
        %mul3A_598 = arith.mulf %get3A_580, %get3A_584 : vector<16xf32>
        %mul3A_599 = arith.constant 16 : i32
        %mul3A_600 = arith.muli %add3A_576, %mul3A_599 : i32
        %add3A_601 = vector.broadcast %mul3A_600 : i32 to vector<16xi32>
        %add3A_602 = arith.addi %add3A_601, %iota3A : vector<16xi32>
        %mul3A_603 = arith.constant 2 : i32
        %mul3A_604 = vector.broadcast %mul3A_603 : i32 to vector<16xi32>
        %mul3A_605 = arith.muli %mul3A_604, %add3A_602 : vector<16xi32>
        %add3A_606 = arith.constant 0 : i32
        %add3A_607 = vector.broadcast %add3A_606 : i32 to vector<16xi32>
        %add3A_608 = arith.addi %get3A_588, %add3A_607 : vector<16xi32>
        %add3A_609 = arith.constant 4 : i32
        %add3A_610 = vector.broadcast %add3A_609 : i32 to vector<16xi32>
        %add3A_611 = arith.addi %add3A_608, %add3A_610 : vector<16xi32>
        %gather3A_612 = tpu.vector_load_idx %arg11[%mul3A_605, %add3A_608] : memref<2048x16xf32, #tpu.memory_space<vmem>>[vector<16xi32>, vector<16xi32>], vector<16xf32>,
        %gather3A_613 = tpu.vector_load_idx %arg11[%mul3A_605, %add3A_611] : memref<2048x16xf32, #tpu.memory_space<vmem>>[vector<16xi32>, vector<16xi32>], vector<16xf32>,
        %add3A_614 = arith.constant 1 : i32
        %add3A_615 = vector.broadcast %add3A_614 : i32 to vector<16xi32>
        %add3A_616 = arith.addi %mul3A_605, %add3A_615 : vector<16xi32>
        %gather3A_617 = tpu.vector_load_idx %arg11[%add3A_616, %add3A_608] : memref<2048x16xf32, #tpu.memory_space<vmem>>[vector<16xi32>, vector<16xi32>], vector<16xf32>,
        %add3A_618 = arith.constant 1 : i32
        %add3A_619 = vector.broadcast %add3A_618 : i32 to vector<16xi32>
        %add3A_620 = arith.addi %mul3A_605, %add3A_619 : vector<16xi32>
        %gather3A_621 = tpu.vector_load_idx %arg11[%add3A_620, %add3A_611] : memref<2048x16xf32, #tpu.memory_space<vmem>>[vector<16xi32>, vector<16xi32>], vector<16xf32>,
        %mul3A_622 = arith.mulf %gather3A_612, %mul3A_595 : vector<16xf32>
        %mul3A_623 = arith.mulf %gather3A_613, %mul3A_596 : vector<16xf32>
        %add3A_624 = arith.addf %mul3A_622, %mul3A_623 : vector<16xf32>
        %mul3A_625 = arith.mulf %gather3A_617, %mul3A_597 : vector<16xf32>
        %add3A_626 = arith.addf %add3A_624, %mul3A_625 : vector<16xf32>
        %mul3A_627 = arith.mulf %gather3A_621, %mul3A_598 : vector<16xf32>
        %add3A_628 = arith.addf %add3A_626, %mul3A_627 : vector<16xf32>
        %add3A_629 = arith.constant 1 : i32
        %add3A_630 = vector.broadcast %add3A_629 : i32 to vector<16xi32>
        %add3A_631 = arith.addi %get3A_588, %add3A_630 : vector<16xi32>
        %add3A_632 = arith.constant 4 : i32
        %add3A_633 = vector.broadcast %add3A_632 : i32 to vector<16xi32>
        %add3A_634 = arith.addi %add3A_631, %add3A_633 : vector<16xi32>
        %gather3A_635 = tpu.vector_load_idx %arg11[%mul3A_605, %add3A_631] : memref<2048x16xf32, #tpu.memory_space<vmem>>[vector<16xi32>, vector<16xi32>], vector<16xf32>,
        %gather3A_636 = tpu.vector_load_idx %arg11[%mul3A_605, %add3A_634] : memref<2048x16xf32, #tpu.memory_space<vmem>>[vector<16xi32>, vector<16xi32>], vector<16xf32>,
        %add3A_637 = arith.constant 1 : i32
        %add3A_638 = vector.broadcast %add3A_637 : i32 to vector<16xi32>
        %add3A_639 = arith.addi %mul3A_605, %add3A_638 : vector<16xi32>
        %gather3A_640 = tpu.vector_load_idx %arg11[%add3A_639, %add3A_631] : memref<2048x16xf32, #tpu.memory_space<vmem>>[vector<16xi32>, vector<16xi32>], vector<16xf32>,
        %add3A_641 = arith.constant 1 : i32
        %add3A_642 = vector.broadcast %add3A_641 : i32 to vector<16xi32>
        %add3A_643 = arith.addi %mul3A_605, %add3A_642 : vector<16xi32>
        %gather3A_644 = tpu.vector_load_idx %arg11[%add3A_643, %add3A_634] : memref<2048x16xf32, #tpu.memory_space<vmem>>[vector<16xi32>, vector<16xi32>], vector<16xf32>,
        %mul3A_645 = arith.mulf %gather3A_635, %mul3A_595 : vector<16xf32>
        %mul3A_646 = arith.mulf %gather3A_636, %mul3A_596 : vector<16xf32>
        %add3A_647 = arith.addf %mul3A_645, %mul3A_646 : vector<16xf32>
        %mul3A_648 = arith.mulf %gather3A_640, %mul3A_597 : vector<16xf32>
        %add3A_649 = arith.addf %add3A_647, %mul3A_648 : vector<16xf32>
        %mul3A_650 = arith.mulf %gather3A_644, %mul3A_598 : vector<16xf32>
        %add3A_651 = arith.addf %add3A_649, %mul3A_650 : vector<16xf32>
        %add3A_652 = arith.constant 2 : i32
        %add3A_653 = vector.broadcast %add3A_652 : i32 to vector<16xi32>
        %add3A_654 = arith.addi %get3A_588, %add3A_653 : vector<16xi32>
        %add3A_655 = arith.constant 4 : i32
        %add3A_656 = vector.broadcast %add3A_655 : i32 to vector<16xi32>
        %add3A_657 = arith.addi %add3A_654, %add3A_656 : vector<16xi32>
        %gather3A_658 = tpu.vector_load_idx %arg11[%mul3A_605, %add3A_654] : memref<2048x16xf32, #tpu.memory_space<vmem>>[vector<16xi32>, vector<16xi32>], vector<16xf32>,
        %gather3A_659 = tpu.vector_load_idx %arg11[%mul3A_605, %add3A_657] : memref<2048x16xf32, #tpu.memory_space<vmem>>[vector<16xi32>, vector<16xi32>], vector<16xf32>,
        %add3A_660 = arith.constant 1 : i32
        %add3A_661 = vector.broadcast %add3A_660 : i32 to vector<16xi32>
        %add3A_662 = arith.addi %mul3A_605, %add3A_661 : vector<16xi32>
        %gather3A_663 = tpu.vector_load_idx %arg11[%add3A_662, %add3A_654] : memref<2048x16xf32, #tpu.memory_space<vmem>>[vector<16xi32>, vector<16xi32>], vector<16xf32>,
        %add3A_664 = arith.constant 1 : i32
        %add3A_665 = vector.broadcast %add3A_664 : i32 to vector<16xi32>
        %add3A_666 = arith.addi %mul3A_605, %add3A_665 : vector<16xi32>
        %gather3A_667 = tpu.vector_load_idx %arg11[%add3A_666, %add3A_657] : memref<2048x16xf32, #tpu.memory_space<vmem>>[vector<16xi32>, vector<16xi32>], vector<16xf32>,
        %mul3A_668 = arith.mulf %gather3A_658, %mul3A_595 : vector<16xf32>
        %mul3A_669 = arith.mulf %gather3A_659, %mul3A_596 : vector<16xf32>
        %add3A_670 = arith.addf %mul3A_668, %mul3A_669 : vector<16xf32>
        %mul3A_671 = arith.mulf %gather3A_663, %mul3A_597 : vector<16xf32>
        %add3A_672 = arith.addf %add3A_670, %mul3A_671 : vector<16xf32>
        %mul3A_673 = arith.mulf %gather3A_667, %mul3A_598 : vector<16xf32>
        %add3A_674 = arith.addf %add3A_672, %mul3A_673 : vector<16xf32>
        %mul3A_675 = arith.constant 16 : i32
        %mul3A_676 = arith.muli %add3A_576, %mul3A_675 : i32
        %swap3A_677 = arith.index_cast %mul3A_676 : i32 to index
        %swap3A_678 = tpu.vector_load %arg12[%swap3A_677] {strides = array<i32>} : memref<1024xf32, #tpu.memory_space<vmem>>, vector<16xf32>,
        tpu.vector_store %arg12[%swap3A_677], %add3A_628 {strides = array<i32>} : memref<1024xf32, #tpu.memory_space<vmem>>, vector<16xf32>,
        %mul3A_679 = arith.constant 16 : i32
        %mul3A_680 = arith.muli %add3A_576, %mul3A_679 : i32
        %swap3A_681 = arith.index_cast %mul3A_680 : i32 to index
        %swap3A_682 = tpu.vector_load %arg13[%swap3A_681] {strides = array<i32>} : memref<1024xf32, #tpu.memory_space<vmem>>, vector<16xf32>,
        tpu.vector_store %arg13[%swap3A_681], %add3A_651 {strides = array<i32>} : memref<1024xf32, #tpu.memory_space<vmem>>, vector<16xf32>,
        %mul3A_683 = arith.constant 16 : i32
        %mul3A_684 = arith.muli %add3A_576, %mul3A_683 : i32
        %swap3A_685 = arith.index_cast %mul3A_684 : i32 to index
        %swap3A_686 = tpu.vector_load %arg14[%swap3A_685] {strides = array<i32>} : memref<1024xf32, #tpu.memory_space<vmem>>, vector<16xf32>,
        tpu.vector_store %arg14[%swap3A_685], %add3A_674 {strides = array<i32>} : memref<1024xf32, #tpu.memory_space<vmem>>, vector<16xf32>,
      }
      %scan3A_261 = arith.constant 32 : i32
      %mul3A_262 = arith.constant 3 : i32
      %mul3A_263 = arith.muli %mul3A_262, %select_n3A : i32
      %dma_start3A_264 = tpu.memref_slice %arg4[%mul3A_263, %add3A_255] : memref<48x262144xf32, #tpu.memory_space<hbm>> -> memref<1x1024xf32, #tpu.memory_space<hbm>>
      %dma_start3A_265 = tpu.memref_squeeze %dma_start3A_264 : memref<1x1024xf32, #tpu.memory_space<hbm>> -> memref<1024xf32, #tpu.memory_space<hbm>>
      %dma_start3A_266 = tpu.memref_slice %arg4[%mul3A_263, %add3A_255] : memref<48x262144xf32, #tpu.memory_space<hbm>> -> memref<1x1024xf32, #tpu.memory_space<hbm>>
      %dma_start3A_267 = tpu.memref_squeeze %dma_start3A_266 : memref<1x1024xf32, #tpu.memory_space<hbm>> -> memref<1024xf32, #tpu.memory_space<hbm>>
      tpu.enqueue_dma source(%arg12 : memref<1024xf32, #tpu.memory_space<vmem>>) target(%dma_start3A_267 : memref<1024xf32, #tpu.memory_space<hbm>>) target_semaphore(%arg27 : memref<!tpu.dma_semaphore, #tpu.memory_space<semaphore_mem>>)
      %mul3A_268 = arith.constant 3 : i32
      %mul3A_269 = arith.muli %mul3A_268, %select_n3A : i32
      %add3A_270 = arith.constant 1 : i32
      %add3A_271 = arith.addi %mul3A_269, %add3A_270 : i32
      %dma_start3A_272 = tpu.memref_slice %arg4[%add3A_271, %add3A_255] : memref<48x262144xf32, #tpu.memory_space<hbm>> -> memref<1x1024xf32, #tpu.memory_space<hbm>>
      %dma_start3A_273 = tpu.memref_squeeze %dma_start3A_272 : memref<1x1024xf32, #tpu.memory_space<hbm>> -> memref<1024xf32, #tpu.memory_space<hbm>>
      %dma_start3A_274 = tpu.memref_slice %arg4[%add3A_271, %add3A_255] : memref<48x262144xf32, #tpu.memory_space<hbm>> -> memref<1x1024xf32, #tpu.memory_space<hbm>>
      %dma_start3A_275 = tpu.memref_squeeze %dma_start3A_274 : memref<1x1024xf32, #tpu.memory_space<hbm>> -> memref<1024xf32, #tpu.memory_space<hbm>>
      tpu.enqueue_dma source(%arg13 : memref<1024xf32, #tpu.memory_space<vmem>>) target(%dma_start3A_275 : memref<1024xf32, #tpu.memory_space<hbm>>) target_semaphore(%arg27 : memref<!tpu.dma_semaphore, #tpu.memory_space<semaphore_mem>>)
      %mul3A_276 = arith.constant 3 : i32
      %mul3A_277 = arith.muli %mul3A_276, %select_n3A : i32
      %add3A_278 = arith.constant 2 : i32
      %add3A_279 = arith.addi %mul3A_277, %add3A_278 : i32
      %dma_start3A_280 = tpu.memref_slice %arg4[%add3A_279, %add3A_255] : memref<48x262144xf32, #tpu.memory_space<hbm>> -> memref<1x1024xf32, #tpu.memory_space<hbm>>
      %dma_start3A_281 = tpu.memref_squeeze %dma_start3A_280 : memref<1x1024xf32, #tpu.memory_space<hbm>> -> memref<1024xf32, #tpu.memory_space<hbm>>
      %dma_start3A_282 = tpu.memref_slice %arg4[%add3A_279, %add3A_255] : memref<48x262144xf32, #tpu.memory_space<hbm>> -> memref<1x1024xf32, #tpu.memory_space<hbm>>
      %dma_start3A_283 = tpu.memref_squeeze %dma_start3A_282 : memref<1x1024xf32, #tpu.memory_space<hbm>> -> memref<1024xf32, #tpu.memory_space<hbm>>
      tpu.enqueue_dma source(%arg14 : memref<1024xf32, #tpu.memory_space<vmem>>) target(%dma_start3A_283 : memref<1024xf32, #tpu.memory_space<hbm>>) target_semaphore(%arg27 : memref<!tpu.dma_semaphore, #tpu.memory_space<semaphore_mem>>)
      %mul3A_284 = arith.constant 2 : i32
      %mul3A_285 = arith.muli %mul3A_284, %scan3A_156 : i32
      %add3A_286 = arith.constant 2 : i32
      %add3A_287 = arith.addi %mul3A_285, %add3A_286 : i32
      %mul3A_288 = arith.constant 131072 : i32
      %mul3A_289 = arith.muli %select_n3A_30, %mul3A_288 : i32
      %rem3A_290 = arith.constant 128 : i32
      %rem3A_291 = arith.remsi %add3A_287, %rem3A_290 : i32
      %mul3A_292 = arith.constant 1024 : i32
      %mul3A_293 = arith.muli %rem3A_291, %mul3A_292 : i32
      %add3A_294 = arith.addi %mul3A_289, %mul3A_293 : i32
      %jit3A_295 = arith.constant 512 : i32
      %div3A_296 = arith.divsi %add3A_294, %jit3A_295 : i32
      %sign3A_297 = arith.constant 0 : i32
      %sign3A_298 = arith.cmpi sgt, %add3A_294, %sign3A_297 : i32
      %sign3A_299 = arith.extui %sign3A_298 : i1 to i32
      %sign3A_300 = arith.constant 0 : i32
      %sign3A_301 = arith.cmpi slt, %add3A_294, %sign3A_300 : i32
      %sign3A_302 = arith.extui %sign3A_301 : i1 to i32
      %sign3A_303 = arith.subi %sign3A_299, %sign3A_302 : i32
      %sign3A_304 = arith.constant 0 : i32
      %sign3A_305 = arith.cmpi sgt, %jit3A_295, %sign3A_304 : i32
      %sign3A_306 = arith.extui %sign3A_305 : i1 to i32
      %sign3A_307 = arith.constant 0 : i32
      %sign3A_308 = arith.cmpi slt, %jit3A_295, %sign3A_307 : i32
      %sign3A_309 = arith.extui %sign3A_308 : i1 to i32
      %sign3A_310 = arith.subi %sign3A_306, %sign3A_309 : i32
      %ne3A_311 = arith.cmpi ne, %sign3A_303, %sign3A_310 : i32
      %rem3A_312 = arith.remsi %add3A_294, %jit3A_295 : i32
      %ne3A_313 = arith.constant 0 : i32
      %ne3A_314 = arith.cmpi ne, %rem3A_312, %ne3A_313 : i32
      %and3A_315 = arith.andi %ne3A_311, %ne3A_314 : i1
      %sub3A_316 = arith.constant 1 : i32
      %sub3A_317 = arith.subi %div3A_296, %sub3A_316 : i32
      %select_n3A_318 = arith.select %and3A_315, %sub3A_317, %div3A_296 : i32
      %dma_wait3A_319 = arith.constant 0 : i32
      %dma_wait3A_320 = arith.constant 0 : i32
      %dma_wait3A_321 = tpu.memref_slice %arg3[%dma_wait3A_319, %dma_wait3A_320] : memref<32x262144xf32, #tpu.memory_space<hbm>> -> memref<1x1024xf32, #tpu.memory_space<hbm>>
      %dma_wait3A_322 = tpu.memref_squeeze %dma_wait3A_321 : memref<1x1024xf32, #tpu.memory_space<hbm>> -> memref<1024xf32, #tpu.memory_space<hbm>>
      %dma_wait3A_323 = arith.constant 0 : i32
      %dma_wait3A_324 = tpu.memref_slice %arg3[%dma_wait3A_319, %dma_wait3A_323] : memref<32x262144xf32, #tpu.memory_space<hbm>> -> memref<1x1024xf32, #tpu.memory_space<hbm>>
      %dma_wait3A_325 = tpu.memref_squeeze %dma_wait3A_324 : memref<1x1024xf32, #tpu.memory_space<hbm>> -> memref<1024xf32, #tpu.memory_space<hbm>>
      tpu.wait_dma2 semaphore(%arg28 : memref<!tpu.dma_semaphore, #tpu.memory_space<semaphore_mem>>) src(%dma_wait3A_325 : memref<1024xf32, #tpu.memory_space<hbm>>) dst(%arg5 : memref<1024xf32, #tpu.memory_space<vmem>>)
      %dma_wait3A_326 = arith.constant 0 : i32
      %dma_wait3A_327 = arith.constant 0 : i32
      %dma_wait3A_328 = tpu.memref_slice %arg3[%dma_wait3A_326, %dma_wait3A_327] : memref<32x262144xf32, #tpu.memory_space<hbm>> -> memref<1x1024xf32, #tpu.memory_space<hbm>>
      %dma_wait3A_329 = tpu.memref_squeeze %dma_wait3A_328 : memref<1x1024xf32, #tpu.memory_space<hbm>> -> memref<1024xf32, #tpu.memory_space<hbm>>
      %dma_wait3A_330 = arith.constant 0 : i32
      %dma_wait3A_331 = tpu.memref_slice %arg3[%dma_wait3A_326, %dma_wait3A_330] : memref<32x262144xf32, #tpu.memory_space<hbm>> -> memref<1x1024xf32, #tpu.memory_space<hbm>>
      %dma_wait3A_332 = tpu.memref_squeeze %dma_wait3A_331 : memref<1x1024xf32, #tpu.memory_space<hbm>> -> memref<1024xf32, #tpu.memory_space<hbm>>
      tpu.wait_dma2 semaphore(%arg28 : memref<!tpu.dma_semaphore, #tpu.memory_space<semaphore_mem>>) src(%dma_wait3A_332 : memref<1024xf32, #tpu.memory_space<hbm>>) dst(%arg6 : memref<1024xf32, #tpu.memory_space<vmem>>)
      %scan3A_333 = arith.constant 0 : i32
      %scan3A_334 = arith.constant 0 : i32
      %scan3A_335 = arith.constant 64 : i32
      %scan3A_336 = arith.addi %scan3A_334, %scan3A_335 : i32
      %scan3A_337 = arith.constant 1 : i32
      scf.for %scan3A_461 = %scan3A_334 to %scan3A_336 step %scan3A_337  : i32 {
        %jit3A_462 = arith.constant 32 : i32
        %div3A_463 = arith.divsi %scan3A_461, %jit3A_462 : i32
        %sign3A_464 = arith.constant 0 : i32
        %sign3A_465 = arith.cmpi sgt, %scan3A_461, %sign3A_464 : i32
        %sign3A_466 = arith.extui %sign3A_465 : i1 to i32
        %sign3A_467 = arith.constant 0 : i32
        %sign3A_468 = arith.cmpi slt, %scan3A_461, %sign3A_467 : i32
        %sign3A_469 = arith.extui %sign3A_468 : i1 to i32
        %sign3A_470 = arith.subi %sign3A_466, %sign3A_469 : i32
        %sign3A_471 = arith.constant 0 : i32
        %sign3A_472 = arith.cmpi sgt, %jit3A_462, %sign3A_471 : i32
        %sign3A_473 = arith.extui %sign3A_472 : i1 to i32
        %sign3A_474 = arith.constant 0 : i32
        %sign3A_475 = arith.cmpi slt, %jit3A_462, %sign3A_474 : i32
        %sign3A_476 = arith.extui %sign3A_475 : i1 to i32
        %sign3A_477 = arith.subi %sign3A_473, %sign3A_476 : i32
        %ne3A_478 = arith.cmpi ne, %sign3A_470, %sign3A_477 : i32
        %rem3A_479 = arith.remsi %scan3A_461, %jit3A_462 : i32
        %ne3A_480 = arith.constant 0 : i32
        %ne3A_481 = arith.cmpi ne, %rem3A_479, %ne3A_480 : i32
        %and3A_482 = arith.andi %ne3A_478, %ne3A_481 : i1
        %sub3A_483 = arith.constant 1 : i32
        %sub3A_484 = arith.subi %div3A_463, %sub3A_483 : i32
        %select_n3A_485 = arith.select %and3A_482, %sub3A_484, %div3A_463 : i32
        %add3A_486 = arith.addi %select_n3A_318, %select_n3A_485 : i32
        %jit3A_487 = arith.constant 32 : i32
        %eq3A_488 = arith.constant 0 : i32
        %eq3A_489 = arith.cmpi eq, %jit3A_487, %eq3A_488 : i32
        %jit3A_490 = arith.constant 1 : i32
        %select_n3A_491 = arith.select %eq3A_489, %jit3A_490, %jit3A_487 : i32
        %rem3A_492 = arith.remsi %scan3A_461, %select_n3A_491 : i32
        %ne3A_493 = arith.constant 0 : i32
        %ne3A_494 = arith.cmpi ne, %rem3A_492, %ne3A_493 : i32
        %lt3A_495 = arith.constant 0 : i32
        %lt3A_496 = arith.cmpi slt, %rem3A_492, %lt3A_495 : i32
        %lt3A_497 = arith.constant 0 : i32
        %lt3A_498 = arith.cmpi slt, %select_n3A_491, %lt3A_497 : i32
        %ne3A_499 = arith.xori %lt3A_496, %lt3A_498 : i1
        %and3A_500 = arith.andi %ne3A_499, %ne3A_494 : i1
        %add3A_501 = arith.addi %rem3A_492, %select_n3A_491 : i32
        %select_n3A_502 = arith.select %and3A_500, %add3A_501, %rem3A_492 : i32
        %mul3A_503 = arith.constant 16 : i32
        %mul3A_504 = arith.muli %select_n3A_502, %mul3A_503 : i32
        %iota3A = tpu.iota {dimensions = array<i32: 0>} : vector<16xi32>
        %add3A_505 = vector.broadcast %mul3A_504 : i32 to vector<16xi32>
        %add3A_506 = arith.addi %add3A_505, %iota3A : vector<16xi32>
        %convert_element_type3A = arith.sitofp %add3A_506 : vector<16xi32> to vector<16xf32>
        %mul3A_507 = arith.constant 16 : i32
        %mul3A_508 = arith.muli %scan3A_461, %mul3A_507 : i32
        %get3A = arith.index_cast %mul3A_508 : i32 to index
        %get3A_509 = tpu.vector_load %arg5[%get3A] {strides = array<i32>} : memref<1024xf32, #tpu.memory_space<vmem>>, vector<16xf32>,
        %mul3A_510 = arith.constant 16 : i32
        %mul3A_511 = arith.muli %scan3A_461, %mul3A_510 : i32
        %get3A_512 = arith.index_cast %mul3A_511 : i32 to index
        %get3A_513 = tpu.vector_load %arg6[%get3A_512] {strides = array<i32>} : memref<1024xf32, #tpu.memory_space<vmem>>, vector<16xf32>,
        %sub3A_514 = arith.subf %convert_element_type3A, %get3A_509 : vector<16xf32>
        %jit3A_515 = arith.constant 0.000000e+00 : f32
        %jit3A_516 = arith.constant 5.110000e+02 : f32
        %max3A = vector.broadcast %jit3A_515 : f32 to vector<16xf32>
        %max3A_517 = arith.maximumf %max3A, %sub3A_514 : vector<16xf32>
        %min3A = vector.broadcast %jit3A_516 : f32 to vector<16xf32>
        %min3A_518 = arith.minimumf %min3A, %max3A_517 : vector<16xf32>
        %convert_element_type3A_519 = arith.sitofp %add3A_486 : i32 to f32
        %sub3A_520 = vector.broadcast %convert_element_type3A_519 : f32 to vector<16xf32>
        %sub3A_521 = arith.subf %sub3A_520, %get3A_513 : vector<16xf32>
        %jit3A_522 = arith.constant 0.000000e+00 : f32
        %jit3A_523 = arith.constant 5.110000e+02 : f32
        %max3A_524 = vector.broadcast %jit3A_522 : f32 to vector<16xf32>
        %max3A_525 = arith.maximumf %max3A_524, %sub3A_521 : vector<16xf32>
        %min3A_526 = vector.broadcast %jit3A_523 : f32 to vector<16xf32>
        %min3A_527 = arith.minimumf %min3A_526, %max3A_525 : vector<16xf32>
        %convert_element_type3A_528 = arith.fptosi %min3A_518 : vector<16xf32> to vector<16xi32>
        %min3A_529 = arith.constant 510 : i32
        %min3A_530 = vector.broadcast %min3A_529 : i32 to vector<16xi32>
        %min3A_531 = arith.minsi %convert_element_type3A_528, %min3A_530 : vector<16xi32>
        %convert_element_type3A_532 = arith.fptosi %min3A_527 : vector<16xf32> to vector<16xi32>
        %min3A_533 = arith.constant 510 : i32
        %min3A_534 = vector.broadcast %min3A_533 : i32 to vector<16xi32>
        %min3A_535 = arith.minsi %convert_element_type3A_532, %min3A_534 : vector<16xi32>
        %convert_element_type3A_536 = arith.sitofp %min3A_531 : vector<16xi32> to vector<16xf32>
        %sub3A_537 = arith.subf %min3A_518, %convert_element_type3A_536 : vector<16xf32>
        %mul3A_538 = arith.constant 16 : i32
        %mul3A_539 = arith.muli %scan3A_461, %mul3A_538 : i32
        %swap3A = arith.index_cast %mul3A_539 : i32 to index
        %swap3A_540 = tpu.vector_load %arg7[%swap3A] {strides = array<i32>} : memref<1024xf32, #tpu.memory_space<vmem>>, vector<16xf32>,
        tpu.vector_store %arg7[%swap3A], %sub3A_537 {strides = array<i32>} : memref<1024xf32, #tpu.memory_space<vmem>>, vector<16xf32>,
        %convert_element_type3A_541 = arith.sitofp %min3A_535 : vector<16xi32> to vector<16xf32>
        %sub3A_542 = arith.subf %min3A_527, %convert_element_type3A_541 : vector<16xf32>
        %mul3A_543 = arith.constant 16 : i32
        %mul3A_544 = arith.muli %scan3A_461, %mul3A_543 : i32
        %swap3A_545 = arith.index_cast %mul3A_544 : i32 to index
        %swap3A_546 = tpu.vector_load %arg8[%swap3A_545] {strides = array<i32>} : memref<1024xf32, #tpu.memory_space<vmem>>, vector<16xf32>,
        tpu.vector_store %arg8[%swap3A_545], %sub3A_542 {strides = array<i32>} : memref<1024xf32, #tpu.memory_space<vmem>>, vector<16xf32>,
        %and3A_547 = arith.constant 1 : i32
        %and3A_548 = vector.broadcast %and3A_547 : i32 to vector<16xi32>
        %and3A_549 = arith.andi %min3A_531, %and3A_548 : vector<16xi32>
        %shift_left3A = arith.constant 2 : i32
        %shift_left3A_550 = vector.broadcast %shift_left3A : i32 to vector<16xi32>
        %shift_left3A_551 = arith.shli %and3A_549, %shift_left3A_550 : vector<16xi32>
        %mul3A_552 = arith.constant 16 : i32
        %mul3A_553 = arith.muli %scan3A_461, %mul3A_552 : i32
        %swap3A_554 = arith.index_cast %mul3A_553 : i32 to index
        %swap3A_555 = tpu.vector_load %arg9[%swap3A_554] {strides = array<i32>} : memref<1024xi32, #tpu.memory_space<vmem>>, vector<16xi32>,
        tpu.vector_store %arg9[%swap3A_554], %shift_left3A_551 {strides = array<i32>} : memref<1024xi32, #tpu.memory_space<vmem>>, vector<16xi32>,
        %mul3A_556 = arith.constant 512 : i32
        %mul3A_557 = arith.muli %select_n3A, %mul3A_556 : i32
        %add3A_558 = vector.broadcast %mul3A_557 : i32 to vector<16xi32>
        %add3A_559 = arith.addi %add3A_558, %min3A_535 : vector<16xi32>
        %mul3A_560 = arith.constant 256 : i32
        %mul3A_561 = vector.broadcast %mul3A_560 : i32 to vector<16xi32>
        %mul3A_562 = arith.muli %add3A_559, %mul3A_561 : vector<16xi32>
        %shift_right_arithmetic3A = arith.constant 1 : i32
        %shift_right_arithmetic3A_563 = vector.broadcast %shift_right_arithmetic3A : i32 to vector<16xi32>
        %shift_right_arithmetic3A_564 = arith.shrsi %min3A_531, %shift_right_arithmetic3A_563 : vector<16xi32>
        %add3A_565 = arith.addi %mul3A_562, %shift_right_arithmetic3A_564 : vector<16xi32>
        %mul3A_566 = arith.constant 16 : i32
        %mul3A_567 = arith.muli %scan3A_461, %mul3A_566 : i32
        %add3A_568 = vector.broadcast %mul3A_567 : i32 to vector<16xi32>
        %add3A_569 = arith.addi %add3A_568, %iota3A : vector<16xi32>
        %mul3A_570 = arith.constant 2 : i32
        %mul3A_571 = vector.broadcast %mul3A_570 : i32 to vector<16xi32>
        %mul3A_572 = arith.muli %mul3A_571, %add3A_569 : vector<16xi32>
        tpu.vector_store_idx %arg10[%mul3A_572], %add3A_565 : memref<2048xi32, #tpu.memory_space<vmem>>[vector<16xi32>], vector<16xi32>,
        %add3A_573 = arith.constant 1 : i32
        %add3A_574 = vector.broadcast %add3A_573 : i32 to vector<16xi32>
        %add3A_575 = arith.addi %mul3A_572, %add3A_574 : vector<16xi32>
        %add3A_576 = arith.constant 256 : i32
        %add3A_577 = vector.broadcast %add3A_576 : i32 to vector<16xi32>
        %add3A_578 = arith.addi %add3A_565, %add3A_577 : vector<16xi32>
        tpu.vector_store_idx %arg10[%add3A_575], %add3A_578 : memref<2048xi32, #tpu.memory_space<vmem>>[vector<16xi32>], vector<16xi32>,
      }
      %scan3A_338 = arith.constant 64 : i32
      %scan3A_339 = arith.constant 0 : i32
      %scan3A_340 = arith.constant 0 : i32
      %scan3A_341 = arith.constant 2 : i32
      %scan3A_342 = arith.addi %scan3A_340, %scan3A_341 : i32
      %scan3A_343 = arith.constant 1 : i32
      scf.for %scan3A_461 = %scan3A_340 to %scan3A_342 step %scan3A_343  : i32 {
        %mul3A_462 = arith.constant 8 : i32
        %mul3A_463 = arith.muli %scan3A_461, %mul3A_462 : i32
        %add3A_464 = arith.constant 0 : i32
        %add3A_465 = arith.addi %mul3A_463, %add3A_464 : i32
        %mul3A_466 = arith.constant 128 : i32
        %mul3A_467 = arith.muli %add3A_465, %mul3A_466 : i32
        %mul3A_468 = arith.constant 128 : i32
        %mul3A_469 = arith.muli %add3A_465, %mul3A_468 : i32
        %dma_start3A_470 = arith.constant 0 : i32
        %dma_start3A_471 = tpu.memref_slice %arg11[%mul3A_469, %dma_start3A_470] : memref<2048x16xf32, #tpu.memory_space<vmem>> -> memref<128x16xf32, #tpu.memory_space<vmem>>
        %dma_start3A_472 = tpu.memref_slice %arg10[%mul3A_467] : memref<2048xi32, #tpu.memory_space<vmem>> -> memref<128xi32, #tpu.memory_space<vmem>>
        %dma_start3A_473 = arith.constant 0 : i32
        %dma_start3A_474 = arith.constant 0 : i32
        %dma_start3A_475 = tpu.memref_slice %arg2[%dma_start3A_473, %dma_start3A_474] : memref<2097160x16xf32, #tpu.memory_space<hbm>> -> memref<2097160x16xf32, #tpu.memory_space<hbm>>
        tpu.enqueue_indirect_dma source(%dma_start3A_475 : memref<2097160x16xf32, #tpu.memory_space<hbm>>) target(%dma_start3A_471 : memref<128x16xf32, #tpu.memory_space<vmem>>) offsets(%dma_start3A_472 : memref<128xi32, #tpu.memory_space<vmem>>) semaphore(%arg25 : memref<!tpu.dma_semaphore, #tpu.memory_space<semaphore_mem>>)
        %mul3A_476 = arith.constant 8 : i32
        %mul3A_477 = arith.muli %scan3A_461, %mul3A_476 : i32
        %add3A_478 = arith.constant 1 : i32
        %add3A_479 = arith.addi %mul3A_477, %add3A_478 : i32
        %mul3A_480 = arith.constant 128 : i32
        %mul3A_481 = arith.muli %add3A_479, %mul3A_480 : i32
        %mul3A_482 = arith.constant 128 : i32
        %mul3A_483 = arith.muli %add3A_479, %mul3A_482 : i32
        %dma_start3A_484 = arith.constant 0 : i32
        %dma_start3A_485 = tpu.memref_slice %arg11[%mul3A_483, %dma_start3A_484] : memref<2048x16xf32, #tpu.memory_space<vmem>> -> memref<128x16xf32, #tpu.memory_space<vmem>>
        %dma_start3A_486 = tpu.memref_slice %arg10[%mul3A_481] : memref<2048xi32, #tpu.memory_space<vmem>> -> memref<128xi32, #tpu.memory_space<vmem>>
        %dma_start3A_487 = arith.constant 0 : i32
        %dma_start3A_488 = arith.constant 0 : i32
        %dma_start3A_489 = tpu.memref_slice %arg2[%dma_start3A_487, %dma_start3A_488] : memref<2097160x16xf32, #tpu.memory_space<hbm>> -> memref<2097160x16xf32, #tpu.memory_space<hbm>>
        tpu.enqueue_indirect_dma source(%dma_start3A_489 : memref<2097160x16xf32, #tpu.memory_space<hbm>>) target(%dma_start3A_485 : memref<128x16xf32, #tpu.memory_space<vmem>>) offsets(%dma_start3A_486 : memref<128xi32, #tpu.memory_space<vmem>>) semaphore(%arg25 : memref<!tpu.dma_semaphore, #tpu.memory_space<semaphore_mem>>)
        %mul3A_490 = arith.constant 8 : i32
        %mul3A_491 = arith.muli %scan3A_461, %mul3A_490 : i32
        %add3A_492 = arith.constant 2 : i32
        %add3A_493 = arith.addi %mul3A_491, %add3A_492 : i32
        %mul3A_494 = arith.constant 128 : i32
        %mul3A_495 = arith.muli %add3A_493, %mul3A_494 : i32
        %mul3A_496 = arith.constant 128 : i32
        %mul3A_497 = arith.muli %add3A_493, %mul3A_496 : i32
        %dma_start3A_498 = arith.constant 0 : i32
        %dma_start3A_499 = tpu.memref_slice %arg11[%mul3A_497, %dma_start3A_498] : memref<2048x16xf32, #tpu.memory_space<vmem>> -> memref<128x16xf32, #tpu.memory_space<vmem>>
        %dma_start3A_500 = tpu.memref_slice %arg10[%mul3A_495] : memref<2048xi32, #tpu.memory_space<vmem>> -> memref<128xi32, #tpu.memory_space<vmem>>
        %dma_start3A_501 = arith.constant 0 : i32
        %dma_start3A_502 = arith.constant 0 : i32
        %dma_start3A_503 = tpu.memref_slice %arg2[%dma_start3A_501, %dma_start3A_502] : memref<2097160x16xf32, #tpu.memory_space<hbm>> -> memref<2097160x16xf32, #tpu.memory_space<hbm>>
        tpu.enqueue_indirect_dma source(%dma_start3A_503 : memref<2097160x16xf32, #tpu.memory_space<hbm>>) target(%dma_start3A_499 : memref<128x16xf32, #tpu.memory_space<vmem>>) offsets(%dma_start3A_500 : memref<128xi32, #tpu.memory_space<vmem>>) semaphore(%arg25 : memref<!tpu.dma_semaphore, #tpu.memory_space<semaphore_mem>>)
        %mul3A_504 = arith.constant 8 : i32
        %mul3A_505 = arith.muli %scan3A_461, %mul3A_504 : i32
        %add3A_506 = arith.constant 3 : i32
        %add3A_507 = arith.addi %mul3A_505, %add3A_506 : i32
        %mul3A_508 = arith.constant 128 : i32
        %mul3A_509 = arith.muli %add3A_507, %mul3A_508 : i32
        %mul3A_510 = arith.constant 128 : i32
        %mul3A_511 = arith.muli %add3A_507, %mul3A_510 : i32
        %dma_start3A_512 = arith.constant 0 : i32
        %dma_start3A_513 = tpu.memref_slice %arg11[%mul3A_511, %dma_start3A_512] : memref<2048x16xf32, #tpu.memory_space<vmem>> -> memref<128x16xf32, #tpu.memory_space<vmem>>
        %dma_start3A_514 = tpu.memref_slice %arg10[%mul3A_509] : memref<2048xi32, #tpu.memory_space<vmem>> -> memref<128xi32, #tpu.memory_space<vmem>>
        %dma_start3A_515 = arith.constant 0 : i32
        %dma_start3A_516 = arith.constant 0 : i32
        %dma_start3A_517 = tpu.memref_slice %arg2[%dma_start3A_515, %dma_start3A_516] : memref<2097160x16xf32, #tpu.memory_space<hbm>> -> memref<2097160x16xf32, #tpu.memory_space<hbm>>
        tpu.enqueue_indirect_dma source(%dma_start3A_517 : memref<2097160x16xf32, #tpu.memory_space<hbm>>) target(%dma_start3A_513 : memref<128x16xf32, #tpu.memory_space<vmem>>) offsets(%dma_start3A_514 : memref<128xi32, #tpu.memory_space<vmem>>) semaphore(%arg25 : memref<!tpu.dma_semaphore, #tpu.memory_space<semaphore_mem>>)
        %mul3A_518 = arith.constant 8 : i32
        %mul3A_519 = arith.muli %scan3A_461, %mul3A_518 : i32
        %add3A_520 = arith.constant 4 : i32
        %add3A_521 = arith.addi %mul3A_519, %add3A_520 : i32
        %mul3A_522 = arith.constant 128 : i32
        %mul3A_523 = arith.muli %add3A_521, %mul3A_522 : i32
        %mul3A_524 = arith.constant 128 : i32
        %mul3A_525 = arith.muli %add3A_521, %mul3A_524 : i32
        %dma_start3A_526 = arith.constant 0 : i32
        %dma_start3A_527 = tpu.memref_slice %arg11[%mul3A_525, %dma_start3A_526] : memref<2048x16xf32, #tpu.memory_space<vmem>> -> memref<128x16xf32, #tpu.memory_space<vmem>>
        %dma_start3A_528 = tpu.memref_slice %arg10[%mul3A_523] : memref<2048xi32, #tpu.memory_space<vmem>> -> memref<128xi32, #tpu.memory_space<vmem>>
        %dma_start3A_529 = arith.constant 0 : i32
        %dma_start3A_530 = arith.constant 0 : i32
        %dma_start3A_531 = tpu.memref_slice %arg2[%dma_start3A_529, %dma_start3A_530] : memref<2097160x16xf32, #tpu.memory_space<hbm>> -> memref<2097160x16xf32, #tpu.memory_space<hbm>>
        tpu.enqueue_indirect_dma source(%dma_start3A_531 : memref<2097160x16xf32, #tpu.memory_space<hbm>>) target(%dma_start3A_527 : memref<128x16xf32, #tpu.memory_space<vmem>>) offsets(%dma_start3A_528 : memref<128xi32, #tpu.memory_space<vmem>>) semaphore(%arg25 : memref<!tpu.dma_semaphore, #tpu.memory_space<semaphore_mem>>)
        %mul3A_532 = arith.constant 8 : i32
        %mul3A_533 = arith.muli %scan3A_461, %mul3A_532 : i32
        %add3A_534 = arith.constant 5 : i32
        %add3A_535 = arith.addi %mul3A_533, %add3A_534 : i32
        %mul3A_536 = arith.constant 128 : i32
        %mul3A_537 = arith.muli %add3A_535, %mul3A_536 : i32
        %mul3A_538 = arith.constant 128 : i32
        %mul3A_539 = arith.muli %add3A_535, %mul3A_538 : i32
        %dma_start3A_540 = arith.constant 0 : i32
        %dma_start3A_541 = tpu.memref_slice %arg11[%mul3A_539, %dma_start3A_540] : memref<2048x16xf32, #tpu.memory_space<vmem>> -> memref<128x16xf32, #tpu.memory_space<vmem>>
        %dma_start3A_542 = tpu.memref_slice %arg10[%mul3A_537] : memref<2048xi32, #tpu.memory_space<vmem>> -> memref<128xi32, #tpu.memory_space<vmem>>
        %dma_start3A_543 = arith.constant 0 : i32
        %dma_start3A_544 = arith.constant 0 : i32
        %dma_start3A_545 = tpu.memref_slice %arg2[%dma_start3A_543, %dma_start3A_544] : memref<2097160x16xf32, #tpu.memory_space<hbm>> -> memref<2097160x16xf32, #tpu.memory_space<hbm>>
        tpu.enqueue_indirect_dma source(%dma_start3A_545 : memref<2097160x16xf32, #tpu.memory_space<hbm>>) target(%dma_start3A_541 : memref<128x16xf32, #tpu.memory_space<vmem>>) offsets(%dma_start3A_542 : memref<128xi32, #tpu.memory_space<vmem>>) semaphore(%arg25 : memref<!tpu.dma_semaphore, #tpu.memory_space<semaphore_mem>>)
        %mul3A_546 = arith.constant 8 : i32
        %mul3A_547 = arith.muli %scan3A_461, %mul3A_546 : i32
        %add3A_548 = arith.constant 6 : i32
        %add3A_549 = arith.addi %mul3A_547, %add3A_548 : i32
        %mul3A_550 = arith.constant 128 : i32
        %mul3A_551 = arith.muli %add3A_549, %mul3A_550 : i32
        %mul3A_552 = arith.constant 128 : i32
        %mul3A_553 = arith.muli %add3A_549, %mul3A_552 : i32
        %dma_start3A_554 = arith.constant 0 : i32
        %dma_start3A_555 = tpu.memref_slice %arg11[%mul3A_553, %dma_start3A_554] : memref<2048x16xf32, #tpu.memory_space<vmem>> -> memref<128x16xf32, #tpu.memory_space<vmem>>
        %dma_start3A_556 = tpu.memref_slice %arg10[%mul3A_551] : memref<2048xi32, #tpu.memory_space<vmem>> -> memref<128xi32, #tpu.memory_space<vmem>>
        %dma_start3A_557 = arith.constant 0 : i32
        %dma_start3A_558 = arith.constant 0 : i32
        %dma_start3A_559 = tpu.memref_slice %arg2[%dma_start3A_557, %dma_start3A_558] : memref<2097160x16xf32, #tpu.memory_space<hbm>> -> memref<2097160x16xf32, #tpu.memory_space<hbm>>
        tpu.enqueue_indirect_dma source(%dma_start3A_559 : memref<2097160x16xf32, #tpu.memory_space<hbm>>) target(%dma_start3A_555 : memref<128x16xf32, #tpu.memory_space<vmem>>) offsets(%dma_start3A_556 : memref<128xi32, #tpu.memory_space<vmem>>) semaphore(%arg25 : memref<!tpu.dma_semaphore, #tpu.memory_space<semaphore_mem>>)
        %mul3A_560 = arith.constant 8 : i32
        %mul3A_561 = arith.muli %scan3A_461, %mul3A_560 : i32
        %add3A_562 = arith.constant 7 : i32
        %add3A_563 = arith.addi %mul3A_561, %add3A_562 : i32
        %mul3A_564 = arith.constant 128 : i32
        %mul3A_565 = arith.muli %add3A_563, %mul3A_564 : i32
        %mul3A_566 = arith.constant 128 : i32
        %mul3A_567 = arith.muli %add3A_563, %mul3A_566 : i32
        %dma_start3A_568 = arith.constant 0 : i32
        %dma_start3A_569 = tpu.memref_slice %arg11[%mul3A_567, %dma_start3A_568] : memref<2048x16xf32, #tpu.memory_space<vmem>> -> memref<128x16xf32, #tpu.memory_space<vmem>>
        %dma_start3A_570 = tpu.memref_slice %arg10[%mul3A_565] : memref<2048xi32, #tpu.memory_space<vmem>> -> memref<128xi32, #tpu.memory_space<vmem>>
        %dma_start3A_571 = arith.constant 0 : i32
        %dma_start3A_572 = arith.constant 0 : i32
        %dma_start3A_573 = tpu.memref_slice %arg2[%dma_start3A_571, %dma_start3A_572] : memref<2097160x16xf32, #tpu.memory_space<hbm>> -> memref<2097160x16xf32, #tpu.memory_space<hbm>>
        tpu.enqueue_indirect_dma source(%dma_start3A_573 : memref<2097160x16xf32, #tpu.memory_space<hbm>>) target(%dma_start3A_569 : memref<128x16xf32, #tpu.memory_space<vmem>>) offsets(%dma_start3A_570 : memref<128xi32, #tpu.memory_space<vmem>>) semaphore(%arg25 : memref<!tpu.dma_semaphore, #tpu.memory_space<semaphore_mem>>)
      }
      %scan3A_344 = arith.constant 2 : i32
      %mul3A_345 = arith.constant 2 : i32
      %mul3A_346 = arith.muli %mul3A_345, %scan3A_156 : i32
      %add3A_347 = arith.constant 3 : i32
      %add3A_348 = arith.addi %mul3A_346, %add3A_347 : i32
      %mul3A_349 = arith.constant 131072 : i32
      %mul3A_350 = arith.muli %select_n3A_30, %mul3A_349 : i32
      %rem3A_351 = arith.constant 128 : i32
      %rem3A_352 = arith.remsi %add3A_348, %rem3A_351 : i32
      %mul3A_353 = arith.constant 1024 : i32
      %mul3A_354 = arith.muli %rem3A_352, %mul3A_353 : i32
      %add3A_355 = arith.addi %mul3A_350, %mul3A_354 : i32
      %mul3A_356 = arith.constant 2 : i32
      %mul3A_357 = arith.muli %mul3A_356, %select_n3A : i32
      %dma_start3A_358 = tpu.memref_slice %arg3[%mul3A_357, %add3A_355] : memref<32x262144xf32, #tpu.memory_space<hbm>> -> memref<1x1024xf32, #tpu.memory_space<hbm>>
      %dma_start3A_359 = tpu.memref_squeeze %dma_start3A_358 : memref<1x1024xf32, #tpu.memory_space<hbm>> -> memref<1024xf32, #tpu.memory_space<hbm>>
      %dma_start3A_360 = tpu.memref_slice %arg3[%mul3A_357, %add3A_355] : memref<32x262144xf32, #tpu.memory_space<hbm>> -> memref<1x1024xf32, #tpu.memory_space<hbm>>
      %dma_start3A_361 = tpu.memref_squeeze %dma_start3A_360 : memref<1x1024xf32, #tpu.memory_space<hbm>> -> memref<1024xf32, #tpu.memory_space<hbm>>
      tpu.enqueue_dma source(%dma_start3A_361 : memref<1024xf32, #tpu.memory_space<hbm>>) target(%arg15 : memref<1024xf32, #tpu.memory_space<vmem>>) target_semaphore(%arg29 : memref<!tpu.dma_semaphore, #tpu.memory_space<semaphore_mem>>)
      %mul3A_362 = arith.constant 2 : i32
      %mul3A_363 = arith.muli %mul3A_362, %select_n3A : i32
      %add3A_364 = arith.constant 1 : i32
      %add3A_365 = arith.addi %mul3A_363, %add3A_364 : i32
      %dma_start3A_366 = tpu.memref_slice %arg3[%add3A_365, %add3A_355] : memref<32x262144xf32, #tpu.memory_space<hbm>> -> memref<1x1024xf32, #tpu.memory_space<hbm>>
      %dma_start3A_367 = tpu.memref_squeeze %dma_start3A_366 : memref<1x1024xf32, #tpu.memory_space<hbm>> -> memref<1024xf32, #tpu.memory_space<hbm>>
      %dma_start3A_368 = tpu.memref_slice %arg3[%add3A_365, %add3A_355] : memref<32x262144xf32, #tpu.memory_space<hbm>> -> memref<1x1024xf32, #tpu.memory_space<hbm>>
      %dma_start3A_369 = tpu.memref_squeeze %dma_start3A_368 : memref<1x1024xf32, #tpu.memory_space<hbm>> -> memref<1024xf32, #tpu.memory_space<hbm>>
      tpu.enqueue_dma source(%dma_start3A_369 : memref<1024xf32, #tpu.memory_space<hbm>>) target(%arg16 : memref<1024xf32, #tpu.memory_space<vmem>>) target_semaphore(%arg29 : memref<!tpu.dma_semaphore, #tpu.memory_space<semaphore_mem>>)
      %dma_wait3A_370 = arith.constant 0 : i32
      %dma_wait3A_371 = arith.constant 0 : i32
      %dma_wait3A_372 = tpu.memref_slice %arg2[%dma_wait3A_370, %dma_wait3A_371] : memref<2097160x16xf32, #tpu.memory_space<hbm>> -> memref<2048x16xf32, #tpu.memory_space<hbm>>
      %dma_wait3A_373 = arith.constant 0 : i32
      %dma_wait3A_374 = arith.constant 0 : i32
      %dma_wait3A_375 = tpu.memref_slice %arg2[%dma_wait3A_373, %dma_wait3A_374] : memref<2097160x16xf32, #tpu.memory_space<hbm>> -> memref<2048x16xf32, #tpu.memory_space<hbm>>
      tpu.wait_dma2 semaphore(%arg26 : memref<!tpu.dma_semaphore, #tpu.memory_space<semaphore_mem>>) src(%dma_wait3A_375 : memref<2048x16xf32, #tpu.memory_space<hbm>>) dst(%arg21 : memref<2048x16xf32, #tpu.memory_space<vmem>>)
      %mul3A_376 = arith.constant 2 : i32
      %mul3A_377 = arith.muli %mul3A_376, %scan3A_156 : i32
      %add3A_378 = arith.constant 1 : i32
      %add3A_379 = arith.addi %mul3A_377, %add3A_378 : i32
      %mul3A_380 = arith.constant 131072 : i32
      %mul3A_381 = arith.muli %select_n3A_30, %mul3A_380 : i32
      %mul3A_382 = arith.constant 1024 : i32
      %mul3A_383 = arith.muli %add3A_379, %mul3A_382 : i32
      %add3A_384 = arith.addi %mul3A_381, %mul3A_383 : i32
      %scan3A_385 = arith.constant 0 : i32
      %scan3A_386 = arith.constant 0 : i32
      %scan3A_387 = arith.constant 32 : i32
      %scan3A_388 = arith.addi %scan3A_386, %scan3A_387 : i32
      %scan3A_389 = arith.constant 1 : i32
      scf.for %scan3A_461 = %scan3A_386 to %scan3A_388 step %scan3A_389  : i32 {
        %iota3A = tpu.iota {dimensions = array<i32: 0>} : vector<16xi32>
        %mul3A_462 = arith.constant 2 : i32
        %mul3A_463 = arith.muli %scan3A_461, %mul3A_462 : i32
        %add3A_464 = arith.constant 0 : i32
        %add3A_465 = arith.addi %mul3A_463, %add3A_464 : i32
        %mul3A_466 = arith.constant 16 : i32
        %mul3A_467 = arith.muli %add3A_465, %mul3A_466 : i32
        %get3A = arith.index_cast %mul3A_467 : i32 to index
        %get3A_468 = tpu.vector_load %arg17[%get3A] {strides = array<i32>} : memref<1024xf32, #tpu.memory_space<vmem>>, vector<16xf32>,
        %mul3A_469 = arith.constant 16 : i32
        %mul3A_470 = arith.muli %add3A_465, %mul3A_469 : i32
        %get3A_471 = arith.index_cast %mul3A_470 : i32 to index
        %get3A_472 = tpu.vector_load %arg18[%get3A_471] {strides = array<i32>} : memref<1024xf32, #tpu.memory_space<vmem>>, vector<16xf32>,
        %mul3A_473 = arith.constant 16 : i32
        %mul3A_474 = arith.muli %add3A_465, %mul3A_473 : i32
        %get3A_475 = arith.index_cast %mul3A_474 : i32 to index
        %get3A_476 = tpu.vector_load %arg19[%get3A_475] {strides = array<i32>} : memref<1024xi32, #tpu.memory_space<vmem>>, vector<16xi32>,
        %sub3A_477 = arith.constant 1.000000e+00 : f32
        %sub3A_478 = vector.broadcast %sub3A_477 : f32 to vector<16xf32>
        %sub3A_479 = arith.subf %sub3A_478, %get3A_468 : vector<16xf32>
        %sub3A_480 = arith.constant 1.000000e+00 : f32
        %sub3A_481 = vector.broadcast %sub3A_480 : f32 to vector<16xf32>
        %sub3A_482 = arith.subf %sub3A_481, %get3A_472 : vector<16xf32>
        %mul3A_483 = arith.mulf %sub3A_479, %sub3A_482 : vector<16xf32>
        %mul3A_484 = arith.mulf %get3A_468, %sub3A_482 : vector<16xf32>
        %mul3A_485 = arith.mulf %sub3A_479, %get3A_472 : vector<16xf32>
        %mul3A_486 = arith.mulf %get3A_468, %get3A_472 : vector<16xf32>
        %mul3A_487 = arith.constant 16 : i32
        %mul3A_488 = arith.muli %add3A_465, %mul3A_487 : i32
        %add3A_489 = vector.broadcast %mul3A_488 : i32 to vector<16xi32>
        %add3A_490 = arith.addi %add3A_489, %iota3A : vector<16xi32>
        %mul3A_491 = arith.constant 2 : i32
        %mul3A_492 = vector.broadcast %mul3A_491 : i32 to vector<16xi32>
        %mul3A_493 = arith.muli %mul3A_492, %add3A_490 : vector<16xi32>
        %add3A_494 = arith.constant 0 : i32
        %add3A_495 = vector.broadcast %add3A_494 : i32 to vector<16xi32>
        %add3A_496 = arith.addi %get3A_476, %add3A_495 : vector<16xi32>
        %add3A_497 = arith.constant 4 : i32
        %add3A_498 = vector.broadcast %add3A_497 : i32 to vector<16xi32>
        %add3A_499 = arith.addi %add3A_496, %add3A_498 : vector<16xi32>
        %gather3A = tpu.vector_load_idx %arg21[%mul3A_493, %add3A_496] : memref<2048x16xf32, #tpu.memory_space<vmem>>[vector<16xi32>, vector<16xi32>], vector<16xf32>,
        %gather3A_500 = tpu.vector_load_idx %arg21[%mul3A_493, %add3A_499] : memref<2048x16xf32, #tpu.memory_space<vmem>>[vector<16xi32>, vector<16xi32>], vector<16xf32>,
        %add3A_501 = arith.constant 1 : i32
        %add3A_502 = vector.broadcast %add3A_501 : i32 to vector<16xi32>
        %add3A_503 = arith.addi %mul3A_493, %add3A_502 : vector<16xi32>
        %gather3A_504 = tpu.vector_load_idx %arg21[%add3A_503, %add3A_496] : memref<2048x16xf32, #tpu.memory_space<vmem>>[vector<16xi32>, vector<16xi32>], vector<16xf32>,
        %add3A_505 = arith.constant 1 : i32
        %add3A_506 = vector.broadcast %add3A_505 : i32 to vector<16xi32>
        %add3A_507 = arith.addi %mul3A_493, %add3A_506 : vector<16xi32>
        %gather3A_508 = tpu.vector_load_idx %arg21[%add3A_507, %add3A_499] : memref<2048x16xf32, #tpu.memory_space<vmem>>[vector<16xi32>, vector<16xi32>], vector<16xf32>,
        %mul3A_509 = arith.mulf %gather3A, %mul3A_483 : vector<16xf32>
        %mul3A_510 = arith.mulf %gather3A_500, %mul3A_484 : vector<16xf32>
        %add3A_511 = arith.addf %mul3A_509, %mul3A_510 : vector<16xf32>
        %mul3A_512 = arith.mulf %gather3A_504, %mul3A_485 : vector<16xf32>
        %add3A_513 = arith.addf %add3A_511, %mul3A_512 : vector<16xf32>
        %mul3A_514 = arith.mulf %gather3A_508, %mul3A_486 : vector<16xf32>
        %add3A_515 = arith.addf %add3A_513, %mul3A_514 : vector<16xf32>
        %add3A_516 = arith.constant 1 : i32
        %add3A_517 = vector.broadcast %add3A_516 : i32 to vector<16xi32>
        %add3A_518 = arith.addi %get3A_476, %add3A_517 : vector<16xi32>
        %add3A_519 = arith.constant 4 : i32
        %add3A_520 = vector.broadcast %add3A_519 : i32 to vector<16xi32>
        %add3A_521 = arith.addi %add3A_518, %add3A_520 : vector<16xi32>
        %gather3A_522 = tpu.vector_load_idx %arg21[%mul3A_493, %add3A_518] : memref<2048x16xf32, #tpu.memory_space<vmem>>[vector<16xi32>, vector<16xi32>], vector<16xf32>,
        %gather3A_523 = tpu.vector_load_idx %arg21[%mul3A_493, %add3A_521] : memref<2048x16xf32, #tpu.memory_space<vmem>>[vector<16xi32>, vector<16xi32>], vector<16xf32>,
        %add3A_524 = arith.constant 1 : i32
        %add3A_525 = vector.broadcast %add3A_524 : i32 to vector<16xi32>
        %add3A_526 = arith.addi %mul3A_493, %add3A_525 : vector<16xi32>
        %gather3A_527 = tpu.vector_load_idx %arg21[%add3A_526, %add3A_518] : memref<2048x16xf32, #tpu.memory_space<vmem>>[vector<16xi32>, vector<16xi32>], vector<16xf32>,
        %add3A_528 = arith.constant 1 : i32
        %add3A_529 = vector.broadcast %add3A_528 : i32 to vector<16xi32>
        %add3A_530 = arith.addi %mul3A_493, %add3A_529 : vector<16xi32>
        %gather3A_531 = tpu.vector_load_idx %arg21[%add3A_530, %add3A_521] : memref<2048x16xf32, #tpu.memory_space<vmem>>[vector<16xi32>, vector<16xi32>], vector<16xf32>,
        %mul3A_532 = arith.mulf %gather3A_522, %mul3A_483 : vector<16xf32>
        %mul3A_533 = arith.mulf %gather3A_523, %mul3A_484 : vector<16xf32>
        %add3A_534 = arith.addf %mul3A_532, %mul3A_533 : vector<16xf32>
        %mul3A_535 = arith.mulf %gather3A_527, %mul3A_485 : vector<16xf32>
        %add3A_536 = arith.addf %add3A_534, %mul3A_535 : vector<16xf32>
        %mul3A_537 = arith.mulf %gather3A_531, %mul3A_486 : vector<16xf32>
        %add3A_538 = arith.addf %add3A_536, %mul3A_537 : vector<16xf32>
        %add3A_539 = arith.constant 2 : i32
        %add3A_540 = vector.broadcast %add3A_539 : i32 to vector<16xi32>
        %add3A_541 = arith.addi %get3A_476, %add3A_540 : vector<16xi32>
        %add3A_542 = arith.constant 4 : i32
        %add3A_543 = vector.broadcast %add3A_542 : i32 to vector<16xi32>
        %add3A_544 = arith.addi %add3A_541, %add3A_543 : vector<16xi32>
        %gather3A_545 = tpu.vector_load_idx %arg21[%mul3A_493, %add3A_541] : memref<2048x16xf32, #tpu.memory_space<vmem>>[vector<16xi32>, vector<16xi32>], vector<16xf32>,
        %gather3A_546 = tpu.vector_load_idx %arg21[%mul3A_493, %add3A_544] : memref<2048x16xf32, #tpu.memory_space<vmem>>[vector<16xi32>, vector<16xi32>], vector<16xf32>,
        %add3A_547 = arith.constant 1 : i32
        %add3A_548 = vector.broadcast %add3A_547 : i32 to vector<16xi32>
        %add3A_549 = arith.addi %mul3A_493, %add3A_548 : vector<16xi32>
        %gather3A_550 = tpu.vector_load_idx %arg21[%add3A_549, %add3A_541] : memref<2048x16xf32, #tpu.memory_space<vmem>>[vector<16xi32>, vector<16xi32>], vector<16xf32>,
        %add3A_551 = arith.constant 1 : i32
        %add3A_552 = vector.broadcast %add3A_551 : i32 to vector<16xi32>
        %add3A_553 = arith.addi %mul3A_493, %add3A_552 : vector<16xi32>
        %gather3A_554 = tpu.vector_load_idx %arg21[%add3A_553, %add3A_544] : memref<2048x16xf32, #tpu.memory_space<vmem>>[vector<16xi32>, vector<16xi32>], vector<16xf32>,
        %mul3A_555 = arith.mulf %gather3A_545, %mul3A_483 : vector<16xf32>
        %mul3A_556 = arith.mulf %gather3A_546, %mul3A_484 : vector<16xf32>
        %add3A_557 = arith.addf %mul3A_555, %mul3A_556 : vector<16xf32>
        %mul3A_558 = arith.mulf %gather3A_550, %mul3A_485 : vector<16xf32>
        %add3A_559 = arith.addf %add3A_557, %mul3A_558 : vector<16xf32>
        %mul3A_560 = arith.mulf %gather3A_554, %mul3A_486 : vector<16xf32>
        %add3A_561 = arith.addf %add3A_559, %mul3A_560 : vector<16xf32>
        %mul3A_562 = arith.constant 16 : i32
        %mul3A_563 = arith.muli %add3A_465, %mul3A_562 : i32
        %swap3A = arith.index_cast %mul3A_563 : i32 to index
        %swap3A_564 = tpu.vector_load %arg22[%swap3A] {strides = array<i32>} : memref<1024xf32, #tpu.memory_space<vmem>>, vector<16xf32>,
        tpu.vector_store %arg22[%swap3A], %add3A_515 {strides = array<i32>} : memref<1024xf32, #tpu.memory_space<vmem>>, vector<16xf32>,
        %mul3A_565 = arith.constant 16 : i32
        %mul3A_566 = arith.muli %add3A_465, %mul3A_565 : i32
        %swap3A_567 = arith.index_cast %mul3A_566 : i32 to index
        %swap3A_568 = tpu.vector_load %arg23[%swap3A_567] {strides = array<i32>} : memref<1024xf32, #tpu.memory_space<vmem>>, vector<16xf32>,
        tpu.vector_store %arg23[%swap3A_567], %add3A_538 {strides = array<i32>} : memref<1024xf32, #tpu.memory_space<vmem>>, vector<16xf32>,
        %mul3A_569 = arith.constant 16 : i32
        %mul3A_570 = arith.muli %add3A_465, %mul3A_569 : i32
        %swap3A_571 = arith.index_cast %mul3A_570 : i32 to index
        %swap3A_572 = tpu.vector_load %arg24[%swap3A_571] {strides = array<i32>} : memref<1024xf32, #tpu.memory_space<vmem>>, vector<16xf32>,
        tpu.vector_store %arg24[%swap3A_571], %add3A_561 {strides = array<i32>} : memref<1024xf32, #tpu.memory_space<vmem>>, vector<16xf32>,
        %mul3A_573 = arith.constant 2 : i32
        %mul3A_574 = arith.muli %scan3A_461, %mul3A_573 : i32
        %add3A_575 = arith.constant 1 : i32
        %add3A_576 = arith.addi %mul3A_574, %add3A_575 : i32
        %mul3A_577 = arith.constant 16 : i32
        %mul3A_578 = arith.muli %add3A_576, %mul3A_577 : i32
        %get3A_579 = arith.index_cast %mul3A_578 : i32 to index
        %get3A_580 = tpu.vector_load %arg17[%get3A_579] {strides = array<i32>} : memref<1024xf32, #tpu.memory_space<vmem>>, vector<16xf32>,
        %mul3A_581 = arith.constant 16 : i32
        %mul3A_582 = arith.muli %add3A_576, %mul3A_581 : i32
        %get3A_583 = arith.index_cast %mul3A_582 : i32 to index
        %get3A_584 = tpu.vector_load %arg18[%get3A_583] {strides = array<i32>} : memref<1024xf32, #tpu.memory_space<vmem>>, vector<16xf32>,
        %mul3A_585 = arith.constant 16 : i32
        %mul3A_586 = arith.muli %add3A_576, %mul3A_585 : i32
        %get3A_587 = arith.index_cast %mul3A_586 : i32 to index
        %get3A_588 = tpu.vector_load %arg19[%get3A_587] {strides = array<i32>} : memref<1024xi32, #tpu.memory_space<vmem>>, vector<16xi32>,
        %sub3A_589 = arith.constant 1.000000e+00 : f32
        %sub3A_590 = vector.broadcast %sub3A_589 : f32 to vector<16xf32>
        %sub3A_591 = arith.subf %sub3A_590, %get3A_580 : vector<16xf32>
        %sub3A_592 = arith.constant 1.000000e+00 : f32
        %sub3A_593 = vector.broadcast %sub3A_592 : f32 to vector<16xf32>
        %sub3A_594 = arith.subf %sub3A_593, %get3A_584 : vector<16xf32>
        %mul3A_595 = arith.mulf %sub3A_591, %sub3A_594 : vector<16xf32>
        %mul3A_596 = arith.mulf %get3A_580, %sub3A_594 : vector<16xf32>
        %mul3A_597 = arith.mulf %sub3A_591, %get3A_584 : vector<16xf32>
        %mul3A_598 = arith.mulf %get3A_580, %get3A_584 : vector<16xf32>
        %mul3A_599 = arith.constant 16 : i32
        %mul3A_600 = arith.muli %add3A_576, %mul3A_599 : i32
        %add3A_601 = vector.broadcast %mul3A_600 : i32 to vector<16xi32>
        %add3A_602 = arith.addi %add3A_601, %iota3A : vector<16xi32>
        %mul3A_603 = arith.constant 2 : i32
        %mul3A_604 = vector.broadcast %mul3A_603 : i32 to vector<16xi32>
        %mul3A_605 = arith.muli %mul3A_604, %add3A_602 : vector<16xi32>
        %add3A_606 = arith.constant 0 : i32
        %add3A_607 = vector.broadcast %add3A_606 : i32 to vector<16xi32>
        %add3A_608 = arith.addi %get3A_588, %add3A_607 : vector<16xi32>
        %add3A_609 = arith.constant 4 : i32
        %add3A_610 = vector.broadcast %add3A_609 : i32 to vector<16xi32>
        %add3A_611 = arith.addi %add3A_608, %add3A_610 : vector<16xi32>
        %gather3A_612 = tpu.vector_load_idx %arg21[%mul3A_605, %add3A_608] : memref<2048x16xf32, #tpu.memory_space<vmem>>[vector<16xi32>, vector<16xi32>], vector<16xf32>,
        %gather3A_613 = tpu.vector_load_idx %arg21[%mul3A_605, %add3A_611] : memref<2048x16xf32, #tpu.memory_space<vmem>>[vector<16xi32>, vector<16xi32>], vector<16xf32>,
        %add3A_614 = arith.constant 1 : i32
        %add3A_615 = vector.broadcast %add3A_614 : i32 to vector<16xi32>
        %add3A_616 = arith.addi %mul3A_605, %add3A_615 : vector<16xi32>
        %gather3A_617 = tpu.vector_load_idx %arg21[%add3A_616, %add3A_608] : memref<2048x16xf32, #tpu.memory_space<vmem>>[vector<16xi32>, vector<16xi32>], vector<16xf32>,
        %add3A_618 = arith.constant 1 : i32
        %add3A_619 = vector.broadcast %add3A_618 : i32 to vector<16xi32>
        %add3A_620 = arith.addi %mul3A_605, %add3A_619 : vector<16xi32>
        %gather3A_621 = tpu.vector_load_idx %arg21[%add3A_620, %add3A_611] : memref<2048x16xf32, #tpu.memory_space<vmem>>[vector<16xi32>, vector<16xi32>], vector<16xf32>,
        %mul3A_622 = arith.mulf %gather3A_612, %mul3A_595 : vector<16xf32>
        %mul3A_623 = arith.mulf %gather3A_613, %mul3A_596 : vector<16xf32>
        %add3A_624 = arith.addf %mul3A_622, %mul3A_623 : vector<16xf32>
        %mul3A_625 = arith.mulf %gather3A_617, %mul3A_597 : vector<16xf32>
        %add3A_626 = arith.addf %add3A_624, %mul3A_625 : vector<16xf32>
        %mul3A_627 = arith.mulf %gather3A_621, %mul3A_598 : vector<16xf32>
        %add3A_628 = arith.addf %add3A_626, %mul3A_627 : vector<16xf32>
        %add3A_629 = arith.constant 1 : i32
        %add3A_630 = vector.broadcast %add3A_629 : i32 to vector<16xi32>
        %add3A_631 = arith.addi %get3A_588, %add3A_630 : vector<16xi32>
        %add3A_632 = arith.constant 4 : i32
        %add3A_633 = vector.broadcast %add3A_632 : i32 to vector<16xi32>
        %add3A_634 = arith.addi %add3A_631, %add3A_633 : vector<16xi32>
        %gather3A_635 = tpu.vector_load_idx %arg21[%mul3A_605, %add3A_631] : memref<2048x16xf32, #tpu.memory_space<vmem>>[vector<16xi32>, vector<16xi32>], vector<16xf32>,
        %gather3A_636 = tpu.vector_load_idx %arg21[%mul3A_605, %add3A_634] : memref<2048x16xf32, #tpu.memory_space<vmem>>[vector<16xi32>, vector<16xi32>], vector<16xf32>,
        %add3A_637 = arith.constant 1 : i32
        %add3A_638 = vector.broadcast %add3A_637 : i32 to vector<16xi32>
        %add3A_639 = arith.addi %mul3A_605, %add3A_638 : vector<16xi32>
        %gather3A_640 = tpu.vector_load_idx %arg21[%add3A_639, %add3A_631] : memref<2048x16xf32, #tpu.memory_space<vmem>>[vector<16xi32>, vector<16xi32>], vector<16xf32>,
        %add3A_641 = arith.constant 1 : i32
        %add3A_642 = vector.broadcast %add3A_641 : i32 to vector<16xi32>
        %add3A_643 = arith.addi %mul3A_605, %add3A_642 : vector<16xi32>
        %gather3A_644 = tpu.vector_load_idx %arg21[%add3A_643, %add3A_634] : memref<2048x16xf32, #tpu.memory_space<vmem>>[vector<16xi32>, vector<16xi32>], vector<16xf32>,
        %mul3A_645 = arith.mulf %gather3A_635, %mul3A_595 : vector<16xf32>
        %mul3A_646 = arith.mulf %gather3A_636, %mul3A_596 : vector<16xf32>
        %add3A_647 = arith.addf %mul3A_645, %mul3A_646 : vector<16xf32>
        %mul3A_648 = arith.mulf %gather3A_640, %mul3A_597 : vector<16xf32>
        %add3A_649 = arith.addf %add3A_647, %mul3A_648 : vector<16xf32>
        %mul3A_650 = arith.mulf %gather3A_644, %mul3A_598 : vector<16xf32>
        %add3A_651 = arith.addf %add3A_649, %mul3A_650 : vector<16xf32>
        %add3A_652 = arith.constant 2 : i32
        %add3A_653 = vector.broadcast %add3A_652 : i32 to vector<16xi32>
        %add3A_654 = arith.addi %get3A_588, %add3A_653 : vector<16xi32>
        %add3A_655 = arith.constant 4 : i32
        %add3A_656 = vector.broadcast %add3A_655 : i32 to vector<16xi32>
        %add3A_657 = arith.addi %add3A_654, %add3A_656 : vector<16xi32>
        %gather3A_658 = tpu.vector_load_idx %arg21[%mul3A_605, %add3A_654] : memref<2048x16xf32, #tpu.memory_space<vmem>>[vector<16xi32>, vector<16xi32>], vector<16xf32>,
        %gather3A_659 = tpu.vector_load_idx %arg21[%mul3A_605, %add3A_657] : memref<2048x16xf32, #tpu.memory_space<vmem>>[vector<16xi32>, vector<16xi32>], vector<16xf32>,
        %add3A_660 = arith.constant 1 : i32
        %add3A_661 = vector.broadcast %add3A_660 : i32 to vector<16xi32>
        %add3A_662 = arith.addi %mul3A_605, %add3A_661 : vector<16xi32>
        %gather3A_663 = tpu.vector_load_idx %arg21[%add3A_662, %add3A_654] : memref<2048x16xf32, #tpu.memory_space<vmem>>[vector<16xi32>, vector<16xi32>], vector<16xf32>,
        %add3A_664 = arith.constant 1 : i32
        %add3A_665 = vector.broadcast %add3A_664 : i32 to vector<16xi32>
        %add3A_666 = arith.addi %mul3A_605, %add3A_665 : vector<16xi32>
        %gather3A_667 = tpu.vector_load_idx %arg21[%add3A_666, %add3A_657] : memref<2048x16xf32, #tpu.memory_space<vmem>>[vector<16xi32>, vector<16xi32>], vector<16xf32>,
        %mul3A_668 = arith.mulf %gather3A_658, %mul3A_595 : vector<16xf32>
        %mul3A_669 = arith.mulf %gather3A_659, %mul3A_596 : vector<16xf32>
        %add3A_670 = arith.addf %mul3A_668, %mul3A_669 : vector<16xf32>
        %mul3A_671 = arith.mulf %gather3A_663, %mul3A_597 : vector<16xf32>
        %add3A_672 = arith.addf %add3A_670, %mul3A_671 : vector<16xf32>
        %mul3A_673 = arith.mulf %gather3A_667, %mul3A_598 : vector<16xf32>
        %add3A_674 = arith.addf %add3A_672, %mul3A_673 : vector<16xf32>
        %mul3A_675 = arith.constant 16 : i32
        %mul3A_676 = arith.muli %add3A_576, %mul3A_675 : i32
        %swap3A_677 = arith.index_cast %mul3A_676 : i32 to index
        %swap3A_678 = tpu.vector_load %arg22[%swap3A_677] {strides = array<i32>} : memref<1024xf32, #tpu.memory_space<vmem>>, vector<16xf32>,
        tpu.vector_store %arg22[%swap3A_677], %add3A_628 {strides = array<i32>} : memref<1024xf32, #tpu.memory_space<vmem>>, vector<16xf32>,
        %mul3A_679 = arith.constant 16 : i32
        %mul3A_680 = arith.muli %add3A_576, %mul3A_679 : i32
        %swap3A_681 = arith.index_cast %mul3A_680 : i32 to index
        %swap3A_682 = tpu.vector_load %arg23[%swap3A_681] {strides = array<i32>} : memref<1024xf32, #tpu.memory_space<vmem>>, vector<16xf32>,
        tpu.vector_store %arg23[%swap3A_681], %add3A_651 {strides = array<i32>} : memref<1024xf32, #tpu.memory_space<vmem>>, vector<16xf32>,
        %mul3A_683 = arith.constant 16 : i32
        %mul3A_684 = arith.muli %add3A_576, %mul3A_683 : i32
        %swap3A_685 = arith.index_cast %mul3A_684 : i32 to index
        %swap3A_686 = tpu.vector_load %arg24[%swap3A_685] {strides = array<i32>} : memref<1024xf32, #tpu.memory_space<vmem>>, vector<16xf32>,
        tpu.vector_store %arg24[%swap3A_685], %add3A_674 {strides = array<i32>} : memref<1024xf32, #tpu.memory_space<vmem>>, vector<16xf32>,
      }
      %scan3A_390 = arith.constant 32 : i32
      %mul3A_391 = arith.constant 3 : i32
      %mul3A_392 = arith.muli %mul3A_391, %select_n3A : i32
      %dma_start3A_393 = tpu.memref_slice %arg4[%mul3A_392, %add3A_384] : memref<48x262144xf32, #tpu.memory_space<hbm>> -> memref<1x1024xf32, #tpu.memory_space<hbm>>
      %dma_start3A_394 = tpu.memref_squeeze %dma_start3A_393 : memref<1x1024xf32, #tpu.memory_space<hbm>> -> memref<1024xf32, #tpu.memory_space<hbm>>
      %dma_start3A_395 = tpu.memref_slice %arg4[%mul3A_392, %add3A_384] : memref<48x262144xf32, #tpu.memory_space<hbm>> -> memref<1x1024xf32, #tpu.memory_space<hbm>>
      %dma_start3A_396 = tpu.memref_squeeze %dma_start3A_395 : memref<1x1024xf32, #tpu.memory_space<hbm>> -> memref<1024xf32, #tpu.memory_space<hbm>>
      tpu.enqueue_dma source(%arg22 : memref<1024xf32, #tpu.memory_space<vmem>>) target(%dma_start3A_396 : memref<1024xf32, #tpu.memory_space<hbm>>) target_semaphore(%arg27 : memref<!tpu.dma_semaphore, #tpu.memory_space<semaphore_mem>>)
      %mul3A_397 = arith.constant 3 : i32
      %mul3A_398 = arith.muli %mul3A_397, %select_n3A : i32
      %add3A_399 = arith.constant 1 : i32
      %add3A_400 = arith.addi %mul3A_398, %add3A_399 : i32
      %dma_start3A_401 = tpu.memref_slice %arg4[%add3A_400, %add3A_384] : memref<48x262144xf32, #tpu.memory_space<hbm>> -> memref<1x1024xf32, #tpu.memory_space<hbm>>
      %dma_start3A_402 = tpu.memref_squeeze %dma_start3A_401 : memref<1x1024xf32, #tpu.memory_space<hbm>> -> memref<1024xf32, #tpu.memory_space<hbm>>
      %dma_start3A_403 = tpu.memref_slice %arg4[%add3A_400, %add3A_384] : memref<48x262144xf32, #tpu.memory_space<hbm>> -> memref<1x1024xf32, #tpu.memory_space<hbm>>
      %dma_start3A_404 = tpu.memref_squeeze %dma_start3A_403 : memref<1x1024xf32, #tpu.memory_space<hbm>> -> memref<1024xf32, #tpu.memory_space<hbm>>
      tpu.enqueue_dma source(%arg23 : memref<1024xf32, #tpu.memory_space<vmem>>) target(%dma_start3A_404 : memref<1024xf32, #tpu.memory_space<hbm>>) target_semaphore(%arg27 : memref<!tpu.dma_semaphore, #tpu.memory_space<semaphore_mem>>)
      %mul3A_405 = arith.constant 3 : i32
      %mul3A_406 = arith.muli %mul3A_405, %select_n3A : i32
      %add3A_407 = arith.constant 2 : i32
      %add3A_408 = arith.addi %mul3A_406, %add3A_407 : i32
      %dma_start3A_409 = tpu.memref_slice %arg4[%add3A_408, %add3A_384] : memref<48x262144xf32, #tpu.memory_space<hbm>> -> memref<1x1024xf32, #tpu.memory_space<hbm>>
      %dma_start3A_410 = tpu.memref_squeeze %dma_start3A_409 : memref<1x1024xf32, #tpu.memory_space<hbm>> -> memref<1024xf32, #tpu.memory_space<hbm>>
      %dma_start3A_411 = tpu.memref_slice %arg4[%add3A_408, %add3A_384] : memref<48x262144xf32, #tpu.memory_space<hbm>> -> memref<1x1024xf32, #tpu.memory_space<hbm>>
      %dma_start3A_412 = tpu.memref_squeeze %dma_start3A_411 : memref<1x1024xf32, #tpu.memory_space<hbm>> -> memref<1024xf32, #tpu.memory_space<hbm>>
      tpu.enqueue_dma source(%arg24 : memref<1024xf32, #tpu.memory_space<vmem>>) target(%dma_start3A_412 : memref<1024xf32, #tpu.memory_space<hbm>>) target_semaphore(%arg27 : memref<!tpu.dma_semaphore, #tpu.memory_space<semaphore_mem>>)
      %mul3A_413 = arith.constant 3 : i32
      %mul3A_414 = arith.muli %mul3A_413, %select_n3A : i32
      %dma_wait3A_415 = arith.constant 0 : i32
      %dma_wait3A_416 = tpu.memref_slice %arg4[%mul3A_414, %dma_wait3A_415] : memref<48x262144xf32, #tpu.memory_space<hbm>> -> memref<1x1024xf32, #tpu.memory_space<hbm>>
      %dma_wait3A_417 = tpu.memref_squeeze %dma_wait3A_416 : memref<1x1024xf32, #tpu.memory_space<hbm>> -> memref<1024xf32, #tpu.memory_space<hbm>>
      %dma_wait3A_418 = arith.constant 0 : i32
      %dma_wait3A_419 = tpu.memref_slice %arg4[%mul3A_414, %dma_wait3A_418] : memref<48x262144xf32, #tpu.memory_space<hbm>> -> memref<1x1024xf32, #tpu.memory_space<hbm>>
      %dma_wait3A_420 = tpu.memref_squeeze %dma_wait3A_419 : memref<1x1024xf32, #tpu.memory_space<hbm>> -> memref<1024xf32, #tpu.memory_space<hbm>>
      tpu.wait_dma2 semaphore(%arg27 : memref<!tpu.dma_semaphore, #tpu.memory_space<semaphore_mem>>) src(%arg12 : memref<1024xf32, #tpu.memory_space<vmem>>) dst(%dma_wait3A_420 : memref<1024xf32, #tpu.memory_space<hbm>>)
      %mul3A_421 = arith.constant 3 : i32
      %mul3A_422 = arith.muli %mul3A_421, %select_n3A : i32
      %dma_wait3A_423 = arith.constant 0 : i32
      %dma_wait3A_424 = tpu.memref_slice %arg4[%mul3A_422, %dma_wait3A_423] : memref<48x262144xf32, #tpu.memory_space<hbm>> -> memref<1x1024xf32, #tpu.memory_space<hbm>>
      %dma_wait3A_425 = tpu.memref_squeeze %dma_wait3A_424 : memref<1x1024xf32, #tpu.memory_space<hbm>> -> memref<1024xf32, #tpu.memory_space<hbm>>
      %dma_wait3A_426 = arith.constant 0 : i32
      %dma_wait3A_427 = tpu.memref_slice %arg4[%mul3A_422, %dma_wait3A_426] : memref<48x262144xf32, #tpu.memory_space<hbm>> -> memref<1x1024xf32, #tpu.memory_space<hbm>>
      %dma_wait3A_428 = tpu.memref_squeeze %dma_wait3A_427 : memref<1x1024xf32, #tpu.memory_space<hbm>> -> memref<1024xf32, #tpu.memory_space<hbm>>
      tpu.wait_dma2 semaphore(%arg27 : memref<!tpu.dma_semaphore, #tpu.memory_space<semaphore_mem>>) src(%arg12 : memref<1024xf32, #tpu.memory_space<vmem>>) dst(%dma_wait3A_428 : memref<1024xf32, #tpu.memory_space<hbm>>)
      %mul3A_429 = arith.constant 3 : i32
      %mul3A_430 = arith.muli %mul3A_429, %select_n3A : i32
      %dma_wait3A_431 = arith.constant 0 : i32
      %dma_wait3A_432 = tpu.memref_slice %arg4[%mul3A_430, %dma_wait3A_431] : memref<48x262144xf32, #tpu.memory_space<hbm>> -> memref<1x1024xf32, #tpu.memory_space<hbm>>
      %dma_wait3A_433 = tpu.memref_squeeze %dma_wait3A_432 : memref<1x1024xf32, #tpu.memory_space<hbm>> -> memref<1024xf32, #tpu.memory_space<hbm>>
      %dma_wait3A_434 = arith.constant 0 : i32
      %dma_wait3A_435 = tpu.memref_slice %arg4[%mul3A_430, %dma_wait3A_434] : memref<48x262144xf32, #tpu.memory_space<hbm>> -> memref<1x1024xf32, #tpu.memory_space<hbm>>
      %dma_wait3A_436 = tpu.memref_squeeze %dma_wait3A_435 : memref<1x1024xf32, #tpu.memory_space<hbm>> -> memref<1024xf32, #tpu.memory_space<hbm>>
      tpu.wait_dma2 semaphore(%arg27 : memref<!tpu.dma_semaphore, #tpu.memory_space<semaphore_mem>>) src(%arg12 : memref<1024xf32, #tpu.memory_space<vmem>>) dst(%dma_wait3A_436 : memref<1024xf32, #tpu.memory_space<hbm>>)
      %mul3A_437 = arith.constant 3 : i32
      %mul3A_438 = arith.muli %mul3A_437, %select_n3A : i32
      %dma_wait3A_439 = arith.constant 0 : i32
      %dma_wait3A_440 = tpu.memref_slice %arg4[%mul3A_438, %dma_wait3A_439] : memref<48x262144xf32, #tpu.memory_space<hbm>> -> memref<1x1024xf32, #tpu.memory_space<hbm>>
      %dma_wait3A_441 = tpu.memref_squeeze %dma_wait3A_440 : memref<1x1024xf32, #tpu.memory_space<hbm>> -> memref<1024xf32, #tpu.memory_space<hbm>>
      %dma_wait3A_442 = arith.constant 0 : i32
      %dma_wait3A_443 = tpu.memref_slice %arg4[%mul3A_438, %dma_wait3A_442] : memref<48x262144xf32, #tpu.memory_space<hbm>> -> memref<1x1024xf32, #tpu.memory_space<hbm>>
      %dma_wait3A_444 = tpu.memref_squeeze %dma_wait3A_443 : memref<1x1024xf32, #tpu.memory_space<hbm>> -> memref<1024xf32, #tpu.memory_space<hbm>>
      tpu.wait_dma2 semaphore(%arg27 : memref<!tpu.dma_semaphore, #tpu.memory_space<semaphore_mem>>) src(%arg12 : memref<1024xf32, #tpu.memory_space<vmem>>) dst(%dma_wait3A_444 : memref<1024xf32, #tpu.memory_space<hbm>>)
      %mul3A_445 = arith.constant 3 : i32
      %mul3A_446 = arith.muli %mul3A_445, %select_n3A : i32
      %dma_wait3A_447 = arith.constant 0 : i32
      %dma_wait3A_448 = tpu.memref_slice %arg4[%mul3A_446, %dma_wait3A_447] : memref<48x262144xf32, #tpu.memory_space<hbm>> -> memref<1x1024xf32, #tpu.memory_space<hbm>>
      %dma_wait3A_449 = tpu.memref_squeeze %dma_wait3A_448 : memref<1x1024xf32, #tpu.memory_space<hbm>> -> memref<1024xf32, #tpu.memory_space<hbm>>
      %dma_wait3A_450 = arith.constant 0 : i32
      %dma_wait3A_451 = tpu.memref_slice %arg4[%mul3A_446, %dma_wait3A_450] : memref<48x262144xf32, #tpu.memory_space<hbm>> -> memref<1x1024xf32, #tpu.memory_space<hbm>>
      %dma_wait3A_452 = tpu.memref_squeeze %dma_wait3A_451 : memref<1x1024xf32, #tpu.memory_space<hbm>> -> memref<1024xf32, #tpu.memory_space<hbm>>
      tpu.wait_dma2 semaphore(%arg27 : memref<!tpu.dma_semaphore, #tpu.memory_space<semaphore_mem>>) src(%arg12 : memref<1024xf32, #tpu.memory_space<vmem>>) dst(%dma_wait3A_452 : memref<1024xf32, #tpu.memory_space<hbm>>)
      %mul3A_453 = arith.constant 3 : i32
      %mul3A_454 = arith.muli %mul3A_453, %select_n3A : i32
      %dma_wait3A_455 = arith.constant 0 : i32
      %dma_wait3A_456 = tpu.memref_slice %arg4[%mul3A_454, %dma_wait3A_455] : memref<48x262144xf32, #tpu.memory_space<hbm>> -> memref<1x1024xf32, #tpu.memory_space<hbm>>
      %dma_wait3A_457 = tpu.memref_squeeze %dma_wait3A_456 : memref<1x1024xf32, #tpu.memory_space<hbm>> -> memref<1024xf32, #tpu.memory_space<hbm>>
      %dma_wait3A_458 = arith.constant 0 : i32
      %dma_wait3A_459 = tpu.memref_slice %arg4[%mul3A_454, %dma_wait3A_458] : memref<48x262144xf32, #tpu.memory_space<hbm>> -> memref<1x1024xf32, #tpu.memory_space<hbm>>
      %dma_wait3A_460 = tpu.memref_squeeze %dma_wait3A_459 : memref<1x1024xf32, #tpu.memory_space<hbm>> -> memref<1024xf32, #tpu.memory_space<hbm>>
      tpu.wait_dma2 semaphore(%arg27 : memref<!tpu.dma_semaphore, #tpu.memory_space<semaphore_mem>>) src(%arg12 : memref<1024xf32, #tpu.memory_space<vmem>>) dst(%dma_wait3A_460 : memref<1024xf32, #tpu.memory_space<hbm>>)
    }
    %scan3A_135 = arith.constant 64 : i32
    %dma_wait3A_136 = arith.constant 0 : i32
    %dma_wait3A_137 = arith.constant 0 : i32
    %dma_wait3A_138 = tpu.memref_slice %arg2[%dma_wait3A_136, %dma_wait3A_137] : memref<2097160x16xf32, #tpu.memory_space<hbm>> -> memref<2048x16xf32, #tpu.memory_space<hbm>>
    %dma_wait3A_139 = arith.constant 0 : i32
    %dma_wait3A_140 = arith.constant 0 : i32
    %dma_wait3A_141 = tpu.memref_slice %arg2[%dma_wait3A_139, %dma_wait3A_140] : memref<2097160x16xf32, #tpu.memory_space<hbm>> -> memref<2048x16xf32, #tpu.memory_space<hbm>>
    tpu.wait_dma2 semaphore(%arg25 : memref<!tpu.dma_semaphore, #tpu.memory_space<semaphore_mem>>) src(%dma_wait3A_141 : memref<2048x16xf32, #tpu.memory_space<hbm>>) dst(%arg11 : memref<2048x16xf32, #tpu.memory_space<vmem>>)
    %dma_wait3A_142 = arith.constant 0 : i32
    %dma_wait3A_143 = arith.constant 0 : i32
    %dma_wait3A_144 = tpu.memref_slice %arg3[%dma_wait3A_142, %dma_wait3A_143] : memref<32x262144xf32, #tpu.memory_space<hbm>> -> memref<1x1024xf32, #tpu.memory_space<hbm>>
    %dma_wait3A_145 = tpu.memref_squeeze %dma_wait3A_144 : memref<1x1024xf32, #tpu.memory_space<hbm>> -> memref<1024xf32, #tpu.memory_space<hbm>>
    %dma_wait3A_146 = arith.constant 0 : i32
    %dma_wait3A_147 = tpu.memref_slice %arg3[%dma_wait3A_142, %dma_wait3A_146] : memref<32x262144xf32, #tpu.memory_space<hbm>> -> memref<1x1024xf32, #tpu.memory_space<hbm>>
    %dma_wait3A_148 = tpu.memref_squeeze %dma_wait3A_147 : memref<1x1024xf32, #tpu.memory_space<hbm>> -> memref<1024xf32, #tpu.memory_space<hbm>>
    tpu.wait_dma2 semaphore(%arg29 : memref<!tpu.dma_semaphore, #tpu.memory_space<semaphore_mem>>) src(%dma_wait3A_148 : memref<1024xf32, #tpu.memory_space<hbm>>) dst(%arg15 : memref<1024xf32, #tpu.memory_space<vmem>>)
    %dma_wait3A_149 = arith.constant 0 : i32
    %dma_wait3A_150 = arith.constant 0 : i32
    %dma_wait3A_151 = tpu.memref_slice %arg3[%dma_wait3A_149, %dma_wait3A_150] : memref<32x262144xf32, #tpu.memory_space<hbm>> -> memref<1x1024xf32, #tpu.memory_space<hbm>>
    %dma_wait3A_152 = tpu.memref_squeeze %dma_wait3A_151 : memref<1x1024xf32, #tpu.memory_space<hbm>> -> memref<1024xf32, #tpu.memory_space<hbm>>
    %dma_wait3A_153 = arith.constant 0 : i32
    %dma_wait3A_154 = tpu.memref_slice %arg3[%dma_wait3A_149, %dma_wait3A_153] : memref<32x262144xf32, #tpu.memory_space<hbm>> -> memref<1x1024xf32, #tpu.memory_space<hbm>>
    %dma_wait3A_155 = tpu.memref_squeeze %dma_wait3A_154 : memref<1x1024xf32, #tpu.memory_space<hbm>> -> memref<1024xf32, #tpu.memory_space<hbm>>
    tpu.wait_dma2 semaphore(%arg29 : memref<!tpu.dma_semaphore, #tpu.memory_space<semaphore_mem>>) src(%dma_wait3A_155 : memref<1024xf32, #tpu.memory_space<hbm>>) dst(%arg16 : memref<1024xf32, #tpu.memory_space<vmem>>)
    return
  }
}

#map = affine_map<(d0, d1) -> (0, 0, 0)>
#map1 = affine_map<(d0, d1) -> (0, 0)>
module attributes {stable_mosaic.version = 14 : i64} {
  func.func @interleave(%arg0: i32, %arg1: i32, %arg2: memref<48x512x512xf32, #tpu.memory_space<hbm>>, %arg3: memref<2097160x16xf32, #tpu.memory_space<hbm>>, %arg4: memref<9x512xf32, #tpu.memory_space<vmem>>, %arg5: memref<9x512xf32, #tpu.memory_space<vmem>>, %arg6: memref<9x512xf32, #tpu.memory_space<vmem>>, %arg7: memref<2048x16xf32, #tpu.memory_space<vmem>>, %arg8: memref<9x512xf32, #tpu.memory_space<vmem>>, %arg9: memref<9x512xf32, #tpu.memory_space<vmem>>, %arg10: memref<9x512xf32, #tpu.memory_space<vmem>>, %arg11: memref<2048x16xf32, #tpu.memory_space<vmem>>, %arg12: memref<!tpu.dma_semaphore, #tpu.memory_space<semaphore_mem>>, %arg13: memref<!tpu.dma_semaphore, #tpu.memory_space<semaphore_mem>>, %arg14: memref<!tpu.dma_semaphore, #tpu.memory_space<semaphore_mem>>) attributes {dimension_semantics = [#tpu.dimension_semantics<core_parallel>, #tpu.dimension_semantics<subcore_parallel>], iteration_bounds = array<i64: 2, 16>, scalar_prefetch = 0 : i64, scratch_operands = 11 : i64, tpu.core_type = #tpu.core_type<sc_vector_subcore>, window_params = [{transform_indices = #map}, {transform_indices = #map1}]} {
    %mul3A = arith.constant 2 : i32
    %mul3A_0 = arith.muli %arg1, %mul3A : i32
    %add3A = arith.addi %mul3A_0, %arg0 : i32
    %jit3A = arith.constant 2 : i32
    %div3A = arith.divsi %add3A, %jit3A : i32
    %sign3A = arith.constant 0 : i32
    %sign3A_1 = arith.cmpi sgt, %add3A, %sign3A : i32
    %sign3A_2 = arith.extui %sign3A_1 : i1 to i32
    %sign3A_3 = arith.constant 0 : i32
    %sign3A_4 = arith.cmpi slt, %add3A, %sign3A_3 : i32
    %sign3A_5 = arith.extui %sign3A_4 : i1 to i32
    %sign3A_6 = arith.subi %sign3A_2, %sign3A_5 : i32
    %sign3A_7 = arith.constant 0 : i32
    %sign3A_8 = arith.cmpi sgt, %jit3A, %sign3A_7 : i32
    %sign3A_9 = arith.extui %sign3A_8 : i1 to i32
    %sign3A_10 = arith.constant 0 : i32
    %sign3A_11 = arith.cmpi slt, %jit3A, %sign3A_10 : i32
    %sign3A_12 = arith.extui %sign3A_11 : i1 to i32
    %sign3A_13 = arith.subi %sign3A_9, %sign3A_12 : i32
    %ne3A = arith.cmpi ne, %sign3A_6, %sign3A_13 : i32
    %rem3A = arith.remsi %add3A, %jit3A : i32
    %ne3A_14 = arith.constant 0 : i32
    %ne3A_15 = arith.cmpi ne, %rem3A, %ne3A_14 : i32
    %and3A = arith.andi %ne3A, %ne3A_15 : i1
    %sub3A = arith.constant 1 : i32
    %sub3A_16 = arith.subi %div3A, %sub3A : i32
    %select_n3A = arith.select %and3A, %sub3A_16, %div3A : i32
    %jit3A_17 = arith.constant 2 : i32
    %eq3A = arith.constant 0 : i32
    %eq3A_18 = arith.cmpi eq, %jit3A_17, %eq3A : i32
    %jit3A_19 = arith.constant 1 : i32
    %select_n3A_20 = arith.select %eq3A_18, %jit3A_19, %jit3A_17 : i32
    %rem3A_21 = arith.remsi %add3A, %select_n3A_20 : i32
    %ne3A_22 = arith.constant 0 : i32
    %ne3A_23 = arith.cmpi ne, %rem3A_21, %ne3A_22 : i32
    %lt3A = arith.constant 0 : i32
    %lt3A_24 = arith.cmpi slt, %rem3A_21, %lt3A : i32
    %lt3A_25 = arith.constant 0 : i32
    %lt3A_26 = arith.cmpi slt, %select_n3A_20, %lt3A_25 : i32
    %ne3A_27 = arith.xori %lt3A_24, %lt3A_26 : i1
    %and3A_28 = arith.andi %ne3A_27, %ne3A_23 : i1
    %add3A_29 = arith.addi %rem3A_21, %select_n3A_20 : i32
    %select_n3A_30 = arith.select %and3A_28, %add3A_29, %rem3A_21 : i32
    %mul3A_31 = arith.constant 256 : i32
    %mul3A_32 = arith.muli %select_n3A_30, %mul3A_31 : i32
    %rem3A_33 = arith.constant 0 : i32
    %rem3A_34 = arith.constant 32 : i32
    %rem3A_35 = arith.remsi %rem3A_33, %rem3A_34 : i32
    %mul3A_36 = arith.constant 8 : i32
    %mul3A_37 = arith.muli %rem3A_35, %mul3A_36 : i32
    %add3A_38 = arith.addi %mul3A_32, %mul3A_37 : i32
    %add3A_39 = arith.constant 8 : i32
    %add3A_40 = arith.addi %add3A_38, %add3A_39 : i32
    %min3A = arith.constant 511 : i32
    %min3A_41 = arith.minsi %add3A_40, %min3A : i32
    %mul3A_42 = arith.constant 3 : i32
    %mul3A_43 = arith.muli %mul3A_42, %select_n3A : i32
    %add3A_44 = arith.constant 0 : i32
    %add3A_45 = arith.addi %mul3A_43, %add3A_44 : i32
    %dma_start3A = arith.constant 0 : i32
    %dma_start3A_46 = arith.constant 0 : i32
    %dma_start3A_47 = tpu.memref_slice %arg4[%dma_start3A, %dma_start3A_46] : memref<9x512xf32, #tpu.memory_space<vmem>> -> memref<8x512xf32, #tpu.memory_space<vmem>>
    %dma_start3A_48 = arith.constant 0 : i32
    %dma_start3A_49 = tpu.memref_slice %arg2[%add3A_45, %add3A_38, %dma_start3A_48] : memref<48x512x512xf32, #tpu.memory_space<hbm>> -> memref<1x8x512xf32, #tpu.memory_space<hbm>>
    %dma_start3A_50 = tpu.memref_squeeze %dma_start3A_49 : memref<1x8x512xf32, #tpu.memory_space<hbm>> -> memref<8x512xf32, #tpu.memory_space<hbm>>
    %dma_start3A_51 = arith.constant 0 : i32
    %dma_start3A_52 = arith.constant 0 : i32
    %dma_start3A_53 = tpu.memref_slice %arg4[%dma_start3A_51, %dma_start3A_52] : memref<9x512xf32, #tpu.memory_space<vmem>> -> memref<8x512xf32, #tpu.memory_space<vmem>>
    %dma_start3A_54 = arith.constant 0 : i32
    %dma_start3A_55 = tpu.memref_slice %arg2[%add3A_45, %add3A_38, %dma_start3A_54] : memref<48x512x512xf32, #tpu.memory_space<hbm>> -> memref<1x8x512xf32, #tpu.memory_space<hbm>>
    %dma_start3A_56 = tpu.memref_squeeze %dma_start3A_55 : memref<1x8x512xf32, #tpu.memory_space<hbm>> -> memref<8x512xf32, #tpu.memory_space<hbm>>
    tpu.enqueue_dma source(%dma_start3A_56 : memref<8x512xf32, #tpu.memory_space<hbm>>) target(%dma_start3A_53 : memref<8x512xf32, #tpu.memory_space<vmem>>) target_semaphore(%arg12 : memref<!tpu.dma_semaphore, #tpu.memory_space<semaphore_mem>>)
    %mul3A_57 = arith.constant 3 : i32
    %mul3A_58 = arith.muli %mul3A_57, %select_n3A : i32
    %add3A_59 = arith.constant 0 : i32
    %add3A_60 = arith.addi %mul3A_58, %add3A_59 : i32
    %dma_start3A_61 = arith.constant 8 : i32
    %dma_start3A_62 = arith.constant 0 : i32
    %dma_start3A_63 = tpu.memref_slice %arg4[%dma_start3A_61, %dma_start3A_62] : memref<9x512xf32, #tpu.memory_space<vmem>> -> memref<1x512xf32, #tpu.memory_space<vmem>>
    %dma_start3A_64 = arith.constant 0 : i32
    %dma_start3A_65 = tpu.memref_slice %arg2[%add3A_60, %min3A_41, %dma_start3A_64] : memref<48x512x512xf32, #tpu.memory_space<hbm>> -> memref<1x1x512xf32, #tpu.memory_space<hbm>>
    %dma_start3A_66 = tpu.memref_squeeze %dma_start3A_65 : memref<1x1x512xf32, #tpu.memory_space<hbm>> -> memref<1x512xf32, #tpu.memory_space<hbm>>
    %dma_start3A_67 = arith.constant 8 : i32
    %dma_start3A_68 = arith.constant 0 : i32
    %dma_start3A_69 = tpu.memref_slice %arg4[%dma_start3A_67, %dma_start3A_68] : memref<9x512xf32, #tpu.memory_space<vmem>> -> memref<1x512xf32, #tpu.memory_space<vmem>>
    %dma_start3A_70 = arith.constant 0 : i32
    %dma_start3A_71 = tpu.memref_slice %arg2[%add3A_60, %min3A_41, %dma_start3A_70] : memref<48x512x512xf32, #tpu.memory_space<hbm>> -> memref<1x1x512xf32, #tpu.memory_space<hbm>>
    %dma_start3A_72 = tpu.memref_squeeze %dma_start3A_71 : memref<1x1x512xf32, #tpu.memory_space<hbm>> -> memref<1x512xf32, #tpu.memory_space<hbm>>
    tpu.enqueue_dma source(%dma_start3A_72 : memref<1x512xf32, #tpu.memory_space<hbm>>) target(%dma_start3A_69 : memref<1x512xf32, #tpu.memory_space<vmem>>) target_semaphore(%arg12 : memref<!tpu.dma_semaphore, #tpu.memory_space<semaphore_mem>>)
    %mul3A_73 = arith.constant 3 : i32
    %mul3A_74 = arith.muli %mul3A_73, %select_n3A : i32
    %add3A_75 = arith.constant 1 : i32
    %add3A_76 = arith.addi %mul3A_74, %add3A_75 : i32
    %dma_start3A_77 = arith.constant 0 : i32
    %dma_start3A_78 = arith.constant 0 : i32
    %dma_start3A_79 = tpu.memref_slice %arg5[%dma_start3A_77, %dma_start3A_78] : memref<9x512xf32, #tpu.memory_space<vmem>> -> memref<8x512xf32, #tpu.memory_space<vmem>>
    %dma_start3A_80 = arith.constant 0 : i32
    %dma_start3A_81 = tpu.memref_slice %arg2[%add3A_76, %add3A_38, %dma_start3A_80] : memref<48x512x512xf32, #tpu.memory_space<hbm>> -> memref<1x8x512xf32, #tpu.memory_space<hbm>>
    %dma_start3A_82 = tpu.memref_squeeze %dma_start3A_81 : memref<1x8x512xf32, #tpu.memory_space<hbm>> -> memref<8x512xf32, #tpu.memory_space<hbm>>
    %dma_start3A_83 = arith.constant 0 : i32
    %dma_start3A_84 = arith.constant 0 : i32
    %dma_start3A_85 = tpu.memref_slice %arg5[%dma_start3A_83, %dma_start3A_84] : memref<9x512xf32, #tpu.memory_space<vmem>> -> memref<8x512xf32, #tpu.memory_space<vmem>>
    %dma_start3A_86 = arith.constant 0 : i32
    %dma_start3A_87 = tpu.memref_slice %arg2[%add3A_76, %add3A_38, %dma_start3A_86] : memref<48x512x512xf32, #tpu.memory_space<hbm>> -> memref<1x8x512xf32, #tpu.memory_space<hbm>>
    %dma_start3A_88 = tpu.memref_squeeze %dma_start3A_87 : memref<1x8x512xf32, #tpu.memory_space<hbm>> -> memref<8x512xf32, #tpu.memory_space<hbm>>
    tpu.enqueue_dma source(%dma_start3A_88 : memref<8x512xf32, #tpu.memory_space<hbm>>) target(%dma_start3A_85 : memref<8x512xf32, #tpu.memory_space<vmem>>) target_semaphore(%arg12 : memref<!tpu.dma_semaphore, #tpu.memory_space<semaphore_mem>>)
    %mul3A_89 = arith.constant 3 : i32
    %mul3A_90 = arith.muli %mul3A_89, %select_n3A : i32
    %add3A_91 = arith.constant 1 : i32
    %add3A_92 = arith.addi %mul3A_90, %add3A_91 : i32
    %dma_start3A_93 = arith.constant 8 : i32
    %dma_start3A_94 = arith.constant 0 : i32
    %dma_start3A_95 = tpu.memref_slice %arg5[%dma_start3A_93, %dma_start3A_94] : memref<9x512xf32, #tpu.memory_space<vmem>> -> memref<1x512xf32, #tpu.memory_space<vmem>>
    %dma_start3A_96 = arith.constant 0 : i32
    %dma_start3A_97 = tpu.memref_slice %arg2[%add3A_92, %min3A_41, %dma_start3A_96] : memref<48x512x512xf32, #tpu.memory_space<hbm>> -> memref<1x1x512xf32, #tpu.memory_space<hbm>>
    %dma_start3A_98 = tpu.memref_squeeze %dma_start3A_97 : memref<1x1x512xf32, #tpu.memory_space<hbm>> -> memref<1x512xf32, #tpu.memory_space<hbm>>
    %dma_start3A_99 = arith.constant 8 : i32
    %dma_start3A_100 = arith.constant 0 : i32
    %dma_start3A_101 = tpu.memref_slice %arg5[%dma_start3A_99, %dma_start3A_100] : memref<9x512xf32, #tpu.memory_space<vmem>> -> memref<1x512xf32, #tpu.memory_space<vmem>>
    %dma_start3A_102 = arith.constant 0 : i32
    %dma_start3A_103 = tpu.memref_slice %arg2[%add3A_92, %min3A_41, %dma_start3A_102] : memref<48x512x512xf32, #tpu.memory_space<hbm>> -> memref<1x1x512xf32, #tpu.memory_space<hbm>>
    %dma_start3A_104 = tpu.memref_squeeze %dma_start3A_103 : memref<1x1x512xf32, #tpu.memory_space<hbm>> -> memref<1x512xf32, #tpu.memory_space<hbm>>
    tpu.enqueue_dma source(%dma_start3A_104 : memref<1x512xf32, #tpu.memory_space<hbm>>) target(%dma_start3A_101 : memref<1x512xf32, #tpu.memory_space<vmem>>) target_semaphore(%arg12 : memref<!tpu.dma_semaphore, #tpu.memory_space<semaphore_mem>>)
    %mul3A_105 = arith.constant 3 : i32
    %mul3A_106 = arith.muli %mul3A_105, %select_n3A : i32
    %add3A_107 = arith.constant 2 : i32
    %add3A_108 = arith.addi %mul3A_106, %add3A_107 : i32
    %dma_start3A_109 = arith.constant 0 : i32
    %dma_start3A_110 = arith.constant 0 : i32
    %dma_start3A_111 = tpu.memref_slice %arg6[%dma_start3A_109, %dma_start3A_110] : memref<9x512xf32, #tpu.memory_space<vmem>> -> memref<8x512xf32, #tpu.memory_space<vmem>>
    %dma_start3A_112 = arith.constant 0 : i32
    %dma_start3A_113 = tpu.memref_slice %arg2[%add3A_108, %add3A_38, %dma_start3A_112] : memref<48x512x512xf32, #tpu.memory_space<hbm>> -> memref<1x8x512xf32, #tpu.memory_space<hbm>>
    %dma_start3A_114 = tpu.memref_squeeze %dma_start3A_113 : memref<1x8x512xf32, #tpu.memory_space<hbm>> -> memref<8x512xf32, #tpu.memory_space<hbm>>
    %dma_start3A_115 = arith.constant 0 : i32
    %dma_start3A_116 = arith.constant 0 : i32
    %dma_start3A_117 = tpu.memref_slice %arg6[%dma_start3A_115, %dma_start3A_116] : memref<9x512xf32, #tpu.memory_space<vmem>> -> memref<8x512xf32, #tpu.memory_space<vmem>>
    %dma_start3A_118 = arith.constant 0 : i32
    %dma_start3A_119 = tpu.memref_slice %arg2[%add3A_108, %add3A_38, %dma_start3A_118] : memref<48x512x512xf32, #tpu.memory_space<hbm>> -> memref<1x8x512xf32, #tpu.memory_space<hbm>>
    %dma_start3A_120 = tpu.memref_squeeze %dma_start3A_119 : memref<1x8x512xf32, #tpu.memory_space<hbm>> -> memref<8x512xf32, #tpu.memory_space<hbm>>
    tpu.enqueue_dma source(%dma_start3A_120 : memref<8x512xf32, #tpu.memory_space<hbm>>) target(%dma_start3A_117 : memref<8x512xf32, #tpu.memory_space<vmem>>) target_semaphore(%arg12 : memref<!tpu.dma_semaphore, #tpu.memory_space<semaphore_mem>>)
    %mul3A_121 = arith.constant 3 : i32
    %mul3A_122 = arith.muli %mul3A_121, %select_n3A : i32
    %add3A_123 = arith.constant 2 : i32
    %add3A_124 = arith.addi %mul3A_122, %add3A_123 : i32
    %dma_start3A_125 = arith.constant 8 : i32
    %dma_start3A_126 = arith.constant 0 : i32
    %dma_start3A_127 = tpu.memref_slice %arg6[%dma_start3A_125, %dma_start3A_126] : memref<9x512xf32, #tpu.memory_space<vmem>> -> memref<1x512xf32, #tpu.memory_space<vmem>>
    %dma_start3A_128 = arith.constant 0 : i32
    %dma_start3A_129 = tpu.memref_slice %arg2[%add3A_124, %min3A_41, %dma_start3A_128] : memref<48x512x512xf32, #tpu.memory_space<hbm>> -> memref<1x1x512xf32, #tpu.memory_space<hbm>>
    %dma_start3A_130 = tpu.memref_squeeze %dma_start3A_129 : memref<1x1x512xf32, #tpu.memory_space<hbm>> -> memref<1x512xf32, #tpu.memory_space<hbm>>
    %dma_start3A_131 = arith.constant 8 : i32
    %dma_start3A_132 = arith.constant 0 : i32
    %dma_start3A_133 = tpu.memref_slice %arg6[%dma_start3A_131, %dma_start3A_132] : memref<9x512xf32, #tpu.memory_space<vmem>> -> memref<1x512xf32, #tpu.memory_space<vmem>>
    %dma_start3A_134 = arith.constant 0 : i32
    %dma_start3A_135 = tpu.memref_slice %arg2[%add3A_124, %min3A_41, %dma_start3A_134] : memref<48x512x512xf32, #tpu.memory_space<hbm>> -> memref<1x1x512xf32, #tpu.memory_space<hbm>>
    %dma_start3A_136 = tpu.memref_squeeze %dma_start3A_135 : memref<1x1x512xf32, #tpu.memory_space<hbm>> -> memref<1x512xf32, #tpu.memory_space<hbm>>
    tpu.enqueue_dma source(%dma_start3A_136 : memref<1x512xf32, #tpu.memory_space<hbm>>) target(%dma_start3A_133 : memref<1x512xf32, #tpu.memory_space<vmem>>) target_semaphore(%arg12 : memref<!tpu.dma_semaphore, #tpu.memory_space<semaphore_mem>>)
    %scan3A = arith.constant 0 : i32
    %scan3A_137 = arith.constant 0 : i32
    %scan3A_138 = arith.constant 16 : i32
    %scan3A_139 = arith.addi %scan3A_137, %scan3A_138 : i32
    %scan3A_140 = arith.constant 1 : i32
    scf.for %scan3A_231 = %scan3A_137 to %scan3A_139 step %scan3A_140  : i32 {
      %mul3A_232 = arith.constant 2 : i32
      %mul3A_233 = arith.muli %mul3A_232, %scan3A_231 : i32
      %add3A_234 = arith.constant 1 : i32
      %add3A_235 = arith.addi %mul3A_233, %add3A_234 : i32
      %mul3A_236 = arith.constant 256 : i32
      %mul3A_237 = arith.muli %select_n3A_30, %mul3A_236 : i32
      %rem3A_238 = arith.constant 32 : i32
      %rem3A_239 = arith.remsi %add3A_235, %rem3A_238 : i32
      %mul3A_240 = arith.constant 8 : i32
      %mul3A_241 = arith.muli %rem3A_239, %mul3A_240 : i32
      %add3A_242 = arith.addi %mul3A_237, %mul3A_241 : i32
      %add3A_243 = arith.constant 8 : i32
      %add3A_244 = arith.addi %add3A_242, %add3A_243 : i32
      %min3A_245 = arith.constant 511 : i32
      %min3A_246 = arith.minsi %add3A_244, %min3A_245 : i32
      %mul3A_247 = arith.constant 3 : i32
      %mul3A_248 = arith.muli %mul3A_247, %select_n3A : i32
      %add3A_249 = arith.constant 0 : i32
      %add3A_250 = arith.addi %mul3A_248, %add3A_249 : i32
      %dma_start3A_251 = arith.constant 0 : i32
      %dma_start3A_252 = arith.constant 0 : i32
      %dma_start3A_253 = tpu.memref_slice %arg8[%dma_start3A_251, %dma_start3A_252] : memref<9x512xf32, #tpu.memory_space<vmem>> -> memref<8x512xf32, #tpu.memory_space<vmem>>
      %dma_start3A_254 = arith.constant 0 : i32
      %dma_start3A_255 = tpu.memref_slice %arg2[%add3A_250, %add3A_242, %dma_start3A_254] : memref<48x512x512xf32, #tpu.memory_space<hbm>> -> memref<1x8x512xf32, #tpu.memory_space<hbm>>
      %dma_start3A_256 = tpu.memref_squeeze %dma_start3A_255 : memref<1x8x512xf32, #tpu.memory_space<hbm>> -> memref<8x512xf32, #tpu.memory_space<hbm>>
      %dma_start3A_257 = arith.constant 0 : i32
      %dma_start3A_258 = arith.constant 0 : i32
      %dma_start3A_259 = tpu.memref_slice %arg8[%dma_start3A_257, %dma_start3A_258] : memref<9x512xf32, #tpu.memory_space<vmem>> -> memref<8x512xf32, #tpu.memory_space<vmem>>
      %dma_start3A_260 = arith.constant 0 : i32
      %dma_start3A_261 = tpu.memref_slice %arg2[%add3A_250, %add3A_242, %dma_start3A_260] : memref<48x512x512xf32, #tpu.memory_space<hbm>> -> memref<1x8x512xf32, #tpu.memory_space<hbm>>
      %dma_start3A_262 = tpu.memref_squeeze %dma_start3A_261 : memref<1x8x512xf32, #tpu.memory_space<hbm>> -> memref<8x512xf32, #tpu.memory_space<hbm>>
      tpu.enqueue_dma source(%dma_start3A_262 : memref<8x512xf32, #tpu.memory_space<hbm>>) target(%dma_start3A_259 : memref<8x512xf32, #tpu.memory_space<vmem>>) target_semaphore(%arg13 : memref<!tpu.dma_semaphore, #tpu.memory_space<semaphore_mem>>)
      %mul3A_263 = arith.constant 3 : i32
      %mul3A_264 = arith.muli %mul3A_263, %select_n3A : i32
      %add3A_265 = arith.constant 0 : i32
      %add3A_266 = arith.addi %mul3A_264, %add3A_265 : i32
      %dma_start3A_267 = arith.constant 8 : i32
      %dma_start3A_268 = arith.constant 0 : i32
      %dma_start3A_269 = tpu.memref_slice %arg8[%dma_start3A_267, %dma_start3A_268] : memref<9x512xf32, #tpu.memory_space<vmem>> -> memref<1x512xf32, #tpu.memory_space<vmem>>
      %dma_start3A_270 = arith.constant 0 : i32
      %dma_start3A_271 = tpu.memref_slice %arg2[%add3A_266, %min3A_246, %dma_start3A_270] : memref<48x512x512xf32, #tpu.memory_space<hbm>> -> memref<1x1x512xf32, #tpu.memory_space<hbm>>
      %dma_start3A_272 = tpu.memref_squeeze %dma_start3A_271 : memref<1x1x512xf32, #tpu.memory_space<hbm>> -> memref<1x512xf32, #tpu.memory_space<hbm>>
      %dma_start3A_273 = arith.constant 8 : i32
      %dma_start3A_274 = arith.constant 0 : i32
      %dma_start3A_275 = tpu.memref_slice %arg8[%dma_start3A_273, %dma_start3A_274] : memref<9x512xf32, #tpu.memory_space<vmem>> -> memref<1x512xf32, #tpu.memory_space<vmem>>
      %dma_start3A_276 = arith.constant 0 : i32
      %dma_start3A_277 = tpu.memref_slice %arg2[%add3A_266, %min3A_246, %dma_start3A_276] : memref<48x512x512xf32, #tpu.memory_space<hbm>> -> memref<1x1x512xf32, #tpu.memory_space<hbm>>
      %dma_start3A_278 = tpu.memref_squeeze %dma_start3A_277 : memref<1x1x512xf32, #tpu.memory_space<hbm>> -> memref<1x512xf32, #tpu.memory_space<hbm>>
      tpu.enqueue_dma source(%dma_start3A_278 : memref<1x512xf32, #tpu.memory_space<hbm>>) target(%dma_start3A_275 : memref<1x512xf32, #tpu.memory_space<vmem>>) target_semaphore(%arg13 : memref<!tpu.dma_semaphore, #tpu.memory_space<semaphore_mem>>)
      %mul3A_279 = arith.constant 3 : i32
      %mul3A_280 = arith.muli %mul3A_279, %select_n3A : i32
      %add3A_281 = arith.constant 1 : i32
      %add3A_282 = arith.addi %mul3A_280, %add3A_281 : i32
      %dma_start3A_283 = arith.constant 0 : i32
      %dma_start3A_284 = arith.constant 0 : i32
      %dma_start3A_285 = tpu.memref_slice %arg9[%dma_start3A_283, %dma_start3A_284] : memref<9x512xf32, #tpu.memory_space<vmem>> -> memref<8x512xf32, #tpu.memory_space<vmem>>
      %dma_start3A_286 = arith.constant 0 : i32
      %dma_start3A_287 = tpu.memref_slice %arg2[%add3A_282, %add3A_242, %dma_start3A_286] : memref<48x512x512xf32, #tpu.memory_space<hbm>> -> memref<1x8x512xf32, #tpu.memory_space<hbm>>
      %dma_start3A_288 = tpu.memref_squeeze %dma_start3A_287 : memref<1x8x512xf32, #tpu.memory_space<hbm>> -> memref<8x512xf32, #tpu.memory_space<hbm>>
      %dma_start3A_289 = arith.constant 0 : i32
      %dma_start3A_290 = arith.constant 0 : i32
      %dma_start3A_291 = tpu.memref_slice %arg9[%dma_start3A_289, %dma_start3A_290] : memref<9x512xf32, #tpu.memory_space<vmem>> -> memref<8x512xf32, #tpu.memory_space<vmem>>
      %dma_start3A_292 = arith.constant 0 : i32
      %dma_start3A_293 = tpu.memref_slice %arg2[%add3A_282, %add3A_242, %dma_start3A_292] : memref<48x512x512xf32, #tpu.memory_space<hbm>> -> memref<1x8x512xf32, #tpu.memory_space<hbm>>
      %dma_start3A_294 = tpu.memref_squeeze %dma_start3A_293 : memref<1x8x512xf32, #tpu.memory_space<hbm>> -> memref<8x512xf32, #tpu.memory_space<hbm>>
      tpu.enqueue_dma source(%dma_start3A_294 : memref<8x512xf32, #tpu.memory_space<hbm>>) target(%dma_start3A_291 : memref<8x512xf32, #tpu.memory_space<vmem>>) target_semaphore(%arg13 : memref<!tpu.dma_semaphore, #tpu.memory_space<semaphore_mem>>)
      %mul3A_295 = arith.constant 3 : i32
      %mul3A_296 = arith.muli %mul3A_295, %select_n3A : i32
      %add3A_297 = arith.constant 1 : i32
      %add3A_298 = arith.addi %mul3A_296, %add3A_297 : i32
      %dma_start3A_299 = arith.constant 8 : i32
      %dma_start3A_300 = arith.constant 0 : i32
      %dma_start3A_301 = tpu.memref_slice %arg9[%dma_start3A_299, %dma_start3A_300] : memref<9x512xf32, #tpu.memory_space<vmem>> -> memref<1x512xf32, #tpu.memory_space<vmem>>
      %dma_start3A_302 = arith.constant 0 : i32
      %dma_start3A_303 = tpu.memref_slice %arg2[%add3A_298, %min3A_246, %dma_start3A_302] : memref<48x512x512xf32, #tpu.memory_space<hbm>> -> memref<1x1x512xf32, #tpu.memory_space<hbm>>
      %dma_start3A_304 = tpu.memref_squeeze %dma_start3A_303 : memref<1x1x512xf32, #tpu.memory_space<hbm>> -> memref<1x512xf32, #tpu.memory_space<hbm>>
      %dma_start3A_305 = arith.constant 8 : i32
      %dma_start3A_306 = arith.constant 0 : i32
      %dma_start3A_307 = tpu.memref_slice %arg9[%dma_start3A_305, %dma_start3A_306] : memref<9x512xf32, #tpu.memory_space<vmem>> -> memref<1x512xf32, #tpu.memory_space<vmem>>
      %dma_start3A_308 = arith.constant 0 : i32
      %dma_start3A_309 = tpu.memref_slice %arg2[%add3A_298, %min3A_246, %dma_start3A_308] : memref<48x512x512xf32, #tpu.memory_space<hbm>> -> memref<1x1x512xf32, #tpu.memory_space<hbm>>
      %dma_start3A_310 = tpu.memref_squeeze %dma_start3A_309 : memref<1x1x512xf32, #tpu.memory_space<hbm>> -> memref<1x512xf32, #tpu.memory_space<hbm>>
      tpu.enqueue_dma source(%dma_start3A_310 : memref<1x512xf32, #tpu.memory_space<hbm>>) target(%dma_start3A_307 : memref<1x512xf32, #tpu.memory_space<vmem>>) target_semaphore(%arg13 : memref<!tpu.dma_semaphore, #tpu.memory_space<semaphore_mem>>)
      %mul3A_311 = arith.constant 3 : i32
      %mul3A_312 = arith.muli %mul3A_311, %select_n3A : i32
      %add3A_313 = arith.constant 2 : i32
      %add3A_314 = arith.addi %mul3A_312, %add3A_313 : i32
      %dma_start3A_315 = arith.constant 0 : i32
      %dma_start3A_316 = arith.constant 0 : i32
      %dma_start3A_317 = tpu.memref_slice %arg10[%dma_start3A_315, %dma_start3A_316] : memref<9x512xf32, #tpu.memory_space<vmem>> -> memref<8x512xf32, #tpu.memory_space<vmem>>
      %dma_start3A_318 = arith.constant 0 : i32
      %dma_start3A_319 = tpu.memref_slice %arg2[%add3A_314, %add3A_242, %dma_start3A_318] : memref<48x512x512xf32, #tpu.memory_space<hbm>> -> memref<1x8x512xf32, #tpu.memory_space<hbm>>
      %dma_start3A_320 = tpu.memref_squeeze %dma_start3A_319 : memref<1x8x512xf32, #tpu.memory_space<hbm>> -> memref<8x512xf32, #tpu.memory_space<hbm>>
      %dma_start3A_321 = arith.constant 0 : i32
      %dma_start3A_322 = arith.constant 0 : i32
      %dma_start3A_323 = tpu.memref_slice %arg10[%dma_start3A_321, %dma_start3A_322] : memref<9x512xf32, #tpu.memory_space<vmem>> -> memref<8x512xf32, #tpu.memory_space<vmem>>
      %dma_start3A_324 = arith.constant 0 : i32
      %dma_start3A_325 = tpu.memref_slice %arg2[%add3A_314, %add3A_242, %dma_start3A_324] : memref<48x512x512xf32, #tpu.memory_space<hbm>> -> memref<1x8x512xf32, #tpu.memory_space<hbm>>
      %dma_start3A_326 = tpu.memref_squeeze %dma_start3A_325 : memref<1x8x512xf32, #tpu.memory_space<hbm>> -> memref<8x512xf32, #tpu.memory_space<hbm>>
      tpu.enqueue_dma source(%dma_start3A_326 : memref<8x512xf32, #tpu.memory_space<hbm>>) target(%dma_start3A_323 : memref<8x512xf32, #tpu.memory_space<vmem>>) target_semaphore(%arg13 : memref<!tpu.dma_semaphore, #tpu.memory_space<semaphore_mem>>)
      %mul3A_327 = arith.constant 3 : i32
      %mul3A_328 = arith.muli %mul3A_327, %select_n3A : i32
      %add3A_329 = arith.constant 2 : i32
      %add3A_330 = arith.addi %mul3A_328, %add3A_329 : i32
      %dma_start3A_331 = arith.constant 8 : i32
      %dma_start3A_332 = arith.constant 0 : i32
      %dma_start3A_333 = tpu.memref_slice %arg10[%dma_start3A_331, %dma_start3A_332] : memref<9x512xf32, #tpu.memory_space<vmem>> -> memref<1x512xf32, #tpu.memory_space<vmem>>
      %dma_start3A_334 = arith.constant 0 : i32
      %dma_start3A_335 = tpu.memref_slice %arg2[%add3A_330, %min3A_246, %dma_start3A_334] : memref<48x512x512xf32, #tpu.memory_space<hbm>> -> memref<1x1x512xf32, #tpu.memory_space<hbm>>
      %dma_start3A_336 = tpu.memref_squeeze %dma_start3A_335 : memref<1x1x512xf32, #tpu.memory_space<hbm>> -> memref<1x512xf32, #tpu.memory_space<hbm>>
      %dma_start3A_337 = arith.constant 8 : i32
      %dma_start3A_338 = arith.constant 0 : i32
      %dma_start3A_339 = tpu.memref_slice %arg10[%dma_start3A_337, %dma_start3A_338] : memref<9x512xf32, #tpu.memory_space<vmem>> -> memref<1x512xf32, #tpu.memory_space<vmem>>
      %dma_start3A_340 = arith.constant 0 : i32
      %dma_start3A_341 = tpu.memref_slice %arg2[%add3A_330, %min3A_246, %dma_start3A_340] : memref<48x512x512xf32, #tpu.memory_space<hbm>> -> memref<1x1x512xf32, #tpu.memory_space<hbm>>
      %dma_start3A_342 = tpu.memref_squeeze %dma_start3A_341 : memref<1x1x512xf32, #tpu.memory_space<hbm>> -> memref<1x512xf32, #tpu.memory_space<hbm>>
      tpu.enqueue_dma source(%dma_start3A_342 : memref<1x512xf32, #tpu.memory_space<hbm>>) target(%dma_start3A_339 : memref<1x512xf32, #tpu.memory_space<vmem>>) target_semaphore(%arg13 : memref<!tpu.dma_semaphore, #tpu.memory_space<semaphore_mem>>)
      %dma_wait3A_343 = arith.constant 0 : i32
      %dma_wait3A_344 = arith.constant 0 : i32
      %dma_wait3A_345 = arith.constant 0 : i32
      %dma_wait3A_346 = tpu.memref_slice %arg4[%dma_wait3A_344, %dma_wait3A_345] : memref<9x512xf32, #tpu.memory_space<vmem>> -> memref<8x512xf32, #tpu.memory_space<vmem>>
      %dma_wait3A_347 = arith.constant 0 : i32
      %dma_wait3A_348 = arith.constant 0 : i32
      %dma_wait3A_349 = tpu.memref_slice %arg2[%dma_wait3A_343, %dma_wait3A_347, %dma_wait3A_348] : memref<48x512x512xf32, #tpu.memory_space<hbm>> -> memref<1x8x512xf32, #tpu.memory_space<hbm>>
      %dma_wait3A_350 = tpu.memref_squeeze %dma_wait3A_349 : memref<1x8x512xf32, #tpu.memory_space<hbm>> -> memref<8x512xf32, #tpu.memory_space<hbm>>
      %dma_wait3A_351 = arith.constant 0 : i32
      %dma_wait3A_352 = arith.constant 0 : i32
      %dma_wait3A_353 = tpu.memref_slice %arg4[%dma_wait3A_351, %dma_wait3A_352] : memref<9x512xf32, #tpu.memory_space<vmem>> -> memref<8x512xf32, #tpu.memory_space<vmem>>
      %dma_wait3A_354 = arith.constant 0 : i32
      %dma_wait3A_355 = arith.constant 0 : i32
      %dma_wait3A_356 = tpu.memref_slice %arg2[%dma_wait3A_343, %dma_wait3A_354, %dma_wait3A_355] : memref<48x512x512xf32, #tpu.memory_space<hbm>> -> memref<1x8x512xf32, #tpu.memory_space<hbm>>
      %dma_wait3A_357 = tpu.memref_squeeze %dma_wait3A_356 : memref<1x8x512xf32, #tpu.memory_space<hbm>> -> memref<8x512xf32, #tpu.memory_space<hbm>>
      tpu.wait_dma2 semaphore(%arg12 : memref<!tpu.dma_semaphore, #tpu.memory_space<semaphore_mem>>) src(%dma_wait3A_357 : memref<8x512xf32, #tpu.memory_space<hbm>>) dst(%dma_wait3A_353 : memref<8x512xf32, #tpu.memory_space<vmem>>)
      %dma_wait3A_358 = arith.constant 0 : i32
      %dma_wait3A_359 = arith.constant 8 : i32
      %dma_wait3A_360 = arith.constant 0 : i32
      %dma_wait3A_361 = tpu.memref_slice %arg4[%dma_wait3A_359, %dma_wait3A_360] : memref<9x512xf32, #tpu.memory_space<vmem>> -> memref<1x512xf32, #tpu.memory_space<vmem>>
      %dma_wait3A_362 = arith.constant 0 : i32
      %dma_wait3A_363 = arith.constant 0 : i32
      %dma_wait3A_364 = tpu.memref_slice %arg2[%dma_wait3A_358, %dma_wait3A_362, %dma_wait3A_363] : memref<48x512x512xf32, #tpu.memory_space<hbm>> -> memref<1x1x512xf32, #tpu.memory_space<hbm>>
      %dma_wait3A_365 = tpu.memref_squeeze %dma_wait3A_364 : memref<1x1x512xf32, #tpu.memory_space<hbm>> -> memref<1x512xf32, #tpu.memory_space<hbm>>
      %dma_wait3A_366 = arith.constant 8 : i32
      %dma_wait3A_367 = arith.constant 0 : i32
      %dma_wait3A_368 = tpu.memref_slice %arg4[%dma_wait3A_366, %dma_wait3A_367] : memref<9x512xf32, #tpu.memory_space<vmem>> -> memref<1x512xf32, #tpu.memory_space<vmem>>
      %dma_wait3A_369 = arith.constant 0 : i32
      %dma_wait3A_370 = arith.constant 0 : i32
      %dma_wait3A_371 = tpu.memref_slice %arg2[%dma_wait3A_358, %dma_wait3A_369, %dma_wait3A_370] : memref<48x512x512xf32, #tpu.memory_space<hbm>> -> memref<1x1x512xf32, #tpu.memory_space<hbm>>
      %dma_wait3A_372 = tpu.memref_squeeze %dma_wait3A_371 : memref<1x1x512xf32, #tpu.memory_space<hbm>> -> memref<1x512xf32, #tpu.memory_space<hbm>>
      tpu.wait_dma2 semaphore(%arg12 : memref<!tpu.dma_semaphore, #tpu.memory_space<semaphore_mem>>) src(%dma_wait3A_372 : memref<1x512xf32, #tpu.memory_space<hbm>>) dst(%dma_wait3A_368 : memref<1x512xf32, #tpu.memory_space<vmem>>)
      %dma_wait3A_373 = arith.constant 0 : i32
      %dma_wait3A_374 = arith.constant 0 : i32
      %dma_wait3A_375 = arith.constant 0 : i32
      %dma_wait3A_376 = tpu.memref_slice %arg5[%dma_wait3A_374, %dma_wait3A_375] : memref<9x512xf32, #tpu.memory_space<vmem>> -> memref<8x512xf32, #tpu.memory_space<vmem>>
      %dma_wait3A_377 = arith.constant 0 : i32
      %dma_wait3A_378 = arith.constant 0 : i32
      %dma_wait3A_379 = tpu.memref_slice %arg2[%dma_wait3A_373, %dma_wait3A_377, %dma_wait3A_378] : memref<48x512x512xf32, #tpu.memory_space<hbm>> -> memref<1x8x512xf32, #tpu.memory_space<hbm>>
      %dma_wait3A_380 = tpu.memref_squeeze %dma_wait3A_379 : memref<1x8x512xf32, #tpu.memory_space<hbm>> -> memref<8x512xf32, #tpu.memory_space<hbm>>
      %dma_wait3A_381 = arith.constant 0 : i32
      %dma_wait3A_382 = arith.constant 0 : i32
      %dma_wait3A_383 = tpu.memref_slice %arg5[%dma_wait3A_381, %dma_wait3A_382] : memref<9x512xf32, #tpu.memory_space<vmem>> -> memref<8x512xf32, #tpu.memory_space<vmem>>
      %dma_wait3A_384 = arith.constant 0 : i32
      %dma_wait3A_385 = arith.constant 0 : i32
      %dma_wait3A_386 = tpu.memref_slice %arg2[%dma_wait3A_373, %dma_wait3A_384, %dma_wait3A_385] : memref<48x512x512xf32, #tpu.memory_space<hbm>> -> memref<1x8x512xf32, #tpu.memory_space<hbm>>
      %dma_wait3A_387 = tpu.memref_squeeze %dma_wait3A_386 : memref<1x8x512xf32, #tpu.memory_space<hbm>> -> memref<8x512xf32, #tpu.memory_space<hbm>>
      tpu.wait_dma2 semaphore(%arg12 : memref<!tpu.dma_semaphore, #tpu.memory_space<semaphore_mem>>) src(%dma_wait3A_387 : memref<8x512xf32, #tpu.memory_space<hbm>>) dst(%dma_wait3A_383 : memref<8x512xf32, #tpu.memory_space<vmem>>)
      %dma_wait3A_388 = arith.constant 0 : i32
      %dma_wait3A_389 = arith.constant 8 : i32
      %dma_wait3A_390 = arith.constant 0 : i32
      %dma_wait3A_391 = tpu.memref_slice %arg5[%dma_wait3A_389, %dma_wait3A_390] : memref<9x512xf32, #tpu.memory_space<vmem>> -> memref<1x512xf32, #tpu.memory_space<vmem>>
      %dma_wait3A_392 = arith.constant 0 : i32
      %dma_wait3A_393 = arith.constant 0 : i32
      %dma_wait3A_394 = tpu.memref_slice %arg2[%dma_wait3A_388, %dma_wait3A_392, %dma_wait3A_393] : memref<48x512x512xf32, #tpu.memory_space<hbm>> -> memref<1x1x512xf32, #tpu.memory_space<hbm>>
      %dma_wait3A_395 = tpu.memref_squeeze %dma_wait3A_394 : memref<1x1x512xf32, #tpu.memory_space<hbm>> -> memref<1x512xf32, #tpu.memory_space<hbm>>
      %dma_wait3A_396 = arith.constant 8 : i32
      %dma_wait3A_397 = arith.constant 0 : i32
      %dma_wait3A_398 = tpu.memref_slice %arg5[%dma_wait3A_396, %dma_wait3A_397] : memref<9x512xf32, #tpu.memory_space<vmem>> -> memref<1x512xf32, #tpu.memory_space<vmem>>
      %dma_wait3A_399 = arith.constant 0 : i32
      %dma_wait3A_400 = arith.constant 0 : i32
      %dma_wait3A_401 = tpu.memref_slice %arg2[%dma_wait3A_388, %dma_wait3A_399, %dma_wait3A_400] : memref<48x512x512xf32, #tpu.memory_space<hbm>> -> memref<1x1x512xf32, #tpu.memory_space<hbm>>
      %dma_wait3A_402 = tpu.memref_squeeze %dma_wait3A_401 : memref<1x1x512xf32, #tpu.memory_space<hbm>> -> memref<1x512xf32, #tpu.memory_space<hbm>>
      tpu.wait_dma2 semaphore(%arg12 : memref<!tpu.dma_semaphore, #tpu.memory_space<semaphore_mem>>) src(%dma_wait3A_402 : memref<1x512xf32, #tpu.memory_space<hbm>>) dst(%dma_wait3A_398 : memref<1x512xf32, #tpu.memory_space<vmem>>)
      %dma_wait3A_403 = arith.constant 0 : i32
      %dma_wait3A_404 = arith.constant 0 : i32
      %dma_wait3A_405 = arith.constant 0 : i32
      %dma_wait3A_406 = tpu.memref_slice %arg6[%dma_wait3A_404, %dma_wait3A_405] : memref<9x512xf32, #tpu.memory_space<vmem>> -> memref<8x512xf32, #tpu.memory_space<vmem>>
      %dma_wait3A_407 = arith.constant 0 : i32
      %dma_wait3A_408 = arith.constant 0 : i32
      %dma_wait3A_409 = tpu.memref_slice %arg2[%dma_wait3A_403, %dma_wait3A_407, %dma_wait3A_408] : memref<48x512x512xf32, #tpu.memory_space<hbm>> -> memref<1x8x512xf32, #tpu.memory_space<hbm>>
      %dma_wait3A_410 = tpu.memref_squeeze %dma_wait3A_409 : memref<1x8x512xf32, #tpu.memory_space<hbm>> -> memref<8x512xf32, #tpu.memory_space<hbm>>
      %dma_wait3A_411 = arith.constant 0 : i32
      %dma_wait3A_412 = arith.constant 0 : i32
      %dma_wait3A_413 = tpu.memref_slice %arg6[%dma_wait3A_411, %dma_wait3A_412] : memref<9x512xf32, #tpu.memory_space<vmem>> -> memref<8x512xf32, #tpu.memory_space<vmem>>
      %dma_wait3A_414 = arith.constant 0 : i32
      %dma_wait3A_415 = arith.constant 0 : i32
      %dma_wait3A_416 = tpu.memref_slice %arg2[%dma_wait3A_403, %dma_wait3A_414, %dma_wait3A_415] : memref<48x512x512xf32, #tpu.memory_space<hbm>> -> memref<1x8x512xf32, #tpu.memory_space<hbm>>
      %dma_wait3A_417 = tpu.memref_squeeze %dma_wait3A_416 : memref<1x8x512xf32, #tpu.memory_space<hbm>> -> memref<8x512xf32, #tpu.memory_space<hbm>>
      tpu.wait_dma2 semaphore(%arg12 : memref<!tpu.dma_semaphore, #tpu.memory_space<semaphore_mem>>) src(%dma_wait3A_417 : memref<8x512xf32, #tpu.memory_space<hbm>>) dst(%dma_wait3A_413 : memref<8x512xf32, #tpu.memory_space<vmem>>)
      %dma_wait3A_418 = arith.constant 0 : i32
      %dma_wait3A_419 = arith.constant 8 : i32
      %dma_wait3A_420 = arith.constant 0 : i32
      %dma_wait3A_421 = tpu.memref_slice %arg6[%dma_wait3A_419, %dma_wait3A_420] : memref<9x512xf32, #tpu.memory_space<vmem>> -> memref<1x512xf32, #tpu.memory_space<vmem>>
      %dma_wait3A_422 = arith.constant 0 : i32
      %dma_wait3A_423 = arith.constant 0 : i32
      %dma_wait3A_424 = tpu.memref_slice %arg2[%dma_wait3A_418, %dma_wait3A_422, %dma_wait3A_423] : memref<48x512x512xf32, #tpu.memory_space<hbm>> -> memref<1x1x512xf32, #tpu.memory_space<hbm>>
      %dma_wait3A_425 = tpu.memref_squeeze %dma_wait3A_424 : memref<1x1x512xf32, #tpu.memory_space<hbm>> -> memref<1x512xf32, #tpu.memory_space<hbm>>
      %dma_wait3A_426 = arith.constant 8 : i32
      %dma_wait3A_427 = arith.constant 0 : i32
      %dma_wait3A_428 = tpu.memref_slice %arg6[%dma_wait3A_426, %dma_wait3A_427] : memref<9x512xf32, #tpu.memory_space<vmem>> -> memref<1x512xf32, #tpu.memory_space<vmem>>
      %dma_wait3A_429 = arith.constant 0 : i32
      %dma_wait3A_430 = arith.constant 0 : i32
      %dma_wait3A_431 = tpu.memref_slice %arg2[%dma_wait3A_418, %dma_wait3A_429, %dma_wait3A_430] : memref<48x512x512xf32, #tpu.memory_space<hbm>> -> memref<1x1x512xf32, #tpu.memory_space<hbm>>
      %dma_wait3A_432 = tpu.memref_squeeze %dma_wait3A_431 : memref<1x1x512xf32, #tpu.memory_space<hbm>> -> memref<1x512xf32, #tpu.memory_space<hbm>>
      tpu.wait_dma2 semaphore(%arg12 : memref<!tpu.dma_semaphore, #tpu.memory_space<semaphore_mem>>) src(%dma_wait3A_432 : memref<1x512xf32, #tpu.memory_space<hbm>>) dst(%dma_wait3A_428 : memref<1x512xf32, #tpu.memory_space<vmem>>)
      %mul3A_433 = arith.constant 2 : i32
      %mul3A_434 = arith.muli %mul3A_433, %scan3A_231 : i32
      %scan3A_435 = arith.constant 0 : i32
      %scan3A_436 = arith.constant 0 : i32
      %scan3A_437 = arith.constant 256 : i32
      %scan3A_438 = arith.addi %scan3A_436, %scan3A_437 : i32
      %scan3A_439 = arith.constant 1 : i32
      scf.for %scan3A_760 = %scan3A_436 to %scan3A_438 step %scan3A_439  : i32 {
        %jit3A_761 = arith.constant 32 : i32
        %div3A_762 = arith.divsi %scan3A_760, %jit3A_761 : i32
        %sign3A_763 = arith.constant 0 : i32
        %sign3A_764 = arith.cmpi sgt, %scan3A_760, %sign3A_763 : i32
        %sign3A_765 = arith.extui %sign3A_764 : i1 to i32
        %sign3A_766 = arith.constant 0 : i32
        %sign3A_767 = arith.cmpi slt, %scan3A_760, %sign3A_766 : i32
        %sign3A_768 = arith.extui %sign3A_767 : i1 to i32
        %sign3A_769 = arith.subi %sign3A_765, %sign3A_768 : i32
        %sign3A_770 = arith.constant 0 : i32
        %sign3A_771 = arith.cmpi sgt, %jit3A_761, %sign3A_770 : i32
        %sign3A_772 = arith.extui %sign3A_771 : i1 to i32
        %sign3A_773 = arith.constant 0 : i32
        %sign3A_774 = arith.cmpi slt, %jit3A_761, %sign3A_773 : i32
        %sign3A_775 = arith.extui %sign3A_774 : i1 to i32
        %sign3A_776 = arith.subi %sign3A_772, %sign3A_775 : i32
        %ne3A_777 = arith.cmpi ne, %sign3A_769, %sign3A_776 : i32
        %rem3A_778 = arith.remsi %scan3A_760, %jit3A_761 : i32
        %ne3A_779 = arith.constant 0 : i32
        %ne3A_780 = arith.cmpi ne, %rem3A_778, %ne3A_779 : i32
        %and3A_781 = arith.andi %ne3A_777, %ne3A_780 : i1
        %sub3A_782 = arith.constant 1 : i32
        %sub3A_783 = arith.subi %div3A_762, %sub3A_782 : i32
        %select_n3A_784 = arith.select %and3A_781, %sub3A_783, %div3A_762 : i32
        %jit3A_785 = arith.constant 32 : i32
        %eq3A_786 = arith.constant 0 : i32
        %eq3A_787 = arith.cmpi eq, %jit3A_785, %eq3A_786 : i32
        %jit3A_788 = arith.constant 1 : i32
        %select_n3A_789 = arith.select %eq3A_787, %jit3A_788, %jit3A_785 : i32
        %rem3A_790 = arith.remsi %scan3A_760, %select_n3A_789 : i32
        %ne3A_791 = arith.constant 0 : i32
        %ne3A_792 = arith.cmpi ne, %rem3A_790, %ne3A_791 : i32
        %lt3A_793 = arith.constant 0 : i32
        %lt3A_794 = arith.cmpi slt, %rem3A_790, %lt3A_793 : i32
        %lt3A_795 = arith.constant 0 : i32
        %lt3A_796 = arith.cmpi slt, %select_n3A_789, %lt3A_795 : i32
        %ne3A_797 = arith.xori %lt3A_794, %lt3A_796 : i1
        %and3A_798 = arith.andi %ne3A_797, %ne3A_792 : i1
        %add3A_799 = arith.addi %rem3A_790, %select_n3A_789 : i32
        %select_n3A_800 = arith.select %and3A_798, %add3A_799, %rem3A_790 : i32
        %mul3A_801 = arith.constant 16 : i32
        %mul3A_802 = arith.muli %select_n3A_800, %mul3A_801 : i32
        %iota3A_803 = tpu.iota {dimensions = array<i32: 0>} : vector<16xi32>
        %add3A_804 = vector.broadcast %mul3A_802 : i32 to vector<16xi32>
        %add3A_805 = arith.addi %add3A_804, %iota3A_803 : vector<16xi32>
        %mul3A_806 = arith.constant 256 : i32
        %mul3A_807 = arith.muli %select_n3A_784, %mul3A_806 : i32
        %shift_right_arithmetic3A = arith.constant 1 : i32
        %shift_right_arithmetic3A_808 = vector.broadcast %shift_right_arithmetic3A : i32 to vector<16xi32>
        %shift_right_arithmetic3A_809 = arith.shrsi %add3A_805, %shift_right_arithmetic3A_808 : vector<16xi32>
        %add3A_810 = vector.broadcast %mul3A_807 : i32 to vector<16xi32>
        %add3A_811 = arith.addi %add3A_810, %shift_right_arithmetic3A_809 : vector<16xi32>
        %and3A_812 = arith.constant 1 : i32
        %and3A_813 = vector.broadcast %and3A_812 : i32 to vector<16xi32>
        %and3A_814 = arith.andi %add3A_805, %and3A_813 : vector<16xi32>
        %shift_left3A_815 = arith.constant 2 : i32
        %shift_left3A_816 = vector.broadcast %shift_left3A_815 : i32 to vector<16xi32>
        %shift_left3A_817 = arith.shli %and3A_814, %shift_left3A_816 : vector<16xi32>
        %ge3A = arith.constant 1 : i32
        %ge3A_818 = vector.broadcast %ge3A : i32 to vector<16xi32>
        %ge3A_819 = arith.cmpi sge, %add3A_811, %ge3A_818 : vector<16xi32>
        %get3A_820 = arith.index_cast %select_n3A_784 : i32 to index
        %get3A_821 = arith.index_cast %mul3A_802 : i32 to index
        %get3A_822 = tpu.vector_load %arg4[%get3A_820, %get3A_821] {strides = array<i32>} : memref<9x512xf32, #tpu.memory_space<vmem>>, vector<16xf32>,
        %add3A_823 = arith.constant 0 : i32
        %add3A_824 = vector.broadcast %add3A_823 : i32 to vector<16xi32>
        %add3A_825 = arith.addi %shift_left3A_817, %add3A_824 : vector<16xi32>
        tpu.vector_store_idx %arg7[%add3A_811, %add3A_825], %get3A_822 : memref<2048x16xf32, #tpu.memory_space<vmem>>[vector<16xi32>, vector<16xi32>], vector<16xf32>,
        %sub3A_826 = arith.constant 1 : i32
        %sub3A_827 = vector.broadcast %sub3A_826 : i32 to vector<16xi32>
        %sub3A_828 = arith.subi %add3A_811, %sub3A_827 : vector<16xi32>
        %add3A_829 = arith.constant 0 : i32
        %add3A_830 = vector.broadcast %add3A_829 : i32 to vector<16xi32>
        %add3A_831 = arith.addi %shift_left3A_817, %add3A_830 : vector<16xi32>
        %add3A_832 = arith.constant 8 : i32
        %add3A_833 = vector.broadcast %add3A_832 : i32 to vector<16xi32>
        %add3A_834 = arith.addi %add3A_831, %add3A_833 : vector<16xi32>
        tpu.vector_store_idx %arg7[%sub3A_828, %add3A_834], %get3A_822 masked %ge3A_819 : memref<2048x16xf32, #tpu.memory_space<vmem>>[vector<16xi32>, vector<16xi32>], vector<16xf32>, vector<16xi1>
        %get3A_835 = arith.index_cast %select_n3A_784 : i32 to index
        %get3A_836 = arith.index_cast %mul3A_802 : i32 to index
        %get3A_837 = tpu.vector_load %arg5[%get3A_835, %get3A_836] {strides = array<i32>} : memref<9x512xf32, #tpu.memory_space<vmem>>, vector<16xf32>,
        %add3A_838 = arith.constant 1 : i32
        %add3A_839 = vector.broadcast %add3A_838 : i32 to vector<16xi32>
        %add3A_840 = arith.addi %shift_left3A_817, %add3A_839 : vector<16xi32>
        tpu.vector_store_idx %arg7[%add3A_811, %add3A_840], %get3A_837 : memref<2048x16xf32, #tpu.memory_space<vmem>>[vector<16xi32>, vector<16xi32>], vector<16xf32>,
        %sub3A_841 = arith.constant 1 : i32
        %sub3A_842 = vector.broadcast %sub3A_841 : i32 to vector<16xi32>
        %sub3A_843 = arith.subi %add3A_811, %sub3A_842 : vector<16xi32>
        %add3A_844 = arith.constant 1 : i32
        %add3A_845 = vector.broadcast %add3A_844 : i32 to vector<16xi32>
        %add3A_846 = arith.addi %shift_left3A_817, %add3A_845 : vector<16xi32>
        %add3A_847 = arith.constant 8 : i32
        %add3A_848 = vector.broadcast %add3A_847 : i32 to vector<16xi32>
        %add3A_849 = arith.addi %add3A_846, %add3A_848 : vector<16xi32>
        tpu.vector_store_idx %arg7[%sub3A_843, %add3A_849], %get3A_837 masked %ge3A_819 : memref<2048x16xf32, #tpu.memory_space<vmem>>[vector<16xi32>, vector<16xi32>], vector<16xf32>, vector<16xi1>
        %get3A_850 = arith.index_cast %select_n3A_784 : i32 to index
        %get3A_851 = arith.index_cast %mul3A_802 : i32 to index
        %get3A_852 = tpu.vector_load %arg6[%get3A_850, %get3A_851] {strides = array<i32>} : memref<9x512xf32, #tpu.memory_space<vmem>>, vector<16xf32>,
        %add3A_853 = arith.constant 2 : i32
        %add3A_854 = vector.broadcast %add3A_853 : i32 to vector<16xi32>
        %add3A_855 = arith.addi %shift_left3A_817, %add3A_854 : vector<16xi32>
        tpu.vector_store_idx %arg7[%add3A_811, %add3A_855], %get3A_852 : memref<2048x16xf32, #tpu.memory_space<vmem>>[vector<16xi32>, vector<16xi32>], vector<16xf32>,
        %sub3A_856 = arith.constant 1 : i32
        %sub3A_857 = vector.broadcast %sub3A_856 : i32 to vector<16xi32>
        %sub3A_858 = arith.subi %add3A_811, %sub3A_857 : vector<16xi32>
        %add3A_859 = arith.constant 2 : i32
        %add3A_860 = vector.broadcast %add3A_859 : i32 to vector<16xi32>
        %add3A_861 = arith.addi %shift_left3A_817, %add3A_860 : vector<16xi32>
        %add3A_862 = arith.constant 8 : i32
        %add3A_863 = vector.broadcast %add3A_862 : i32 to vector<16xi32>
        %add3A_864 = arith.addi %add3A_861, %add3A_863 : vector<16xi32>
        tpu.vector_store_idx %arg7[%sub3A_858, %add3A_864], %get3A_852 masked %ge3A_819 : memref<2048x16xf32, #tpu.memory_space<vmem>>[vector<16xi32>, vector<16xi32>], vector<16xf32>, vector<16xi1>
      }
      %scan3A_440 = arith.constant 256 : i32
      %iota3A = tpu.iota {dimensions = array<i32: 0>} : vector<16xi32>
      %lt3A_441 = arith.constant 2 : i32
      %lt3A_442 = vector.broadcast %lt3A_441 : i32 to vector<16xi32>
      %lt3A_443 = arith.cmpi slt, %iota3A, %lt3A_442 : vector<16xi32>
      %broadcast_in_dim3A = arith.constant 2047 : i32
      %broadcast_in_dim3A_444 = vector.broadcast %broadcast_in_dim3A : i32 to vector<16xi32>
      %and3A_445 = arith.constant 1 : i32
      %and3A_446 = vector.broadcast %and3A_445 : i32 to vector<16xi32>
      %and3A_447 = arith.andi %iota3A, %and3A_446 : vector<16xi32>
      %shift_left3A = arith.constant 2 : i32
      %shift_left3A_448 = vector.broadcast %shift_left3A : i32 to vector<16xi32>
      %shift_left3A_449 = arith.shli %and3A_447, %shift_left3A_448 : vector<16xi32>
      %add3A_450 = arith.constant 8 : i32
      %add3A_451 = vector.broadcast %add3A_450 : i32 to vector<16xi32>
      %add3A_452 = arith.addi %shift_left3A_449, %add3A_451 : vector<16xi32>
      %add3A_453 = arith.constant 0 : i32
      %add3A_454 = vector.broadcast %add3A_453 : i32 to vector<16xi32>
      %add3A_455 = arith.addi %add3A_452, %add3A_454 : vector<16xi32>
      %get3A = arith.constant 8 : i32
      %get3A_456 = arith.index_cast %get3A : i32 to index
      %get3A_457 = arith.constant 0 : index
      %get3A_458 = tpu.vector_load %arg4[%get3A_456, %get3A_457] {strides = array<i32>} : memref<9x512xf32, #tpu.memory_space<vmem>>, vector<16xf32>,
      tpu.vector_store_idx %arg7[%broadcast_in_dim3A_444, %add3A_455], %get3A_458 masked %lt3A_443 : memref<2048x16xf32, #tpu.memory_space<vmem>>[vector<16xi32>, vector<16xi32>], vector<16xf32>, vector<16xi1>
      %add3A_459 = arith.constant 1 : i32
      %add3A_460 = vector.broadcast %add3A_459 : i32 to vector<16xi32>
      %add3A_461 = arith.addi %add3A_452, %add3A_460 : vector<16xi32>
      %get3A_462 = arith.constant 8 : i32
      %get3A_463 = arith.index_cast %get3A_462 : i32 to index
      %get3A_464 = arith.constant 0 : index
      %get3A_465 = tpu.vector_load %arg5[%get3A_463, %get3A_464] {strides = array<i32>} : memref<9x512xf32, #tpu.memory_space<vmem>>, vector<16xf32>,
      tpu.vector_store_idx %arg7[%broadcast_in_dim3A_444, %add3A_461], %get3A_465 masked %lt3A_443 : memref<2048x16xf32, #tpu.memory_space<vmem>>[vector<16xi32>, vector<16xi32>], vector<16xf32>, vector<16xi1>
      %add3A_466 = arith.constant 2 : i32
      %add3A_467 = vector.broadcast %add3A_466 : i32 to vector<16xi32>
      %add3A_468 = arith.addi %add3A_452, %add3A_467 : vector<16xi32>
      %get3A_469 = arith.constant 8 : i32
      %get3A_470 = arith.index_cast %get3A_469 : i32 to index
      %get3A_471 = arith.constant 0 : index
      %get3A_472 = tpu.vector_load %arg6[%get3A_470, %get3A_471] {strides = array<i32>} : memref<9x512xf32, #tpu.memory_space<vmem>>, vector<16xf32>,
      tpu.vector_store_idx %arg7[%broadcast_in_dim3A_444, %add3A_468], %get3A_472 masked %lt3A_443 : memref<2048x16xf32, #tpu.memory_space<vmem>>[vector<16xi32>, vector<16xi32>], vector<16xf32>, vector<16xi1>
      %mul3A_473 = arith.constant 256 : i32
      %mul3A_474 = arith.muli %select_n3A_30, %mul3A_473 : i32
      %mul3A_475 = arith.constant 8 : i32
      %mul3A_476 = arith.muli %mul3A_434, %mul3A_475 : i32
      %add3A_477 = arith.addi %mul3A_474, %mul3A_476 : i32
      %mul3A_478 = arith.constant 512 : i32
      %mul3A_479 = arith.muli %select_n3A, %mul3A_478 : i32
      %add3A_480 = arith.addi %mul3A_479, %add3A_477 : i32
      %mul3A_481 = arith.constant 256 : i32
      %mul3A_482 = arith.muli %add3A_480, %mul3A_481 : i32
      %dma_start3A_483 = arith.constant 0 : i32
      %dma_start3A_484 = tpu.memref_slice %arg3[%mul3A_482, %dma_start3A_483] : memref<2097160x16xf32, #tpu.memory_space<hbm>> -> memref<2048x16xf32, #tpu.memory_space<hbm>>
      %dma_start3A_485 = arith.constant 0 : i32
      %dma_start3A_486 = tpu.memref_slice %arg3[%mul3A_482, %dma_start3A_485] : memref<2097160x16xf32, #tpu.memory_space<hbm>> -> memref<2048x16xf32, #tpu.memory_space<hbm>>
      tpu.enqueue_dma source(%arg7 : memref<2048x16xf32, #tpu.memory_space<vmem>>) target(%dma_start3A_486 : memref<2048x16xf32, #tpu.memory_space<hbm>>) target_semaphore(%arg14 : memref<!tpu.dma_semaphore, #tpu.memory_space<semaphore_mem>>)
      %mul3A_487 = arith.constant 2 : i32
      %mul3A_488 = arith.muli %mul3A_487, %scan3A_231 : i32
      %add3A_489 = arith.constant 2 : i32
      %add3A_490 = arith.addi %mul3A_488, %add3A_489 : i32
      %mul3A_491 = arith.constant 256 : i32
      %mul3A_492 = arith.muli %select_n3A_30, %mul3A_491 : i32
      %rem3A_493 = arith.constant 32 : i32
      %rem3A_494 = arith.remsi %add3A_490, %rem3A_493 : i32
      %mul3A_495 = arith.constant 8 : i32
      %mul3A_496 = arith.muli %rem3A_494, %mul3A_495 : i32
      %add3A_497 = arith.addi %mul3A_492, %mul3A_496 : i32
      %add3A_498 = arith.constant 8 : i32
      %add3A_499 = arith.addi %add3A_497, %add3A_498 : i32
      %min3A_500 = arith.constant 511 : i32
      %min3A_501 = arith.minsi %add3A_499, %min3A_500 : i32
      %mul3A_502 = arith.constant 3 : i32
      %mul3A_503 = arith.muli %mul3A_502, %select_n3A : i32
      %add3A_504 = arith.constant 0 : i32
      %add3A_505 = arith.addi %mul3A_503, %add3A_504 : i32
      %dma_start3A_506 = arith.constant 0 : i32
      %dma_start3A_507 = arith.constant 0 : i32
      %dma_start3A_508 = tpu.memref_slice %arg4[%dma_start3A_506, %dma_start3A_507] : memref<9x512xf32, #tpu.memory_space<vmem>> -> memref<8x512xf32, #tpu.memory_space<vmem>>
      %dma_start3A_509 = arith.constant 0 : i32
      %dma_start3A_510 = tpu.memref_slice %arg2[%add3A_505, %add3A_497, %dma_start3A_509] : memref<48x512x512xf32, #tpu.memory_space<hbm>> -> memref<1x8x512xf32, #tpu.memory_space<hbm>>
      %dma_start3A_511 = tpu.memref_squeeze %dma_start3A_510 : memref<1x8x512xf32, #tpu.memory_space<hbm>> -> memref<8x512xf32, #tpu.memory_space<hbm>>
      %dma_start3A_512 = arith.constant 0 : i32
      %dma_start3A_513 = arith.constant 0 : i32
      %dma_start3A_514 = tpu.memref_slice %arg4[%dma_start3A_512, %dma_start3A_513] : memref<9x512xf32, #tpu.memory_space<vmem>> -> memref<8x512xf32, #tpu.memory_space<vmem>>
      %dma_start3A_515 = arith.constant 0 : i32
      %dma_start3A_516 = tpu.memref_slice %arg2[%add3A_505, %add3A_497, %dma_start3A_515] : memref<48x512x512xf32, #tpu.memory_space<hbm>> -> memref<1x8x512xf32, #tpu.memory_space<hbm>>
      %dma_start3A_517 = tpu.memref_squeeze %dma_start3A_516 : memref<1x8x512xf32, #tpu.memory_space<hbm>> -> memref<8x512xf32, #tpu.memory_space<hbm>>
      tpu.enqueue_dma source(%dma_start3A_517 : memref<8x512xf32, #tpu.memory_space<hbm>>) target(%dma_start3A_514 : memref<8x512xf32, #tpu.memory_space<vmem>>) target_semaphore(%arg12 : memref<!tpu.dma_semaphore, #tpu.memory_space<semaphore_mem>>)
      %mul3A_518 = arith.constant 3 : i32
      %mul3A_519 = arith.muli %mul3A_518, %select_n3A : i32
      %add3A_520 = arith.constant 0 : i32
      %add3A_521 = arith.addi %mul3A_519, %add3A_520 : i32
      %dma_start3A_522 = arith.constant 8 : i32
      %dma_start3A_523 = arith.constant 0 : i32
      %dma_start3A_524 = tpu.memref_slice %arg4[%dma_start3A_522, %dma_start3A_523] : memref<9x512xf32, #tpu.memory_space<vmem>> -> memref<1x512xf32, #tpu.memory_space<vmem>>
      %dma_start3A_525 = arith.constant 0 : i32
      %dma_start3A_526 = tpu.memref_slice %arg2[%add3A_521, %min3A_501, %dma_start3A_525] : memref<48x512x512xf32, #tpu.memory_space<hbm>> -> memref<1x1x512xf32, #tpu.memory_space<hbm>>
      %dma_start3A_527 = tpu.memref_squeeze %dma_start3A_526 : memref<1x1x512xf32, #tpu.memory_space<hbm>> -> memref<1x512xf32, #tpu.memory_space<hbm>>
      %dma_start3A_528 = arith.constant 8 : i32
      %dma_start3A_529 = arith.constant 0 : i32
      %dma_start3A_530 = tpu.memref_slice %arg4[%dma_start3A_528, %dma_start3A_529] : memref<9x512xf32, #tpu.memory_space<vmem>> -> memref<1x512xf32, #tpu.memory_space<vmem>>
      %dma_start3A_531 = arith.constant 0 : i32
      %dma_start3A_532 = tpu.memref_slice %arg2[%add3A_521, %min3A_501, %dma_start3A_531] : memref<48x512x512xf32, #tpu.memory_space<hbm>> -> memref<1x1x512xf32, #tpu.memory_space<hbm>>
      %dma_start3A_533 = tpu.memref_squeeze %dma_start3A_532 : memref<1x1x512xf32, #tpu.memory_space<hbm>> -> memref<1x512xf32, #tpu.memory_space<hbm>>
      tpu.enqueue_dma source(%dma_start3A_533 : memref<1x512xf32, #tpu.memory_space<hbm>>) target(%dma_start3A_530 : memref<1x512xf32, #tpu.memory_space<vmem>>) target_semaphore(%arg12 : memref<!tpu.dma_semaphore, #tpu.memory_space<semaphore_mem>>)
      %mul3A_534 = arith.constant 3 : i32
      %mul3A_535 = arith.muli %mul3A_534, %select_n3A : i32
      %add3A_536 = arith.constant 1 : i32
      %add3A_537 = arith.addi %mul3A_535, %add3A_536 : i32
      %dma_start3A_538 = arith.constant 0 : i32
      %dma_start3A_539 = arith.constant 0 : i32
      %dma_start3A_540 = tpu.memref_slice %arg5[%dma_start3A_538, %dma_start3A_539] : memref<9x512xf32, #tpu.memory_space<vmem>> -> memref<8x512xf32, #tpu.memory_space<vmem>>
      %dma_start3A_541 = arith.constant 0 : i32
      %dma_start3A_542 = tpu.memref_slice %arg2[%add3A_537, %add3A_497, %dma_start3A_541] : memref<48x512x512xf32, #tpu.memory_space<hbm>> -> memref<1x8x512xf32, #tpu.memory_space<hbm>>
      %dma_start3A_543 = tpu.memref_squeeze %dma_start3A_542 : memref<1x8x512xf32, #tpu.memory_space<hbm>> -> memref<8x512xf32, #tpu.memory_space<hbm>>
      %dma_start3A_544 = arith.constant 0 : i32
      %dma_start3A_545 = arith.constant 0 : i32
      %dma_start3A_546 = tpu.memref_slice %arg5[%dma_start3A_544, %dma_start3A_545] : memref<9x512xf32, #tpu.memory_space<vmem>> -> memref<8x512xf32, #tpu.memory_space<vmem>>
      %dma_start3A_547 = arith.constant 0 : i32
      %dma_start3A_548 = tpu.memref_slice %arg2[%add3A_537, %add3A_497, %dma_start3A_547] : memref<48x512x512xf32, #tpu.memory_space<hbm>> -> memref<1x8x512xf32, #tpu.memory_space<hbm>>
      %dma_start3A_549 = tpu.memref_squeeze %dma_start3A_548 : memref<1x8x512xf32, #tpu.memory_space<hbm>> -> memref<8x512xf32, #tpu.memory_space<hbm>>
      tpu.enqueue_dma source(%dma_start3A_549 : memref<8x512xf32, #tpu.memory_space<hbm>>) target(%dma_start3A_546 : memref<8x512xf32, #tpu.memory_space<vmem>>) target_semaphore(%arg12 : memref<!tpu.dma_semaphore, #tpu.memory_space<semaphore_mem>>)
      %mul3A_550 = arith.constant 3 : i32
      %mul3A_551 = arith.muli %mul3A_550, %select_n3A : i32
      %add3A_552 = arith.constant 1 : i32
      %add3A_553 = arith.addi %mul3A_551, %add3A_552 : i32
      %dma_start3A_554 = arith.constant 8 : i32
      %dma_start3A_555 = arith.constant 0 : i32
      %dma_start3A_556 = tpu.memref_slice %arg5[%dma_start3A_554, %dma_start3A_555] : memref<9x512xf32, #tpu.memory_space<vmem>> -> memref<1x512xf32, #tpu.memory_space<vmem>>
      %dma_start3A_557 = arith.constant 0 : i32
      %dma_start3A_558 = tpu.memref_slice %arg2[%add3A_553, %min3A_501, %dma_start3A_557] : memref<48x512x512xf32, #tpu.memory_space<hbm>> -> memref<1x1x512xf32, #tpu.memory_space<hbm>>
      %dma_start3A_559 = tpu.memref_squeeze %dma_start3A_558 : memref<1x1x512xf32, #tpu.memory_space<hbm>> -> memref<1x512xf32, #tpu.memory_space<hbm>>
      %dma_start3A_560 = arith.constant 8 : i32
      %dma_start3A_561 = arith.constant 0 : i32
      %dma_start3A_562 = tpu.memref_slice %arg5[%dma_start3A_560, %dma_start3A_561] : memref<9x512xf32, #tpu.memory_space<vmem>> -> memref<1x512xf32, #tpu.memory_space<vmem>>
      %dma_start3A_563 = arith.constant 0 : i32
      %dma_start3A_564 = tpu.memref_slice %arg2[%add3A_553, %min3A_501, %dma_start3A_563] : memref<48x512x512xf32, #tpu.memory_space<hbm>> -> memref<1x1x512xf32, #tpu.memory_space<hbm>>
      %dma_start3A_565 = tpu.memref_squeeze %dma_start3A_564 : memref<1x1x512xf32, #tpu.memory_space<hbm>> -> memref<1x512xf32, #tpu.memory_space<hbm>>
      tpu.enqueue_dma source(%dma_start3A_565 : memref<1x512xf32, #tpu.memory_space<hbm>>) target(%dma_start3A_562 : memref<1x512xf32, #tpu.memory_space<vmem>>) target_semaphore(%arg12 : memref<!tpu.dma_semaphore, #tpu.memory_space<semaphore_mem>>)
      %mul3A_566 = arith.constant 3 : i32
      %mul3A_567 = arith.muli %mul3A_566, %select_n3A : i32
      %add3A_568 = arith.constant 2 : i32
      %add3A_569 = arith.addi %mul3A_567, %add3A_568 : i32
      %dma_start3A_570 = arith.constant 0 : i32
      %dma_start3A_571 = arith.constant 0 : i32
      %dma_start3A_572 = tpu.memref_slice %arg6[%dma_start3A_570, %dma_start3A_571] : memref<9x512xf32, #tpu.memory_space<vmem>> -> memref<8x512xf32, #tpu.memory_space<vmem>>
      %dma_start3A_573 = arith.constant 0 : i32
      %dma_start3A_574 = tpu.memref_slice %arg2[%add3A_569, %add3A_497, %dma_start3A_573] : memref<48x512x512xf32, #tpu.memory_space<hbm>> -> memref<1x8x512xf32, #tpu.memory_space<hbm>>
      %dma_start3A_575 = tpu.memref_squeeze %dma_start3A_574 : memref<1x8x512xf32, #tpu.memory_space<hbm>> -> memref<8x512xf32, #tpu.memory_space<hbm>>
      %dma_start3A_576 = arith.constant 0 : i32
      %dma_start3A_577 = arith.constant 0 : i32
      %dma_start3A_578 = tpu.memref_slice %arg6[%dma_start3A_576, %dma_start3A_577] : memref<9x512xf32, #tpu.memory_space<vmem>> -> memref<8x512xf32, #tpu.memory_space<vmem>>
      %dma_start3A_579 = arith.constant 0 : i32
      %dma_start3A_580 = tpu.memref_slice %arg2[%add3A_569, %add3A_497, %dma_start3A_579] : memref<48x512x512xf32, #tpu.memory_space<hbm>> -> memref<1x8x512xf32, #tpu.memory_space<hbm>>
      %dma_start3A_581 = tpu.memref_squeeze %dma_start3A_580 : memref<1x8x512xf32, #tpu.memory_space<hbm>> -> memref<8x512xf32, #tpu.memory_space<hbm>>
      tpu.enqueue_dma source(%dma_start3A_581 : memref<8x512xf32, #tpu.memory_space<hbm>>) target(%dma_start3A_578 : memref<8x512xf32, #tpu.memory_space<vmem>>) target_semaphore(%arg12 : memref<!tpu.dma_semaphore, #tpu.memory_space<semaphore_mem>>)
      %mul3A_582 = arith.constant 3 : i32
      %mul3A_583 = arith.muli %mul3A_582, %select_n3A : i32
      %add3A_584 = arith.constant 2 : i32
      %add3A_585 = arith.addi %mul3A_583, %add3A_584 : i32
      %dma_start3A_586 = arith.constant 8 : i32
      %dma_start3A_587 = arith.constant 0 : i32
      %dma_start3A_588 = tpu.memref_slice %arg6[%dma_start3A_586, %dma_start3A_587] : memref<9x512xf32, #tpu.memory_space<vmem>> -> memref<1x512xf32, #tpu.memory_space<vmem>>
      %dma_start3A_589 = arith.constant 0 : i32
      %dma_start3A_590 = tpu.memref_slice %arg2[%add3A_585, %min3A_501, %dma_start3A_589] : memref<48x512x512xf32, #tpu.memory_space<hbm>> -> memref<1x1x512xf32, #tpu.memory_space<hbm>>
      %dma_start3A_591 = tpu.memref_squeeze %dma_start3A_590 : memref<1x1x512xf32, #tpu.memory_space<hbm>> -> memref<1x512xf32, #tpu.memory_space<hbm>>
      %dma_start3A_592 = arith.constant 8 : i32
      %dma_start3A_593 = arith.constant 0 : i32
      %dma_start3A_594 = tpu.memref_slice %arg6[%dma_start3A_592, %dma_start3A_593] : memref<9x512xf32, #tpu.memory_space<vmem>> -> memref<1x512xf32, #tpu.memory_space<vmem>>
      %dma_start3A_595 = arith.constant 0 : i32
      %dma_start3A_596 = tpu.memref_slice %arg2[%add3A_585, %min3A_501, %dma_start3A_595] : memref<48x512x512xf32, #tpu.memory_space<hbm>> -> memref<1x1x512xf32, #tpu.memory_space<hbm>>
      %dma_start3A_597 = tpu.memref_squeeze %dma_start3A_596 : memref<1x1x512xf32, #tpu.memory_space<hbm>> -> memref<1x512xf32, #tpu.memory_space<hbm>>
      tpu.enqueue_dma source(%dma_start3A_597 : memref<1x512xf32, #tpu.memory_space<hbm>>) target(%dma_start3A_594 : memref<1x512xf32, #tpu.memory_space<vmem>>) target_semaphore(%arg12 : memref<!tpu.dma_semaphore, #tpu.memory_space<semaphore_mem>>)
      %dma_wait3A_598 = arith.constant 0 : i32
      %dma_wait3A_599 = arith.constant 0 : i32
      %dma_wait3A_600 = arith.constant 0 : i32
      %dma_wait3A_601 = tpu.memref_slice %arg8[%dma_wait3A_599, %dma_wait3A_600] : memref<9x512xf32, #tpu.memory_space<vmem>> -> memref<8x512xf32, #tpu.memory_space<vmem>>
      %dma_wait3A_602 = arith.constant 0 : i32
      %dma_wait3A_603 = arith.constant 0 : i32
      %dma_wait3A_604 = tpu.memref_slice %arg2[%dma_wait3A_598, %dma_wait3A_602, %dma_wait3A_603] : memref<48x512x512xf32, #tpu.memory_space<hbm>> -> memref<1x8x512xf32, #tpu.memory_space<hbm>>
      %dma_wait3A_605 = tpu.memref_squeeze %dma_wait3A_604 : memref<1x8x512xf32, #tpu.memory_space<hbm>> -> memref<8x512xf32, #tpu.memory_space<hbm>>
      %dma_wait3A_606 = arith.constant 0 : i32
      %dma_wait3A_607 = arith.constant 0 : i32
      %dma_wait3A_608 = tpu.memref_slice %arg8[%dma_wait3A_606, %dma_wait3A_607] : memref<9x512xf32, #tpu.memory_space<vmem>> -> memref<8x512xf32, #tpu.memory_space<vmem>>
      %dma_wait3A_609 = arith.constant 0 : i32
      %dma_wait3A_610 = arith.constant 0 : i32
      %dma_wait3A_611 = tpu.memref_slice %arg2[%dma_wait3A_598, %dma_wait3A_609, %dma_wait3A_610] : memref<48x512x512xf32, #tpu.memory_space<hbm>> -> memref<1x8x512xf32, #tpu.memory_space<hbm>>
      %dma_wait3A_612 = tpu.memref_squeeze %dma_wait3A_611 : memref<1x8x512xf32, #tpu.memory_space<hbm>> -> memref<8x512xf32, #tpu.memory_space<hbm>>
      tpu.wait_dma2 semaphore(%arg13 : memref<!tpu.dma_semaphore, #tpu.memory_space<semaphore_mem>>) src(%dma_wait3A_612 : memref<8x512xf32, #tpu.memory_space<hbm>>) dst(%dma_wait3A_608 : memref<8x512xf32, #tpu.memory_space<vmem>>)
      %dma_wait3A_613 = arith.constant 0 : i32
      %dma_wait3A_614 = arith.constant 8 : i32
      %dma_wait3A_615 = arith.constant 0 : i32
      %dma_wait3A_616 = tpu.memref_slice %arg8[%dma_wait3A_614, %dma_wait3A_615] : memref<9x512xf32, #tpu.memory_space<vmem>> -> memref<1x512xf32, #tpu.memory_space<vmem>>
      %dma_wait3A_617 = arith.constant 0 : i32
      %dma_wait3A_618 = arith.constant 0 : i32
      %dma_wait3A_619 = tpu.memref_slice %arg2[%dma_wait3A_613, %dma_wait3A_617, %dma_wait3A_618] : memref<48x512x512xf32, #tpu.memory_space<hbm>> -> memref<1x1x512xf32, #tpu.memory_space<hbm>>
      %dma_wait3A_620 = tpu.memref_squeeze %dma_wait3A_619 : memref<1x1x512xf32, #tpu.memory_space<hbm>> -> memref<1x512xf32, #tpu.memory_space<hbm>>
      %dma_wait3A_621 = arith.constant 8 : i32
      %dma_wait3A_622 = arith.constant 0 : i32
      %dma_wait3A_623 = tpu.memref_slice %arg8[%dma_wait3A_621, %dma_wait3A_622] : memref<9x512xf32, #tpu.memory_space<vmem>> -> memref<1x512xf32, #tpu.memory_space<vmem>>
      %dma_wait3A_624 = arith.constant 0 : i32
      %dma_wait3A_625 = arith.constant 0 : i32
      %dma_wait3A_626 = tpu.memref_slice %arg2[%dma_wait3A_613, %dma_wait3A_624, %dma_wait3A_625] : memref<48x512x512xf32, #tpu.memory_space<hbm>> -> memref<1x1x512xf32, #tpu.memory_space<hbm>>
      %dma_wait3A_627 = tpu.memref_squeeze %dma_wait3A_626 : memref<1x1x512xf32, #tpu.memory_space<hbm>> -> memref<1x512xf32, #tpu.memory_space<hbm>>
      tpu.wait_dma2 semaphore(%arg13 : memref<!tpu.dma_semaphore, #tpu.memory_space<semaphore_mem>>) src(%dma_wait3A_627 : memref<1x512xf32, #tpu.memory_space<hbm>>) dst(%dma_wait3A_623 : memref<1x512xf32, #tpu.memory_space<vmem>>)
      %dma_wait3A_628 = arith.constant 0 : i32
      %dma_wait3A_629 = arith.constant 0 : i32
      %dma_wait3A_630 = arith.constant 0 : i32
      %dma_wait3A_631 = tpu.memref_slice %arg9[%dma_wait3A_629, %dma_wait3A_630] : memref<9x512xf32, #tpu.memory_space<vmem>> -> memref<8x512xf32, #tpu.memory_space<vmem>>
      %dma_wait3A_632 = arith.constant 0 : i32
      %dma_wait3A_633 = arith.constant 0 : i32
      %dma_wait3A_634 = tpu.memref_slice %arg2[%dma_wait3A_628, %dma_wait3A_632, %dma_wait3A_633] : memref<48x512x512xf32, #tpu.memory_space<hbm>> -> memref<1x8x512xf32, #tpu.memory_space<hbm>>
      %dma_wait3A_635 = tpu.memref_squeeze %dma_wait3A_634 : memref<1x8x512xf32, #tpu.memory_space<hbm>> -> memref<8x512xf32, #tpu.memory_space<hbm>>
      %dma_wait3A_636 = arith.constant 0 : i32
      %dma_wait3A_637 = arith.constant 0 : i32
      %dma_wait3A_638 = tpu.memref_slice %arg9[%dma_wait3A_636, %dma_wait3A_637] : memref<9x512xf32, #tpu.memory_space<vmem>> -> memref<8x512xf32, #tpu.memory_space<vmem>>
      %dma_wait3A_639 = arith.constant 0 : i32
      %dma_wait3A_640 = arith.constant 0 : i32
      %dma_wait3A_641 = tpu.memref_slice %arg2[%dma_wait3A_628, %dma_wait3A_639, %dma_wait3A_640] : memref<48x512x512xf32, #tpu.memory_space<hbm>> -> memref<1x8x512xf32, #tpu.memory_space<hbm>>
      %dma_wait3A_642 = tpu.memref_squeeze %dma_wait3A_641 : memref<1x8x512xf32, #tpu.memory_space<hbm>> -> memref<8x512xf32, #tpu.memory_space<hbm>>
      tpu.wait_dma2 semaphore(%arg13 : memref<!tpu.dma_semaphore, #tpu.memory_space<semaphore_mem>>) src(%dma_wait3A_642 : memref<8x512xf32, #tpu.memory_space<hbm>>) dst(%dma_wait3A_638 : memref<8x512xf32, #tpu.memory_space<vmem>>)
      %dma_wait3A_643 = arith.constant 0 : i32
      %dma_wait3A_644 = arith.constant 8 : i32
      %dma_wait3A_645 = arith.constant 0 : i32
      %dma_wait3A_646 = tpu.memref_slice %arg9[%dma_wait3A_644, %dma_wait3A_645] : memref<9x512xf32, #tpu.memory_space<vmem>> -> memref<1x512xf32, #tpu.memory_space<vmem>>
      %dma_wait3A_647 = arith.constant 0 : i32
      %dma_wait3A_648 = arith.constant 0 : i32
      %dma_wait3A_649 = tpu.memref_slice %arg2[%dma_wait3A_643, %dma_wait3A_647, %dma_wait3A_648] : memref<48x512x512xf32, #tpu.memory_space<hbm>> -> memref<1x1x512xf32, #tpu.memory_space<hbm>>
      %dma_wait3A_650 = tpu.memref_squeeze %dma_wait3A_649 : memref<1x1x512xf32, #tpu.memory_space<hbm>> -> memref<1x512xf32, #tpu.memory_space<hbm>>
      %dma_wait3A_651 = arith.constant 8 : i32
      %dma_wait3A_652 = arith.constant 0 : i32
      %dma_wait3A_653 = tpu.memref_slice %arg9[%dma_wait3A_651, %dma_wait3A_652] : memref<9x512xf32, #tpu.memory_space<vmem>> -> memref<1x512xf32, #tpu.memory_space<vmem>>
      %dma_wait3A_654 = arith.constant 0 : i32
      %dma_wait3A_655 = arith.constant 0 : i32
      %dma_wait3A_656 = tpu.memref_slice %arg2[%dma_wait3A_643, %dma_wait3A_654, %dma_wait3A_655] : memref<48x512x512xf32, #tpu.memory_space<hbm>> -> memref<1x1x512xf32, #tpu.memory_space<hbm>>
      %dma_wait3A_657 = tpu.memref_squeeze %dma_wait3A_656 : memref<1x1x512xf32, #tpu.memory_space<hbm>> -> memref<1x512xf32, #tpu.memory_space<hbm>>
      tpu.wait_dma2 semaphore(%arg13 : memref<!tpu.dma_semaphore, #tpu.memory_space<semaphore_mem>>) src(%dma_wait3A_657 : memref<1x512xf32, #tpu.memory_space<hbm>>) dst(%dma_wait3A_653 : memref<1x512xf32, #tpu.memory_space<vmem>>)
      %dma_wait3A_658 = arith.constant 0 : i32
      %dma_wait3A_659 = arith.constant 0 : i32
      %dma_wait3A_660 = arith.constant 0 : i32
      %dma_wait3A_661 = tpu.memref_slice %arg10[%dma_wait3A_659, %dma_wait3A_660] : memref<9x512xf32, #tpu.memory_space<vmem>> -> memref<8x512xf32, #tpu.memory_space<vmem>>
      %dma_wait3A_662 = arith.constant 0 : i32
      %dma_wait3A_663 = arith.constant 0 : i32
      %dma_wait3A_664 = tpu.memref_slice %arg2[%dma_wait3A_658, %dma_wait3A_662, %dma_wait3A_663] : memref<48x512x512xf32, #tpu.memory_space<hbm>> -> memref<1x8x512xf32, #tpu.memory_space<hbm>>
      %dma_wait3A_665 = tpu.memref_squeeze %dma_wait3A_664 : memref<1x8x512xf32, #tpu.memory_space<hbm>> -> memref<8x512xf32, #tpu.memory_space<hbm>>
      %dma_wait3A_666 = arith.constant 0 : i32
      %dma_wait3A_667 = arith.constant 0 : i32
      %dma_wait3A_668 = tpu.memref_slice %arg10[%dma_wait3A_666, %dma_wait3A_667] : memref<9x512xf32, #tpu.memory_space<vmem>> -> memref<8x512xf32, #tpu.memory_space<vmem>>
      %dma_wait3A_669 = arith.constant 0 : i32
      %dma_wait3A_670 = arith.constant 0 : i32
      %dma_wait3A_671 = tpu.memref_slice %arg2[%dma_wait3A_658, %dma_wait3A_669, %dma_wait3A_670] : memref<48x512x512xf32, #tpu.memory_space<hbm>> -> memref<1x8x512xf32, #tpu.memory_space<hbm>>
      %dma_wait3A_672 = tpu.memref_squeeze %dma_wait3A_671 : memref<1x8x512xf32, #tpu.memory_space<hbm>> -> memref<8x512xf32, #tpu.memory_space<hbm>>
      tpu.wait_dma2 semaphore(%arg13 : memref<!tpu.dma_semaphore, #tpu.memory_space<semaphore_mem>>) src(%dma_wait3A_672 : memref<8x512xf32, #tpu.memory_space<hbm>>) dst(%dma_wait3A_668 : memref<8x512xf32, #tpu.memory_space<vmem>>)
      %dma_wait3A_673 = arith.constant 0 : i32
      %dma_wait3A_674 = arith.constant 8 : i32
      %dma_wait3A_675 = arith.constant 0 : i32
      %dma_wait3A_676 = tpu.memref_slice %arg10[%dma_wait3A_674, %dma_wait3A_675] : memref<9x512xf32, #tpu.memory_space<vmem>> -> memref<1x512xf32, #tpu.memory_space<vmem>>
      %dma_wait3A_677 = arith.constant 0 : i32
      %dma_wait3A_678 = arith.constant 0 : i32
      %dma_wait3A_679 = tpu.memref_slice %arg2[%dma_wait3A_673, %dma_wait3A_677, %dma_wait3A_678] : memref<48x512x512xf32, #tpu.memory_space<hbm>> -> memref<1x1x512xf32, #tpu.memory_space<hbm>>
      %dma_wait3A_680 = tpu.memref_squeeze %dma_wait3A_679 : memref<1x1x512xf32, #tpu.memory_space<hbm>> -> memref<1x512xf32, #tpu.memory_space<hbm>>
      %dma_wait3A_681 = arith.constant 8 : i32
      %dma_wait3A_682 = arith.constant 0 : i32
      %dma_wait3A_683 = tpu.memref_slice %arg10[%dma_wait3A_681, %dma_wait3A_682] : memref<9x512xf32, #tpu.memory_space<vmem>> -> memref<1x512xf32, #tpu.memory_space<vmem>>
      %dma_wait3A_684 = arith.constant 0 : i32
      %dma_wait3A_685 = arith.constant 0 : i32
      %dma_wait3A_686 = tpu.memref_slice %arg2[%dma_wait3A_673, %dma_wait3A_684, %dma_wait3A_685] : memref<48x512x512xf32, #tpu.memory_space<hbm>> -> memref<1x1x512xf32, #tpu.memory_space<hbm>>
      %dma_wait3A_687 = tpu.memref_squeeze %dma_wait3A_686 : memref<1x1x512xf32, #tpu.memory_space<hbm>> -> memref<1x512xf32, #tpu.memory_space<hbm>>
      tpu.wait_dma2 semaphore(%arg13 : memref<!tpu.dma_semaphore, #tpu.memory_space<semaphore_mem>>) src(%dma_wait3A_687 : memref<1x512xf32, #tpu.memory_space<hbm>>) dst(%dma_wait3A_683 : memref<1x512xf32, #tpu.memory_space<vmem>>)
      %mul3A_688 = arith.constant 2 : i32
      %mul3A_689 = arith.muli %mul3A_688, %scan3A_231 : i32
      %add3A_690 = arith.constant 1 : i32
      %add3A_691 = arith.addi %mul3A_689, %add3A_690 : i32
      %scan3A_692 = arith.constant 0 : i32
      %scan3A_693 = arith.constant 0 : i32
      %scan3A_694 = arith.constant 256 : i32
      %scan3A_695 = arith.addi %scan3A_693, %scan3A_694 : i32
      %scan3A_696 = arith.constant 1 : i32
      scf.for %scan3A_760 = %scan3A_693 to %scan3A_695 step %scan3A_696  : i32 {
        %jit3A_761 = arith.constant 32 : i32
        %div3A_762 = arith.divsi %scan3A_760, %jit3A_761 : i32
        %sign3A_763 = arith.constant 0 : i32
        %sign3A_764 = arith.cmpi sgt, %scan3A_760, %sign3A_763 : i32
        %sign3A_765 = arith.extui %sign3A_764 : i1 to i32
        %sign3A_766 = arith.constant 0 : i32
        %sign3A_767 = arith.cmpi slt, %scan3A_760, %sign3A_766 : i32
        %sign3A_768 = arith.extui %sign3A_767 : i1 to i32
        %sign3A_769 = arith.subi %sign3A_765, %sign3A_768 : i32
        %sign3A_770 = arith.constant 0 : i32
        %sign3A_771 = arith.cmpi sgt, %jit3A_761, %sign3A_770 : i32
        %sign3A_772 = arith.extui %sign3A_771 : i1 to i32
        %sign3A_773 = arith.constant 0 : i32
        %sign3A_774 = arith.cmpi slt, %jit3A_761, %sign3A_773 : i32
        %sign3A_775 = arith.extui %sign3A_774 : i1 to i32
        %sign3A_776 = arith.subi %sign3A_772, %sign3A_775 : i32
        %ne3A_777 = arith.cmpi ne, %sign3A_769, %sign3A_776 : i32
        %rem3A_778 = arith.remsi %scan3A_760, %jit3A_761 : i32
        %ne3A_779 = arith.constant 0 : i32
        %ne3A_780 = arith.cmpi ne, %rem3A_778, %ne3A_779 : i32
        %and3A_781 = arith.andi %ne3A_777, %ne3A_780 : i1
        %sub3A_782 = arith.constant 1 : i32
        %sub3A_783 = arith.subi %div3A_762, %sub3A_782 : i32
        %select_n3A_784 = arith.select %and3A_781, %sub3A_783, %div3A_762 : i32
        %jit3A_785 = arith.constant 32 : i32
        %eq3A_786 = arith.constant 0 : i32
        %eq3A_787 = arith.cmpi eq, %jit3A_785, %eq3A_786 : i32
        %jit3A_788 = arith.constant 1 : i32
        %select_n3A_789 = arith.select %eq3A_787, %jit3A_788, %jit3A_785 : i32
        %rem3A_790 = arith.remsi %scan3A_760, %select_n3A_789 : i32
        %ne3A_791 = arith.constant 0 : i32
        %ne3A_792 = arith.cmpi ne, %rem3A_790, %ne3A_791 : i32
        %lt3A_793 = arith.constant 0 : i32
        %lt3A_794 = arith.cmpi slt, %rem3A_790, %lt3A_793 : i32
        %lt3A_795 = arith.constant 0 : i32
        %lt3A_796 = arith.cmpi slt, %select_n3A_789, %lt3A_795 : i32
        %ne3A_797 = arith.xori %lt3A_794, %lt3A_796 : i1
        %and3A_798 = arith.andi %ne3A_797, %ne3A_792 : i1
        %add3A_799 = arith.addi %rem3A_790, %select_n3A_789 : i32
        %select_n3A_800 = arith.select %and3A_798, %add3A_799, %rem3A_790 : i32
        %mul3A_801 = arith.constant 16 : i32
        %mul3A_802 = arith.muli %select_n3A_800, %mul3A_801 : i32
        %iota3A_803 = tpu.iota {dimensions = array<i32: 0>} : vector<16xi32>
        %add3A_804 = vector.broadcast %mul3A_802 : i32 to vector<16xi32>
        %add3A_805 = arith.addi %add3A_804, %iota3A_803 : vector<16xi32>
        %mul3A_806 = arith.constant 256 : i32
        %mul3A_807 = arith.muli %select_n3A_784, %mul3A_806 : i32
        %shift_right_arithmetic3A = arith.constant 1 : i32
        %shift_right_arithmetic3A_808 = vector.broadcast %shift_right_arithmetic3A : i32 to vector<16xi32>
        %shift_right_arithmetic3A_809 = arith.shrsi %add3A_805, %shift_right_arithmetic3A_808 : vector<16xi32>
        %add3A_810 = vector.broadcast %mul3A_807 : i32 to vector<16xi32>
        %add3A_811 = arith.addi %add3A_810, %shift_right_arithmetic3A_809 : vector<16xi32>
        %and3A_812 = arith.constant 1 : i32
        %and3A_813 = vector.broadcast %and3A_812 : i32 to vector<16xi32>
        %and3A_814 = arith.andi %add3A_805, %and3A_813 : vector<16xi32>
        %shift_left3A_815 = arith.constant 2 : i32
        %shift_left3A_816 = vector.broadcast %shift_left3A_815 : i32 to vector<16xi32>
        %shift_left3A_817 = arith.shli %and3A_814, %shift_left3A_816 : vector<16xi32>
        %ge3A = arith.constant 1 : i32
        %ge3A_818 = vector.broadcast %ge3A : i32 to vector<16xi32>
        %ge3A_819 = arith.cmpi sge, %add3A_811, %ge3A_818 : vector<16xi32>
        %get3A_820 = arith.index_cast %select_n3A_784 : i32 to index
        %get3A_821 = arith.index_cast %mul3A_802 : i32 to index
        %get3A_822 = tpu.vector_load %arg8[%get3A_820, %get3A_821] {strides = array<i32>} : memref<9x512xf32, #tpu.memory_space<vmem>>, vector<16xf32>,
        %add3A_823 = arith.constant 0 : i32
        %add3A_824 = vector.broadcast %add3A_823 : i32 to vector<16xi32>
        %add3A_825 = arith.addi %shift_left3A_817, %add3A_824 : vector<16xi32>
        tpu.vector_store_idx %arg11[%add3A_811, %add3A_825], %get3A_822 : memref<2048x16xf32, #tpu.memory_space<vmem>>[vector<16xi32>, vector<16xi32>], vector<16xf32>,
        %sub3A_826 = arith.constant 1 : i32
        %sub3A_827 = vector.broadcast %sub3A_826 : i32 to vector<16xi32>
        %sub3A_828 = arith.subi %add3A_811, %sub3A_827 : vector<16xi32>
        %add3A_829 = arith.constant 0 : i32
        %add3A_830 = vector.broadcast %add3A_829 : i32 to vector<16xi32>
        %add3A_831 = arith.addi %shift_left3A_817, %add3A_830 : vector<16xi32>
        %add3A_832 = arith.constant 8 : i32
        %add3A_833 = vector.broadcast %add3A_832 : i32 to vector<16xi32>
        %add3A_834 = arith.addi %add3A_831, %add3A_833 : vector<16xi32>
        tpu.vector_store_idx %arg11[%sub3A_828, %add3A_834], %get3A_822 masked %ge3A_819 : memref<2048x16xf32, #tpu.memory_space<vmem>>[vector<16xi32>, vector<16xi32>], vector<16xf32>, vector<16xi1>
        %get3A_835 = arith.index_cast %select_n3A_784 : i32 to index
        %get3A_836 = arith.index_cast %mul3A_802 : i32 to index
        %get3A_837 = tpu.vector_load %arg9[%get3A_835, %get3A_836] {strides = array<i32>} : memref<9x512xf32, #tpu.memory_space<vmem>>, vector<16xf32>,
        %add3A_838 = arith.constant 1 : i32
        %add3A_839 = vector.broadcast %add3A_838 : i32 to vector<16xi32>
        %add3A_840 = arith.addi %shift_left3A_817, %add3A_839 : vector<16xi32>
        tpu.vector_store_idx %arg11[%add3A_811, %add3A_840], %get3A_837 : memref<2048x16xf32, #tpu.memory_space<vmem>>[vector<16xi32>, vector<16xi32>], vector<16xf32>,
        %sub3A_841 = arith.constant 1 : i32
        %sub3A_842 = vector.broadcast %sub3A_841 : i32 to vector<16xi32>
        %sub3A_843 = arith.subi %add3A_811, %sub3A_842 : vector<16xi32>
        %add3A_844 = arith.constant 1 : i32
        %add3A_845 = vector.broadcast %add3A_844 : i32 to vector<16xi32>
        %add3A_846 = arith.addi %shift_left3A_817, %add3A_845 : vector<16xi32>
        %add3A_847 = arith.constant 8 : i32
        %add3A_848 = vector.broadcast %add3A_847 : i32 to vector<16xi32>
        %add3A_849 = arith.addi %add3A_846, %add3A_848 : vector<16xi32>
        tpu.vector_store_idx %arg11[%sub3A_843, %add3A_849], %get3A_837 masked %ge3A_819 : memref<2048x16xf32, #tpu.memory_space<vmem>>[vector<16xi32>, vector<16xi32>], vector<16xf32>, vector<16xi1>
        %get3A_850 = arith.index_cast %select_n3A_784 : i32 to index
        %get3A_851 = arith.index_cast %mul3A_802 : i32 to index
        %get3A_852 = tpu.vector_load %arg10[%get3A_850, %get3A_851] {strides = array<i32>} : memref<9x512xf32, #tpu.memory_space<vmem>>, vector<16xf32>,
        %add3A_853 = arith.constant 2 : i32
        %add3A_854 = vector.broadcast %add3A_853 : i32 to vector<16xi32>
        %add3A_855 = arith.addi %shift_left3A_817, %add3A_854 : vector<16xi32>
        tpu.vector_store_idx %arg11[%add3A_811, %add3A_855], %get3A_852 : memref<2048x16xf32, #tpu.memory_space<vmem>>[vector<16xi32>, vector<16xi32>], vector<16xf32>,
        %sub3A_856 = arith.constant 1 : i32
        %sub3A_857 = vector.broadcast %sub3A_856 : i32 to vector<16xi32>
        %sub3A_858 = arith.subi %add3A_811, %sub3A_857 : vector<16xi32>
        %add3A_859 = arith.constant 2 : i32
        %add3A_860 = vector.broadcast %add3A_859 : i32 to vector<16xi32>
        %add3A_861 = arith.addi %shift_left3A_817, %add3A_860 : vector<16xi32>
        %add3A_862 = arith.constant 8 : i32
        %add3A_863 = vector.broadcast %add3A_862 : i32 to vector<16xi32>
        %add3A_864 = arith.addi %add3A_861, %add3A_863 : vector<16xi32>
        tpu.vector_store_idx %arg11[%sub3A_858, %add3A_864], %get3A_852 masked %ge3A_819 : memref<2048x16xf32, #tpu.memory_space<vmem>>[vector<16xi32>, vector<16xi32>], vector<16xf32>, vector<16xi1>
      }
      %scan3A_697 = arith.constant 256 : i32
      %iota3A_698 = tpu.iota {dimensions = array<i32: 0>} : vector<16xi32>
      %lt3A_699 = arith.constant 2 : i32
      %lt3A_700 = vector.broadcast %lt3A_699 : i32 to vector<16xi32>
      %lt3A_701 = arith.cmpi slt, %iota3A_698, %lt3A_700 : vector<16xi32>
      %broadcast_in_dim3A_702 = arith.constant 2047 : i32
      %broadcast_in_dim3A_703 = vector.broadcast %broadcast_in_dim3A_702 : i32 to vector<16xi32>
      %and3A_704 = arith.constant 1 : i32
      %and3A_705 = vector.broadcast %and3A_704 : i32 to vector<16xi32>
      %and3A_706 = arith.andi %iota3A_698, %and3A_705 : vector<16xi32>
      %shift_left3A_707 = arith.constant 2 : i32
      %shift_left3A_708 = vector.broadcast %shift_left3A_707 : i32 to vector<16xi32>
      %shift_left3A_709 = arith.shli %and3A_706, %shift_left3A_708 : vector<16xi32>
      %add3A_710 = arith.constant 8 : i32
      %add3A_711 = vector.broadcast %add3A_710 : i32 to vector<16xi32>
      %add3A_712 = arith.addi %shift_left3A_709, %add3A_711 : vector<16xi32>
      %add3A_713 = arith.constant 0 : i32
      %add3A_714 = vector.broadcast %add3A_713 : i32 to vector<16xi32>
      %add3A_715 = arith.addi %add3A_712, %add3A_714 : vector<16xi32>
      %get3A_716 = arith.constant 8 : i32
      %get3A_717 = arith.index_cast %get3A_716 : i32 to index
      %get3A_718 = arith.constant 0 : index
      %get3A_719 = tpu.vector_load %arg8[%get3A_717, %get3A_718] {strides = array<i32>} : memref<9x512xf32, #tpu.memory_space<vmem>>, vector<16xf32>,
      tpu.vector_store_idx %arg11[%broadcast_in_dim3A_703, %add3A_715], %get3A_719 masked %lt3A_701 : memref<2048x16xf32, #tpu.memory_space<vmem>>[vector<16xi32>, vector<16xi32>], vector<16xf32>, vector<16xi1>
      %add3A_720 = arith.constant 1 : i32
      %add3A_721 = vector.broadcast %add3A_720 : i32 to vector<16xi32>
      %add3A_722 = arith.addi %add3A_712, %add3A_721 : vector<16xi32>
      %get3A_723 = arith.constant 8 : i32
      %get3A_724 = arith.index_cast %get3A_723 : i32 to index
      %get3A_725 = arith.constant 0 : index
      %get3A_726 = tpu.vector_load %arg9[%get3A_724, %get3A_725] {strides = array<i32>} : memref<9x512xf32, #tpu.memory_space<vmem>>, vector<16xf32>,
      tpu.vector_store_idx %arg11[%broadcast_in_dim3A_703, %add3A_722], %get3A_726 masked %lt3A_701 : memref<2048x16xf32, #tpu.memory_space<vmem>>[vector<16xi32>, vector<16xi32>], vector<16xf32>, vector<16xi1>
      %add3A_727 = arith.constant 2 : i32
      %add3A_728 = vector.broadcast %add3A_727 : i32 to vector<16xi32>
      %add3A_729 = arith.addi %add3A_712, %add3A_728 : vector<16xi32>
      %get3A_730 = arith.constant 8 : i32
      %get3A_731 = arith.index_cast %get3A_730 : i32 to index
      %get3A_732 = arith.constant 0 : index
      %get3A_733 = tpu.vector_load %arg10[%get3A_731, %get3A_732] {strides = array<i32>} : memref<9x512xf32, #tpu.memory_space<vmem>>, vector<16xf32>,
      tpu.vector_store_idx %arg11[%broadcast_in_dim3A_703, %add3A_729], %get3A_733 masked %lt3A_701 : memref<2048x16xf32, #tpu.memory_space<vmem>>[vector<16xi32>, vector<16xi32>], vector<16xf32>, vector<16xi1>
      %mul3A_734 = arith.constant 256 : i32
      %mul3A_735 = arith.muli %select_n3A_30, %mul3A_734 : i32
      %mul3A_736 = arith.constant 8 : i32
      %mul3A_737 = arith.muli %add3A_691, %mul3A_736 : i32
      %add3A_738 = arith.addi %mul3A_735, %mul3A_737 : i32
      %mul3A_739 = arith.constant 512 : i32
      %mul3A_740 = arith.muli %select_n3A, %mul3A_739 : i32
      %add3A_741 = arith.addi %mul3A_740, %add3A_738 : i32
      %mul3A_742 = arith.constant 256 : i32
      %mul3A_743 = arith.muli %add3A_741, %mul3A_742 : i32
      %dma_start3A_744 = arith.constant 0 : i32
      %dma_start3A_745 = tpu.memref_slice %arg3[%mul3A_743, %dma_start3A_744] : memref<2097160x16xf32, #tpu.memory_space<hbm>> -> memref<2048x16xf32, #tpu.memory_space<hbm>>
      %dma_start3A_746 = arith.constant 0 : i32
      %dma_start3A_747 = tpu.memref_slice %arg3[%mul3A_743, %dma_start3A_746] : memref<2097160x16xf32, #tpu.memory_space<hbm>> -> memref<2048x16xf32, #tpu.memory_space<hbm>>
      tpu.enqueue_dma source(%arg11 : memref<2048x16xf32, #tpu.memory_space<vmem>>) target(%dma_start3A_747 : memref<2048x16xf32, #tpu.memory_space<hbm>>) target_semaphore(%arg14 : memref<!tpu.dma_semaphore, #tpu.memory_space<semaphore_mem>>)
      %dma_wait3A_748 = arith.constant 0 : i32
      %dma_wait3A_749 = arith.constant 0 : i32
      %dma_wait3A_750 = tpu.memref_slice %arg3[%dma_wait3A_748, %dma_wait3A_749] : memref<2097160x16xf32, #tpu.memory_space<hbm>> -> memref<2048x16xf32, #tpu.memory_space<hbm>>
      %dma_wait3A_751 = arith.constant 0 : i32
      %dma_wait3A_752 = arith.constant 0 : i32
      %dma_wait3A_753 = tpu.memref_slice %arg3[%dma_wait3A_751, %dma_wait3A_752] : memref<2097160x16xf32, #tpu.memory_space<hbm>> -> memref<2048x16xf32, #tpu.memory_space<hbm>>
      tpu.wait_dma2 semaphore(%arg14 : memref<!tpu.dma_semaphore, #tpu.memory_space<semaphore_mem>>) src(%arg7 : memref<2048x16xf32, #tpu.memory_space<vmem>>) dst(%dma_wait3A_753 : memref<2048x16xf32, #tpu.memory_space<hbm>>)
      %dma_wait3A_754 = arith.constant 0 : i32
      %dma_wait3A_755 = arith.constant 0 : i32
      %dma_wait3A_756 = tpu.memref_slice %arg3[%dma_wait3A_754, %dma_wait3A_755] : memref<2097160x16xf32, #tpu.memory_space<hbm>> -> memref<2048x16xf32, #tpu.memory_space<hbm>>
      %dma_wait3A_757 = arith.constant 0 : i32
      %dma_wait3A_758 = arith.constant 0 : i32
      %dma_wait3A_759 = tpu.memref_slice %arg3[%dma_wait3A_757, %dma_wait3A_758] : memref<2097160x16xf32, #tpu.memory_space<hbm>> -> memref<2048x16xf32, #tpu.memory_space<hbm>>
      tpu.wait_dma2 semaphore(%arg14 : memref<!tpu.dma_semaphore, #tpu.memory_space<semaphore_mem>>) src(%arg7 : memref<2048x16xf32, #tpu.memory_space<vmem>>) dst(%dma_wait3A_759 : memref<2048x16xf32, #tpu.memory_space<hbm>>)
    }
    %scan3A_141 = arith.constant 16 : i32
    %dma_wait3A = arith.constant 0 : i32
    %dma_wait3A_142 = arith.constant 0 : i32
    %dma_wait3A_143 = arith.constant 0 : i32
    %dma_wait3A_144 = tpu.memref_slice %arg4[%dma_wait3A_142, %dma_wait3A_143] : memref<9x512xf32, #tpu.memory_space<vmem>> -> memref<8x512xf32, #tpu.memory_space<vmem>>
    %dma_wait3A_145 = arith.constant 0 : i32
    %dma_wait3A_146 = arith.constant 0 : i32
    %dma_wait3A_147 = tpu.memref_slice %arg2[%dma_wait3A, %dma_wait3A_145, %dma_wait3A_146] : memref<48x512x512xf32, #tpu.memory_space<hbm>> -> memref<1x8x512xf32, #tpu.memory_space<hbm>>
    %dma_wait3A_148 = tpu.memref_squeeze %dma_wait3A_147 : memref<1x8x512xf32, #tpu.memory_space<hbm>> -> memref<8x512xf32, #tpu.memory_space<hbm>>
    %dma_wait3A_149 = arith.constant 0 : i32
    %dma_wait3A_150 = arith.constant 0 : i32
    %dma_wait3A_151 = tpu.memref_slice %arg4[%dma_wait3A_149, %dma_wait3A_150] : memref<9x512xf32, #tpu.memory_space<vmem>> -> memref<8x512xf32, #tpu.memory_space<vmem>>
    %dma_wait3A_152 = arith.constant 0 : i32
    %dma_wait3A_153 = arith.constant 0 : i32
    %dma_wait3A_154 = tpu.memref_slice %arg2[%dma_wait3A, %dma_wait3A_152, %dma_wait3A_153] : memref<48x512x512xf32, #tpu.memory_space<hbm>> -> memref<1x8x512xf32, #tpu.memory_space<hbm>>
    %dma_wait3A_155 = tpu.memref_squeeze %dma_wait3A_154 : memref<1x8x512xf32, #tpu.memory_space<hbm>> -> memref<8x512xf32, #tpu.memory_space<hbm>>
    tpu.wait_dma2 semaphore(%arg12 : memref<!tpu.dma_semaphore, #tpu.memory_space<semaphore_mem>>) src(%dma_wait3A_155 : memref<8x512xf32, #tpu.memory_space<hbm>>) dst(%dma_wait3A_151 : memref<8x512xf32, #tpu.memory_space<vmem>>)
    %dma_wait3A_156 = arith.constant 0 : i32
    %dma_wait3A_157 = arith.constant 8 : i32
    %dma_wait3A_158 = arith.constant 0 : i32
    %dma_wait3A_159 = tpu.memref_slice %arg4[%dma_wait3A_157, %dma_wait3A_158] : memref<9x512xf32, #tpu.memory_space<vmem>> -> memref<1x512xf32, #tpu.memory_space<vmem>>
    %dma_wait3A_160 = arith.constant 0 : i32
    %dma_wait3A_161 = arith.constant 0 : i32
    %dma_wait3A_162 = tpu.memref_slice %arg2[%dma_wait3A_156, %dma_wait3A_160, %dma_wait3A_161] : memref<48x512x512xf32, #tpu.memory_space<hbm>> -> memref<1x1x512xf32, #tpu.memory_space<hbm>>
    %dma_wait3A_163 = tpu.memref_squeeze %dma_wait3A_162 : memref<1x1x512xf32, #tpu.memory_space<hbm>> -> memref<1x512xf32, #tpu.memory_space<hbm>>
    %dma_wait3A_164 = arith.constant 8 : i32
    %dma_wait3A_165 = arith.constant 0 : i32
    %dma_wait3A_166 = tpu.memref_slice %arg4[%dma_wait3A_164, %dma_wait3A_165] : memref<9x512xf32, #tpu.memory_space<vmem>> -> memref<1x512xf32, #tpu.memory_space<vmem>>
    %dma_wait3A_167 = arith.constant 0 : i32
    %dma_wait3A_168 = arith.constant 0 : i32
    %dma_wait3A_169 = tpu.memref_slice %arg2[%dma_wait3A_156, %dma_wait3A_167, %dma_wait3A_168] : memref<48x512x512xf32, #tpu.memory_space<hbm>> -> memref<1x1x512xf32, #tpu.memory_space<hbm>>
    %dma_wait3A_170 = tpu.memref_squeeze %dma_wait3A_169 : memref<1x1x512xf32, #tpu.memory_space<hbm>> -> memref<1x512xf32, #tpu.memory_space<hbm>>
    tpu.wait_dma2 semaphore(%arg12 : memref<!tpu.dma_semaphore, #tpu.memory_space<semaphore_mem>>) src(%dma_wait3A_170 : memref<1x512xf32, #tpu.memory_space<hbm>>) dst(%dma_wait3A_166 : memref<1x512xf32, #tpu.memory_space<vmem>>)
    %dma_wait3A_171 = arith.constant 0 : i32
    %dma_wait3A_172 = arith.constant 0 : i32
    %dma_wait3A_173 = arith.constant 0 : i32
    %dma_wait3A_174 = tpu.memref_slice %arg5[%dma_wait3A_172, %dma_wait3A_173] : memref<9x512xf32, #tpu.memory_space<vmem>> -> memref<8x512xf32, #tpu.memory_space<vmem>>
    %dma_wait3A_175 = arith.constant 0 : i32
    %dma_wait3A_176 = arith.constant 0 : i32
    %dma_wait3A_177 = tpu.memref_slice %arg2[%dma_wait3A_171, %dma_wait3A_175, %dma_wait3A_176] : memref<48x512x512xf32, #tpu.memory_space<hbm>> -> memref<1x8x512xf32, #tpu.memory_space<hbm>>
    %dma_wait3A_178 = tpu.memref_squeeze %dma_wait3A_177 : memref<1x8x512xf32, #tpu.memory_space<hbm>> -> memref<8x512xf32, #tpu.memory_space<hbm>>
    %dma_wait3A_179 = arith.constant 0 : i32
    %dma_wait3A_180 = arith.constant 0 : i32
    %dma_wait3A_181 = tpu.memref_slice %arg5[%dma_wait3A_179, %dma_wait3A_180] : memref<9x512xf32, #tpu.memory_space<vmem>> -> memref<8x512xf32, #tpu.memory_space<vmem>>
    %dma_wait3A_182 = arith.constant 0 : i32
    %dma_wait3A_183 = arith.constant 0 : i32
    %dma_wait3A_184 = tpu.memref_slice %arg2[%dma_wait3A_171, %dma_wait3A_182, %dma_wait3A_183] : memref<48x512x512xf32, #tpu.memory_space<hbm>> -> memref<1x8x512xf32, #tpu.memory_space<hbm>>
    %dma_wait3A_185 = tpu.memref_squeeze %dma_wait3A_184 : memref<1x8x512xf32, #tpu.memory_space<hbm>> -> memref<8x512xf32, #tpu.memory_space<hbm>>
    tpu.wait_dma2 semaphore(%arg12 : memref<!tpu.dma_semaphore, #tpu.memory_space<semaphore_mem>>) src(%dma_wait3A_185 : memref<8x512xf32, #tpu.memory_space<hbm>>) dst(%dma_wait3A_181 : memref<8x512xf32, #tpu.memory_space<vmem>>)
    %dma_wait3A_186 = arith.constant 0 : i32
    %dma_wait3A_187 = arith.constant 8 : i32
    %dma_wait3A_188 = arith.constant 0 : i32
    %dma_wait3A_189 = tpu.memref_slice %arg5[%dma_wait3A_187, %dma_wait3A_188] : memref<9x512xf32, #tpu.memory_space<vmem>> -> memref<1x512xf32, #tpu.memory_space<vmem>>
    %dma_wait3A_190 = arith.constant 0 : i32
    %dma_wait3A_191 = arith.constant 0 : i32
    %dma_wait3A_192 = tpu.memref_slice %arg2[%dma_wait3A_186, %dma_wait3A_190, %dma_wait3A_191] : memref<48x512x512xf32, #tpu.memory_space<hbm>> -> memref<1x1x512xf32, #tpu.memory_space<hbm>>
    %dma_wait3A_193 = tpu.memref_squeeze %dma_wait3A_192 : memref<1x1x512xf32, #tpu.memory_space<hbm>> -> memref<1x512xf32, #tpu.memory_space<hbm>>
    %dma_wait3A_194 = arith.constant 8 : i32
    %dma_wait3A_195 = arith.constant 0 : i32
    %dma_wait3A_196 = tpu.memref_slice %arg5[%dma_wait3A_194, %dma_wait3A_195] : memref<9x512xf32, #tpu.memory_space<vmem>> -> memref<1x512xf32, #tpu.memory_space<vmem>>
    %dma_wait3A_197 = arith.constant 0 : i32
    %dma_wait3A_198 = arith.constant 0 : i32
    %dma_wait3A_199 = tpu.memref_slice %arg2[%dma_wait3A_186, %dma_wait3A_197, %dma_wait3A_198] : memref<48x512x512xf32, #tpu.memory_space<hbm>> -> memref<1x1x512xf32, #tpu.memory_space<hbm>>
    %dma_wait3A_200 = tpu.memref_squeeze %dma_wait3A_199 : memref<1x1x512xf32, #tpu.memory_space<hbm>> -> memref<1x512xf32, #tpu.memory_space<hbm>>
    tpu.wait_dma2 semaphore(%arg12 : memref<!tpu.dma_semaphore, #tpu.memory_space<semaphore_mem>>) src(%dma_wait3A_200 : memref<1x512xf32, #tpu.memory_space<hbm>>) dst(%dma_wait3A_196 : memref<1x512xf32, #tpu.memory_space<vmem>>)
    %dma_wait3A_201 = arith.constant 0 : i32
    %dma_wait3A_202 = arith.constant 0 : i32
    %dma_wait3A_203 = arith.constant 0 : i32
    %dma_wait3A_204 = tpu.memref_slice %arg6[%dma_wait3A_202, %dma_wait3A_203] : memref<9x512xf32, #tpu.memory_space<vmem>> -> memref<8x512xf32, #tpu.memory_space<vmem>>
    %dma_wait3A_205 = arith.constant 0 : i32
    %dma_wait3A_206 = arith.constant 0 : i32
    %dma_wait3A_207 = tpu.memref_slice %arg2[%dma_wait3A_201, %dma_wait3A_205, %dma_wait3A_206] : memref<48x512x512xf32, #tpu.memory_space<hbm>> -> memref<1x8x512xf32, #tpu.memory_space<hbm>>
    %dma_wait3A_208 = tpu.memref_squeeze %dma_wait3A_207 : memref<1x8x512xf32, #tpu.memory_space<hbm>> -> memref<8x512xf32, #tpu.memory_space<hbm>>
    %dma_wait3A_209 = arith.constant 0 : i32
    %dma_wait3A_210 = arith.constant 0 : i32
    %dma_wait3A_211 = tpu.memref_slice %arg6[%dma_wait3A_209, %dma_wait3A_210] : memref<9x512xf32, #tpu.memory_space<vmem>> -> memref<8x512xf32, #tpu.memory_space<vmem>>
    %dma_wait3A_212 = arith.constant 0 : i32
    %dma_wait3A_213 = arith.constant 0 : i32
    %dma_wait3A_214 = tpu.memref_slice %arg2[%dma_wait3A_201, %dma_wait3A_212, %dma_wait3A_213] : memref<48x512x512xf32, #tpu.memory_space<hbm>> -> memref<1x8x512xf32, #tpu.memory_space<hbm>>
    %dma_wait3A_215 = tpu.memref_squeeze %dma_wait3A_214 : memref<1x8x512xf32, #tpu.memory_space<hbm>> -> memref<8x512xf32, #tpu.memory_space<hbm>>
    tpu.wait_dma2 semaphore(%arg12 : memref<!tpu.dma_semaphore, #tpu.memory_space<semaphore_mem>>) src(%dma_wait3A_215 : memref<8x512xf32, #tpu.memory_space<hbm>>) dst(%dma_wait3A_211 : memref<8x512xf32, #tpu.memory_space<vmem>>)
    %dma_wait3A_216 = arith.constant 0 : i32
    %dma_wait3A_217 = arith.constant 8 : i32
    %dma_wait3A_218 = arith.constant 0 : i32
    %dma_wait3A_219 = tpu.memref_slice %arg6[%dma_wait3A_217, %dma_wait3A_218] : memref<9x512xf32, #tpu.memory_space<vmem>> -> memref<1x512xf32, #tpu.memory_space<vmem>>
    %dma_wait3A_220 = arith.constant 0 : i32
    %dma_wait3A_221 = arith.constant 0 : i32
    %dma_wait3A_222 = tpu.memref_slice %arg2[%dma_wait3A_216, %dma_wait3A_220, %dma_wait3A_221] : memref<48x512x512xf32, #tpu.memory_space<hbm>> -> memref<1x1x512xf32, #tpu.memory_space<hbm>>
    %dma_wait3A_223 = tpu.memref_squeeze %dma_wait3A_222 : memref<1x1x512xf32, #tpu.memory_space<hbm>> -> memref<1x512xf32, #tpu.memory_space<hbm>>
    %dma_wait3A_224 = arith.constant 8 : i32
    %dma_wait3A_225 = arith.constant 0 : i32
    %dma_wait3A_226 = tpu.memref_slice %arg6[%dma_wait3A_224, %dma_wait3A_225] : memref<9x512xf32, #tpu.memory_space<vmem>> -> memref<1x512xf32, #tpu.memory_space<vmem>>
    %dma_wait3A_227 = arith.constant 0 : i32
    %dma_wait3A_228 = arith.constant 0 : i32
    %dma_wait3A_229 = tpu.memref_slice %arg2[%dma_wait3A_216, %dma_wait3A_227, %dma_wait3A_228] : memref<48x512x512xf32, #tpu.memory_space<hbm>> -> memref<1x1x512xf32, #tpu.memory_space<hbm>>
    %dma_wait3A_230 = tpu.memref_squeeze %dma_wait3A_229 : memref<1x1x512xf32, #tpu.memory_space<hbm>> -> memref<1x512xf32, #tpu.memory_space<hbm>>
    tpu.wait_dma2 semaphore(%arg12 : memref<!tpu.dma_semaphore, #tpu.memory_space<semaphore_mem>>) src(%dma_wait3A_230 : memref<1x512xf32, #tpu.memory_space<hbm>>) dst(%dma_wait3A_226 : memref<1x512xf32, #tpu.memory_space<vmem>>)
    return
  }
}

</mosaic_0001>

<sc_bundles>
// kernel: kernel.4.cloned.1.call-start
scs
__scs_entry_jumppad:
0x0: {  	(pc) =	sbr.rel $0x88, $3  }
0x1: {  	(tag) =	ssettag $0x0;
	lr =	simm.s32 $0x1  }
0x2: {  	[smem:$0x3F9F] =	sst lr;
	_ =	strace $0xD0000000  }
0x3: {  	_ = 	snop  }
0x4: {  	_ = 	snop  }
0x5: {  	_ = 	snop  }
0x6: {  	_ = 	snop  }
0x7: {  	_ = 	snop  }
__scs_overlays_trampoline_lowered:
0x8: {  	[smem:$0x3FAE] =	sst s0  }
0x9: {  	[smem:$0x3FAF] =	sst s1  }
0xa: {  	[smem:$0x3FB0] =	sst s2  }
0xb: {  	[smem:$0x3FB1] =	sst s3  }
0xc: {  	[smem:$0x3FB2] =	sst s4  }
0xd: {  	[smem:$0x3FB3] =	sst s5  }
0xe: {  	[smem:$0x3FB4] =	sst s6  }
0xf: {  	[smem:$0x3FB5] =	sst s7  }
0x10: {  	[smem:$0x3FB6] =	sst s8  }
0x11: {  	[smem:$0x3FB7] =	sst s9;
	s0 =	simm.s32 @!p0 $0x0  }
0x12: {  	s1 =	sld [smem:$0x3F9D];
	s0 =	simm.s32 @p0 $0x1  }
0x13: {  	[smem:$0x3FB8] =	sst s0;
	s0 =	simm.s32 @!p1 $0x0  }
0x14: {  	s2 =	sld [smem:$0x3F9C];
	s0 =	simm.s32 @p1 $0x1  }
0x15: {  	[smem:$0x3FB9] =	sst s0;
	s0 =	simm.s32 @!p2 $0x0  }
0x16: {  	s3 =	sld [smem:$0x3FDB];
	s0 =	simm.s32 @p2 $0x1  }
0x17: {  	s4 =	simm.s32 $0x1BF5;
	[smem:$0x3FBB] =	sst s0  }
0x18: {  	s0 =	sld [smem:$0x3F9E];
	_ =	swait.ge [sflag:s4], $0x0  }
0x19: {  	s7 =	sld [smem:$0x3F9F]  }
0x1a: {  	s8 =	sadd.s32 $0xFFFFE003, lr  }
0x1b: {  	s9 =	sadd.s32 $0xFFFFFEF7, lr;
	s5 =	simm.s32 $0xFFFFFFFF;
	p2 =	slt.u32 s8, $0xFFFFF086  }
0x1c: {  	p1 =	slt.u32 s9, $0xF7A;
	s5 =	simm.s32 @!p2 $0x0  }
0x1d: {  	s5 =	simm.s32 @p1 $0x1;
	p0 =	seq.s32 s7, s2  }
0x1e: {  	s7 =	smul.u32 @!p0 $0xF7A, s2;
	p2 =	seq.s32 @!p0 s5, $0x0  }
0x1f: {  	s9 =	smul.u32 $0xF7A, s1;
	s8 =	simm.s32 @!p0 $0x1BF5;
	p2 =	por !p2, p0  }
0x20: {  	[sflag:s8] =	ssyncset.s32 @!p0 $0xFFFFF086;
	s6 =	sadd.s32 @!p0 s3, s7;
	s7 =	simm.s32 @!p0 $0x108  }
0x21: {  	s3 =	sadd.s32 s3, s9;
	s6 =	sadd.s32 @!p0 $0x88, s6;
	s7 =	simm.s32 @p2 $0x1082  }
0x22: {  	[simem:s7], [sflag:s8] =	dma.local @!p0 [hbm:s6], $0xF7A  }
0x23: {  	s9 =	sor.u32 $0xD0000000, s2;
	s6 =	simm.s32 $0x108;
	_ =	swait.ge @!p0 [sflag:s8], $0x0  }
0x24: {  	s3 =	sadd.s32 $0x88, s3;
	s6 =	simm.s32 @!p1 $0x1082;
	[sflag:s4] =	ssyncset.s32 $0xFFFFF086  }
0x25: {  	[simem:s6], [sflag:s4] =	dma.local [hbm:s3], $0xF7A  }
0x26: {  	[smem:$0x3F9F] =	sst s1;
	(tag) =	ssettag s2;
	_ =	strace s9  }
0x27: {  	s1 =	sld [smem:$0x3FAF]  }
0x28: {  	s2 =	sld [smem:$0x3FB0]  }
0x29: {  	s4 =	sld [smem:$0x3FB2]  }
0x2a: {  	p0 =	seq.s32 s5, $0x0;
	s5 =	sld [smem:$0x3FB3]  }
0x2b: {  	s6 =	sld [smem:$0x3FB4]  }
0x2c: {  	s7 =	sld [smem:$0x3FB5]  }
0x2d: {  	s3 =	simm.s32 $0x108;
	s8 =	sld [smem:$0x3FB6]  }
0x2e: {  	s3 =	simm.s32 @!p0 $0x1082;
	s9 =	sld [smem:$0x3FB7]  }
0x2f: {  	lr =	sadd.s32 s0, s3;
	s0 =	sld [smem:$0x3FAE]  }
0x30: {  	s3 =	sld [smem:$0x3FB1]  }
0x31: {  	[smem:$0x3FBA] =	sst s10  }
0x32: {  	s10 =	sld [smem:$0x3FB8];
	_ =	sdelay $0x3  }
0x33: {  	p0 =	seq.s32 s10, $0x1;
	s10 =	sld [smem:$0x3FBA];
	_ =	sdelay $0x3  }
0x34: {  	[smem:$0x3FBA] =	sst s10  }
0x35: {  	s10 =	sld [smem:$0x3FB9];
	_ =	sdelay $0x3  }
0x36: {  	p1 =	seq.s32 s10, $0x1;
	s10 =	sld [smem:$0x3FBA];
	_ =	sdelay $0x3  }
0x37: {  	[smem:$0x3FBA] =	sst s10  }
0x38: {  	s10 =	sld [smem:$0x3FBB]  }
0x39: {  	_ = 	snop;
	(pc) =	sbr.ind lr, $3  }
0x3a: {  	_ = 	snop  }
0x3b: {  	_ = 	snop  }
0x3c: {  	p2 =	seq.s32 s10, $0x1;
	s10 =	sld [smem:$0x3FBA]  }
0x3d: {  	_ =	shalt  }
0x3e: {  	_ =	shalt  }
0x3f: {  	_ =	shalt  }
0x40: {  	_ =	shalt  }
0x41: {  	_ =	shalt  }
0x42: {  	_ =	shalt  }
0x43: {  	_ =	shalt  }
0x44: {  	_ =	shalt  }
0x45: {  	_ =	shalt  }
0x46: {  	_ =	shalt  }
0x47: {  	_ =	shalt  }
0x48: {  	_ =	shalt  }
0x49: {  	_ =	shalt  }
0x4a: {  	_ =	shalt  }
0x4b: {  	_ =	shalt  }
0x4c: {  	_ =	shalt  }
0x4d: {  	_ =	shalt  }
0x4e: {  	_ =	shalt  }
0x4f: {  	_ =	shalt  }
0x50: {  	_ =	shalt  }
0x51: {  	_ =	shalt  }
0x52: {  	_ =	shalt  }
0x53: {  	_ =	shalt  }
0x54: {  	_ =	shalt  }
0x55: {  	_ =	shalt  }
0x56: {  	_ =	shalt  }
0x57: {  	_ =	shalt  }
0x58: {  	_ =	shalt  }
0x59: {  	_ =	shalt  }
0x5a: {  	_ =	shalt  }
0x5b: {  	_ =	shalt  }
0x5c: {  	_ =	shalt  }
0x5d: {  	_ =	shalt  }
0x5e: {  	_ =	shalt  }
0x5f: {  	_ =	shalt  }
0x60: {  	_ =	shalt  }
0x61: {  	_ =	shalt  }
0x62: {  	_ =	shalt  }
0x63: {  	_ =	shalt  }
0x64: {  	_ =	shalt  }
0x65: {  	_ =	shalt  }
0x66: {  	_ =	shalt  }
0x67: {  	_ =	shalt  }
0x68: {  	_ =	shalt  }
0x69: {  	_ =	shalt  }
0x6a: {  	_ =	shalt  }
0x6b: {  	_ =	shalt  }
0x6c: {  	_ =	shalt  }
0x6d: {  	_ =	shalt  }
0x6e: {  	_ =	shalt  }
0x6f: {  	_ =	shalt  }
0x70: {  	_ =	shalt  }
0x71: {  	_ =	shalt  }
0x72: {  	_ =	shalt  }
0x73: {  	_ =	shalt  }
0x74: {  	_ =	shalt  }
0x75: {  	_ =	shalt  }
0x76: {  	_ =	shalt  }
0x77: {  	_ =	shalt  }
0x78: {  	_ =	shalt  }
0x79: {  	_ =	shalt  }
0x7a: {  	_ =	shalt  }
0x7b: {  	_ =	shalt  }
0x7c: {  	_ =	shalt  }
0x7d: {  	_ =	shalt  }
0x7e: {  	_ =	shalt  }
0x7f: {  	_ =	shalt  }
0x80: {  	_ =	shalt  }
0x81: {  	_ =	shalt  }
0x82: {  	_ =	shalt  }
0x83: {  	_ =	shalt  }
0x84: {  	_ =	shalt  }
0x85: {  	_ =	shalt  }
0x86: {  	_ =	shalt  }
0x87: {  	_ =	shalt  }
.Lfunc_end0:
.L_simem_size_0:
called_computation.2_lowered:
.L_overlay_start_0:
0x88: {  	s2 =	sld [smem:$0x3FD9]  }
0x89: {  	s3 =	sld [smem:$0x3FFE];
	_ =	sdelay $0x1  }
0x8a: {  	s1 =	srdreg.scid  }
0x8b: {  	s0 =	sand.u32 $0x1, s1  }
0x8c: {  	s17 =	sshll.u32 s0, $0xA;
	s2 =	sadd.s32 s3, s2  }
0x8d: {  	s2 =	sadd.s32 s2, s17  }
0x8e: {  	[smem:$0x3FC6] =	sst s2  }
0x8f: {  	_ = 	snop  }
0x90: {  	s18 =	sld [smem:$0x3FD0];
	(tm) =	ssettm $0x1  }
0x91: {  	s19 =	sld [smem:$0x3FFB];
	_ =	sdelay $0x3  }
0x92: {  	_ =	strace s19  }
0x93: {  	s2 =	sld [smem:$0x3FFC];
	_ =	sdelay $0x3  }
0x94: {  	_ =	strace s2  }
0x95: {  	s2 =	sld [smem:$0x3FFD];
	_ =	sdelay $0x3  }
0x96: {  	_ =	strace s2  }
0x97: {  	_ =	strace $0x8FFFFFFF  }
0x98: {  	s20 =	sld [smem:$0x3FDB];
	_ =	sdelay $0x1  }
0x99: {  	s4 =	simm.s32 $_scs_section_size  }
0x9a: {  	s5 =	simm.s32 $_size__tile_overlayer_lowered;
	s6 =	simm.s32 $_tile_overlayer_lowered  }
0x9b: {  	s7 =	simm.s32 $0x1BFF;
	s21 =	sshll.u32 s6, $0x1;
	s4 =	sadd.s32 s4, s20  }
0x9c: {  	s22 =	simm.s32 $0x0;
	s5 =	sshll.u32 s5, $0x1;
	s6 =	sadd.s32 s21, s4  }
0x9d: {  	[timem:s22], [sflag:s7] =	dma.local [hbm:s6], s5  }
0x9e: {  	_ =	swait.ge [sflag:s7], s5  }
0x9f: {  	s5 =	ssub.s32 $0x0, s5;
	[sflag:s7] =	ssyncset.done $0x0  }
0xa0: {  	[sflag:s7] =	ssyncadd.s32 s5;
	_ =	sdelay $0x1  }
0xa1: {  	s23 =	simm.s32 $0x1B8B  }
0xa2: {  	_ =	swait.ge [sflag:s23], $0x1  }
0xa3: {  	[sflag:s23] =	ssyncset.done $0x0  }
0xa4: {  	[sflag:s23] =	ssyncadd.s32 $0xFFFFFFFF  }
0xa5: {  	s5 =	sld [smem:$0x0]  }
0xa6: {  	s6 =	sand.u32 $0xFFFFFFFE, s1  }
0xa7: {  	p0 =	sne.s32 s1, s6  }
0xa8: {  	s6 =	sshll.u32 @p0 s6, $0xE  }
0xa9: {  	s6 =	sadd.s32 @p0 $0x11B8D, s6;
	s7 =	sshll.u32 @p0 s5, $0x11  }
0xaa: {  	s6 =	sor.u32 @p0 s7, s6  }
0xab: {  	[sflag:s6] =	ssyncadd.remote.s32 @p0 $0x1;
	_ =	sdelay $0x1  }
0xac: {  	s6 =	simm.s32 @p0 $0x1B8D  }
0xad: {  	_ =	swait.eq @p0 [sflag:s6], $0x1  }
0xae: {  	[sflag:s6] =	ssyncadd.s32 @p0 $0xFFFFFFFF  }
0xaf: {  	s7 =	sshll.u32 @!p0 s1, $0xE  }
0xb0: {  	s7 =	sor.u32 @!p0 $0x4000, s7;
	s6 =	simm.s32 @!p0 $0x1B8D  }
0xb1: {  	s5 =	sshll.u32 @!p0 s5, $0x11;
	s7 =	sadd.s32 @!p0 $0x11B8D, s7;
	_ =	swait.eq @!p0 [sflag:s6], $0x1  }
0xb2: {  	s5 =	sor.u32 @!p0 s5, s7;
	[sflag:s6] =	ssyncadd.s32 @!p0 $0xFFFFFFFF  }
0xb3: {  	s25 =	simm.s32 $0x1B8E;
	s24 =	sld [smem:$0x3FFE];
	[sflag:s5] =	ssyncadd.remote.s32 @!p0 $0x1  }
0xb4: {  	s26 =	simm.s32 $execute0_lowered;
	[smem:$0x3FD2] =	sst s25  }
0xb5: {  	s6 =	sshll.u32 s26, $0x1;
	_ =	strace $0x8000004C;
	[dreg:$0x1] =	wrdreg $0xFFFFFFFF  }
0xb6: {  	s28 =	simm.s32 $_size_execute0_lowered;
	s4 =	sadd.s32 s4, s6;
	[dreg:$0x0] =	wrdreg $0x0  }
0xb7: {  	s6 =	sshll.u32 s28, $0x1;
	[dreg:$0x2] =	wrdreg s4  }
0xb8: {  	[dreg:$0x3] =	wrdreg s6  }
0xb9: {  	[dreg:$0x4] =	wrdreg $0xC0  }
0xba: {  	_ =	task [dreg:s22], $0x5FFFF  }
0xbb: {  	[dreg:$0x1] =	wrdreg $0xFFFFFFFF  }
0xbc: {  	[dreg:$0x0] =	wrdreg $0x60  }
0xbd: {  	[dreg:$0x2] =	wrdreg s18  }
0xbe: {  	[dreg:$0x3] =	wrdreg s24  }
0xbf: {  	[dreg:$0x4] =	wrdreg $0xA  }
0xc0: {  	_ =	task.clear_ibuf [dreg:s22], $0x5FFFF;
	_ =	strace $0x9000004C  }
0xc1: {  	s29 =	simm.s32 $0xA;
	_ =	strace $0x8000004E  }
0xc2: {  	_ =	swait.ge [sflag:s29], $0x1  }
0xc3: {  	[sflag:s29] =	ssyncadd.s32 $0xFFFFFFFF  }
0xc4: {  	_ =	strace $0x9000004E  }
0xc5: {  	_ =	sfence  }
0xc6: {  	s30 =	sld [smem:$0x0];
	_ =	sdelay $0x2  }
0xc7: {  	s31 =	sshll.u32 s1, $0xD;
	s1 =	sshrl.u32 s1, $0x2  }
0xc8: {  	s4 =	sand.u32 $0x4000, s31;
	s1 =	sadd.s32 s1, s30  }
0xc9: {  	s0 =	sor.u32 s4, s0;
	s1 =	sshll.u32 s1, $0x11  }
0xca: {  	s0 =	sor.u32 s1, s0  }
0xcb: {  	s0 =	sadd.s32 $0x8F2B, s0  }
0xcc: {  	[sflag:s0] =	ssyncadd.remote.s32 $0x1  }
0xcd: {  	_ =	sfence.sel $0xFFFF  }
0xce: {  	[dreg:$0x0] =	wrdreg $0xFFFFFFFF;
	(pc) =	sbr.abs _section_cstart, $3  }
0xcf: {  	[dreg:$0x1] =	wrdreg $0xFFFFFFFF  }
0xd0: {  	_ =	task.clear_ibuf [dreg:s22], $0x2FFFF;
	_ =	strace $0x9FFFFFFF  }
0xd1: {  	(tm) =	ssettm $0x7FFFFFFF  }
tec
execute0_lowered:
.L_overlay_start_1:
0x0: {  	(tag) =	ssettag $0x1  }
0x1: {  	s0 =	srdreg.scid  }
0x2: {  	s7 =	stileid.u32;
	s2 =	rddreg [dreg:$0x0]  }
0x3: {  	s4 =	rddreg [dreg:$0x1];
	s3 =	simm.s32 $0x0;
	s19 =	simm.s32 $0x1000  }
0x4: {  	s20 =	simm.s32 $0x1200;
	s21 =	simm.s32 $0x2200;
	s28 =	simm.s32 $0xD800  }
0x5: {  	s29 =	simm.s32 $0xDA00;
	s30 =	simm.s32 $0xEA00;
	s31 =	simm.s32 $0x3600  }
0x6: {  	s0 =	sand.u32 $0x1, s0;
	[smem:$0x7FF] =	sst s3;
	s4 =	sadd.s32 $0x101000, s4  }
0x7: {  	s1 =	sor.u32 s0, s7;
	p1 =	seq.s32 s0, $0x1;
	_ =	strace $0x8000004D  }
0x8: {  	s5 =	ssub.s32 $0x2, s0;
	s10 =	sshll.u32 s0, $0x11;
	p0 =	seq.s32 s1, $0x0  }
0x9: {  	s1 =	simm.s32 $0x1;
	s6 =	sshrl.u32 s5, $0x1;
	p0 =	por !p0, !p1  }
0xa: {  	s22 =	sor.u32 $0x1000, s10;
	s9 =	ssub.s32 s5, s6;
	p0 =	por !p0, !p0  }
0xb: {  	s6 =	simm.s32 $0x1;
	s26 =	smax.u32 s9, $0x1;
	s1 =	simm.s32 @!p0 $0x0  }
0xc: {  	s9 =	simm.s32 $0x3;
	[dreg:$0x9] =	wrdreg s26;
	s1 =	ssub.s32 s7, s1  }
0xd: {  	s26 =	simm.s32 $0xC800;
	s7 =	sshll.u32 s0, $0x8;
	s5 =	smul.u32 $0xC0000, s1  }
0xe: {  	s16 =	sor.u32 $0x8, s7;
	s17 =	sshll.u32 s1, $0x9;
	s1 =	simm.s32 $0x2  }
0xf: {  	s11 =	sor.u32 s10, s5;
	s12 =	sor.u32 s22, s5;
	s8 =	sadd.s32 $0x40000, s5  }
0x10: {  	s11 =	sshrl.u32 s11, $0x3;
	s12 =	sshrl.u32 s12, $0x3;
	s13 =	sor.u32 s10, s8  }
0x11: {  	s25 =	sor.u32 s22, s8;
	s11 =	sadd.s32 s2, s11;
	s23 =	sadd.s32 s2, s12  }
0x12: {  	v0 =	vlaneseq.u32;
	s24 =	sshrl.u32 s13, $0x3;
	s12 =	sadd.s32 $0x80000, s5;
	[dreg:$0x3] =	wrdreg s11  }
0x13: {  	v1 =	vand.u32 $0x1, v0;
	[dreg:$0x4] =	wrdreg s23;
	s11 =	sadd.s32 s2, s24;
	s10 =	sor.u32 s10, s12  }
0x14: {  	v1 =	vmul.u32 $0x4, v1;
	s0 =	sor.u32 s22, s12;
	[dreg:$0x5] =	wrdreg s11;
	s11 =	sshrl.u32 s25, $0x3  }
0x15: {  	s22 =	simm.s32 $0x2400;
	s10 =	sshrl.u32 s10, $0x3;
	s11 =	sadd.s32 s2, s11  }
0x16: {  	v2 =	vor.u32 $0xFFFFFFF8, v1;
	v3 =	vor.u32 $0x1, v1;
	s0 =	sshrl.u32 s0, $0x3;
	s10 =	sadd.s32 s2, s10;
	[dreg:$0x6] =	wrdreg s11  }
0x17: {  	v4 =	vor.u32 $0xFFFFFFF9, v1;
	v5 =	vor.u32 $0x2, v1;
	v6 =	vor.u32 $0xFFFFFFFA, v1;
	s23 =	simm.s32 $0x3400;
	s0 =	sadd.s32 s2, s0;
	[dreg:$0x7] =	wrdreg s10  }
0x18: {  	v7 =	vor.u32 $0x7FF8, v1;
	v8 =	vor.u32 $0x7FF9, v1;
	v9 =	vor.u32 $0x7FFA, v1;
	[dreg:$0x8] =	wrdreg s0;
	s0 =	simm.s32 $0xEC00;
	s11 =	simm.s32 $0x0  }
.LBB2_1:
0x19: {  	[dreg:$0xa] =	wrdreg s11  }
0x1a: {  	s10 =	rddreg [dreg:$0x3]  }
0x1b: {  	[tilespmem:s3], [sflag:$0x1] =	stream.linear.gather [hbm4b:s10+s3], $0x1000, $0x38;
	[tilespmem:$0x16C00] =	vst v63  }
0x1c: {  	s14 =	rddreg [dreg:$0x4]  }
0x1d: {  	[tilespmem:s19], [sflag:$0x1] =	stream.linear.gather [hbm4b:s14+s3], $0x200, $0x38;
	[tilespmem:$0x16C00] =	vst v63  }
0x1e: {  	s15 =	rddreg [dreg:$0x5]  }
0x1f: {  	[tilespmem:s20], [sflag:$0x1] =	stream.linear.gather [hbm4b:s15+s3], $0x1000, $0x38;
	[tilespmem:$0x16C00] =	vst v63  }
0x20: {  	s18 =	rddreg [dreg:$0x6]  }
0x21: {  	[tilespmem:s21], [sflag:$0x1] =	stream.linear.gather [hbm4b:s18+s3], $0x200, $0x38;
	[tilespmem:$0x16C00] =	vst v63  }
0x22: {  	s24 =	rddreg [dreg:$0x7]  }
0x23: {  	[tilespmem:s22], [sflag:$0x1] =	stream.linear.gather [hbm4b:s24+s3], $0x1000, $0x38;
	[tilespmem:$0x16C00] =	vst v63  }
0x24: {  	s25 =	rddreg [dreg:$0x8];
	s11 =	simm.s32 $0x0  }
0x25: {  	[tilespmem:s23], [sflag:$0x1] =	stream.linear.gather [hbm4b:s25+s3], $0x200, $0x38;
	[tilespmem:$0x16C00] =	vst v63  }
.LBB2_2:
0x26: {  	s14 =	sshll.u32 s11, $0x4  }
0x27: {  	s13 =	sadd.s32 s16, s14  }
0x28: {  	s10 =	sshll.u32 s13, $0x9  }
0x29: {  	s15 =	sor.u32 s5, s10  }
0x2a: {  	s24 =	simm.s32 $0x0;
	s18 =	smin.u32 s13, $0x1F7;
	s15 =	sshrl.u32 s15, $0x3  }
0x2b: {  	s25 =	simm.s32 $0xB600;
	s18 =	sshll.u32 s18, $0x9;
	s15 =	sadd.s32 s2, s15  }
0x2c: {  	[tilespmem:s25], [sflag:$0x2] =	stream.linear.gather [hbm4b:s15+s24], $0x1000, $0x38;
	[tilespmem:$0x16C00] =	vst v63  }
0x2d: {  	s15 =	sadd.s32 $0x1000, s18  }
0x2e: {  	s25 =	sadd.s32 s5, s15  }
0x2f: {  	s18 =	sshrl.u32 s25, $0x3  }
0x30: {  	s25 =	simm.s32 $0xC600;
	s18 =	sadd.s32 s2, s18  }
0x31: {  	[tilespmem:s25], [sflag:$0x2] =	stream.linear.gather [hbm4b:s18+s24], $0x200, $0x38;
	[tilespmem:$0x16C00] =	vst v63  }
0x32: {  	s25 =	sor.u32 s8, s10  }
0x33: {  	s18 =	sshrl.u32 s25, $0x3  }
0x34: {  	s25 =	sadd.s32 s8, s15;
	s18 =	sadd.s32 s2, s18  }
0x35: {  	[tilespmem:s26], [sflag:$0x2] =	stream.linear.gather [hbm4b:s18+s24], $0x1000, $0x38;
	[tilespmem:$0x16C00] =	vst v63  }
0x36: {  	s10 =	sor.u32 s12, s10;
	s18 =	sshrl.u32 s25, $0x3  }
0x37: {  	s10 =	sshrl.u32 s10, $0x3;
	s18 =	sadd.s32 s2, s18  }
0x38: {  	[tilespmem:s28], [sflag:$0x2] =	stream.linear.gather [hbm4b:s18+s24], $0x200, $0x38;
	[tilespmem:$0x16C00] =	vst v63  }
0x39: {  	s15 =	sadd.s32 s12, s15;
	s10 =	sadd.s32 s2, s10  }
0x3a: {  	[tilespmem:s29], [sflag:$0x2] =	stream.linear.gather [hbm4b:s10+s24], $0x1000, $0x38;
	[tilespmem:$0x16C00] =	vst v63  }
0x3b: {  	s10 =	sshrl.u32 s15, $0x3  }
0x3c: {  	s10 =	sadd.s32 s2, s10  }
0x3d: {  	[tilespmem:s30], [sflag:$0x2] =	stream.linear.gather [hbm4b:s10+s24], $0x200, $0x38;
	[tilespmem:$0x16C00] =	vst v63  }
0x3e: {  	_ =	swait.ge [sflag:s6], $0x1000  }
0x3f: {  	[sflag:s6] =	ssyncset.done $0x0  }
0x40: {  	[sflag:s6] =	ssyncadd.s32 $0xFFFFF000  }
0x41: {  	_ =	swait.ge [sflag:s6], $0x200  }
0x42: {  	[sflag:s6] =	ssyncset.done $0x0  }
0x43: {  	[sflag:s6] =	ssyncadd.s32 $0xFFFFFE00  }
0x44: {  	_ =	swait.ge [sflag:s6], $0x1000  }
0x45: {  	[sflag:s6] =	ssyncset.done $0x0  }
0x46: {  	[sflag:s6] =	ssyncadd.s32 $0xFFFFF000  }
0x47: {  	_ =	swait.ge [sflag:s6], $0x200  }
0x48: {  	[sflag:s6] =	ssyncset.done $0x0  }
0x49: {  	[sflag:s6] =	ssyncadd.s32 $0xFFFFFE00  }
0x4a: {  	_ =	swait.ge [sflag:s6], $0x1000  }
0x4b: {  	s18 =	sand.u32 $0x1F0, s24;
	[sflag:s6] =	ssyncset.done $0x0  }
0x4c: {  	v10 =	vor.u32 s18, v0;
	[sflag:s6] =	ssyncadd.s32 $0xFFFFF000  }
0x4d: {  	v10 =	vshrl.u32 v10, $0x1;
	s24 =	simm.s32 $0x0;
	_ =	swait.ge [sflag:s6], $0x200  }
0x4e: {  	s25 =	simm.s32 $0x0;
	v10 =	vor.u32 s24, v10;
	[sflag:s6] =	ssyncset.done $0x0  }
0x4f: {  	s10 =	sor.u32 s18, s25;
	v11 =	vshll.u32 v10, $0x4;
	[sflag:s6] =	ssyncadd.s32 $0xFFFFFE00  }
0x50: {  	vm0 =	vne.s32 v10, $0x0;
	v12 =	vor.u32 v1, v11;
	v10 =	vld [tilespmem:s10+$0x0]  }
0x51: {  	v13 =	vadd.s32 v2, v11;
	_ =	sdelay $0x3  }
0x52: {  	[tilespmem:v12+s31+$0x0] =	vst.idx.msk $0xffff, v10  }
0x53: {  	[tilespmem:v13+s31+$0x0] =	vst.idx.msk vm0, v10  }
0x54: {  	v12 =	vor.u32 v3, v11;
	v10 =	vld [tilespmem:s10+$0x1200]  }
0x55: {  	v13 =	vadd.s32 v4, v11;
	_ =	sdelay $0x3  }
0x56: {  	[tilespmem:v12+s31+$0x0] =	vst.idx.msk $0xffff, v10  }
0x57: {  	[tilespmem:v13+s31+$0x0] =	vst.idx.msk vm0, v10  }
0x58: {  	v13 =	vor.u32 v5, v11;
	v10 =	vld [tilespmem:s10+$0x2400]  }
0x59: {  	s15 =	simm.s32 $0x10;
	v11 =	vadd.s32 v6, v11  }
0x5a: {  	s18 =	sand.u32 $0x1F0, s15  }
0x5b: {  	v12 =	vor.u32 s18, v0  }
0x5c: {  	s25 =	simm.s32 $0x0;
	s24 =	simm.s32 $0x0;
	v12 =	vshrl.u32 v12, $0x1  }
0x5d: {  	s18 =	sor.u32 s18, s24;
	s10 =	simm.s32 $0x2;
	v12 =	vor.u32 s25, v12;
	[tilespmem:v13+s31+$0x0] =	vst.idx.msk $0xffff, v10  }
.LBB2_3:
0x5e: {  	p0 =	sne.s32 s10, $0xFF;
	v13 =	vshll.u32 v12, $0x4;
	[tilespmem:v11+s31+$0x0] =	vst.idx.msk vm0, v10;
	s24 =	smov.u32 s10;
	s10 =	sadd.s32 $0x1, s10  }
0x5f: {  	vm0 =	vne.s32 v12, $0x0;
	v10 =	vld [tilespmem:s18+$0x0];
	v11 =	vor.u32 v1, v13  }
0x60: {  	v12 =	vadd.s32 v2, v13;
	_ =	sdelay $0x3  }
0x61: {  	[tilespmem:v11+s31+$0x0] =	vst.idx.msk $0xffff, v10  }
0x62: {  	[tilespmem:v12+s31+$0x0] =	vst.idx.msk vm0, v10  }
0x63: {  	v11 =	vor.u32 v3, v13;
	v10 =	vld [tilespmem:s18+$0x1200]  }
0x64: {  	v12 =	vadd.s32 v4, v13;
	_ =	sdelay $0x3  }
0x65: {  	[tilespmem:v11+s31+$0x0] =	vst.idx.msk $0xffff, v10  }
0x66: {  	[tilespmem:v12+s31+$0x0] =	vst.idx.msk vm0, v10  }
0x67: {  	v14 =	vor.u32 v5, v13;
	v10 =	vld [tilespmem:s18+$0x2400]  }
.Ltmp0:
0x68: {  	s15 =	sadd.s32 $0x10, s15;
	s24 =	sshrl.u32 s24, $0x5;
	v11 =	vadd.s32 v6, v13;
	(pc) =	sbr.rel @p0 .LBB2_3-.Ltmp0, $4  }
0x69: {  	s25 =	sshll.u32 s24, $0x9;
	s18 =	sand.u32 $0x1F0, s15  }
0x6a: {  	v12 =	vor.u32 s18, v0;
	s18 =	sor.u32 s18, s25  }
0x6b: {  	s24 =	sshll.u32 s24, $0x8;
	v12 =	vshrl.u32 v12, $0x1  }
0x6c: {  	v12 =	vor.u32 s24, v12;
	[tilespmem:v14+s31+$0x0] =	vst.idx.msk $0xffff, v10  }
0x6d: {  	_ =	sdelay $0x4  }
0x6e: {  	v13 =	vshll.u32 v12, $0x4;
	[tilespmem:v11+s31+$0x0] =	vst.idx.msk vm0, v10  }
0x6f: {  	vm0 =	vne.s32 v12, $0x0;
	v10 =	vld [tilespmem:s18+$0x0];
	v11 =	vor.u32 v1, v13  }
0x70: {  	v12 =	vadd.s32 v2, v13;
	_ =	sdelay $0x3  }
0x71: {  	[tilespmem:v11+s31+$0x0] =	vst.idx.msk $0xffff, v10  }
0x72: {  	[tilespmem:v12+s31+$0x0] =	vst.idx.msk vm0, v10  }
0x73: {  	v11 =	vor.u32 v3, v13;
	v10 =	vld [tilespmem:s18+$0x1200]  }
0x74: {  	v12 =	vadd.s32 v4, v13;
	_ =	sdelay $0x3  }
0x75: {  	[tilespmem:v11+s31+$0x0] =	vst.idx.msk $0xffff, v10  }
0x76: {  	[tilespmem:v12+s31+$0x0] =	vst.idx.msk vm0, v10  }
0x77: {  	v11 =	vor.u32 v5, v13;
	v10 =	vld [tilespmem:s18+$0x2400]  }
0x78: {  	v12 =	vadd.s32 v6, v13;
	_ =	sdelay $0x3  }
0x79: {  	[tilespmem:v11+s31+$0x0] =	vst.idx.msk $0xffff, v10  }
0x7a: {  	[tilespmem:v12+s31+$0x0] =	vst.idx.msk vm0, v10  }
0x7b: {  	v10 =	vld [tilespmem:$0x1000];
	_ =	sdelay $0x4  }
0x7c: {  	[tilespmem:v7+s31+$0x0] =	vst.idx.msk $0x3, v10  }
0x7d: {  	v10 =	vld [tilespmem:$0x2200];
	_ =	sdelay $0x4  }
0x7e: {  	[tilespmem:v8+s31+$0x0] =	vst.idx.msk $0x3, v10  }
0x7f: {  	v10 =	vld [tilespmem:$0x3400]  }
0x80: {  	s10 =	sor.u32 s14, s7  }
0x81: {  	s10 =	sadd.s32 s17, s10  }
0x82: {  	s10 =	sshll.u32 s10, $0x9  }
0x83: {  	s10 =	sand.u32 $0x1FFFE000, s10  }
0x84: {  	s15 =	simm.s32 $0x0;
	s10 =	sadd.s32 s4, s10;
	s18 =	sadd.s32 $0x10, s14;
	[tilespmem:v9+s31+$0x0] =	vst.idx.msk $0x3, v10  }
0x85: {  	[hbm4b:s10+s15] =	stream.linear.scatter [tilespmem:s31], [sflag:$0x3], $0x8000, $0x38;
	[tilespmem:$0x16C00] =	vst v63  }
0x86: {  	s10 =	sand.u32 $0xF0, s18  }
0x87: {  	s10 =	sor.u32 s7, s10  }
0x88: {  	s10 =	sshll.u32 s10, $0x9  }
0x89: {  	s24 =	sor.u32 s5, s10  }
0x8a: {  	s14 =	sshrl.u32 s24, $0x3  }
0x8b: {  	s14 =	sadd.s32 s2, s14  }
0x8c: {  	[tilespmem:s15], [sflag:$0x1] =	stream.linear.gather [hbm4b:s14+s15], $0x1000, $0x38;
	[tilespmem:$0x16C00] =	vst v63  }
0x8d: {  	s14 =	sor.u32 $0x1000, s10  }
0x8e: {  	s25 =	sor.u32 s5, s14  }
0x8f: {  	s18 =	sshrl.u32 s25, $0x3  }
0x90: {  	s24 =	sor.u32 s8, s10;
	s18 =	sadd.s32 s2, s18  }
0x91: {  	[tilespmem:s19], [sflag:$0x1] =	stream.linear.gather [hbm4b:s18+s15], $0x200, $0x38;
	[tilespmem:$0x16C00] =	vst v63  }
0x92: {  	s18 =	sshrl.u32 s24, $0x3  }
0x93: {  	s25 =	sor.u32 s8, s14;
	s18 =	sadd.s32 s2, s18  }
0x94: {  	[tilespmem:s20], [sflag:$0x1] =	stream.linear.gather [hbm4b:s18+s15], $0x1000, $0x38;
	[tilespmem:$0x16C00] =	vst v63  }
0x95: {  	s10 =	sor.u32 s12, s10;
	s18 =	sshrl.u32 s25, $0x3  }
0x96: {  	s10 =	sshrl.u32 s10, $0x3;
	s18 =	sadd.s32 s2, s18  }
0x97: {  	[tilespmem:s21], [sflag:$0x1] =	stream.linear.gather [hbm4b:s18+s15], $0x200, $0x38;
	[tilespmem:$0x16C00] =	vst v63  }
0x98: {  	s10 =	sadd.s32 s2, s10;
	s14 =	sor.u32 s12, s14  }
0x99: {  	[tilespmem:s22], [sflag:$0x1] =	stream.linear.gather [hbm4b:s10+s15], $0x1000, $0x38;
	[tilespmem:$0x16C00] =	vst v63  }
0x9a: {  	s10 =	sshrl.u32 s14, $0x3  }
0x9b: {  	s10 =	sadd.s32 s2, s10  }
0x9c: {  	[tilespmem:s23], [sflag:$0x1] =	stream.linear.gather [hbm4b:s10+s15], $0x200, $0x38;
	[tilespmem:$0x16C00] =	vst v63  }
0x9d: {  	_ =	swait.ge [sflag:s1], $0x1000  }
0x9e: {  	[sflag:s1] =	ssyncset.done $0x0  }
0x9f: {  	[sflag:s1] =	ssyncadd.s32 $0xFFFFF000  }
0xa0: {  	_ =	swait.ge [sflag:s1], $0x200  }
0xa1: {  	[sflag:s1] =	ssyncset.done $0x0  }
0xa2: {  	[sflag:s1] =	ssyncadd.s32 $0xFFFFFE00  }
0xa3: {  	_ =	swait.ge [sflag:s1], $0x1000  }
0xa4: {  	[sflag:s1] =	ssyncset.done $0x0  }
0xa5: {  	[sflag:s1] =	ssyncadd.s32 $0xFFFFF000  }
0xa6: {  	_ =	swait.ge [sflag:s1], $0x200  }
0xa7: {  	[sflag:s1] =	ssyncset.done $0x0  }
0xa8: {  	[sflag:s1] =	ssyncadd.s32 $0xFFFFFE00  }
0xa9: {  	_ =	swait.ge [sflag:s1], $0x1000  }
0xaa: {  	s18 =	sand.u32 $0x1F0, s15;
	[sflag:s1] =	ssyncset.done $0x0  }
0xab: {  	v10 =	vor.u32 s18, v0;
	[sflag:s1] =	ssyncadd.s32 $0xFFFFF000  }
0xac: {  	s24 =	simm.s32 $0x0;
	v10 =	vshrl.u32 v10, $0x1;
	_ =	swait.ge [sflag:s1], $0x200  }
0xad: {  	s25 =	simm.s32 $0x0;
	v10 =	vor.u32 s24, v10;
	[sflag:s1] =	ssyncset.done $0x0  }
0xae: {  	s10 =	sor.u32 s18, s25;
	v11 =	vshll.u32 v10, $0x4;
	[sflag:s1] =	ssyncadd.s32 $0xFFFFFE00  }
0xaf: {  	vm0 =	vne.s32 v10, $0x0;
	v12 =	vor.u32 v1, v11;
	v10 =	vld [tilespmem:s10+$0xB600]  }
0xb0: {  	v13 =	vadd.s32 v2, v11;
	_ =	sdelay $0x3  }
0xb1: {  	[tilespmem:v12+s0+$0x0] =	vst.idx.msk $0xffff, v10  }
0xb2: {  	[tilespmem:v13+s0+$0x0] =	vst.idx.msk vm0, v10  }
0xb3: {  	v12 =	vor.u32 v3, v11;
	v10 =	vld [tilespmem:s10+$0xC800]  }
0xb4: {  	v13 =	vadd.s32 v4, v11;
	_ =	sdelay $0x3  }
0xb5: {  	[tilespmem:v12+s0+$0x0] =	vst.idx.msk $0xffff, v10  }
0xb6: {  	[tilespmem:v13+s0+$0x0] =	vst.idx.msk vm0, v10  }
0xb7: {  	v13 =	vor.u32 v5, v11;
	v10 =	vld [tilespmem:s10+$0xDA00]  }
0xb8: {  	s14 =	simm.s32 $0x10;
	v11 =	vadd.s32 v6, v11  }
0xb9: {  	s18 =	sand.u32 $0x1F0, s14  }
0xba: {  	v12 =	vor.u32 s18, v0  }
0xbb: {  	s24 =	simm.s32 $0x0;
	s25 =	simm.s32 $0x0;
	v12 =	vshrl.u32 v12, $0x1  }
0xbc: {  	s15 =	sor.u32 s18, s24;
	s10 =	simm.s32 $0x2;
	v12 =	vor.u32 s25, v12;
	[tilespmem:v13+s0+$0x0] =	vst.idx.msk $0xffff, v10  }
.LBB2_5:
0xbd: {  	p0 =	sne.s32 s10, $0xFF;
	v13 =	vshll.u32 v12, $0x4;
	[tilespmem:v11+s0+$0x0] =	vst.idx.msk vm0, v10;
	s18 =	smov.u32 s10;
	s10 =	sadd.s32 $0x1, s10  }
0xbe: {  	vm0 =	vne.s32 v12, $0x0;
	v10 =	vld [tilespmem:s15+$0xB600];
	v11 =	vor.u32 v1, v13  }
0xbf: {  	v12 =	vadd.s32 v2, v13;
	_ =	sdelay $0x3  }
0xc0: {  	[tilespmem:v11+s0+$0x0] =	vst.idx.msk $0xffff, v10  }
0xc1: {  	[tilespmem:v12+s0+$0x0] =	vst.idx.msk vm0, v10  }
0xc2: {  	v11 =	vor.u32 v3, v13;
	v10 =	vld [tilespmem:s15+$0xC800]  }
0xc3: {  	v12 =	vadd.s32 v4, v13;
	_ =	sdelay $0x3  }
0xc4: {  	[tilespmem:v11+s0+$0x0] =	vst.idx.msk $0xffff, v10  }
0xc5: {  	[tilespmem:v12+s0+$0x0] =	vst.idx.msk vm0, v10  }
0xc6: {  	v14 =	vor.u32 v5, v13;
	v10 =	vld [tilespmem:s15+$0xDA00]  }
.Ltmp1:
0xc7: {  	s14 =	sadd.s32 $0x10, s14;
	s18 =	sshrl.u32 s18, $0x5;
	v11 =	vadd.s32 v6, v13;
	(pc) =	sbr.rel @p0 .LBB2_5-.Ltmp1, $4  }
0xc8: {  	s24 =	sshll.u32 s18, $0x9;
	s15 =	sand.u32 $0x1F0, s14  }
0xc9: {  	v12 =	vor.u32 s15, v0;
	s15 =	sor.u32 s15, s24  }
0xca: {  	s18 =	sshll.u32 s18, $0x8;
	v12 =	vshrl.u32 v12, $0x1  }
0xcb: {  	v12 =	vor.u32 s18, v12;
	[tilespmem:v14+s0+$0x0] =	vst.idx.msk $0xffff, v10  }
0xcc: {  	_ =	sdelay $0x4  }
0xcd: {  	v13 =	vshll.u32 v12, $0x4;
	[tilespmem:v11+s0+$0x0] =	vst.idx.msk vm0, v10  }
0xce: {  	vm15 =	vne.s32 v12, $0x0;
	v10 =	vld [tilespmem:s15+$0xB600];
	v11 =	vor.u32 v1, v13  }
0xcf: {  	v61 =	vadd.s32 v2, v13;
	_ =	sdelay $0x3  }
0xd0: {  	[tilespmem:v11+s0+$0x0] =	vst.idx.msk $0xffff, v10  }
0xd1: {  	[tilespmem:v61+s0+$0x0] =	vst.idx.msk vm15, v10  }
0xd2: {  	v11 =	vor.u32 v3, v13;
	v10 =	vld [tilespmem:s15+$0xC800]  }
0xd3: {  	v62 =	vadd.s32 v4, v13;
	_ =	sdelay $0x3  }
0xd4: {  	[tilespmem:v11+s0+$0x0] =	vst.idx.msk $0xffff, v10  }
0xd5: {  	[tilespmem:v62+s0+$0x0] =	vst.idx.msk vm15, v10  }
0xd6: {  	v11 =	vor.u32 v5, v13;
	v10 =	vld [tilespmem:s15+$0xDA00]  }
0xd7: {  	v63 =	vadd.s32 v6, v13;
	_ =	sdelay $0x3  }
0xd8: {  	[tilespmem:v11+s0+$0x0] =	vst.idx.msk $0xffff, v10  }
0xd9: {  	[tilespmem:v63+s0+$0x0] =	vst.idx.msk vm15, v10  }
0xda: {  	v10 =	vld [tilespmem:$0xC600];
	_ =	sdelay $0x4  }
0xdb: {  	[tilespmem:v7+s0+$0x0] =	vst.idx.msk $0x3, v10  }
0xdc: {  	v10 =	vld [tilespmem:$0xD800];
	_ =	sdelay $0x4  }
0xdd: {  	[tilespmem:v8+s0+$0x0] =	vst.idx.msk $0x3, v10  }
0xde: {  	v10 =	vld [tilespmem:$0xEA00];
	_ =	sdelay $0x1  }
0xdf: {  	s10 =	sadd.s32 s17, s13  }
0xe0: {  	s10 =	sshll.u32 s10, $0x9  }
0xe1: {  	s10 =	sand.u32 $0x1FFFF000, s10  }
0xe2: {  	s11 =	sadd.s32 $0x1, s11;
	s10 =	sadd.s32 s4, s10;
	[tilespmem:v9+s0+$0x0] =	vst.idx.msk $0x3, v10  }
0xe3: {  	[hbm4b:s10+s3] =	stream.linear.scatter [tilespmem:s0], [sflag:$0x3], $0x8000, $0x38;
	[tilespmem:$0x16C00] =	vst v63  }
0xe4: {  	p0 =	sne.s32 s11, $0x10;
	_ =	swait.ge [sflag:s9], $0x8000  }
.Ltmp2:
0xe5: {  	[sflag:s9] =	ssyncset.done $0x0;
	(pc) =	sbr.rel @p0 .LBB2_2-.Ltmp2, $4  }
0xe6: {  	[sflag:s9] =	ssyncadd.s32 $0xFFFF8000  }
0xe7: {  	_ =	swait.ge [sflag:s9], $0x8000  }
0xe8: {  	[sflag:s9] =	ssyncset.done $0x0  }
0xe9: {  	[sflag:s9] =	ssyncadd.s32 $0xFFFF8000  }
0xea: {  	_ =	swait.ge [sflag:s6], $0x1000  }
0xeb: {  	[sflag:s6] =	ssyncset.done $0x0  }
0xec: {  	[sflag:s6] =	ssyncadd.s32 $0xFFFFF000  }
0xed: {  	_ =	swait.ge [sflag:s6], $0x200  }
0xee: {  	[sflag:s6] =	ssyncset.done $0x0  }
0xef: {  	[sflag:s6] =	ssyncadd.s32 $0xFFFFFE00  }
0xf0: {  	_ =	swait.ge [sflag:s6], $0x1000  }
0xf1: {  	[sflag:s6] =	ssyncset.done $0x0  }
0xf2: {  	[sflag:s6] =	ssyncadd.s32 $0xFFFFF000  }
0xf3: {  	_ =	swait.ge [sflag:s6], $0x200  }
0xf4: {  	[sflag:s6] =	ssyncset.done $0x0  }
0xf5: {  	[sflag:s6] =	ssyncadd.s32 $0xFFFFFE00  }
0xf6: {  	_ =	swait.ge [sflag:s6], $0x1000  }
0xf7: {  	[sflag:s6] =	ssyncset.done $0x0  }
0xf8: {  	[sflag:s6] =	ssyncadd.s32 $0xFFFFF000  }
0xf9: {  	_ =	swait.ge [sflag:s6], $0x200  }
0xfa: {  	s11 =	rddreg [dreg:$0xa]  }
0xfb: {  	s10 =	rddreg [dreg:$0x9];
	s11 =	sadd.s32 $0x1, s11  }
0xfc: {  	p0 =	sne.s32 s11, s10  }
.Ltmp3:
0xfd: {  	_ = 	snop;
	(pc) =	sbr.rel @p0 .LBB2_1-.Ltmp3, $3  }
0xfe: {  	_ =	sdelay $0x1  }
0xff: {  	[sflag:s6] =	ssyncset.done $0x0  }
0x100: {  	[sflag:s6] =	ssyncadd.s32 $0xFFFFFE00  }
0x101: {  	_ =	sfence.sel $0x180000  }
0x102: {  	[bflag:$0x0] =	sbarrier.arrive $0xFFFF  }
0x103: {  	_ =	strace $0x9000004D  }
0x104: {  	s0 =	stileid.u32;
	[bflag:$0x2] =	sbarrier.arrive $0xFFFF  }
0x105: {  	p0 =	sne.s32 s0, $0x0;
	s0 =	rddreg [dreg:$0x2]  }
0x106: {  	s0 =	sadd.s32 @!p0 $0x100000, s0  }
0x107: {  	[sflag:s0] =	ssyncadd.tile.s32 @!p0 $0x1;
	_ =	shalt  }
.Lfunc_end2:
_tile_overlayer_lowered:
.L_overlay_start_2:
0x108: {  	(tag) =	ssettag $0x2  }
0x109: {  	s0 =	rddreg [dreg:$0x0];
	s2 =	stileid.u32  }
0x10a: {  	s1 =	rddreg [dreg:$0x1];
	p0 =	sne.s32 s2, $0x0  }
0x10b: {  	s3 =	rddreg [dreg:$0x2];
	[bflag:$0x3] =	sbarrier.arrive $0xFFFF;
	s2 =	simm.s32 @!p0 $0x1C04  }
0x10c: {  	[timem:s3], [sflag:s2] =	dma.local @!p0 [hbm:s0], s1  }
0x10d: {  	s0 =	simm.s32 @!p0 $0x4  }
0x10e: {  	_ =	swait.ge @!p0 [sflag:s0], s1  }
0x10f: {  	s1 =	ssub.s32 @!p0 $0x0, s1;
	[sflag:s0] =	ssyncset.done @!p0 $0x0  }
0x110: {  	[sflag:s0] =	ssyncadd.s32 @!p0 s1  }
0x111: {  	[bflag:$0x3] =	sbarrier.arrive $0xFFFF  }
0x112: {  	_ =	shalt  }

// kernel: kernel.7.cloned.1.call-start
scs
__scs_entry_jumppad:
0x0: {  	(pc) =	sbr.rel $0x88, $3  }
0x1: {  	(tag) =	ssettag $0x0;
	lr =	simm.s32 $0x1  }
0x2: {  	[smem:$0x3F9F] =	sst lr;
	_ =	strace $0xD0000000  }
0x3: {  	_ = 	snop  }
0x4: {  	_ = 	snop  }
0x5: {  	_ = 	snop  }
0x6: {  	_ = 	snop  }
0x7: {  	_ = 	snop  }
__scs_overlays_trampoline_lowered:
0x8: {  	[smem:$0x3FAE] =	sst s0  }
0x9: {  	[smem:$0x3FAF] =	sst s1  }
0xa: {  	[smem:$0x3FB0] =	sst s2  }
0xb: {  	[smem:$0x3FB1] =	sst s3  }
0xc: {  	[smem:$0x3FB2] =	sst s4  }
0xd: {  	[smem:$0x3FB3] =	sst s5  }
0xe: {  	[smem:$0x3FB4] =	sst s6  }
0xf: {  	[smem:$0x3FB5] =	sst s7  }
0x10: {  	[smem:$0x3FB6] =	sst s8  }
0x11: {  	[smem:$0x3FB7] =	sst s9;
	s0 =	simm.s32 @!p0 $0x0  }
0x12: {  	s1 =	sld [smem:$0x3F9D];
	s0 =	simm.s32 @p0 $0x1  }
0x13: {  	[smem:$0x3FB8] =	sst s0;
	s0 =	simm.s32 @!p1 $0x0  }
0x14: {  	s2 =	sld [smem:$0x3F9C];
	s0 =	simm.s32 @p1 $0x1  }
0x15: {  	[smem:$0x3FB9] =	sst s0;
	s0 =	simm.s32 @!p2 $0x0  }
0x16: {  	s3 =	sld [smem:$0x3FDB];
	s0 =	simm.s32 @p2 $0x1  }
0x17: {  	s4 =	simm.s32 $0x1BF5;
	[smem:$0x3FBB] =	sst s0  }
0x18: {  	s0 =	sld [smem:$0x3F9E];
	_ =	swait.ge [sflag:s4], $0x0  }
0x19: {  	s7 =	sld [smem:$0x3F9F]  }
0x1a: {  	s8 =	sadd.s32 $0xFFFFE003, lr  }
0x1b: {  	s9 =	sadd.s32 $0xFFFFFEF7, lr;
	s5 =	simm.s32 $0xFFFFFFFF;
	p2 =	slt.u32 s8, $0xFFFFF086  }
0x1c: {  	p1 =	slt.u32 s9, $0xF7A;
	s5 =	simm.s32 @!p2 $0x0  }
0x1d: {  	s5 =	simm.s32 @p1 $0x1;
	p0 =	seq.s32 s7, s2  }
0x1e: {  	s7 =	smul.u32 @!p0 $0xF7A, s2;
	p2 =	seq.s32 @!p0 s5, $0x0  }
0x1f: {  	s9 =	smul.u32 $0xF7A, s1;
	s8 =	simm.s32 @!p0 $0x1BF5;
	p2 =	por !p2, p0  }
0x20: {  	[sflag:s8] =	ssyncset.s32 @!p0 $0xFFFFF086;
	s6 =	sadd.s32 @!p0 s3, s7;
	s7 =	simm.s32 @!p0 $0x108  }
0x21: {  	s3 =	sadd.s32 s3, s9;
	s6 =	sadd.s32 @!p0 $0x88, s6;
	s7 =	simm.s32 @p2 $0x1082  }
0x22: {  	[simem:s7], [sflag:s8] =	dma.local @!p0 [hbm:s6], $0xF7A  }
0x23: {  	s9 =	sor.u32 $0xD0000000, s2;
	s6 =	simm.s32 $0x108;
	_ =	swait.ge @!p0 [sflag:s8], $0x0  }
0x24: {  	s3 =	sadd.s32 $0x88, s3;
	s6 =	simm.s32 @!p1 $0x1082;
	[sflag:s4] =	ssyncset.s32 $0xFFFFF086  }
0x25: {  	[simem:s6], [sflag:s4] =	dma.local [hbm:s3], $0xF7A  }
0x26: {  	[smem:$0x3F9F] =	sst s1;
	(tag) =	ssettag s2;
	_ =	strace s9  }
0x27: {  	s1 =	sld [smem:$0x3FAF]  }
0x28: {  	s2 =	sld [smem:$0x3FB0]  }
0x29: {  	s4 =	sld [smem:$0x3FB2]  }
0x2a: {  	p0 =	seq.s32 s5, $0x0;
	s5 =	sld [smem:$0x3FB3]  }
0x2b: {  	s6 =	sld [smem:$0x3FB4]  }
0x2c: {  	s7 =	sld [smem:$0x3FB5]  }
0x2d: {  	s3 =	simm.s32 $0x108;
	s8 =	sld [smem:$0x3FB6]  }
0x2e: {  	s3 =	simm.s32 @!p0 $0x1082;
	s9 =	sld [smem:$0x3FB7]  }
0x2f: {  	lr =	sadd.s32 s0, s3;
	s0 =	sld [smem:$0x3FAE]  }
0x30: {  	s3 =	sld [smem:$0x3FB1]  }
0x31: {  	[smem:$0x3FBA] =	sst s10  }
0x32: {  	s10 =	sld [smem:$0x3FB8];
	_ =	sdelay $0x3  }
0x33: {  	p0 =	seq.s32 s10, $0x1;
	s10 =	sld [smem:$0x3FBA];
	_ =	sdelay $0x3  }
0x34: {  	[smem:$0x3FBA] =	sst s10  }
0x35: {  	s10 =	sld [smem:$0x3FB9];
	_ =	sdelay $0x3  }
0x36: {  	p1 =	seq.s32 s10, $0x1;
	s10 =	sld [smem:$0x3FBA];
	_ =	sdelay $0x3  }
0x37: {  	[smem:$0x3FBA] =	sst s10  }
0x38: {  	s10 =	sld [smem:$0x3FBB]  }
0x39: {  	_ = 	snop;
	(pc) =	sbr.ind lr, $3  }
0x3a: {  	_ = 	snop  }
0x3b: {  	_ = 	snop  }
0x3c: {  	p2 =	seq.s32 s10, $0x1;
	s10 =	sld [smem:$0x3FBA]  }
0x3d: {  	_ =	shalt  }
0x3e: {  	_ =	shalt  }
0x3f: {  	_ =	shalt  }
0x40: {  	_ =	shalt  }
0x41: {  	_ =	shalt  }
0x42: {  	_ =	shalt  }
0x43: {  	_ =	shalt  }
0x44: {  	_ =	shalt  }
0x45: {  	_ =	shalt  }
0x46: {  	_ =	shalt  }
0x47: {  	_ =	shalt  }
0x48: {  	_ =	shalt  }
0x49: {  	_ =	shalt  }
0x4a: {  	_ =	shalt  }
0x4b: {  	_ =	shalt  }
0x4c: {  	_ =	shalt  }
0x4d: {  	_ =	shalt  }
0x4e: {  	_ =	shalt  }
0x4f: {  	_ =	shalt  }
0x50: {  	_ =	shalt  }
0x51: {  	_ =	shalt  }
0x52: {  	_ =	shalt  }
0x53: {  	_ =	shalt  }
0x54: {  	_ =	shalt  }
0x55: {  	_ =	shalt  }
0x56: {  	_ =	shalt  }
0x57: {  	_ =	shalt  }
0x58: {  	_ =	shalt  }
0x59: {  	_ =	shalt  }
0x5a: {  	_ =	shalt  }
0x5b: {  	_ =	shalt  }
0x5c: {  	_ =	shalt  }
0x5d: {  	_ =	shalt  }
0x5e: {  	_ =	shalt  }
0x5f: {  	_ =	shalt  }
0x60: {  	_ =	shalt  }
0x61: {  	_ =	shalt  }
0x62: {  	_ =	shalt  }
0x63: {  	_ =	shalt  }
0x64: {  	_ =	shalt  }
0x65: {  	_ =	shalt  }
0x66: {  	_ =	shalt  }
0x67: {  	_ =	shalt  }
0x68: {  	_ =	shalt  }
0x69: {  	_ =	shalt  }
0x6a: {  	_ =	shalt  }
0x6b: {  	_ =	shalt  }
0x6c: {  	_ =	shalt  }
0x6d: {  	_ =	shalt  }
0x6e: {  	_ =	shalt  }
0x6f: {  	_ =	shalt  }
0x70: {  	_ =	shalt  }
0x71: {  	_ =	shalt  }
0x72: {  	_ =	shalt  }
0x73: {  	_ =	shalt  }
0x74: {  	_ =	shalt  }
0x75: {  	_ =	shalt  }
0x76: {  	_ =	shalt  }
0x77: {  	_ =	shalt  }
0x78: {  	_ =	shalt  }
0x79: {  	_ =	shalt  }
0x7a: {  	_ =	shalt  }
0x7b: {  	_ =	shalt  }
0x7c: {  	_ =	shalt  }
0x7d: {  	_ =	shalt  }
0x7e: {  	_ =	shalt  }
0x7f: {  	_ =	shalt  }
0x80: {  	_ =	shalt  }
0x81: {  	_ =	shalt  }
0x82: {  	_ =	shalt  }
0x83: {  	_ =	shalt  }
0x84: {  	_ =	shalt  }
0x85: {  	_ =	shalt  }
0x86: {  	_ =	shalt  }
0x87: {  	_ =	shalt  }
.Lfunc_end0:
.L_simem_size_0:
called_computation.3_lowered:
.L_overlay_start_0:
0x88: {  	s2 =	sld [smem:$0x3FD9]  }
0x89: {  	s3 =	sld [smem:$0x3FFE];
	_ =	sdelay $0x1  }
0x8a: {  	s1 =	srdreg.scid  }
0x8b: {  	s0 =	sand.u32 $0x1, s1  }
0x8c: {  	s16 =	sshll.u32 s0, $0xA;
	s2 =	sadd.s32 s3, s2  }
0x8d: {  	s2 =	sadd.s32 s2, s16  }
0x8e: {  	[smem:$0x3FC6] =	sst s2  }
0x8f: {  	_ = 	snop  }
0x90: {  	(tm) =	ssettm $0x1  }
0x91: {  	s17 =	sld [smem:$0x3FFB];
	_ =	sdelay $0x3  }
0x92: {  	_ =	strace s17  }
0x93: {  	s2 =	sld [smem:$0x3FFC];
	_ =	sdelay $0x3  }
0x94: {  	_ =	strace s2  }
0x95: {  	s2 =	sld [smem:$0x3FFD];
	_ =	sdelay $0x3  }
0x96: {  	_ =	strace s2  }
0x97: {  	_ =	strace $0x8FFFFFFF  }
0x98: {  	s18 =	sld [smem:$0x3FDB];
	_ =	sdelay $0x1  }
0x99: {  	s19 =	simm.s32 $_scs_section_size  }
0x9a: {  	s4 =	simm.s32 $_size__tile_overlayer_lowered;
	s5 =	simm.s32 $_tile_overlayer_lowered  }
0x9b: {  	s22 =	simm.s32 $0x1BFF;
	s21 =	sshll.u32 s5, $0x1;
	s2 =	sadd.s32 s19, s18  }
0x9c: {  	s6 =	simm.s32 $0x0;
	s20 =	sshll.u32 s4, $0x1;
	s4 =	sadd.s32 s21, s2  }
0x9d: {  	[timem:s6], [sflag:s22] =	dma.local [hbm:s4], s20  }
0x9e: {  	_ =	swait.ge [sflag:s22], s20  }
0x9f: {  	s3 =	ssub.s32 $0x0, s20;
	[sflag:s22] =	ssyncset.done $0x0  }
0xa0: {  	[sflag:s22] =	ssyncadd.s32 s3;
	_ =	sdelay $0x1  }
0xa1: {  	s23 =	simm.s32 $0x1B8B  }
0xa2: {  	_ =	swait.ge [sflag:s23], $0x1  }
0xa3: {  	[sflag:s23] =	ssyncset.done $0x0  }
0xa4: {  	s25 =	simm.s32 $0x1B8E;
	s24 =	sld [smem:$0x3FFE];
	[sflag:s23] =	ssyncadd.s32 $0xFFFFFFFF  }
0xa5: {  	s26 =	simm.s32 $execute0_lowered;
	[smem:$0x3FD2] =	sst s25  }
0xa6: {  	s4 =	sshll.u32 s26, $0x1;
	_ =	strace $0x8000004F;
	[dreg:$0x1] =	wrdreg $0xFFFFFFFF  }
0xa7: {  	s28 =	simm.s32 $_size_execute0_lowered;
	s2 =	sadd.s32 s2, s4;
	[dreg:$0x0] =	wrdreg $0x0  }
0xa8: {  	s4 =	sshll.u32 s28, $0x1;
	[dreg:$0x2] =	wrdreg s2  }
0xa9: {  	[dreg:$0x3] =	wrdreg s4  }
0xaa: {  	[dreg:$0x4] =	wrdreg $0xC0  }
0xab: {  	_ =	task [dreg:s6], $0x5FFFF  }
0xac: {  	[dreg:$0x1] =	wrdreg $0xFFFFFFFF  }
0xad: {  	[dreg:$0x0] =	wrdreg $0x60  }
0xae: {  	[dreg:$0x2] =	wrdreg s24  }
0xaf: {  	[dreg:$0x3] =	wrdreg $0x9  }
0xb0: {  	_ =	task.clear_ibuf [dreg:s6], $0x4FFFF;
	_ =	strace $0x9000004F  }
0xb1: {  	s29 =	simm.s32 $0x9;
	_ =	strace $0x80000051  }
0xb2: {  	_ =	swait.ge [sflag:s29], $0x1  }
0xb3: {  	[sflag:s29] =	ssyncadd.s32 $0xFFFFFFFF  }
0xb4: {  	_ =	strace $0x90000051  }
0xb5: {  	_ =	sfence  }
0xb6: {  	s30 =	sld [smem:$0x0];
	_ =	sdelay $0x2  }
0xb7: {  	s31 =	sshll.u32 s1, $0xD;
	s1 =	sshrl.u32 s1, $0x2  }
0xb8: {  	s3 =	sand.u32 $0x4000, s31;
	s1 =	sadd.s32 s1, s30  }
0xb9: {  	s0 =	sor.u32 s3, s0;
	s1 =	sshll.u32 s1, $0x11  }
0xba: {  	s0 =	sor.u32 s1, s0  }
0xbb: {  	s0 =	sadd.s32 $0x8F2B, s0  }
0xbc: {  	[sflag:s0] =	ssyncadd.remote.s32 $0x1  }
0xbd: {  	_ =	sfence.sel $0xFFFF  }
0xbe: {  	[dreg:$0x0] =	wrdreg $0xFFFFFFFF;
	(pc) =	sbr.abs _section_cstart, $3  }
0xbf: {  	[dreg:$0x1] =	wrdreg $0xFFFFFFFF  }
0xc0: {  	_ =	task.clear_ibuf [dreg:s6], $0x2FFFF;
	_ =	strace $0x9FFFFFFF  }
0xc1: {  	(tm) =	ssettm $0x7FFFFFFF  }
tec
execute0_lowered:
.L_overlay_start_1:
0x0: {  	(tag) =	ssettag $0x1  }
0x1: {  	s0 =	srdreg.scid  }
0x2: {  	s2 =	stileid.u32;
	s5 =	rddreg [dreg:$0x0];
	s17 =	simm.s32 $0x0  }
0x3: {  	s29 =	simm.s32 $0x5;
	s30 =	simm.s32 $0xBC00;
	s31 =	simm.s32 $0xC400  }
0x4: {  	s0 =	sand.u32 $0x1, s0;
	[smem:$0x7FF] =	sst s17;
	s3 =	sadd.s32 $0x101000, s5  }
0x5: {  	s4 =	sadd.s32 $0x1000, s5;
	s5 =	sadd.s32 $0x501200, s5;
	s1 =	sor.u32 s0, s2  }
0x6: {  	p1 =	seq.s32 s0, $0x1;
	_ =	strace $0x80000050;
	p0 =	seq.s32 s1, $0x0  }
0x7: {  	s9 =	ssub.s32 $0x2, s0;
	s6 =	sshll.u32 s0, $0x11;
	p0 =	por !p0, !p1  }
0x8: {  	s1 =	simm.s32 $0x1;
	s10 =	sshrl.u32 s9, $0x1;
	p0 =	por !p0, !p0  }
0x9: {  	s23 =	sor.u32 $0x400, s6;
	s9 =	ssub.s32 s9, s10;
	s1 =	simm.s32 @!p0 $0x0  }
0xa: {  	[dreg:$0x4] =	wrdreg s23;
	s28 =	smax.u32 s9, $0x1;
	s1 =	ssub.s32 s2, s1  }
0xb: {  	s12 =	sshll.u32 s0, $0x8;
	[dreg:$0x7] =	wrdreg s28;
	s7 =	sshll.u32 s1, $0x13  }
0xc: {  	s14 =	smul.u32 $0xC0000, s1;
	s1 =	sshll.u32 s1, $0x9;
	s11 =	sor.u32 s6, s7  }
0xd: {  	s8 =	sor.u32 $0x40000, s7;
	s24 =	sor.u32 s23, s7;
	v1 =	vmov s1;
	s1 =	simm.s32 $0x0  }
0xe: {  	s18 =	sshrl.u32 s11, $0x3;
	s19 =	sor.u32 s6, s8;
	s25 =	sor.u32 s23, s8  }
0xf: {  	s0 =	sshrl.u32 s24, $0x3;
	s17 =	sadd.s32 $0x40000, s14;
	s23 =	simm.s32 $0x1C00  }
0x10: {  	s20 =	sadd.s32 s4, s18;
	s21 =	sshrl.u32 s19, $0x3;
	s10 =	sshrl.u32 s25, $0x3  }
0x11: {  	s0 =	sadd.s32 s4, s0;
	s18 =	sadd.s32 $0x80000, s14;
	[dreg:$0x2] =	wrdreg s20  }
0x12: {  	s22 =	sadd.s32 s4, s21;
	[dreg:$0x5] =	wrdreg s0;
	s26 =	sadd.s32 s4, s10  }
0x13: {  	v0 =	vlaneseq.u32;
	s20 =	simm.s32 $0x4;
	s21 =	simm.s32 $0x1400;
	[dreg:$0x3] =	wrdreg s22  }
0x14: {  	v2 =	vmul.u32 $0x2, v0;
	v3 =	vmul.u32 $0x20, v0;
	s10 =	simm.s32 $0x3;
	[dreg:$0x6] =	wrdreg s26;
	s22 =	simm.s32 $0x80  }
.LBB2_1:
0x15: {  	[dreg:$0x8] =	wrdreg s1  }
0x16: {  	s0 =	simm.s32 $0x0;
	s24 =	rddreg [dreg:$0x2]  }
0x17: {  	[tilespmem:s0], [sflag:$0x4] =	stream.linear.gather [hbm4b:s24+s0], $0x400, $0x38;
	[tilespmem:$0x15000] =	vst v63  }
0x18: {  	s25 =	rddreg [dreg:$0x3];
	s2 =	simm.s32 $0x400  }
0x19: {  	[tilespmem:s2], [sflag:$0x4] =	stream.linear.gather [hbm4b:s25+s0], $0x400, $0x38;
	[tilespmem:$0x15000] =	vst v63  }
0x1a: {  	_ =	swait.ge [sflag:s20], $0x400  }
0x1b: {  	[sflag:s20] =	ssyncset.done $0x0  }
0x1c: {  	[sflag:s20] =	ssyncadd.s32 $0xFFFFFC00  }
0x1d: {  	_ =	swait.ge [sflag:s20], $0x400  }
0x1e: {  	[sflag:s20] =	ssyncset.done $0x0  }
0x1f: {  	[sflag:s20] =	ssyncadd.s32 $0xFFFFFC00  }
0x20: {  	v4 =	vld [tilespmem:s0+$0x0]  }
0x21: {  	s26 =	sand.u32 $0x1F0, s0;
	v5 =	vld [tilespmem:s2+$0x0]  }
0x22: {  	v6 =	vor.u32 s26, v0  }
0x23: {  	s28 =	sadd.s32 $0x0, s12;
	v6 =	vcvt.s32.f32 v6  }
0x24: {  	s1 =	scvt.s32.f32 s28  }
0x25: {  	v4 =	vsub.f32 v6, v4  }
0x26: {  	v5 =	vsub.f32 s1, v5  }
0x27: {  	v4 =	vmax.f32 v4, $0.0e+00  }
0x28: {  	v5 =	vmax.f32 v5, $0.0e+00;
	v4 =	vmin.f32 v4, $5.110000000e+02  }
0x29: {  	v5 =	vmin.f32 v5, $5.110000000e+02;
	v6 =	vtrunc.f32 v4  }
0x2a: {  	v7 =	vtrunc.f32 v5;
	v6 =	vcvt.f32.s32 v6  }
0x2b: {  	v7 =	vcvt.f32.s32 v7  }
0x2c: {  	vm0 =	vlt.s32 v6, $0x1FE  }
0x2d: {  	vm15 =	vlt.s32 v7, $0x1FE;
	v6 =	vnsel vm0, $0x1FE, v6  }
0x2e: {  	v7 =	vnsel vm15, $0x1FE, v7;
	v9 =	vcvt.s32.f32 v6  }
0x2f: {  	v10 =	vcvt.s32.f32 v7  }
0x30: {  	v8 =	vmov s0;
	v4 =	vsub.f32 v4, v9  }
0x31: {  	s9 =	simm.s32 $0x800;
	v8 =	vshll.u32 v8, $0x1;
	v5 =	vsub.f32 v5, v10  }
0x32: {  	v8 =	vor.u32 v2, v8;
	s1 =	simm.s32 $0xC00;
	v63 =	vshll.u32 v6, $0x2;
	v7 =	vadd.s32 v1, v7;
	[tilespmem:s9+$0x0] =	vst v4  }
0x33: {  	s11 =	simm.s32 $0x1000;
	v6 =	vshra.s32 v6, $0x1;
	v4 =	vshll.u32 v7, $0x8;
	[tilespmem:s1+$0x0] =	vst v5;
	v5 =	vand.u32 $0x4, v63  }
0x34: {  	[tilespmem:s11+$0x0] =	vst v5;
	v5 =	vadd.s32 v6, v4;
	v4 =	vor.u32 $0x1, v8;
	_ =	sdelay $0x2  }
0x35: {  	s15 =	simm.s32 $0x1;
	s16 =	simm.s32 $0x810  }
0x36: {  	s19 =	simm.s32 $0x410;
	s13 =	simm.s32 $0x10;
	s24 =	simm.s32 $0x0;
	[tilespmem:v8+s21+$0x0] =	vst.idx.msk $0xffff, v5;
	v5 =	vadd.s32 $0x100, v5  }
.LBB2_2:
0x37: {  	[tilespmem:v4+s21+$0x0] =	vst.idx.msk $0xffff, v5;
	s24 =	sadd.s32 $0x10, s24;
	s11 =	sadd.s32 $0x10, s11;
	s1 =	sadd.s32 $0x10, s1  }
0x38: {  	p0 =	sne.s32 s15, $0x3F;
	s9 =	smov.u32 s15;
	s15 =	sadd.s32 $0x1, s15;
	v4 =	vld [tilespmem:s13+$0x0]  }
0x39: {  	s25 =	sand.u32 $0x1F0, s24;
	v5 =	vld [tilespmem:s19+$0x0]  }
0x3a: {  	s9 =	sshrl.u32 s9, $0x5;
	v6 =	vor.u32 s25, v0  }
0x3b: {  	s9 =	sadd.s32 s12, s9;
	v6 =	vcvt.s32.f32 v6  }
0x3c: {  	s9 =	scvt.s32.f32 s9  }
0x3d: {  	v4 =	vsub.f32 v6, v4  }
0x3e: {  	v5 =	vsub.f32 s9, v5  }
0x3f: {  	v4 =	vmax.f32 v4, $0.0e+00  }
0x40: {  	v4 =	vmin.f32 v4, $5.110000000e+02;
	v5 =	vmax.f32 v5, $0.0e+00  }
0x41: {  	v5 =	vmin.f32 v5, $5.110000000e+02;
	v6 =	vtrunc.f32 v4  }
0x42: {  	v6 =	vcvt.f32.s32 v6;
	v7 =	vtrunc.f32 v5  }
0x43: {  	v7 =	vcvt.f32.s32 v7  }
0x44: {  	vm0 =	vlt.s32 v6, $0x1FE  }
0x45: {  	v8 =	vmov s24;
	v6 =	vnsel vm0, $0x1FE, v6;
	vm0 =	vlt.s32 v7, $0x1FE  }
0x46: {  	v7 =	vnsel vm0, $0x1FE, v7;
	v9 =	vcvt.s32.f32 v6;
	v10 =	vshll.u32 v6, $0x2  }
0x47: {  	v8 =	vshll.u32 v8, $0x1;
	v11 =	vcvt.s32.f32 v7;
	v7 =	vadd.s32 v1, v7  }
0x48: {  	v8 =	vor.u32 v2, v8;
	v9 =	vsub.f32 v4, v9;
	v7 =	vshll.u32 v7, $0x8  }
.Ltmp0:
0x49: {  	v4 =	vor.u32 $0x1, v8;
	v5 =	vsub.f32 v5, v11;
	(pc) =	sbr.rel @p0 .LBB2_2-.Ltmp0, $4  }
0x4a: {  	[tilespmem:s16+$0x0] =	vst v9  }
0x4b: {  	v6 =	vshra.s32 v6, $0x1;
	[tilespmem:s1+$0x0] =	vst v5;
	v5 =	vand.u32 $0x4, v10  }
0x4c: {  	[tilespmem:s11+$0x0] =	vst v5;
	v5 =	vadd.s32 v6, v7  }
0x4d: {  	s13 =	sadd.s32 $0x10, s13;
	s19 =	sadd.s32 $0x10, s19;
	s16 =	sadd.s32 $0x10, s16;
	[tilespmem:v8+s21+$0x0] =	vst.idx.msk $0xffff, v5;
	v5 =	vadd.s32 $0x100, v5  }
0x4e: {  	_ =	sdelay $0x3  }
0x4f: {  	[tilespmem:v4+s21+$0x0] =	vst.idx.msk $0xffff, v5  }
0x50: {  	[tilespmem:s23], [sflag:$0x1] =	stream.indirect.gather [hbm4b:s3+s22], $0x10, s21, s22, $0xb8;
	[tilespmem:$0x15000] =	vst v63  }
0x51: {  	s0 =	simm.s32 $0x1480;
	s1 =	simm.s32 $0x2400  }
0x52: {  	[tilespmem:s1], [sflag:$0x1] =	stream.indirect.gather [hbm4b:s3+s22], $0x10, s0, s22, $0xb8;
	[tilespmem:$0x15000] =	vst v63  }
0x53: {  	s13 =	simm.s32 $0x1500;
	s15 =	simm.s32 $0x2C00  }
0x54: {  	[tilespmem:s15], [sflag:$0x1] =	stream.indirect.gather [hbm4b:s3+s22], $0x10, s13, s22, $0xb8;
	[tilespmem:$0x15000] =	vst v63  }
0x55: {  	s16 =	simm.s32 $0x1580;
	s19 =	simm.s32 $0x3400  }
0x56: {  	[tilespmem:s19], [sflag:$0x1] =	stream.indirect.gather [hbm4b:s3+s22], $0x10, s16, s22, $0xb8;
	[tilespmem:$0x15000] =	vst v63  }
0x57: {  	s24 =	simm.s32 $0x1600;
	s25 =	simm.s32 $0x3C00  }
0x58: {  	[tilespmem:s25], [sflag:$0x1] =	stream.indirect.gather [hbm4b:s3+s22], $0x10, s24, s22, $0xb8;
	[tilespmem:$0x15000] =	vst v63  }
0x59: {  	s26 =	simm.s32 $0x1680;
	s28 =	simm.s32 $0x4400  }
0x5a: {  	[tilespmem:s28], [sflag:$0x1] =	stream.indirect.gather [hbm4b:s3+s22], $0x10, s26, s22, $0xb8;
	[tilespmem:$0x15000] =	vst v63  }
0x5b: {  	s2 =	simm.s32 $0x4C00;
	s1 =	simm.s32 $0x1700  }
0x5c: {  	[tilespmem:s2], [sflag:$0x1] =	stream.indirect.gather [hbm4b:s3+s22], $0x10, s1, s22, $0xb8;
	[tilespmem:$0x15000] =	vst v63  }
0x5d: {  	s9 =	simm.s32 $0x1780;
	s11 =	simm.s32 $0x5400  }
0x5e: {  	[tilespmem:s11], [sflag:$0x1] =	stream.indirect.gather [hbm4b:s3+s22], $0x10, s9, s22, $0xb8;
	[tilespmem:$0x15000] =	vst v63  }
0x5f: {  	s13 =	simm.s32 $0x1800;
	s15 =	simm.s32 $0x5C00  }
0x60: {  	[tilespmem:s15], [sflag:$0x1] =	stream.indirect.gather [hbm4b:s3+s22], $0x10, s13, s22, $0xb8;
	[tilespmem:$0x15000] =	vst v63  }
0x61: {  	s16 =	simm.s32 $0x1880;
	s19 =	simm.s32 $0x6400  }
0x62: {  	[tilespmem:s19], [sflag:$0x1] =	stream.indirect.gather [hbm4b:s3+s22], $0x10, s16, s22, $0xb8;
	[tilespmem:$0x15000] =	vst v63  }
0x63: {  	s24 =	simm.s32 $0x1900;
	s25 =	simm.s32 $0x6C00  }
0x64: {  	[tilespmem:s25], [sflag:$0x1] =	stream.indirect.gather [hbm4b:s3+s22], $0x10, s24, s22, $0xb8;
	[tilespmem:$0x15000] =	vst v63  }
0x65: {  	s26 =	simm.s32 $0x1980;
	s28 =	simm.s32 $0x7400  }
0x66: {  	[tilespmem:s28], [sflag:$0x1] =	stream.indirect.gather [hbm4b:s3+s22], $0x10, s26, s22, $0xb8;
	[tilespmem:$0x15000] =	vst v63  }
0x67: {  	s1 =	simm.s32 $0x1A00;
	s2 =	simm.s32 $0x7C00  }
0x68: {  	[tilespmem:s2], [sflag:$0x1] =	stream.indirect.gather [hbm4b:s3+s22], $0x10, s1, s22, $0xb8;
	[tilespmem:$0x15000] =	vst v63  }
0x69: {  	s9 =	simm.s32 $0x1A80;
	s11 =	simm.s32 $0x8400  }
0x6a: {  	[tilespmem:s11], [sflag:$0x1] =	stream.indirect.gather [hbm4b:s3+s22], $0x10, s9, s22, $0xb8;
	[tilespmem:$0x15000] =	vst v63  }
0x6b: {  	s13 =	simm.s32 $0x1B00;
	s15 =	simm.s32 $0x8C00  }
0x6c: {  	[tilespmem:s15], [sflag:$0x1] =	stream.indirect.gather [hbm4b:s3+s22], $0x10, s13, s22, $0xb8;
	[tilespmem:$0x15000] =	vst v63  }
0x6d: {  	s16 =	simm.s32 $0x1B80;
	s19 =	simm.s32 $0x9400  }
0x6e: {  	[tilespmem:s19], [sflag:$0x1] =	stream.indirect.gather [hbm4b:s3+s22], $0x10, s16, s22, $0xb8;
	[tilespmem:$0x15000] =	vst v63  }
0x6f: {  	s24 =	rddreg [dreg:$0x5];
	s25 =	simm.s32 $0xA800;
	s2 =	simm.s32 $0x0  }
0x70: {  	[tilespmem:s25], [sflag:$0x5] =	stream.linear.gather [hbm4b:s24+s2], $0x400, $0x38;
	[tilespmem:$0x15000] =	vst v63  }
0x71: {  	s26 =	rddreg [dreg:$0x6];
	s28 =	simm.s32 $0xAC00;
	s11 =	simm.s32 $0x0  }
0x72: {  	[tilespmem:s28], [sflag:$0x5] =	stream.linear.gather [hbm4b:s26+s2], $0x400, $0x38;
	[tilespmem:$0x15000] =	vst v63  }
.LBB2_4:
0x73: {  	_ =	swait.ge [sflag:s29], $0x400  }
0x74: {  	[sflag:s29] =	ssyncset.done $0x0  }
0x75: {  	[sflag:s29] =	ssyncadd.s32 $0xFFFFFC00  }
0x76: {  	_ =	swait.ge [sflag:s29], $0x400  }
0x77: {  	[sflag:s29] =	ssyncset.done $0x0  }
0x78: {  	s1 =	simm.s32 $0xA800;
	s24 =	sshll.u32 s11, $0xB;
	[sflag:s29] =	ssyncadd.s32 $0xFFFFFC00  }
0x79: {  	s9 =	simm.s32 $0xAC00;
	s16 =	simm.s32 $0x0;
	s0 =	rddreg [dreg:$0x4];
	v4 =	vld [tilespmem:s1+$0x0]  }
0x7a: {  	s13 =	sand.u32 $0x1F0, s16;
	s19 =	sadd.s32 s0, s24;
	v5 =	vld [tilespmem:s9+$0x0]  }
0x7b: {  	s25 =	simm.s32 $0x0;
	v6 =	vor.u32 s13, v0;
	s1 =	sshrl.u32 s19, $0x9  }
0x7c: {  	v6 =	vcvt.s32.f32 v6;
	s9 =	sor.u32 s1, s25  }
0x7d: {  	s9 =	scvt.s32.f32 s9  }
0x7e: {  	v4 =	vsub.f32 v6, v4  }
0x7f: {  	v5 =	vsub.f32 s9, v5  }
0x80: {  	v4 =	vmax.f32 v4, $0.0e+00  }
0x81: {  	v5 =	vmax.f32 v5, $0.0e+00;
	v4 =	vmin.f32 v4, $5.110000000e+02  }
0x82: {  	v5 =	vmin.f32 v5, $5.110000000e+02;
	v6 =	vtrunc.f32 v4  }
0x83: {  	v7 =	vtrunc.f32 v5;
	v6 =	vcvt.f32.s32 v6  }
0x84: {  	v7 =	vcvt.f32.s32 v7  }
0x85: {  	vm0 =	vlt.s32 v6, $0x1FE  }
0x86: {  	vm15 =	vlt.s32 v7, $0x1FE;
	v6 =	vnsel vm0, $0x1FE, v6  }
0x87: {  	v7 =	vnsel vm15, $0x1FE, v7;
	v9 =	vcvt.s32.f32 v6  }
0x88: {  	v10 =	vcvt.s32.f32 v7  }
0x89: {  	v8 =	vmov s16;
	v4 =	vsub.f32 v4, v9  }
0x8a: {  	s26 =	simm.s32 $0xB000;
	v8 =	vshll.u32 v8, $0x1;
	v5 =	vsub.f32 v5, v10  }
0x8b: {  	s15 =	simm.s32 $0xB400;
	v8 =	vor.u32 v2, v8;
	v63 =	vshll.u32 v6, $0x2;
	v7 =	vadd.s32 v1, v7;
	[tilespmem:s26+$0x0] =	vst v4  }
0x8c: {  	s25 =	simm.s32 $0xB800;
	v6 =	vshra.s32 v6, $0x1;
	v4 =	vshll.u32 v7, $0x8;
	[tilespmem:s15+$0x0] =	vst v5;
	v5 =	vand.u32 $0x4, v63  }
0x8d: {  	[tilespmem:s25+$0x0] =	vst v5;
	v5 =	vadd.s32 v6, v4;
	v4 =	vor.u32 $0x1, v8;
	_ =	sdelay $0x2  }
0x8e: {  	s28 =	simm.s32 $0xB010;
	s16 =	simm.s32 $0xA810  }
0x8f: {  	s13 =	simm.s32 $0xAC10;
	s9 =	simm.s32 $0x0;
	s26 =	simm.s32 $0x1;
	[tilespmem:v8+s30+$0x0] =	vst.idx.msk $0xffff, v5;
	v5 =	vadd.s32 $0x100, v5  }
.LBB2_5:
0x90: {  	[tilespmem:v4+s30+$0x0] =	vst.idx.msk $0xffff, v5;
	s9 =	sadd.s32 $0x10, s9;
	s25 =	sadd.s32 $0x10, s25;
	s15 =	sadd.s32 $0x10, s15  }
0x91: {  	p0 =	sne.s32 s26, $0x3F;
	s2 =	smov.u32 s26;
	s26 =	sadd.s32 $0x1, s26;
	v4 =	vld [tilespmem:s16+$0x0]  }
0x92: {  	s0 =	sand.u32 $0x1F0, s9;
	v5 =	vld [tilespmem:s13+$0x0]  }
0x93: {  	s2 =	sshrl.u32 s2, $0x5;
	v6 =	vor.u32 s0, v0  }
0x94: {  	s0 =	sor.u32 s1, s2;
	v6 =	vcvt.s32.f32 v6  }
0x95: {  	s0 =	scvt.s32.f32 s0  }
0x96: {  	v4 =	vsub.f32 v6, v4  }
0x97: {  	v5 =	vsub.f32 s0, v5  }
0x98: {  	v4 =	vmax.f32 v4, $0.0e+00  }
0x99: {  	v4 =	vmin.f32 v4, $5.110000000e+02;
	v5 =	vmax.f32 v5, $0.0e+00  }
0x9a: {  	v5 =	vmin.f32 v5, $5.110000000e+02;
	v6 =	vtrunc.f32 v4  }
0x9b: {  	v6 =	vcvt.f32.s32 v6;
	v7 =	vtrunc.f32 v5  }
0x9c: {  	v7 =	vcvt.f32.s32 v7  }
0x9d: {  	vm0 =	vlt.s32 v6, $0x1FE  }
0x9e: {  	v8 =	vmov s9;
	v6 =	vnsel vm0, $0x1FE, v6;
	vm0 =	vlt.s32 v7, $0x1FE  }
0x9f: {  	v7 =	vnsel vm0, $0x1FE, v7;
	v9 =	vcvt.s32.f32 v6;
	v10 =	vshll.u32 v6, $0x2  }
0xa0: {  	v8 =	vshll.u32 v8, $0x1;
	v11 =	vcvt.s32.f32 v7;
	v7 =	vadd.s32 v1, v7  }
0xa1: {  	v8 =	vor.u32 v2, v8;
	v9 =	vsub.f32 v4, v9;
	v7 =	vshll.u32 v7, $0x8  }
.Ltmp1:
0xa2: {  	v4 =	vor.u32 $0x1, v8;
	v5 =	vsub.f32 v5, v11;
	(pc) =	sbr.rel @p0 .LBB2_5-.Ltmp1, $4  }
0xa3: {  	[tilespmem:s28+$0x0] =	vst v9  }
0xa4: {  	v6 =	vshra.s32 v6, $0x1;
	[tilespmem:s15+$0x0] =	vst v5;
	v5 =	vand.u32 $0x4, v10  }
0xa5: {  	[tilespmem:s25+$0x0] =	vst v5;
	v5 =	vadd.s32 v6, v7  }
0xa6: {  	s16 =	sadd.s32 $0x10, s16;
	s13 =	sadd.s32 $0x10, s13;
	s28 =	sadd.s32 $0x10, s28;
	[tilespmem:v8+s30+$0x0] =	vst.idx.msk $0xffff, v5;
	v5 =	vadd.s32 $0x100, v5  }
0xa7: {  	_ =	sdelay $0x3  }
0xa8: {  	[tilespmem:v4+s30+$0x0] =	vst.idx.msk $0xffff, v5  }
0xa9: {  	[tilespmem:s31], [sflag:$0x2] =	stream.indirect.gather [hbm4b:s3+s22], $0x10, s30, s22, $0xb8;
	[tilespmem:$0x15000] =	vst v63  }
0xaa: {  	s0 =	simm.s32 $0xBC80;
	s1 =	simm.s32 $0xCC00  }
0xab: {  	[tilespmem:s1], [sflag:$0x2] =	stream.indirect.gather [hbm4b:s3+s22], $0x10, s0, s22, $0xb8;
	[tilespmem:$0x15000] =	vst v63  }
0xac: {  	s15 =	simm.s32 $0xBD00;
	s16 =	simm.s32 $0xD400  }
0xad: {  	[tilespmem:s16], [sflag:$0x2] =	stream.indirect.gather [hbm4b:s3+s22], $0x10, s15, s22, $0xb8;
	[tilespmem:$0x15000] =	vst v63  }
0xae: {  	s25 =	simm.s32 $0xBD80;
	s26 =	simm.s32 $0xDC00  }
0xaf: {  	[tilespmem:s26], [sflag:$0x2] =	stream.indirect.gather [hbm4b:s3+s22], $0x10, s25, s22, $0xb8;
	[tilespmem:$0x15000] =	vst v63  }
0xb0: {  	s2 =	simm.s32 $0xE400;
	s1 =	simm.s32 $0xBE00  }
0xb1: {  	[tilespmem:s2], [sflag:$0x2] =	stream.indirect.gather [hbm4b:s3+s22], $0x10, s1, s22, $0xb8;
	[tilespmem:$0x15000] =	vst v63  }
0xb2: {  	s9 =	simm.s32 $0xBE80;
	s13 =	simm.s32 $0xEC00  }
0xb3: {  	[tilespmem:s13], [sflag:$0x2] =	stream.indirect.gather [hbm4b:s3+s22], $0x10, s9, s22, $0xb8;
	[tilespmem:$0x15000] =	vst v63  }
0xb4: {  	s15 =	simm.s32 $0xBF00;
	s16 =	simm.s32 $0xF400  }
0xb5: {  	[tilespmem:s16], [sflag:$0x2] =	stream.indirect.gather [hbm4b:s3+s22], $0x10, s15, s22, $0xb8;
	[tilespmem:$0x15000] =	vst v63  }
0xb6: {  	s25 =	simm.s32 $0xBF80;
	s26 =	simm.s32 $0xFC00  }
0xb7: {  	[tilespmem:s26], [sflag:$0x2] =	stream.indirect.gather [hbm4b:s3+s22], $0x10, s25, s22, $0xb8;
	[tilespmem:$0x15000] =	vst v63  }
0xb8: {  	s1 =	simm.s32 $0xC000;
	s2 =	simm.s32 $0x10400  }
0xb9: {  	[tilespmem:s2], [sflag:$0x2] =	stream.indirect.gather [hbm4b:s3+s22], $0x10, s1, s22, $0xb8;
	[tilespmem:$0x15000] =	vst v63  }
0xba: {  	s9 =	simm.s32 $0xC080;
	s13 =	simm.s32 $0x10C00  }
0xbb: {  	[tilespmem:s13], [sflag:$0x2] =	stream.indirect.gather [hbm4b:s3+s22], $0x10, s9, s22, $0xb8;
	[tilespmem:$0x15000] =	vst v63  }
0xbc: {  	s15 =	simm.s32 $0xC100;
	s16 =	simm.s32 $0x11400  }
0xbd: {  	[tilespmem:s16], [sflag:$0x2] =	stream.indirect.gather [hbm4b:s3+s22], $0x10, s15, s22, $0xb8;
	[tilespmem:$0x15000] =	vst v63  }
0xbe: {  	s25 =	simm.s32 $0xC180;
	s26 =	simm.s32 $0x11C00  }
0xbf: {  	[tilespmem:s26], [sflag:$0x2] =	stream.indirect.gather [hbm4b:s3+s22], $0x10, s25, s22, $0xb8;
	[tilespmem:$0x15000] =	vst v63  }
0xc0: {  	s1 =	simm.s32 $0xC200;
	s2 =	simm.s32 $0x12400  }
0xc1: {  	[tilespmem:s2], [sflag:$0x2] =	stream.indirect.gather [hbm4b:s3+s22], $0x10, s1, s22, $0xb8;
	[tilespmem:$0x15000] =	vst v63  }
0xc2: {  	s9 =	simm.s32 $0xC280;
	s13 =	simm.s32 $0x12C00  }
0xc3: {  	[tilespmem:s13], [sflag:$0x2] =	stream.indirect.gather [hbm4b:s3+s22], $0x10, s9, s22, $0xb8;
	[tilespmem:$0x15000] =	vst v63  }
0xc4: {  	s15 =	simm.s32 $0xC300;
	s16 =	simm.s32 $0x13400;
	s2 =	sadd.s32 $0x800, s24  }
0xc5: {  	[tilespmem:s16], [sflag:$0x2] =	stream.indirect.gather [hbm4b:s3+s22], $0x10, s15, s22, $0xb8;
	[tilespmem:$0x15000] =	vst v63  }
0xc6: {  	s25 =	simm.s32 $0xC380;
	s26 =	simm.s32 $0x13C00;
	s0 =	sand.u32 $0x1F800, s2  }
0xc7: {  	[tilespmem:s26], [sflag:$0x2] =	stream.indirect.gather [hbm4b:s3+s22], $0x10, s25, s22, $0xb8;
	[tilespmem:$0x15000] =	vst v63  }
0xc8: {  	s25 =	sor.u32 s6, s0  }
0xc9: {  	s0 =	sor.u32 s7, s25  }
0xca: {  	s0 =	sshrl.u32 s0, $0x3  }
0xcb: {  	s9 =	simm.s32 $0x0;
	s13 =	sor.u32 s8, s25;
	s0 =	sadd.s32 s4, s0  }
0xcc: {  	[tilespmem:s9], [sflag:$0x4] =	stream.linear.gather [hbm4b:s0+s9], $0x400, $0x38;
	[tilespmem:$0x15000] =	vst v63  }
0xcd: {  	s0 =	sshrl.u32 s13, $0x3  }
0xce: {  	s2 =	simm.s32 $0x400;
	s15 =	simm.s32 $0x1;
	s0 =	sadd.s32 s4, s0  }
0xcf: {  	[tilespmem:s2], [sflag:$0x4] =	stream.linear.gather [hbm4b:s0+s9], $0x400, $0x38;
	[tilespmem:$0x15000] =	vst v63  }
0xd0: {  	_ =	swait.ge [sflag:s15], $0x8000  }
0xd1: {  	[sflag:s15] =	ssyncset.done $0x0  }
0xd2: {  	s26 =	simm.s32 $0x0;
	[sflag:s15] =	ssyncadd.s32 $0xFFFF8000  }
0xd3: {  	v8 =	vld [tilespmem:s26+$0x1000]  }
0xd4: {  	s16 =	simm.s32 $0x10;
	v5 =	vld [tilespmem:s26+$0x1010]  }
0xd5: {  	v4 =	vmov s16;
	v7 =	vld [tilespmem:s26+$0x800]  }
0xd6: {  	v6 =	vmov s9;
	v4 =	vshll.u32 v4, $0x5;
	v11 =	vld [tilespmem:s26+$0xC00]  }
0xd7: {  	v25 =	vor.u32 v3, v4;
	v4 =	vshll.u32 v6, $0x5  }
0xd8: {  	v13 =	vor.u32 v3, v4  }
0xd9: {  	v32 =	vor.u32 $0x10, v13;
	v9 =	vadd.s32 $0x4, v8;
	v10 =	vadd.s32 $0x1, v8  }
0xda: {  	v12 =	vadd.s32 $0x2, v8;
	v6 =	vadd.s32 $0x6, v5;
	v16 =	vand.u32 $0xFFFFFFF8, v8  }
0xdb: {  	v39 =	vsub.f32 $1.000000000e+00, v7;
	v17 =	vadd.s32 $0x5, v8;
	v22 =	vsub.f32 $1.000000000e+00, v11  }
0xdc: {  	v30 =	vand.u32 $0x7, v8;
	v35 =	vadd.s32 $0x2, v5;
	v27 =	vand.u32 $0xFFFFFFF8, v9  }
0xdd: {  	v15 =	vand.u32 $0xFFFFFFF8, v10;
	v28 =	vand.u32 $0x7, v9;
	v18 =	vand.u32 $0xFFFFFFF8, v12  }
0xde: {  	v9 =	vadd.s32 $0x6, v8;
	v14 =	vadd.s32 v13, v16;
	v12 =	vand.u32 $0x7, v12  }
0xdf: {  	v20 =	vand.u32 $0xFFFFFFF8, v17;
	v10 =	vand.u32 $0x7, v10;
	v40 =	vand.u32 $0x7, v17  }
0xe0: {  	v36 =	vand.u32 $0xFFFFFFF8, v6;
	v38 =	vadd.s32 v32, v16;
	v16 =	vor.u32 $0x10, v25  }
0xe1: {  	v4 =	vadd.s32 v13, v27;
	v21 =	vadd.s32 v13, v18;
	v41 =	vadd.s32 v13, v20  }
0xe2: {  	v31 =	vor.u32 v30, v14;
	v17 =	vmul.f32 v22, v39;
	v14 =	vadd.s32 v32, v20  }
0xe3: {  	v20 =	vand.u32 $0x7, v9;
	v33 =	vadd.s32 v13, v15;
	v23 =	vmul.f32 v22, v7  }
0xe4: {  	v18 =	vadd.s32 v32, v18;
	v46 =	vor.u32 v30, v38;
	v26 =	vor.u32 v40, v14  }
0xe5: {  	v27 =	vadd.s32 v32, v27;
	v19 =	vor.u32 v28, v4;
	v24 =	vor.u32 v12, v21  }
0xe6: {  	v4 =	vld [tilespmem:s26+$0x810];
	v21 =	vand.u32 $0xFFFFFFF8, v9;
	v14 =	vadd.s32 $0x4, v5;
	v9 =	vadd.s32 v32, v15  }
0xe7: {  	v15 =	vand.u32 $0xFFFFFFF8, v5;
	v12 =	vor.u32 v12, v18;
	v42 =	vor.u32 v10, v9;
	v9 =	vld [tilespmem:s26+$0xC10]  }
0xe8: {  	v18 =	vadd.s32 $0x1, v5;
	v48 =	vor.u32 v10, v33;
	v8 =	vadd.s32 v13, v21;
	v45 =	vld.idx.msk [tilespmem:v31+s23+$0x0], $0xffff  }
0xe9: {  	v33 =	vor.u32 v28, v27;
	v40 =	vor.u32 v40, v41;
	v34 =	vor.u32 v20, v8;
	v29 =	vld.idx.msk [tilespmem:v26+s23+$0x0], $0xffff  }
0xea: {  	v27 =	vmul.f32 v11, v39;
	v37 =	vadd.s32 v32, v21;
	v13 =	vand.u32 $0xFFFFFFF8, v14;
	v44 =	vld.idx.msk [tilespmem:v19+s23+$0x0], $0xffff  }
0xeb: {  	v22 =	vadd.s32 v25, v15;
	v10 =	vand.u32 $0x7, v35;
	v43 =	vor.u32 v20, v37;
	v47 =	vld.idx.msk [tilespmem:v24+s23+$0x0], $0xffff  }
0xec: {  	v21 =	vadd.s32 v25, v13;
	v8 =	vsub.f32 $1.000000000e+00, v4;
	v19 =	vand.u32 $0xFFFFFFF8, v18;
	v38 =	vld.idx.msk [tilespmem:v12+s23+$0x0], $0xffff  }
0xed: {  	v26 =	vadd.s32 $0x5, v5;
	v24 =	vand.u32 $0xFFFFFFF8, v35;
	v39 =	vld.idx.msk [tilespmem:v48+s23+$0x0], $0xffff;
	v20 =	vadd.s32 v25, v19  }
0xee: {  	v31 =	vand.u32 $0xFFFFFFF8, v26;
	v62 =	vadd.s32 v25, v24;
	v63 =	vadd.s32 v16, v24;
	v37 =	vld.idx.msk [tilespmem:v34+s23+$0x0], $0xffff  }
0xef: {  	v30 =	vadd.s32 v25, v31;
	v24 =	vadd.s32 v16, v31;
	v12 =	vor.u32 v10, v62;
	v34 =	vld.idx.msk [tilespmem:v42+s23+$0x0], $0xffff  }
0xf0: {  	v10 =	vor.u32 v10, v63;
	v31 =	vadd.s32 v16, v36;
	v35 =	vld.idx.msk [tilespmem:v43+s23+$0x0], $0xffff;
	v32 =	vmul.f32 v17, v45  }
0xf1: {  	s28 =	simm.s32 $0x80;
	s15 =	simm.s32 $0x20;
	v25 =	vadd.s32 v25, v36;
	v36 =	vld.idx.msk [tilespmem:v46+s23+$0x0], $0xffff;
	v28 =	vmul.f32 v44, v23;
	v41 =	vmul.f32 v47, v17  }
.LBB2_7:
0xf2: {  	s0 =	sadd.s32 $0x10, s15  }
0xf3: {  	p0 =	sne.s32 s28, $0xF80;
	v40 =	vld.idx.msk [tilespmem:v40+s23+$0x0], $0xffff;
	v37 =	vmul.f32 v37, v23;
	s1 =	smov.u32 s28;
	s28 =	sadd.s32 $0x80, s28  }
0xf4: {  	v42 =	vmov s0;
	v38 =	vmul.f32 v38, v27  }
0xf5: {  	v7 =	vmul.f32 v11, v7;
	v42 =	vshll.u32 v42, $0x5;
	v11 =	vadd.f32 v37, v41  }
0xf6: {  	v34 =	vmul.f32 v34, v27  }
0xf7: {  	v37 =	vmul.f32 v29, v7;
	v29 =	vmul.f32 v35, v7;
	v11 =	vadd.f32 v38, v11  }
0xf8: {  	v27 =	vmul.f32 v36, v27;
	v17 =	vmul.f32 v39, v17;
	v33 =	vld.idx.msk [tilespmem:v33+s23+$0x0], $0xffff  }
0xf9: {  	v35 =	vmul.f32 v40, v23;
	v23 =	vmul.f32 v9, v4;
	v11 =	vadd.f32 v29, v11  }
0xfa: {  	v6 =	vand.u32 $0x7, v6;
	v36 =	vsub.f32 $1.000000000e+00, v9;
	v29 =	vmul.f32 v9, v8  }
0xfb: {  	v31 =	vor.u32 v6, v31;
	v9 =	vadd.f32 v28, v32;
	v17 =	vadd.f32 v35, v17;
	[tilespmem:s26+$0xA400] =	vst v11  }
0xfc: {  	v11 =	vand.u32 $0x7, v5;
	v5 =	vand.u32 $0x7, v26;
	v26 =	vor.u32 v6, v25  }
0xfd: {  	v6 =	vadd.f32 v27, v9;
	v9 =	vadd.f32 v34, v17;
	v17 =	vor.u32 v5, v30  }
0xfe: {  	v14 =	vand.u32 $0x7, v14;
	s1 =	sshra.s32 s1, $0x2;
	v24 =	vor.u32 v5, v24;
	v7 =	vmul.f32 v33, v7  }
0xff: {  	v21 =	vor.u32 v14, v21;
	v32 =	vmul.f32 v36, v4;
	v9 =	vadd.f32 v37, v9;
	v30 =	vld [tilespmem:s1+$0x1000]  }
0x100: {  	v4 =	vadd.s32 v16, v15;
	v22 =	vor.u32 v11, v22;
	v6 =	vadd.f32 v7, v6;
	v5 =	vld [tilespmem:s1+$0x1010]  }
0x101: {  	v15 =	vadd.s32 v16, v19;
	v7 =	vld [tilespmem:s1+$0x800];
	[tilespmem:s26+$0xA000] =	vst v9;
	v9 =	vor.u32 v11, v4;
	v11 =	vand.u32 $0x7, v18  }
0x102: {  	v25 =	vor.u32 v3, v42;
	v4 =	vld [tilespmem:s1+$0x810];
	[tilespmem:s26+$0x9C00] =	vst v6;
	v6 =	vadd.s32 v16, v13;
	v13 =	vor.u32 v11, v20  }
0x103: {  	v16 =	vmov s15;
	v11 =	vor.u32 v11, v15;
	v14 =	vor.u32 v14, v6;
	v17 =	vld.idx.msk [tilespmem:v17+s23+$0x0], $0xffff  }
0x104: {  	v15 =	vshll.u32 v16, $0x5;
	v16 =	vadd.s32 $0x4, v30;
	v18 =	vadd.s32 $0x1, v30;
	v19 =	vld.idx.msk [tilespmem:v21+s23+$0x0], $0xffff  }
0x105: {  	v20 =	vadd.s32 $0x2, v30;
	v28 =	vand.u32 $0xFFFFFFF8, v16;
	v6 =	vadd.s32 $0x6, v5;
	v21 =	vld.idx.msk [tilespmem:v22+s23+$0x0], $0xffff  }
0x106: {  	v8 =	vmul.f32 v36, v8;
	v15 =	vor.u32 v3, v15;
	v22 =	vand.u32 $0xFFFFFFF8, v18;
	v9 =	vld.idx.msk [tilespmem:v9+s23+$0x0], $0xffff  }
0x107: {  	v33 =	vand.u32 $0xFFFFFFF8, v30;
	v34 =	vand.u32 $0x7, v16;
	v16 =	vand.u32 $0xFFFFFFF8, v20;
	v13 =	vld.idx.msk [tilespmem:v13+s23+$0x0], $0xffff  }
0x108: {  	v36 =	vadd.s32 $0x6, v30;
	v27 =	vsub.f32 $1.000000000e+00, v7;
	v35 =	vadd.s32 v15, v28;
	v37 =	vld.idx.msk [tilespmem:v11+s23+$0x0], $0xffff  }
0x109: {  	v39 =	vadd.s32 $0x5, v30;
	v38 =	vadd.s32 v15, v33;
	v20 =	vand.u32 $0x7, v20;
	v24 =	vld.idx.msk [tilespmem:v24+s23+$0x0], $0xffff  }
0x10a: {  	v40 =	vand.u32 $0xFFFFFFF8, v39;
	v41 =	vadd.s32 v15, v16;
	v35 =	vor.u32 v34, v35;
	v14 =	vld.idx.msk [tilespmem:v14+s23+$0x0], $0xffff  }
0x10b: {  	v41 =	vor.u32 v20, v41;
	v19 =	vmul.f32 v19, v32;
	v21 =	vmul.f32 v8, v21;
	v11 =	vld [tilespmem:s1+$0xC00]  }
0x10c: {  	v42 =	vand.u32 $0x7, v18;
	v39 =	vand.u32 $0x7, v39;
	v43 =	vadd.s32 v15, v40;
	v12 =	vld.idx.msk [tilespmem:v12+s23+$0x0], $0xffff  }
0x10d: {  	v17 =	vmul.f32 v17, v32;
	v18 =	vadd.f32 v19, v21;
	v13 =	vmul.f32 v13, v8;
	v19 =	vld.idx.msk [tilespmem:v26+s23+$0x0], $0xffff  }
0x10e: {  	v44 =	vand.u32 $0x7, v30;
	v21 =	vand.u32 $0xFFFFFFF8, v36;
	v26 =	vmul.f32 v9, v29;
	v10 =	vld.idx.msk [tilespmem:v10+s23+$0x0], $0xffff  }
0x10f: {  	v30 =	vadd.s32 v15, v21;
	v13 =	vadd.f32 v17, v13;
	v17 =	vmul.f32 v37, v29;
	v31 =	vld.idx.msk [tilespmem:v31+s23+$0x0], $0xffff  }
0x110: {  	v18 =	vadd.f32 v26, v18;
	v14 =	vmul.f32 v14, v23;
	v37 =	vsub.f32 $1.000000000e+00, v11;
	v9 =	vld [tilespmem:s1+$0xC10]  }
0x111: {  	v38 =	vor.u32 v44, v38;
	v24 =	vmul.f32 v24, v23;
	v13 =	vadd.f32 v17, v13  }
0x112: {  	v14 =	vadd.f32 v14, v18;
	v12 =	vmul.f32 v12, v8;
	v17 =	vmul.f32 v37, v27  }
0x113: {  	v26 =	vand.u32 $0x7, v36;
	v13 =	vadd.f32 v24, v13;
	v18 =	vmul.f32 v19, v32  }
0x114: {  	v36 =	vor.u32 v26, v30;
	v8 =	vsub.f32 $1.000000000e+00, v4;
	v32 =	vadd.s32 v15, v22;
	[tilespmem:s26+$0x9C10] =	vst v14  }
0x115: {  	v10 =	vmul.f32 v10, v29;
	v12 =	vadd.f32 v18, v12;
	[tilespmem:s26+$0xA010] =	vst v13  }
0x116: {  	v45 =	vadd.s32 $0x2, v5;
	v46 =	vand.u32 $0xFFFFFFF8, v6;
	v14 =	vadd.s32 $0x4, v5  }
0x117: {  	v47 =	vor.u32 $0x10, v15;
	v10 =	vadd.f32 v10, v12;
	v12 =	vmul.f32 v31, v23  }
0x118: {  	v19 =	vadd.s32 v47, v21;
	v13 =	vadd.s32 v47, v22;
	v23 =	vmul.f32 v37, v7  }
0x119: {  	v16 =	vadd.s32 v47, v16;
	v48 =	vor.u32 v42, v13;
	v13 =	vadd.s32 v47, v40  }
0x11a: {  	v33 =	vadd.s32 v47, v33;
	v24 =	vor.u32 v39, v13;
	v13 =	vand.u32 $0xFFFFFFF8, v14  }
0x11b: {  	v15 =	vand.u32 $0xFFFFFFF8, v5;
	v21 =	vadd.s32 v25, v13;
	v10 =	vadd.f32 v12, v10  }
0x11c: {  	v49 =	vor.u32 v20, v16;
	v18 =	vadd.s32 $0x1, v5;
	v22 =	vadd.s32 v25, v15  }
0x11d: {  	v50 =	vor.u32 v26, v19;
	v26 =	vadd.s32 $0x5, v5;
	v19 =	vand.u32 $0xFFFFFFF8, v18;
	[tilespmem:s26+$0xA410] =	vst v10;
	s26 =	smov.u32 s1  }
0x11e: {  	v16 =	vor.u32 $0x10, v25;
	v20 =	vadd.s32 v25, v19;
	v10 =	vand.u32 $0xFFFFFFF8, v26  }
0x11f: {  	v30 =	vadd.s32 v25, v10;
	v29 =	vld.idx.msk [tilespmem:v24+s23+$0x0], $0xffff;
	v24 =	vadd.s32 v16, v10;
	v10 =	vand.u32 $0xFFFFFFF8, v45  }
0x120: {  	v31 =	vand.u32 $0x7, v45;
	v35 =	vld.idx.msk [tilespmem:v35+s23+$0x0], $0xffff;
	v12 =	vadd.s32 v25, v10;
	v10 =	vadd.s32 v16, v10  }
0x121: {  	v45 =	vld.idx.msk [tilespmem:v38+s23+$0x0], $0xffff;
	v12 =	vor.u32 v31, v12;
	v10 =	vor.u32 v31, v10;
	v31 =	vadd.s32 v16, v46  }
0x122: {  	v28 =	vadd.s32 v47, v28;
	v44 =	vor.u32 v44, v33;
	v25 =	vadd.s32 v25, v46;
	v41 =	vld.idx.msk [tilespmem:v41+s23+$0x0], $0xffff  }
0x123: {  	v33 =	vor.u32 v34, v28;
	v42 =	vor.u32 v42, v32;
	v37 =	vld.idx.msk [tilespmem:v36+s23+$0x0], $0xffff  }
.Ltmp2:
0x124: {  	v40 =	vor.u32 v39, v43;
	v38 =	vld.idx.msk [tilespmem:v49+s23+$0x0], $0xffff;
	(pc) =	sbr.rel @p0 .LBB2_7-.Ltmp2, $4  }
0x125: {  	v34 =	vld.idx.msk [tilespmem:v48+s23+$0x0], $0xffff  }
0x126: {  	v28 =	vmul.f32 v35, v23;
	v35 =	vld.idx.msk [tilespmem:v50+s23+$0x0], $0xffff  }
0x127: {  	v32 =	vmul.f32 v17, v45;
	v36 =	vld.idx.msk [tilespmem:v44+s23+$0x0], $0xffff  }
0x128: {  	s15 =	sadd.s32 $0x20, s15;
	v27 =	vmul.f32 v11, v27;
	v41 =	vmul.f32 v41, v17;
	v39 =	vld.idx.msk [tilespmem:v42+s23+$0x0], $0xffff  }
0x129: {  	_ =	sdelay $0x3  }
0x12a: {  	v40 =	vld.idx.msk [tilespmem:v40+s23+$0x0], $0xffff;
	_ =	sdelay $0x2  }
0x12b: {  	v37 =	vmul.f32 v37, v23;
	v7 =	vmul.f32 v11, v7;
	v33 =	vld.idx.msk [tilespmem:v33+s23+$0x0], $0xffff  }
0x12c: {  	v28 =	vadd.f32 v28, v32;
	v26 =	vand.u32 $0x7, v26;
	v38 =	vmul.f32 v38, v27  }
0x12d: {  	v41 =	vadd.f32 v37, v41;
	v17 =	vmul.f32 v39, v17;
	v42 =	vmul.f32 v40, v23  }
0x12e: {  	v14 =	vand.u32 $0x7, v14;
	v34 =	vmul.f32 v34, v27;
	v43 =	vmul.f32 v36, v27  }
0x12f: {  	v35 =	vmul.f32 v35, v7;
	v11 =	vadd.f32 v38, v41;
	v17 =	vadd.f32 v42, v17  }
0x130: {  	v44 =	vmul.f32 v29, v7;
	v27 =	vadd.f32 v43, v28;
	v7 =	vmul.f32 v33, v7  }
0x131: {  	v45 =	vor.u32 v26, v30;
	v11 =	vadd.f32 v35, v11;
	v17 =	vadd.f32 v34, v17  }
0x132: {  	v5 =	vand.u32 $0x7, v5;
	v21 =	vor.u32 v14, v21;
	v7 =	vadd.f32 v7, v27  }
0x133: {  	v15 =	vadd.s32 v16, v15;
	v46 =	vor.u32 v5, v22;
	[tilespmem:s26+$0xA400] =	vst v11;
	v17 =	vadd.f32 v44, v17  }
0x134: {  	v47 =	vand.u32 $0x7, v18;
	v5 =	vor.u32 v5, v15;
	[tilespmem:s26+$0x9C00] =	vst v7  }
0x135: {  	v48 =	vadd.s32 v16, v19;
	v7 =	vor.u32 v47, v20;
	[tilespmem:s26+$0xA000] =	vst v17  }
0x136: {  	v15 =	vor.u32 v47, v48;
	v49 =	vld.idx.msk [tilespmem:v45+s23+$0x0], $0xffff  }
0x137: {  	v6 =	vand.u32 $0x7, v6;
	v50 =	vld.idx.msk [tilespmem:v21+s23+$0x0], $0xffff  }
0x138: {  	v13 =	vadd.s32 v16, v13;
	v51 =	vor.u32 v6, v25;
	v11 =	vld.idx.msk [tilespmem:v46+s23+$0x0], $0xffff  }
0x139: {  	v13 =	vor.u32 v14, v13;
	v5 =	vld.idx.msk [tilespmem:v5+s23+$0x0], $0xffff  }
0x13a: {  	v7 =	vld.idx.msk [tilespmem:v7+s23+$0x0], $0xffff  }
0x13b: {  	v52 =	vsub.f32 $1.000000000e+00, v9;
	v53 =	vor.u32 v26, v24;
	v15 =	vld.idx.msk [tilespmem:v15+s23+$0x0], $0xffff  }
0x13c: {  	v6 =	vor.u32 v6, v31;
	v12 =	vld.idx.msk [tilespmem:v12+s23+$0x0], $0xffff  }
0x13d: {  	v14 =	vmul.f32 v52, v8;
	v19 =	vld.idx.msk [tilespmem:v51+s23+$0x0], $0xffff  }
0x13e: {  	v55 =	vmul.f32 v9, v8;
	v54 =	vmul.f32 v52, v4;
	v13 =	vld.idx.msk [tilespmem:v13+s23+$0x0], $0xffff  }
0x13f: {  	v4 =	vmul.f32 v9, v4;
	v10 =	vld.idx.msk [tilespmem:v10+s23+$0x0], $0xffff;
	v11 =	vmul.f32 v14, v11  }
0x140: {  	v56 =	vld.idx.msk [tilespmem:v53+s23+$0x0], $0xffff;
	v17 =	vmul.f32 v50, v54;
	v7 =	vmul.f32 v7, v14  }
0x141: {  	v6 =	vld.idx.msk [tilespmem:v6+s23+$0x0], $0xffff;
	v57 =	vmul.f32 v49, v54;
	v5 =	vmul.f32 v5, v55  }
0x142: {  	v12 =	vmul.f32 v12, v14;
	v58 =	vmul.f32 v19, v54;
	v11 =	vadd.f32 v17, v11  }
0x143: {  	v15 =	vmul.f32 v15, v55;
	v59 =	vmul.f32 v13, v4;
	v7 =	vadd.f32 v57, v7  }
0x144: {  	v8 =	vmul.f32 v10, v55;
	v12 =	vadd.f32 v58, v12;
	v5 =	vadd.f32 v5, v11  }
0x145: {  	v9 =	vmul.f32 v56, v4;
	v7 =	vadd.f32 v15, v7  }
0x146: {  	v4 =	vmul.f32 v6, v4;
	v8 =	vadd.f32 v8, v12;
	v5 =	vadd.f32 v59, v5  }
0x147: {  	s0 =	sor.u32 s6, s24;
	v6 =	vadd.f32 v9, v7  }
0x148: {  	s1 =	sor.u32 s14, s0;
	v4 =	vadd.f32 v4, v8;
	[tilespmem:s26+$0x9C10] =	vst v5  }
0x149: {  	s9 =	simm.s32 $0x9C00;
	s1 =	sshrl.u32 s1, $0x3;
	[tilespmem:s26+$0xA010] =	vst v6  }
0x14a: {  	s16 =	sor.u32 s17, s0;
	s2 =	sadd.s32 s5, s1;
	s1 =	simm.s32 $0x0;
	[tilespmem:s26+$0xA410] =	vst v4  }
0x14b: {  	[hbm4b:s2+s1] =	stream.linear.scatter [tilespmem:s9], [sflag:$0x3], $0x400, $0x38;
	[tilespmem:$0x15000] =	vst v63  }
0x14c: {  	s0 =	sor.u32 s18, s0;
	s2 =	sshrl.u32 s16, $0x3  }
0x14d: {  	s0 =	sshrl.u32 s0, $0x3;
	s26 =	simm.s32 $0xA000;
	s2 =	sadd.s32 s5, s2  }
0x14e: {  	[hbm4b:s2+s1] =	stream.linear.scatter [tilespmem:s26], [sflag:$0x3], $0x400, $0x38;
	[tilespmem:$0x15000] =	vst v63  }
0x14f: {  	s13 =	simm.s32 $0xA400;
	s0 =	sadd.s32 s5, s0  }
0x150: {  	[hbm4b:s0+s1] =	stream.linear.scatter [tilespmem:s13], [sflag:$0x3], $0x400, $0x38;
	[tilespmem:$0x15000] =	vst v63  }
0x151: {  	_ =	swait.ge [sflag:s20], $0x400  }
0x152: {  	[sflag:s20] =	ssyncset.done $0x0  }
0x153: {  	[sflag:s20] =	ssyncadd.s32 $0xFFFFFC00  }
0x154: {  	_ =	swait.ge [sflag:s20], $0x400  }
0x155: {  	[sflag:s20] =	ssyncset.done $0x0  }
0x156: {  	[sflag:s20] =	ssyncadd.s32 $0xFFFFFC00  }
0x157: {  	s15 =	simm.s32 $0x400;
	v4 =	vld [tilespmem:s1+$0x0]  }
0x158: {  	s16 =	sand.u32 $0x1F0, s1;
	v5 =	vld [tilespmem:s15+$0x0]  }
0x159: {  	v6 =	vor.u32 s16, v0;
	s15 =	sshrl.u32 s25, $0x9;
	s25 =	simm.s32 $0x0  }
0x15a: {  	v6 =	vcvt.s32.f32 v6;
	s0 =	sor.u32 s15, s25  }
0x15b: {  	s0 =	scvt.s32.f32 s0  }
0x15c: {  	v4 =	vsub.f32 v6, v4  }
0x15d: {  	v5 =	vsub.f32 s0, v5  }
0x15e: {  	v4 =	vmax.f32 v4, $0.0e+00  }
0x15f: {  	v5 =	vmax.f32 v5, $0.0e+00;
	v4 =	vmin.f32 v4, $5.110000000e+02  }
0x160: {  	v5 =	vmin.f32 v5, $5.110000000e+02;
	v6 =	vtrunc.f32 v4  }
0x161: {  	v7 =	vtrunc.f32 v5;
	v6 =	vcvt.f32.s32 v6  }
0x162: {  	v7 =	vcvt.f32.s32 v7  }
0x163: {  	vm0 =	vlt.s32 v6, $0x1FE  }
0x164: {  	vm15 =	vlt.s32 v7, $0x1FE;
	v6 =	vnsel vm0, $0x1FE, v6  }
0x165: {  	v7 =	vnsel vm15, $0x1FE, v7;
	v61 =	vcvt.s32.f32 v6  }
0x166: {  	v62 =	vcvt.s32.f32 v7  }
0x167: {  	v60 =	vmov s1;
	v4 =	vsub.f32 v4, v61  }
0x168: {  	v8 =	vshll.u32 v60, $0x1;
	s26 =	simm.s32 $0x800;
	v5 =	vsub.f32 v5, v62  }
0x169: {  	v8 =	vor.u32 v2, v8;
	s25 =	simm.s32 $0xC00;
	v63 =	vshll.u32 v6, $0x2;
	v7 =	vadd.s32 v1, v7;
	[tilespmem:s26+$0x0] =	vst v4  }
0x16a: {  	v6 =	vshra.s32 v6, $0x1;
	s26 =	simm.s32 $0x1000;
	v4 =	vshll.u32 v7, $0x8;
	[tilespmem:s25+$0x0] =	vst v5;
	v5 =	vand.u32 $0x4, v63  }
0x16b: {  	[tilespmem:s26+$0x0] =	vst v5;
	v5 =	vadd.s32 v6, v4;
	v4 =	vor.u32 $0x1, v8;
	_ =	sdelay $0x2  }
0x16c: {  	s28 =	simm.s32 $0x1  }
0x16d: {  	s9 =	simm.s32 $0x10;
	s16 =	simm.s32 $0x410;
	s13 =	simm.s32 $0x810;
	[tilespmem:v8+s21+$0x0] =	vst.idx.msk $0xffff, v5;
	v5 =	vadd.s32 $0x100, v5  }
.LBB2_9:
0x16e: {  	[tilespmem:v4+s21+$0x0] =	vst.idx.msk $0xffff, v5;
	s1 =	sadd.s32 $0x10, s1;
	s26 =	sadd.s32 $0x10, s26;
	s25 =	sadd.s32 $0x10, s25  }
0x16f: {  	p0 =	sne.s32 s28, $0x3F;
	s0 =	smov.u32 s28;
	s28 =	sadd.s32 $0x1, s28;
	v4 =	vld [tilespmem:s9+$0x0]  }
0x170: {  	s2 =	sand.u32 $0x1F0, s1;
	v5 =	vld [tilespmem:s16+$0x0]  }
0x171: {  	s0 =	sshrl.u32 s0, $0x5;
	v6 =	vor.u32 s2, v0  }
0x172: {  	s0 =	sor.u32 s15, s0;
	v6 =	vcvt.s32.f32 v6  }
0x173: {  	s0 =	scvt.s32.f32 s0  }
0x174: {  	v4 =	vsub.f32 v6, v4  }
0x175: {  	v5 =	vsub.f32 s0, v5  }
0x176: {  	v4 =	vmax.f32 v4, $0.0e+00  }
0x177: {  	v4 =	vmin.f32 v4, $5.110000000e+02;
	v5 =	vmax.f32 v5, $0.0e+00  }
0x178: {  	v5 =	vmin.f32 v5, $5.110000000e+02;
	v6 =	vtrunc.f32 v4  }
0x179: {  	v6 =	vcvt.f32.s32 v6;
	v7 =	vtrunc.f32 v5  }
0x17a: {  	v7 =	vcvt.f32.s32 v7  }
0x17b: {  	vm0 =	vlt.s32 v6, $0x1FE  }
0x17c: {  	v8 =	vmov s1;
	v6 =	vnsel vm0, $0x1FE, v6;
	vm0 =	vlt.s32 v7, $0x1FE  }
0x17d: {  	v7 =	vnsel vm0, $0x1FE, v7;
	v9 =	vcvt.s32.f32 v6;
	v10 =	vshll.u32 v6, $0x2  }
0x17e: {  	v8 =	vshll.u32 v8, $0x1;
	v11 =	vcvt.s32.f32 v7;
	v7 =	vadd.s32 v1, v7  }
0x17f: {  	v8 =	vor.u32 v2, v8;
	v9 =	vsub.f32 v4, v9;
	v7 =	vshll.u32 v7, $0x8  }
.Ltmp3:
0x180: {  	v4 =	vor.u32 $0x1, v8;
	v5 =	vsub.f32 v5, v11;
	(pc) =	sbr.rel @p0 .LBB2_9-.Ltmp3, $4  }
0x181: {  	[tilespmem:s13+$0x0] =	vst v9  }
0x182: {  	v6 =	vshra.s32 v6, $0x1;
	[tilespmem:s25+$0x0] =	vst v5;
	v5 =	vand.u32 $0x4, v10  }
0x183: {  	[tilespmem:s26+$0x0] =	vst v5;
	v5 =	vadd.s32 v6, v7  }
0x184: {  	s9 =	sadd.s32 $0x10, s9;
	s16 =	sadd.s32 $0x10, s16;
	s13 =	sadd.s32 $0x10, s13;
	[tilespmem:v8+s21+$0x0] =	vst.idx.msk $0xffff, v5;
	v5 =	vadd.s32 $0x100, v5  }
0x185: {  	_ =	sdelay $0x3  }
0x186: {  	[tilespmem:v4+s21+$0x0] =	vst.idx.msk $0xffff, v5  }
0x187: {  	[tilespmem:s23], [sflag:$0x1] =	stream.indirect.gather [hbm4b:s3+s22], $0x10, s21, s22, $0xb8;
	[tilespmem:$0x15000] =	vst v63  }
0x188: {  	s0 =	simm.s32 $0x1480;
	s1 =	simm.s32 $0x2400  }
0x189: {  	[tilespmem:s1], [sflag:$0x1] =	stream.indirect.gather [hbm4b:s3+s22], $0x10, s0, s22, $0xb8;
	[tilespmem:$0x15000] =	vst v63  }
0x18a: {  	s2 =	simm.s32 $0x1500;
	s9 =	simm.s32 $0x2C00  }
0x18b: {  	[tilespmem:s9], [sflag:$0x1] =	stream.indirect.gather [hbm4b:s3+s22], $0x10, s2, s22, $0xb8;
	[tilespmem:$0x15000] =	vst v63  }
0x18c: {  	s13 =	simm.s32 $0x1580;
	s15 =	simm.s32 $0x3400  }
0x18d: {  	[tilespmem:s15], [sflag:$0x1] =	stream.indirect.gather [hbm4b:s3+s22], $0x10, s13, s22, $0xb8;
	[tilespmem:$0x15000] =	vst v63  }
0x18e: {  	s16 =	simm.s32 $0x1600;
	s25 =	simm.s32 $0x3C00  }
0x18f: {  	[tilespmem:s25], [sflag:$0x1] =	stream.indirect.gather [hbm4b:s3+s22], $0x10, s16, s22, $0xb8;
	[tilespmem:$0x15000] =	vst v63  }
0x190: {  	s26 =	simm.s32 $0x1680;
	s28 =	simm.s32 $0x4400  }
0x191: {  	[tilespmem:s28], [sflag:$0x1] =	stream.indirect.gather [hbm4b:s3+s22], $0x10, s26, s22, $0xb8;
	[tilespmem:$0x15000] =	vst v63  }
0x192: {  	s2 =	simm.s32 $0x1700;
	s9 =	simm.s32 $0x4C00  }
0x193: {  	[tilespmem:s9], [sflag:$0x1] =	stream.indirect.gather [hbm4b:s3+s22], $0x10, s2, s22, $0xb8;
	[tilespmem:$0x15000] =	vst v63  }
0x194: {  	s13 =	simm.s32 $0x1780;
	s15 =	simm.s32 $0x5400  }
0x195: {  	[tilespmem:s15], [sflag:$0x1] =	stream.indirect.gather [hbm4b:s3+s22], $0x10, s13, s22, $0xb8;
	[tilespmem:$0x15000] =	vst v63  }
0x196: {  	s16 =	simm.s32 $0x1800;
	s25 =	simm.s32 $0x5C00  }
0x197: {  	[tilespmem:s25], [sflag:$0x1] =	stream.indirect.gather [hbm4b:s3+s22], $0x10, s16, s22, $0xb8;
	[tilespmem:$0x15000] =	vst v63  }
0x198: {  	s26 =	simm.s32 $0x1880;
	s28 =	simm.s32 $0x6400  }
0x199: {  	[tilespmem:s28], [sflag:$0x1] =	stream.indirect.gather [hbm4b:s3+s22], $0x10, s26, s22, $0xb8;
	[tilespmem:$0x15000] =	vst v63  }
0x19a: {  	s2 =	simm.s32 $0x1900;
	s9 =	simm.s32 $0x6C00  }
0x19b: {  	[tilespmem:s9], [sflag:$0x1] =	stream.indirect.gather [hbm4b:s3+s22], $0x10, s2, s22, $0xb8;
	[tilespmem:$0x15000] =	vst v63  }
0x19c: {  	s13 =	simm.s32 $0x1980;
	s15 =	simm.s32 $0x7400  }
0x19d: {  	[tilespmem:s15], [sflag:$0x1] =	stream.indirect.gather [hbm4b:s3+s22], $0x10, s13, s22, $0xb8;
	[tilespmem:$0x15000] =	vst v63  }
0x19e: {  	s16 =	simm.s32 $0x1A00;
	s25 =	simm.s32 $0x7C00  }
0x19f: {  	[tilespmem:s25], [sflag:$0x1] =	stream.indirect.gather [hbm4b:s3+s22], $0x10, s16, s22, $0xb8;
	[tilespmem:$0x15000] =	vst v63  }
0x1a0: {  	s16 =	sadd.s32 $0xC00, s24  }
0x1a1: {  	s26 =	simm.s32 $0x1A80;
	s28 =	simm.s32 $0x8400;
	s0 =	sand.u32 $0x1FC00, s16  }
0x1a2: {  	[tilespmem:s28], [sflag:$0x1] =	stream.indirect.gather [hbm4b:s3+s22], $0x10, s26, s22, $0xb8;
	[tilespmem:$0x15000] =	vst v63  }
0x1a3: {  	s2 =	simm.s32 $0x1B00;
	s9 =	simm.s32 $0x8C00;
	s0 =	sor.u32 s6, s0  }
0x1a4: {  	s13 =	simm.s32 $0x1B80;
	s15 =	simm.s32 $0x9400;
	s24 =	sor.u32 s7, s0  }
0x1a5: {  	[tilespmem:s9], [sflag:$0x1] =	stream.indirect.gather [hbm4b:s3+s22], $0x10, s2, s22, $0xb8;
	[tilespmem:$0x15000] =	vst v63  }
0x1a6: {  	s0 =	sor.u32 s8, s0;
	s1 =	sshrl.u32 s24, $0x3;
	s2 =	simm.s32 $0x0  }
0x1a7: {  	[tilespmem:s15], [sflag:$0x1] =	stream.indirect.gather [hbm4b:s3+s22], $0x10, s13, s22, $0xb8;
	[tilespmem:$0x15000] =	vst v63  }
0x1a8: {  	s9 =	simm.s32 $0xA800;
	s0 =	sshrl.u32 s0, $0x3;
	s1 =	sadd.s32 s4, s1  }
0x1a9: {  	[tilespmem:s9], [sflag:$0x5] =	stream.linear.gather [hbm4b:s1+s2], $0x400, $0x38;
	[tilespmem:$0x15000] =	vst v63  }
0x1aa: {  	s25 =	simm.s32 $0xAC00;
	s26 =	simm.s32 $0x2;
	s0 =	sadd.s32 s4, s0  }
0x1ab: {  	[tilespmem:s25], [sflag:$0x5] =	stream.linear.gather [hbm4b:s0+s2], $0x400, $0x38;
	[tilespmem:$0x15000] =	vst v63  }
0x1ac: {  	_ =	swait.ge [sflag:s26], $0x8000  }
0x1ad: {  	[sflag:s26] =	ssyncset.done $0x0  }
0x1ae: {  	s24 =	simm.s32 $0x0;
	[sflag:s26] =	ssyncadd.s32 $0xFFFF8000  }
0x1af: {  	v8 =	vld [tilespmem:s24+$0xB800]  }
0x1b0: {  	s28 =	simm.s32 $0x10;
	v5 =	vld [tilespmem:s24+$0xB810]  }
0x1b1: {  	v4 =	vmov s28;
	v7 =	vld [tilespmem:s24+$0xB000]  }
0x1b2: {  	v4 =	vshll.u32 v4, $0x5;
	v6 =	vmov s2;
	v11 =	vld [tilespmem:s24+$0xB400]  }
0x1b3: {  	v25 =	vor.u32 v3, v4;
	v4 =	vshll.u32 v6, $0x5  }
0x1b4: {  	v13 =	vor.u32 v3, v4  }
0x1b5: {  	v32 =	vor.u32 $0x10, v13;
	v9 =	vadd.s32 $0x4, v8;
	v10 =	vadd.s32 $0x1, v8  }
0x1b6: {  	v12 =	vadd.s32 $0x2, v8;
	v6 =	vadd.s32 $0x6, v5;
	v16 =	vand.u32 $0xFFFFFFF8, v8  }
0x1b7: {  	v39 =	vsub.f32 $1.000000000e+00, v7;
	v17 =	vadd.s32 $0x5, v8;
	v22 =	vsub.f32 $1.000000000e+00, v11  }
0x1b8: {  	v30 =	vand.u32 $0x7, v8;
	v35 =	vadd.s32 $0x2, v5;
	v27 =	vand.u32 $0xFFFFFFF8, v9  }
0x1b9: {  	v15 =	vand.u32 $0xFFFFFFF8, v10;
	v28 =	vand.u32 $0x7, v9;
	v18 =	vand.u32 $0xFFFFFFF8, v12  }
0x1ba: {  	v9 =	vadd.s32 $0x6, v8;
	v14 =	vadd.s32 v13, v16;
	v12 =	vand.u32 $0x7, v12  }
0x1bb: {  	v20 =	vand.u32 $0xFFFFFFF8, v17;
	v10 =	vand.u32 $0x7, v10;
	v40 =	vand.u32 $0x7, v17  }
0x1bc: {  	v36 =	vand.u32 $0xFFFFFFF8, v6;
	v38 =	vadd.s32 v32, v16;
	v16 =	vor.u32 $0x10, v25  }
0x1bd: {  	v4 =	vadd.s32 v13, v27;
	v21 =	vadd.s32 v13, v18;
	v41 =	vadd.s32 v13, v20  }
0x1be: {  	v31 =	vor.u32 v30, v14;
	v17 =	vmul.f32 v22, v39;
	v14 =	vadd.s32 v32, v20  }
0x1bf: {  	v20 =	vand.u32 $0x7, v9;
	v33 =	vadd.s32 v13, v15;
	v23 =	vmul.f32 v22, v7  }
0x1c0: {  	v18 =	vadd.s32 v32, v18;
	v46 =	vor.u32 v30, v38;
	v26 =	vor.u32 v40, v14  }
0x1c1: {  	v27 =	vadd.s32 v32, v27;
	v19 =	vor.u32 v28, v4;
	v24 =	vor.u32 v12, v21  }
0x1c2: {  	v4 =	vld [tilespmem:s24+$0xB010];
	v21 =	vand.u32 $0xFFFFFFF8, v9;
	v14 =	vadd.s32 $0x4, v5;
	v9 =	vadd.s32 v32, v15  }
0x1c3: {  	v15 =	vand.u32 $0xFFFFFFF8, v5;
	v12 =	vor.u32 v12, v18;
	v42 =	vor.u32 v10, v9;
	v9 =	vld [tilespmem:s24+$0xB410]  }
0x1c4: {  	v18 =	vadd.s32 $0x1, v5;
	v48 =	vor.u32 v10, v33;
	v8 =	vadd.s32 v13, v21;
	v45 =	vld.idx.msk [tilespmem:v31+s31+$0x0], $0xffff  }
0x1c5: {  	v33 =	vor.u32 v28, v27;
	v40 =	vor.u32 v40, v41;
	v34 =	vor.u32 v20, v8;
	v29 =	vld.idx.msk [tilespmem:v26+s31+$0x0], $0xffff  }
0x1c6: {  	v27 =	vmul.f32 v11, v39;
	v37 =	vadd.s32 v32, v21;
	v13 =	vand.u32 $0xFFFFFFF8, v14;
	v44 =	vld.idx.msk [tilespmem:v19+s31+$0x0], $0xffff  }
0x1c7: {  	v22 =	vadd.s32 v25, v15;
	v10 =	vand.u32 $0x7, v35;
	v43 =	vor.u32 v20, v37;
	v47 =	vld.idx.msk [tilespmem:v24+s31+$0x0], $0xffff  }
0x1c8: {  	v21 =	vadd.s32 v25, v13;
	v8 =	vsub.f32 $1.000000000e+00, v4;
	v19 =	vand.u32 $0xFFFFFFF8, v18;
	v38 =	vld.idx.msk [tilespmem:v12+s31+$0x0], $0xffff  }
0x1c9: {  	v26 =	vadd.s32 $0x5, v5;
	v24 =	vand.u32 $0xFFFFFFF8, v35;
	v39 =	vld.idx.msk [tilespmem:v48+s31+$0x0], $0xffff;
	v20 =	vadd.s32 v25, v19  }
0x1ca: {  	v31 =	vand.u32 $0xFFFFFFF8, v26;
	v62 =	vadd.s32 v25, v24;
	v63 =	vadd.s32 v16, v24;
	v37 =	vld.idx.msk [tilespmem:v34+s31+$0x0], $0xffff  }
0x1cb: {  	v30 =	vadd.s32 v25, v31;
	v24 =	vadd.s32 v16, v31;
	v12 =	vor.u32 v10, v62;
	v34 =	vld.idx.msk [tilespmem:v42+s31+$0x0], $0xffff  }
0x1cc: {  	v10 =	vor.u32 v10, v63;
	v31 =	vadd.s32 v16, v36;
	v35 =	vld.idx.msk [tilespmem:v43+s31+$0x0], $0xffff;
	v32 =	vmul.f32 v17, v45  }
0x1cd: {  	s15 =	simm.s32 $0x20;
	s25 =	simm.s32 $0x80;
	v25 =	vadd.s32 v25, v36;
	v36 =	vld.idx.msk [tilespmem:v46+s31+$0x0], $0xffff;
	v28 =	vmul.f32 v44, v23;
	v41 =	vmul.f32 v47, v17  }
.LBB2_11:
0x1ce: {  	s0 =	sadd.s32 $0x10, s15  }
0x1cf: {  	p0 =	sne.s32 s25, $0xF80;
	v40 =	vld.idx.msk [tilespmem:v40+s31+$0x0], $0xffff;
	v37 =	vmul.f32 v37, v23;
	s1 =	smov.u32 s25;
	s25 =	sadd.s32 $0x80, s25  }
0x1d0: {  	v42 =	vmov s0;
	v38 =	vmul.f32 v38, v27  }
0x1d1: {  	v7 =	vmul.f32 v11, v7;
	v42 =	vshll.u32 v42, $0x5;
	v11 =	vadd.f32 v37, v41  }
0x1d2: {  	v34 =	vmul.f32 v34, v27  }
0x1d3: {  	v37 =	vmul.f32 v29, v7;
	v29 =	vmul.f32 v35, v7;
	v11 =	vadd.f32 v38, v11  }
0x1d4: {  	v27 =	vmul.f32 v36, v27;
	v17 =	vmul.f32 v39, v17;
	v33 =	vld.idx.msk [tilespmem:v33+s31+$0x0], $0xffff  }
0x1d5: {  	v35 =	vmul.f32 v40, v23;
	v23 =	vmul.f32 v9, v4;
	v11 =	vadd.f32 v29, v11  }
0x1d6: {  	v6 =	vand.u32 $0x7, v6;
	v36 =	vsub.f32 $1.000000000e+00, v9;
	v29 =	vmul.f32 v9, v8  }
0x1d7: {  	v31 =	vor.u32 v6, v31;
	v9 =	vadd.f32 v28, v32;
	v17 =	vadd.f32 v35, v17;
	[tilespmem:s24+$0x14C00] =	vst v11  }
0x1d8: {  	v11 =	vand.u32 $0x7, v5;
	v5 =	vand.u32 $0x7, v26;
	v26 =	vor.u32 v6, v25  }
0x1d9: {  	v6 =	vadd.f32 v27, v9;
	v9 =	vadd.f32 v34, v17;
	v17 =	vor.u32 v5, v30  }
0x1da: {  	v14 =	vand.u32 $0x7, v14;
	s1 =	sshra.s32 s1, $0x2;
	v24 =	vor.u32 v5, v24;
	v7 =	vmul.f32 v33, v7  }
0x1db: {  	v21 =	vor.u32 v14, v21;
	v32 =	vmul.f32 v36, v4;
	v9 =	vadd.f32 v37, v9;
	v30 =	vld [tilespmem:s1+$0xB800]  }
0x1dc: {  	v4 =	vadd.s32 v16, v15;
	v22 =	vor.u32 v11, v22;
	v6 =	vadd.f32 v7, v6;
	v5 =	vld [tilespmem:s1+$0xB810]  }
0x1dd: {  	v15 =	vadd.s32 v16, v19;
	v7 =	vld [tilespmem:s1+$0xB000];
	[tilespmem:s24+$0x14800] =	vst v9;
	v9 =	vor.u32 v11, v4;
	v11 =	vand.u32 $0x7, v18  }
0x1de: {  	v25 =	vor.u32 v3, v42;
	v4 =	vld [tilespmem:s1+$0xB010];
	[tilespmem:s24+$0x14400] =	vst v6;
	v6 =	vadd.s32 v16, v13;
	v13 =	vor.u32 v11, v20  }
0x1df: {  	v16 =	vmov s15;
	v11 =	vor.u32 v11, v15;
	v14 =	vor.u32 v14, v6;
	v17 =	vld.idx.msk [tilespmem:v17+s31+$0x0], $0xffff  }
0x1e0: {  	v15 =	vshll.u32 v16, $0x5;
	v16 =	vadd.s32 $0x4, v30;
	v18 =	vadd.s32 $0x1, v30;
	v19 =	vld.idx.msk [tilespmem:v21+s31+$0x0], $0xffff  }
0x1e1: {  	v20 =	vadd.s32 $0x2, v30;
	v28 =	vand.u32 $0xFFFFFFF8, v16;
	v6 =	vadd.s32 $0x6, v5;
	v21 =	vld.idx.msk [tilespmem:v22+s31+$0x0], $0xffff  }
0x1e2: {  	v8 =	vmul.f32 v36, v8;
	v15 =	vor.u32 v3, v15;
	v22 =	vand.u32 $0xFFFFFFF8, v18;
	v9 =	vld.idx.msk [tilespmem:v9+s31+$0x0], $0xffff  }
0x1e3: {  	v33 =	vand.u32 $0xFFFFFFF8, v30;
	v34 =	vand.u32 $0x7, v16;
	v16 =	vand.u32 $0xFFFFFFF8, v20;
	v13 =	vld.idx.msk [tilespmem:v13+s31+$0x0], $0xffff  }
0x1e4: {  	v36 =	vadd.s32 $0x6, v30;
	v27 =	vsub.f32 $1.000000000e+00, v7;
	v35 =	vadd.s32 v15, v28;
	v37 =	vld.idx.msk [tilespmem:v11+s31+$0x0], $0xffff  }
0x1e5: {  	v39 =	vadd.s32 $0x5, v30;
	v38 =	vadd.s32 v15, v33;
	v20 =	vand.u32 $0x7, v20;
	v24 =	vld.idx.msk [tilespmem:v24+s31+$0x0], $0xffff  }
0x1e6: {  	v40 =	vand.u32 $0xFFFFFFF8, v39;
	v41 =	vadd.s32 v15, v16;
	v35 =	vor.u32 v34, v35;
	v14 =	vld.idx.msk [tilespmem:v14+s31+$0x0], $0xffff  }
0x1e7: {  	v41 =	vor.u32 v20, v41;
	v19 =	vmul.f32 v19, v32;
	v21 =	vmul.f32 v8, v21;
	v11 =	vld [tilespmem:s1+$0xB400]  }
0x1e8: {  	v42 =	vand.u32 $0x7, v18;
	v39 =	vand.u32 $0x7, v39;
	v43 =	vadd.s32 v15, v40;
	v12 =	vld.idx.msk [tilespmem:v12+s31+$0x0], $0xffff  }
0x1e9: {  	v17 =	vmul.f32 v17, v32;
	v18 =	vadd.f32 v19, v21;
	v13 =	vmul.f32 v13, v8;
	v19 =	vld.idx.msk [tilespmem:v26+s31+$0x0], $0xffff  }
0x1ea: {  	v44 =	vand.u32 $0x7, v30;
	v21 =	vand.u32 $0xFFFFFFF8, v36;
	v26 =	vmul.f32 v9, v29;
	v10 =	vld.idx.msk [tilespmem:v10+s31+$0x0], $0xffff  }
0x1eb: {  	v30 =	vadd.s32 v15, v21;
	v13 =	vadd.f32 v17, v13;
	v17 =	vmul.f32 v37, v29;
	v31 =	vld.idx.msk [tilespmem:v31+s31+$0x0], $0xffff  }
0x1ec: {  	v18 =	vadd.f32 v26, v18;
	v14 =	vmul.f32 v14, v23;
	v37 =	vsub.f32 $1.000000000e+00, v11;
	v9 =	vld [tilespmem:s1+$0xB410]  }
0x1ed: {  	v38 =	vor.u32 v44, v38;
	v24 =	vmul.f32 v24, v23;
	v13 =	vadd.f32 v17, v13  }
0x1ee: {  	v14 =	vadd.f32 v14, v18;
	v12 =	vmul.f32 v12, v8;
	v17 =	vmul.f32 v37, v27  }
0x1ef: {  	v26 =	vand.u32 $0x7, v36;
	v13 =	vadd.f32 v24, v13;
	v18 =	vmul.f32 v19, v32  }
0x1f0: {  	v36 =	vor.u32 v26, v30;
	v8 =	vsub.f32 $1.000000000e+00, v4;
	v32 =	vadd.s32 v15, v22;
	[tilespmem:s24+$0x14410] =	vst v14  }
0x1f1: {  	v10 =	vmul.f32 v10, v29;
	v12 =	vadd.f32 v18, v12;
	[tilespmem:s24+$0x14810] =	vst v13  }
0x1f2: {  	v45 =	vadd.s32 $0x2, v5;
	v46 =	vand.u32 $0xFFFFFFF8, v6;
	v14 =	vadd.s32 $0x4, v5  }
0x1f3: {  	v47 =	vor.u32 $0x10, v15;
	v10 =	vadd.f32 v10, v12;
	v12 =	vmul.f32 v31, v23  }
0x1f4: {  	v19 =	vadd.s32 v47, v21;
	v13 =	vadd.s32 v47, v22;
	v23 =	vmul.f32 v37, v7  }
0x1f5: {  	v16 =	vadd.s32 v47, v16;
	v48 =	vor.u32 v42, v13;
	v13 =	vadd.s32 v47, v40  }
0x1f6: {  	v33 =	vadd.s32 v47, v33;
	v24 =	vor.u32 v39, v13;
	v13 =	vand.u32 $0xFFFFFFF8, v14  }
0x1f7: {  	v15 =	vand.u32 $0xFFFFFFF8, v5;
	v21 =	vadd.s32 v25, v13;
	v10 =	vadd.f32 v12, v10  }
0x1f8: {  	v49 =	vor.u32 v20, v16;
	v18 =	vadd.s32 $0x1, v5;
	v22 =	vadd.s32 v25, v15  }
0x1f9: {  	v50 =	vor.u32 v26, v19;
	v26 =	vadd.s32 $0x5, v5;
	v19 =	vand.u32 $0xFFFFFFF8, v18;
	[tilespmem:s24+$0x14C10] =	vst v10;
	s24 =	smov.u32 s1  }
0x1fa: {  	v16 =	vor.u32 $0x10, v25;
	v20 =	vadd.s32 v25, v19;
	v10 =	vand.u32 $0xFFFFFFF8, v26  }
0x1fb: {  	v30 =	vadd.s32 v25, v10;
	v29 =	vld.idx.msk [tilespmem:v24+s31+$0x0], $0xffff;
	v24 =	vadd.s32 v16, v10;
	v10 =	vand.u32 $0xFFFFFFF8, v45  }
0x1fc: {  	v31 =	vand.u32 $0x7, v45;
	v35 =	vld.idx.msk [tilespmem:v35+s31+$0x0], $0xffff;
	v12 =	vadd.s32 v25, v10;
	v10 =	vadd.s32 v16, v10  }
0x1fd: {  	v45 =	vld.idx.msk [tilespmem:v38+s31+$0x0], $0xffff;
	v12 =	vor.u32 v31, v12;
	v10 =	vor.u32 v31, v10;
	v31 =	vadd.s32 v16, v46  }
0x1fe: {  	v28 =	vadd.s32 v47, v28;
	v44 =	vor.u32 v44, v33;
	v25 =	vadd.s32 v25, v46;
	v41 =	vld.idx.msk [tilespmem:v41+s31+$0x0], $0xffff  }
0x1ff: {  	v33 =	vor.u32 v34, v28;
	v42 =	vor.u32 v42, v32;
	v37 =	vld.idx.msk [tilespmem:v36+s31+$0x0], $0xffff  }
.Ltmp4:
0x200: {  	v40 =	vor.u32 v39, v43;
	v38 =	vld.idx.msk [tilespmem:v49+s31+$0x0], $0xffff;
	(pc) =	sbr.rel @p0 .LBB2_11-.Ltmp4, $4  }
0x201: {  	v34 =	vld.idx.msk [tilespmem:v48+s31+$0x0], $0xffff  }
0x202: {  	v28 =	vmul.f32 v35, v23;
	v35 =	vld.idx.msk [tilespmem:v50+s31+$0x0], $0xffff  }
0x203: {  	v32 =	vmul.f32 v17, v45;
	v36 =	vld.idx.msk [tilespmem:v44+s31+$0x0], $0xffff  }
0x204: {  	s15 =	sadd.s32 $0x20, s15;
	v27 =	vmul.f32 v11, v27;
	v41 =	vmul.f32 v41, v17;
	v39 =	vld.idx.msk [tilespmem:v42+s31+$0x0], $0xffff  }
0x205: {  	_ =	sdelay $0x3  }
0x206: {  	v40 =	vld.idx.msk [tilespmem:v40+s31+$0x0], $0xffff;
	_ =	sdelay $0x2  }
0x207: {  	v37 =	vmul.f32 v37, v23;
	v7 =	vmul.f32 v11, v7;
	v33 =	vld.idx.msk [tilespmem:v33+s31+$0x0], $0xffff  }
0x208: {  	v28 =	vadd.f32 v28, v32;
	v26 =	vand.u32 $0x7, v26;
	v38 =	vmul.f32 v38, v27  }
0x209: {  	v43 =	vadd.f32 v37, v41;
	v17 =	vmul.f32 v39, v17;
	v44 =	vmul.f32 v40, v23  }
0x20a: {  	v14 =	vand.u32 $0x7, v14;
	v34 =	vmul.f32 v34, v27;
	v45 =	vmul.f32 v36, v27  }
0x20b: {  	v35 =	vmul.f32 v35, v7;
	v11 =	vadd.f32 v38, v43;
	v17 =	vadd.f32 v44, v17  }
0x20c: {  	v46 =	vmul.f32 v29, v7;
	v27 =	vadd.f32 v45, v28;
	v7 =	vmul.f32 v33, v7  }
0x20d: {  	v47 =	vor.u32 v26, v30;
	v11 =	vadd.f32 v35, v11;
	v17 =	vadd.f32 v34, v17  }
0x20e: {  	v5 =	vand.u32 $0x7, v5;
	v21 =	vor.u32 v14, v21;
	v7 =	vadd.f32 v7, v27  }
0x20f: {  	v15 =	vadd.s32 v16, v15;
	v48 =	vor.u32 v5, v22;
	[tilespmem:s24+$0x14C00] =	vst v11;
	v17 =	vadd.f32 v46, v17  }
0x210: {  	v49 =	vand.u32 $0x7, v18;
	v5 =	vor.u32 v5, v15;
	[tilespmem:s24+$0x14400] =	vst v7  }
0x211: {  	v50 =	vadd.s32 v16, v19;
	v51 =	vor.u32 v49, v20;
	[tilespmem:s24+$0x14800] =	vst v17  }
0x212: {  	v15 =	vor.u32 v49, v50;
	v52 =	vld.idx.msk [tilespmem:v47+s31+$0x0], $0xffff  }
0x213: {  	v6 =	vand.u32 $0x7, v6;
	v53 =	vld.idx.msk [tilespmem:v21+s31+$0x0], $0xffff  }
0x214: {  	v13 =	vadd.s32 v16, v13;
	v54 =	vor.u32 v6, v25;
	v11 =	vld.idx.msk [tilespmem:v48+s31+$0x0], $0xffff  }
0x215: {  	v13 =	vor.u32 v14, v13;
	v5 =	vld.idx.msk [tilespmem:v5+s31+$0x0], $0xffff  }
0x216: {  	v7 =	vld.idx.msk [tilespmem:v51+s31+$0x0], $0xffff  }
0x217: {  	v55 =	vsub.f32 $1.000000000e+00, v9;
	v56 =	vor.u32 v26, v24;
	v15 =	vld.idx.msk [tilespmem:v15+s31+$0x0], $0xffff  }
0x218: {  	v6 =	vor.u32 v6, v31;
	v12 =	vld.idx.msk [tilespmem:v12+s31+$0x0], $0xffff  }
0x219: {  	v14 =	vmul.f32 v55, v8;
	v19 =	vld.idx.msk [tilespmem:v54+s31+$0x0], $0xffff  }
0x21a: {  	v58 =	vmul.f32 v9, v8;
	v57 =	vmul.f32 v55, v4;
	v13 =	vld.idx.msk [tilespmem:v13+s31+$0x0], $0xffff  }
0x21b: {  	v4 =	vmul.f32 v9, v4;
	v10 =	vld.idx.msk [tilespmem:v10+s31+$0x0], $0xffff;
	v11 =	vmul.f32 v14, v11  }
0x21c: {  	v59 =	vld.idx.msk [tilespmem:v56+s31+$0x0], $0xffff;
	v17 =	vmul.f32 v53, v57;
	v7 =	vmul.f32 v7, v14  }
0x21d: {  	v6 =	vld.idx.msk [tilespmem:v6+s31+$0x0], $0xffff;
	v60 =	vmul.f32 v52, v57;
	v5 =	vmul.f32 v5, v58  }
0x21e: {  	v12 =	vmul.f32 v12, v14;
	v61 =	vmul.f32 v19, v57;
	v11 =	vadd.f32 v17, v11  }
0x21f: {  	v15 =	vmul.f32 v15, v58;
	v62 =	vmul.f32 v13, v4;
	v7 =	vadd.f32 v60, v7  }
0x220: {  	v8 =	vmul.f32 v10, v58;
	v12 =	vadd.f32 v61, v12;
	v5 =	vadd.f32 v5, v11  }
0x221: {  	v9 =	vmul.f32 v59, v4;
	v7 =	vadd.f32 v15, v7  }
0x222: {  	v4 =	vmul.f32 v6, v4;
	v8 =	vadd.f32 v8, v12;
	v5 =	vadd.f32 v62, v5  }
0x223: {  	v63 =	vadd.f32 v9, v7  }
0x224: {  	s0 =	sor.u32 s14, s19;
	v4 =	vadd.f32 v4, v8;
	[tilespmem:s24+$0x14410] =	vst v5  }
0x225: {  	s1 =	simm.s32 $0x0;
	s0 =	sshrl.u32 s0, $0x3;
	[tilespmem:s24+$0x14810] =	vst v63  }
0x226: {  	s2 =	simm.s32 $0x14400;
	s0 =	sadd.s32 s5, s0;
	[tilespmem:s24+$0x14C10] =	vst v4;
	s24 =	sor.u32 s17, s19  }
0x227: {  	[hbm4b:s0+s1] =	stream.linear.scatter [tilespmem:s2], [sflag:$0x3], $0x400, $0x38;
	[tilespmem:$0x15000] =	vst v63  }
0x228: {  	s0 =	sshrl.u32 s24, $0x3  }
0x229: {  	s25 =	simm.s32 $0x14800;
	s26 =	sor.u32 s18, s19;
	s0 =	sadd.s32 s5, s0  }
0x22a: {  	[hbm4b:s0+s1] =	stream.linear.scatter [tilespmem:s25], [sflag:$0x3], $0x400, $0x38;
	[tilespmem:$0x15000] =	vst v63  }
0x22b: {  	s0 =	sshrl.u32 s26, $0x3  }
0x22c: {  	s28 =	simm.s32 $0x14C00;
	s0 =	sadd.s32 s5, s0  }
0x22d: {  	[hbm4b:s0+s1] =	stream.linear.scatter [tilespmem:s28], [sflag:$0x3], $0x400, $0x38;
	[tilespmem:$0x15000] =	vst v63  }
0x22e: {  	_ =	swait.ge [sflag:s10], $0x400  }
0x22f: {  	[sflag:s10] =	ssyncset.done $0x0  }
0x230: {  	[sflag:s10] =	ssyncadd.s32 $0xFFFFFC00  }
0x231: {  	_ =	swait.ge [sflag:s10], $0x400  }
0x232: {  	[sflag:s10] =	ssyncset.done $0x0  }
0x233: {  	[sflag:s10] =	ssyncadd.s32 $0xFFFFFC00  }
0x234: {  	_ =	swait.ge [sflag:s10], $0x400  }
0x235: {  	[sflag:s10] =	ssyncset.done $0x0  }
0x236: {  	[sflag:s10] =	ssyncadd.s32 $0xFFFFFC00  }
0x237: {  	_ =	swait.ge [sflag:s10], $0x400  }
0x238: {  	[sflag:s10] =	ssyncset.done $0x0  }
0x239: {  	s11 =	sadd.s32 $0x1, s11;
	[sflag:s10] =	ssyncadd.s32 $0xFFFFFC00  }
0x23a: {  	p0 =	sne.s32 s11, $0x40;
	_ =	swait.ge [sflag:s10], $0x400  }
.Ltmp5:
0x23b: {  	[sflag:s10] =	ssyncset.done $0x0;
	(pc) =	sbr.rel @p0 .LBB2_4-.Ltmp5, $4  }
0x23c: {  	[sflag:s10] =	ssyncadd.s32 $0xFFFFFC00  }
0x23d: {  	_ =	swait.ge [sflag:s10], $0x400  }
0x23e: {  	[sflag:s10] =	ssyncset.done $0x0  }
0x23f: {  	[sflag:s10] =	ssyncadd.s32 $0xFFFFFC00  }
0x240: {  	s0 =	simm.s32 $0x1  }
0x241: {  	_ =	swait.ge [sflag:s0], $0x8000  }
0x242: {  	[sflag:s0] =	ssyncset.done $0x0  }
0x243: {  	[sflag:s0] =	ssyncadd.s32 $0xFFFF8000  }
0x244: {  	_ =	swait.ge [sflag:s29], $0x400  }
0x245: {  	[sflag:s29] =	ssyncset.done $0x0  }
0x246: {  	[sflag:s29] =	ssyncadd.s32 $0xFFFFFC00  }
0x247: {  	_ =	swait.ge [sflag:s29], $0x400  }
0x248: {  	s1 =	rddreg [dreg:$0x8]  }
0x249: {  	s28 =	rddreg [dreg:$0x7];
	s1 =	sadd.s32 $0x1, s1  }
0x24a: {  	p0 =	sne.s32 s1, s28  }
.Ltmp6:
0x24b: {  	_ = 	snop;
	(pc) =	sbr.rel @p0 .LBB2_1-.Ltmp6, $3  }
0x24c: {  	_ =	sdelay $0x1  }
0x24d: {  	[sflag:s29] =	ssyncset.done $0x0  }
0x24e: {  	[sflag:s29] =	ssyncadd.s32 $0xFFFFFC00  }
0x24f: {  	_ =	sfence.sel $0x180000  }
0x250: {  	[bflag:$0x0] =	sbarrier.arrive $0xFFFF  }
0x251: {  	_ =	strace $0x90000050  }
0x252: {  	s0 =	stileid.u32;
	[bflag:$0x2] =	sbarrier.arrive $0xFFFF  }
0x253: {  	p0 =	sne.s32 s0, $0x0;
	s0 =	rddreg [dreg:$0x1]  }
0x254: {  	s0 =	sadd.s32 @!p0 $0x100000, s0  }
0x255: {  	[sflag:s0] =	ssyncadd.tile.s32 @!p0 $0x1;
	_ =	shalt  }
.Lfunc_end2:
_tile_overlayer_lowered:
.L_overlay_start_2:
0x256: {  	(tag) =	ssettag $0x2  }
0x257: {  	s0 =	rddreg [dreg:$0x0];
	s2 =	stileid.u32  }
0x258: {  	s1 =	rddreg [dreg:$0x1];
	p0 =	sne.s32 s2, $0x0  }
0x259: {  	s3 =	rddreg [dreg:$0x2];
	[bflag:$0x3] =	sbarrier.arrive $0xFFFF;
	s2 =	simm.s32 @!p0 $0x1C06  }
0x25a: {  	[timem:s3], [sflag:s2] =	dma.local @!p0 [hbm:s0], s1  }
0x25b: {  	s0 =	simm.s32 @!p0 $0x6  }
0x25c: {  	_ =	swait.ge @!p0 [sflag:s0], s1  }
0x25d: {  	s1 =	ssub.s32 @!p0 $0x0, s1;
	[sflag:s0] =	ssyncset.done @!p0 $0x0  }
0x25e: {  	[sflag:s0] =	ssyncadd.s32 @!p0 s1  }
0x25f: {  	[bflag:$0x3] =	sbarrier.arrive $0xFFFF  }
0x260: {  	_ =	shalt  }

// kernel: sparse-core-data-format-call.1.cloned.1.call-start
scs
called_computation.1_lowered:
.L_overlay_start_0:
0x0: {  	s2 =	sld [smem:$0x3FD9]  }
0x1: {  	s3 =	sld [smem:$0x3FFE];
	_ =	sdelay $0x1  }
0x2: {  	s1 =	srdreg.scid  }
0x3: {  	s0 =	sand.u32 $0x1, s1  }
0x4: {  	s19 =	sshll.u32 s0, $0xA;
	s2 =	sadd.s32 s3, s2  }
0x5: {  	s2 =	sadd.s32 s2, s19  }
0x6: {  	[smem:$0x3FC6] =	sst s2  }
0x7: {  	_ = 	snop  }
0x8: {  	s2 =	sld [smem:$0x3FC9]  }
0x9: {  	s20 =	sld [smem:$0x3FD0];
	(tm) =	ssettm $0x1  }
0xa: {  	s4 =	sld [smem:$0x3FFB];
	_ =	sdelay $0x3  }
0xb: {  	_ =	strace s4  }
0xc: {  	s4 =	sld [smem:$0x3FFC];
	_ =	sdelay $0x3  }
0xd: {  	_ =	strace s4  }
0xe: {  	s4 =	sld [smem:$0x3FFD];
	_ =	sdelay $0x3  }
0xf: {  	_ =	strace s4  }
0x10: {  	_ =	strace $0x8FFFFFFF  }
0x11: {  	s21 =	sld [smem:$0x3FDB];
	_ =	sdelay $0x1  }
0x12: {  	s5 =	simm.s32 $_scs_section_size  }
0x13: {  	s6 =	simm.s32 $_size__tile_overlayer_lowered;
	s7 =	simm.s32 $_tile_overlayer_lowered  }
0x14: {  	s24 =	simm.s32 $0x1BFF;
	s23 =	sshll.u32 s7, $0x1;
	s4 =	sadd.s32 s5, s21  }
0x15: {  	s8 =	simm.s32 $0x0;
	s22 =	sshll.u32 s6, $0x1;
	s6 =	sadd.s32 s23, s4  }
0x16: {  	[timem:s8], [sflag:s24] =	dma.local [hbm:s6], s22  }
0x17: {  	_ =	swait.ge [sflag:s24], s22  }
0x18: {  	s5 =	ssub.s32 $0x0, s22;
	[sflag:s24] =	ssyncset.done $0x0  }
0x19: {  	[sflag:s24] =	ssyncadd.s32 s5;
	_ =	sdelay $0x1  }
0x1a: {  	s25 =	simm.s32 $0x1B8B  }
0x1b: {  	_ =	swait.ge [sflag:s25], $0x1  }
0x1c: {  	[sflag:s25] =	ssyncset.done $0x0  }
0x1d: {  	s26 =	simm.s32 $0x1B8E;
	[sflag:s25] =	ssyncadd.s32 $0xFFFFFFFF  }
0x1e: {  	s27 =	simm.s32 $execute0_lowered;
	[smem:$0x3FD2] =	sst s26  }
0x1f: {  	s5 =	sshll.u32 s27, $0x1;
	_ =	strace $0x80000046;
	[dreg:$0x1] =	wrdreg $0xFFFFFFFF  }
0x20: {  	s28 =	simm.s32 $_size_execute0_lowered;
	s4 =	sadd.s32 s4, s5;
	[dreg:$0x0] =	wrdreg $0x0  }
0x21: {  	s5 =	sshll.u32 s28, $0x1;
	[dreg:$0x2] =	wrdreg s4  }
0x22: {  	[dreg:$0x3] =	wrdreg s5  }
0x23: {  	[dreg:$0x4] =	wrdreg $0xC0  }
0x24: {  	_ =	task [dreg:s8], $0x5FFFF  }
0x25: {  	[dreg:$0x1] =	wrdreg $0xFFFFFFFF  }
0x26: {  	[dreg:$0x0] =	wrdreg $0x60  }
0x27: {  	[dreg:$0x2] =	wrdreg s2  }
0x28: {  	[dreg:$0x3] =	wrdreg s20  }
0x29: {  	[dreg:$0x4] =	wrdreg $0xA  }
0x2a: {  	_ =	task.clear_ibuf [dreg:s8], $0x5FFFF;
	_ =	strace $0x90000046  }
0x2b: {  	s29 =	simm.s32 $0xA;
	_ =	strace $0x80000048  }
0x2c: {  	_ =	swait.ge [sflag:s29], $0x1  }
0x2d: {  	[sflag:s29] =	ssyncadd.s32 $0xFFFFFFFF  }
0x2e: {  	_ =	strace $0x90000048  }
0x2f: {  	_ =	sfence  }
0x30: {  	s30 =	sld [smem:$0x0];
	_ =	sdelay $0x2  }
0x31: {  	s31 =	sshll.u32 s1, $0xD;
	s1 =	sshrl.u32 s1, $0x2  }
0x32: {  	s3 =	sand.u32 $0x4000, s31;
	s1 =	sadd.s32 s1, s30  }
0x33: {  	s0 =	sor.u32 s3, s0;
	s1 =	sshll.u32 s1, $0x11  }
0x34: {  	s0 =	sor.u32 s1, s0  }
0x35: {  	s0 =	sadd.s32 $0x8F2B, s0  }
0x36: {  	[sflag:s0] =	ssyncadd.remote.s32 $0x1  }
0x37: {  	_ =	sfence.sel $0xFFFF  }
0x38: {  	[dreg:$0x0] =	wrdreg $0xFFFFFFFF;
	(pc) =	sbr.abs _section_cstart, $3  }
0x39: {  	[dreg:$0x1] =	wrdreg $0xFFFFFFFF  }
0x3a: {  	_ =	task.clear_ibuf [dreg:s8], $0x2FFFF;
	_ =	strace $0x9FFFFFFF  }
0x3b: {  	(tm) =	ssettm $0x7FFFFFFF  }
tec
execute0_lowered:
.L_overlay_start_1:
0x0: {  	(tag) =	ssettag $0x1  }
0x1: {  	s0 =	srdreg.scid  }
0x2: {  	s1 =	sshll.u32 s0, $0x4  }
0x3: {  	s2 =	rddreg [dreg:$0x0];
	s0 =	stileid.u32;
	s1 =	sand.u32 $0x10, s1  }
0x4: {  	s4 =	rddreg [dreg:$0x1];
	s1 =	sor.u32 s0, s1  }
0x5: {  	s7 =	simm.s32 $0x1;
	s8 =	simm.s32 $0x2;
	s3 =	sshll.u32 s1, $0x2  }
0x6: {  	s9 =	simm.s32 $0x0;
	s12 =	simm.s32 $0x0;
	s6 =	ssub.s32 $0xC00, s3  }
.Ltmp0:
0x7: {  	s11 =	simm.s32 $0x0;
	s5 =	sand.u32 $0x7C, s6;
	(pc) =	sbr.rel .LBB1_1-.Ltmp0, $4  }
0x8: {  	s1 =	rddreg [dreg:$0x2];
	_ =	strace $0x80000047;
	p0 =	sne.s32 s5, $0x0  }
0x9: {  	s6 =	sshrl.u32 s6, $0x7;
	s5 =	simm.s32 $0x1;
	s7 =	simm.s32 @!p0 $0x0  }
0xa: {  	s10 =	smov.u32 s3;
	[sflag:s5] =	ssyncpa.u1 $0x0;
	s6 =	sadd.s32 s7, s6  }
0xb: {  	[sflag:s8] =	ssyncpa.u1 $0x0;
	s8 =	simm.s32 $0x0;
	s7 =	sadd.s32 $0x1, s6  }
.LBB1_9:
0xc: {  	s14 =	sadd.s32 $0x80, s10  }
0xd: {  	p1 =	sgt.s32 s14, $0xBFF  }
0xe: {  	s14 =	smov.u32 @p1 s3;
	p1 =	sne.s32 s11, s7  }
.Ltmp1:
0xf: {  	p0 =	slt.u32 s11, $0x2;
	(pc) =	sbr.rel @!p1 .LBB1_10-.Ltmp1, $4  }
0x10: {  	s13 =	simm.s32 @!p0 $0x2  }
0x11: {  	s15 =	sadd.s32 $0x1, s11;
	_ =	swait.ge @!p0 [sflag:s13], $0x4000  }
0x12: {  	s12 =	smov.u32 s10;
	s9 =	sadd.s32 $0x4000, s9;
	[sflag:s13] =	ssyncset.done @!p0 $0x0  }
0x13: {  	s11 =	smov.u32 s15;
	s10 =	smov.u32 s14;
	[sflag:s13] =	ssyncadd.s32 @!p0 $0xFFFFC000  }
.LBB1_1:
0x14: {  	p0 =	sge.u32 s11, s6  }
0x15: {  	s13 =	sxor.u32 @!p0 $0xFFFFFFFF, s11  }
0x16: {  	s31 =	sadd.s32 $0xFFFFFFFF, s11;
	s14 =	sshll.u32 @!p0 s10, $0x9;
	s13 =	sshll.u32 @!p0 s13, $0xE  }
0x17: {  	s15 =	simm.s32 @!p0 $0x0;
	s14 =	sadd.s32 @!p0 s2, s14;
	s13 =	sand.u32 @!p0 $0x4000, s13  }
0x18: {  	[tilespmem:s13], [sflag:$0x1] =	stream.linear.gather @!p0 [hbm4b:s14+s15], $0x4000, $0x38;
	[tilespmem:$0x10000] =	vst v63  }
0x19: {  	p0 =	sge.u32 s31, s6  }
.Ltmp2:
0x1a: {  	_ = 	snop;
	(pc) =	sbr.rel @p0 .LBB1_9-.Ltmp2, $1  }
0x1b: {  	_ =	sdelay $0x3  }
0x1c: {  	s14 =	sand.u32 $0x4000, s9  }
0x1d: {  	_ =	swait.ge [sflag:s5], $0x4000;
	s15 =	sshll.u32 s11, $0xE;
	s16 =	simm.s32 $0x0  }
0x1e: {  	s13 =	sor.u32 $0x40, s14;
	[sflag:s5] =	ssyncset.done $0x0;
	s15 =	sand.u32 $0x4000, s15  }
0x1f: {  	s14 =	sor.u32 $0x8040, s14;
	[sflag:s5] =	ssyncadd.s32 $0xFFFFC000;
	s15 =	sor.u32 $0x8000, s15  }
.LBB1_3:
0x20: {  	s17 =	smov.u32 s14;
	s18 =	smov.u32 s13;
	s19 =	simm.s32 $0x0  }
.LBB1_4:
0x21: {  	v0 =	vmov s17;
	v2 =	vld [tilespmem:s18+$0x30]  }
0x22: {  	v4 =	vld [tilespmem:s18+$0xFFFFFFD0]  }
0x23: {  	v6 =	vld [tilespmem:s18+$0xFFFFFFE0]  }
0x24: {  	v7 =	vld [tilespmem:s18+$0xFFFFFFF0]  }
0x25: {  	s20 =	simm.s32 $0x0;
	v1 =	vld [tilespmem:s18+$0x0]  }
0x26: {  	v3 =	vld [tilespmem:s18+$0x10];
	[tilespmem:v0+s20+$0x30 ss:$0x1] =	vst.idx.msk $0xffff, v2  }
0x27: {  	v5 =	vld [tilespmem:s18+$0x20];
	[tilespmem:v0+s20+$0xFFFFFFD0 ss:$0x1] =	vst.idx.msk $0xffff, v4  }
0x28: {  	s21 =	sadd.s32 $0x80, s18;
	v2 =	vld [tilespmem:s18+$0xFFFFFFC0];
	[tilespmem:v0+s20+$0xFFFFFFE0 ss:$0x1] =	vst.idx.msk $0xffff, v6  }
0x29: {  	s22 =	simm.s32 $0x800;
	s23 =	simm.s32 $0x1000;
	v4 =	vld [tilespmem:s21+$0x30];
	[tilespmem:v0+s20+$0xFFFFFFF0 ss:$0x1] =	vst.idx.msk $0xffff, v7  }
.LBB1_5:
0x2a: {  	p0 =	sne.s32 s23, $0x3800;
	v6 =	vld [tilespmem:s21+$0xFFFFFFD0];
	[tilespmem:v0+s20+$0x0 ss:$0x1] =	vst.idx.msk $0xffff, v1  }
0x2b: {  	v7 =	vld [tilespmem:s21+$0xFFFFFFE0];
	[tilespmem:v0+s20+$0x10 ss:$0x1] =	vst.idx.msk $0xffff, v3  }
0x2c: {  	v8 =	vld [tilespmem:s21+$0xFFFFFFF0];
	[tilespmem:v0+s20+$0x20 ss:$0x1] =	vst.idx.msk $0xffff, v5  }
.Ltmp3:
0x2d: {  	v1 =	vld [tilespmem:s21+$0x0];
	[tilespmem:v0+s20+$0xFFFFFFC0 ss:$0x1] =	vst.idx.msk $0xffff, v2;
	s20 =	sshra.s32 s22, $0x2;
	s22 =	smov.u32 s23;
	(pc) =	sbr.rel @p0 .LBB1_5-.Ltmp3, $4  }
0x2e: {  	v3 =	vld [tilespmem:s21+$0x10];
	[tilespmem:v0+s20+$0x30 ss:$0x1] =	vst.idx.msk $0xffff, v4  }
0x2f: {  	[tilespmem:v0+s20+$0xFFFFFFD0 ss:$0x1] =	vst.idx.msk $0xffff, v6;
	v5 =	vld [tilespmem:s21+$0x20]  }
0x30: {  	v2 =	vld [tilespmem:s21+$0xFFFFFFC0];
	[tilespmem:v0+s20+$0xFFFFFFE0 ss:$0x1] =	vst.idx.msk $0xffff, v7;
	s21 =	sadd.s32 $0x80, s21  }
0x31: {  	s23 =	sadd.s32 $0x800, s23;
	v4 =	vld [tilespmem:s21+$0x30];
	[tilespmem:v0+s20+$0xFFFFFFF0 ss:$0x1] =	vst.idx.msk $0xffff, v8  }
0x32: {  	_ =	sdelay $0x3  }
0x33: {  	v6 =	vld [tilespmem:s21+$0xFFFFFFD0];
	[tilespmem:v0+s20+$0x0 ss:$0x1] =	vst.idx.msk $0xffff, v1  }
0x34: {  	v58 =	vld [tilespmem:s21+$0xFFFFFFE0];
	[tilespmem:v0+s20+$0x10 ss:$0x1] =	vst.idx.msk $0xffff, v3  }
0x35: {  	v59 =	vld [tilespmem:s21+$0xFFFFFFF0];
	[tilespmem:v0+s20+$0x20 ss:$0x1] =	vst.idx.msk $0xffff, v5  }
0x36: {  	s22 =	sshra.s32 s22, $0x2;
	v60 =	vld [tilespmem:s21+$0x0];
	[tilespmem:v0+s20+$0xFFFFFFC0 ss:$0x1] =	vst.idx.msk $0xffff, v2  }
0x37: {  	v61 =	vld [tilespmem:s21+$0x10];
	[tilespmem:v0+s22+$0x30 ss:$0x1] =	vst.idx.msk $0xffff, v4  }
0x38: {  	v62 =	vld [tilespmem:s21+$0x20];
	s19 =	sadd.s32 $0x1, s19;
	[tilespmem:v0+s22+$0xFFFFFFD0 ss:$0x1] =	vst.idx.msk $0xffff, v6  }
0x39: {  	v63 =	vld [tilespmem:s21+$0xFFFFFFC0];
	p0 =	sne.s32 s19, $0x4;
	[tilespmem:v0+s22+$0xFFFFFFE0 ss:$0x1] =	vst.idx.msk $0xffff, v58  }
.Ltmp4:
0x3a: {  	[tilespmem:v0+s22+$0xFFFFFFF0 ss:$0x1] =	vst.idx.msk $0xffff, v59;
	(pc) =	sbr.rel @p0 .LBB1_4-.Ltmp4, $4  }
0x3b: {  	[tilespmem:v0+s22+$0x0 ss:$0x1] =	vst.idx.msk $0xffff, v60  }
0x3c: {  	[tilespmem:v0+s22+$0x10 ss:$0x1] =	vst.idx.msk $0xffff, v61  }
0x3d: {  	[tilespmem:v0+s22+$0x20 ss:$0x1] =	vst.idx.msk $0xffff, v62  }
0x3e: {  	s18 =	sadd.s32 $0x400, s18;
	s17 =	sadd.s32 $0x80, s17;
	[tilespmem:v0+s22+$0xFFFFFFC0 ss:$0x1] =	vst.idx.msk $0xffff, v63  }
0x3f: {  	s16 =	sadd.s32 $0x1, s16  }
0x40: {  	p0 =	sne.s32 s16, $0x4  }
.Ltmp5:
0x41: {  	_ = 	snop;
	(pc) =	sbr.rel @p0 .LBB1_3-.Ltmp5, $2  }
0x42: {  	_ =	sdelay $0x2  }
0x43: {  	s13 =	sadd.s32 $0x1000, s13;
	s14 =	sadd.s32 $0x1000, s14  }
.Ltmp6:
0x44: {  	(pc) =	sbr.rel .LBB1_9-.Ltmp6, $4  }
0x45: {  	_ = 	snop  }
0x46: {  	s12 =	sshll.u32 s12, $0x9  }
0x47: {  	s12 =	sadd.s32 s4, s12  }
0x48: {  	[hbm4b:s12+s8] =	stream.linear.scatter [tilespmem:s15], [sflag:$0x2], $0x4000, $0x38;
	[tilespmem:$0x10000] =	vst v63  }
.LBB1_10:
0x49: {  	_ =	sfence.sel $0x180000  }
0x4a: {  	s2 =	simm.s32 $0x1;
	[bflag:$0x0] =	sbarrier.arrive $0xFFFF  }
0x4b: {  	s31 =	simm.s32 $0x2;
	[sflag:s2] =	ssyncpa.u1 $0x1  }
0x4c: {  	[sflag:s31] =	ssyncpa.u1 $0x1  }
0x4d: {  	p0 =	sne.s32 s0, $0x0;
	_ =	strace $0x90000047  }
0x4e: {  	s0 =	sadd.s32 @!p0 $0x100000, s1;
	[bflag:$0x2] =	sbarrier.arrive $0xFFFF  }
0x4f: {  	[sflag:s0] =	ssyncadd.tile.s32 @!p0 $0x1;
	_ =	shalt  }
.Lfunc_end1:
_tile_overlayer_lowered:
.L_overlay_start_2:
0x50: {  	(tag) =	ssettag $0x2  }
0x51: {  	s0 =	rddreg [dreg:$0x0];
	s2 =	stileid.u32  }
0x52: {  	s1 =	rddreg [dreg:$0x1];
	p0 =	sne.s32 s2, $0x0  }
0x53: {  	s3 =	rddreg [dreg:$0x2];
	[bflag:$0x3] =	sbarrier.arrive $0xFFFF;
	s2 =	simm.s32 @!p0 $0x1C01  }
0x54: {  	[timem:s3], [sflag:s2] =	dma.local @!p0 [hbm:s0], s1  }
0x55: {  	s0 =	simm.s32 @!p0 $0x1  }
0x56: {  	_ =	swait.ge @!p0 [sflag:s0], s1  }
0x57: {  	s1 =	ssub.s32 @!p0 $0x0, s1;
	[sflag:s0] =	ssyncset.done @!p0 $0x0  }
0x58: {  	[sflag:s0] =	ssyncadd.s32 @!p0 s1  }
0x59: {  	[bflag:$0x3] =	sbarrier.arrive $0xFFFF  }
0x5a: {  	_ =	shalt  }

// kernel: sparse-core-data-format-call.cloned.1.call-start
scs
called_computation_lowered:
.L_overlay_start_0:
0x0: {  	s2 =	sld [smem:$0x3FD9]  }
0x1: {  	s3 =	sld [smem:$0x3FFE];
	_ =	sdelay $0x1  }
0x2: {  	s1 =	srdreg.scid  }
0x3: {  	s0 =	sand.u32 $0x1, s1  }
0x4: {  	s18 =	sshll.u32 s0, $0xA;
	s2 =	sadd.s32 s3, s2  }
0x5: {  	s2 =	sadd.s32 s2, s18  }
0x6: {  	[smem:$0x3FC6] =	sst s2  }
0x7: {  	_ = 	snop  }
0x8: {  	s19 =	sld [smem:$0x3FC8];
	(tm) =	ssettm $0x1  }
0x9: {  	s20 =	sld [smem:$0x3FFB];
	_ =	sdelay $0x3  }
0xa: {  	_ =	strace s20  }
0xb: {  	s2 =	sld [smem:$0x3FFC];
	_ =	sdelay $0x3  }
0xc: {  	_ =	strace s2  }
0xd: {  	s2 =	sld [smem:$0x3FFD];
	_ =	sdelay $0x3  }
0xe: {  	_ =	strace s2  }
0xf: {  	_ =	strace $0x8FFFFFFF  }
0x10: {  	s21 =	sld [smem:$0x3FDB];
	_ =	sdelay $0x1  }
0x11: {  	s4 =	simm.s32 $_scs_section_size  }
0x12: {  	s5 =	simm.s32 $_size__tile_overlayer_lowered;
	s6 =	simm.s32 $_tile_overlayer_lowered  }
0x13: {  	s7 =	simm.s32 $0x1BFF;
	s22 =	sshll.u32 s6, $0x1;
	s4 =	sadd.s32 s4, s21  }
0x14: {  	s23 =	simm.s32 $0x0;
	s5 =	sshll.u32 s5, $0x1;
	s6 =	sadd.s32 s22, s4  }
0x15: {  	[timem:s23], [sflag:s7] =	dma.local [hbm:s6], s5  }
0x16: {  	_ =	swait.ge [sflag:s7], s5  }
0x17: {  	s5 =	ssub.s32 $0x0, s5;
	[sflag:s7] =	ssyncset.done $0x0  }
0x18: {  	[sflag:s7] =	ssyncadd.s32 s5;
	_ =	sdelay $0x1  }
0x19: {  	s24 =	simm.s32 $0x1B8B  }
0x1a: {  	_ =	swait.ge [sflag:s24], $0x1  }
0x1b: {  	[sflag:s24] =	ssyncset.done $0x0  }
0x1c: {  	[sflag:s24] =	ssyncadd.s32 $0xFFFFFFFF  }
0x1d: {  	s5 =	sld [smem:$0x0]  }
0x1e: {  	s6 =	sand.u32 $0xFFFFFFFE, s1  }
0x1f: {  	p0 =	sne.s32 s1, s6  }
0x20: {  	s6 =	sshll.u32 @p0 s6, $0xE  }
0x21: {  	s6 =	sadd.s32 @p0 $0x11B8D, s6;
	s7 =	sshll.u32 @p0 s5, $0x11  }
0x22: {  	s6 =	sor.u32 @p0 s7, s6  }
0x23: {  	[sflag:s6] =	ssyncadd.remote.s32 @p0 $0x1;
	_ =	sdelay $0x1  }
0x24: {  	s6 =	simm.s32 @p0 $0x1B8D  }
0x25: {  	_ =	swait.eq @p0 [sflag:s6], $0x1  }
0x26: {  	[sflag:s6] =	ssyncadd.s32 @p0 $0xFFFFFFFF  }
0x27: {  	s7 =	sshll.u32 @!p0 s1, $0xE  }
0x28: {  	s7 =	sor.u32 @!p0 $0x4000, s7;
	s6 =	simm.s32 @!p0 $0x1B8D  }
0x29: {  	s5 =	sshll.u32 @!p0 s5, $0x11;
	s7 =	sadd.s32 @!p0 $0x11B8D, s7;
	_ =	swait.eq @!p0 [sflag:s6], $0x1  }
0x2a: {  	s5 =	sor.u32 @!p0 s5, s7;
	[sflag:s6] =	ssyncadd.s32 @!p0 $0xFFFFFFFF  }
0x2b: {  	s26 =	simm.s32 $0x1B8E;
	s25 =	sld [smem:$0x3FFE];
	[sflag:s5] =	ssyncadd.remote.s32 @!p0 $0x1  }
0x2c: {  	s27 =	simm.s32 $execute0_lowered;
	[smem:$0x3FD2] =	sst s26  }
0x2d: {  	s6 =	sshll.u32 s27, $0x1;
	_ =	strace $0x80000049;
	[dreg:$0x1] =	wrdreg $0xFFFFFFFF  }
0x2e: {  	s28 =	simm.s32 $_size_execute0_lowered;
	s4 =	sadd.s32 s4, s6;
	[dreg:$0x0] =	wrdreg $0x0  }
0x2f: {  	s6 =	sshll.u32 s28, $0x1;
	[dreg:$0x2] =	wrdreg s4  }
0x30: {  	[dreg:$0x3] =	wrdreg s6  }
0x31: {  	[dreg:$0x4] =	wrdreg $0xC0  }
0x32: {  	_ =	task [dreg:s23], $0x5FFFF  }
0x33: {  	[dreg:$0x1] =	wrdreg $0xFFFFFFFF  }
0x34: {  	[dreg:$0x0] =	wrdreg $0x60  }
0x35: {  	[dreg:$0x2] =	wrdreg s19  }
0x36: {  	[dreg:$0x3] =	wrdreg s25  }
0x37: {  	[dreg:$0x4] =	wrdreg $0x9  }
0x38: {  	_ =	task.clear_ibuf [dreg:s23], $0x5FFFF;
	_ =	strace $0x90000049  }
0x39: {  	s29 =	simm.s32 $0x9;
	_ =	strace $0x8000004B  }
0x3a: {  	_ =	swait.ge [sflag:s29], $0x1  }
0x3b: {  	[sflag:s29] =	ssyncadd.s32 $0xFFFFFFFF  }
0x3c: {  	_ =	strace $0x9000004B  }
0x3d: {  	_ =	sfence  }
0x3e: {  	s30 =	sld [smem:$0x0];
	_ =	sdelay $0x2  }
0x3f: {  	s31 =	sshll.u32 s1, $0xD;
	s1 =	sshrl.u32 s1, $0x2  }
0x40: {  	s4 =	sand.u32 $0x4000, s31;
	s1 =	sadd.s32 s1, s30  }
0x41: {  	s0 =	sor.u32 s4, s0;
	s1 =	sshll.u32 s1, $0x11  }
0x42: {  	s0 =	sor.u32 s1, s0  }
0x43: {  	s0 =	sadd.s32 $0x8F2B, s0  }
0x44: {  	[sflag:s0] =	ssyncadd.remote.s32 $0x1  }
0x45: {  	_ =	sfence.sel $0xFFFF  }
0x46: {  	[dreg:$0x0] =	wrdreg $0xFFFFFFFF;
	(pc) =	sbr.abs _section_cstart, $3  }
0x47: {  	[dreg:$0x1] =	wrdreg $0xFFFFFFFF  }
0x48: {  	_ =	task.clear_ibuf [dreg:s23], $0x2FFFF;
	_ =	strace $0x9FFFFFFF  }
0x49: {  	(tm) =	ssettm $0x7FFFFFFF  }
tec
execute0_lowered:
.L_overlay_start_1:
0x0: {  	(tag) =	ssettag $0x1  }
0x1: {  	s0 =	srdreg.scid  }
0x2: {  	s1 =	sshll.u32 s0, $0x4  }
0x3: {  	s2 =	rddreg [dreg:$0x0];
	s0 =	stileid.u32;
	s1 =	sand.u32 $0x10, s1  }
0x4: {  	s4 =	rddreg [dreg:$0x1];
	s7 =	simm.s32 $0x1;
	s1 =	sor.u32 s0, s1  }
0x5: {  	s8 =	simm.s32 $0x2;
	s9 =	simm.s32 $0x0;
	s3 =	sshll.u32 s1, $0x2  }
0x6: {  	s12 =	simm.s32 $0x0;
	s11 =	simm.s32 $0x0;
	s6 =	ssub.s32 $0x800, s3  }
.Ltmp0:
0x7: {  	s4 =	sadd.s32 $0x1000, s4;
	s5 =	sand.u32 $0x7C, s6;
	(pc) =	sbr.rel .LBB1_1-.Ltmp0, $4  }
0x8: {  	s1 =	rddreg [dreg:$0x2];
	_ =	strace $0x8000004A;
	p0 =	sne.s32 s5, $0x0  }
0x9: {  	s6 =	sshrl.u32 s6, $0x7;
	s5 =	simm.s32 $0x1;
	s7 =	simm.s32 @!p0 $0x0  }
0xa: {  	s10 =	smov.u32 s3;
	[sflag:s5] =	ssyncpa.u1 $0x0;
	s6 =	sadd.s32 s7, s6  }
0xb: {  	[sflag:s8] =	ssyncpa.u1 $0x0;
	s8 =	simm.s32 $0x0;
	s7 =	sadd.s32 $0x1, s6  }
.LBB1_9:
0xc: {  	s14 =	sadd.s32 $0x80, s10  }
0xd: {  	p1 =	sgt.s32 s14, $0x7FF  }
0xe: {  	s14 =	smov.u32 @p1 s3;
	p1 =	sne.s32 s11, s7  }
.Ltmp1:
0xf: {  	p0 =	slt.u32 s11, $0x2;
	(pc) =	sbr.rel @!p1 .LBB1_10-.Ltmp1, $4  }
0x10: {  	s13 =	simm.s32 @!p0 $0x2  }
0x11: {  	s15 =	sadd.s32 $0x1, s11;
	_ =	swait.ge @!p0 [sflag:s13], $0x4000  }
0x12: {  	s12 =	smov.u32 s10;
	s9 =	sadd.s32 $0x4000, s9;
	[sflag:s13] =	ssyncset.done @!p0 $0x0  }
0x13: {  	s11 =	smov.u32 s15;
	s10 =	smov.u32 s14;
	[sflag:s13] =	ssyncadd.s32 @!p0 $0xFFFFC000  }
.LBB1_1:
0x14: {  	p0 =	sge.u32 s11, s6  }
0x15: {  	s13 =	sxor.u32 @!p0 $0xFFFFFFFF, s11  }
0x16: {  	s31 =	sadd.s32 $0xFFFFFFFF, s11;
	s14 =	sshll.u32 @!p0 s10, $0x9;
	s13 =	sshll.u32 @!p0 s13, $0xE  }
0x17: {  	s15 =	simm.s32 @!p0 $0x0;
	s14 =	sadd.s32 @!p0 s2, s14;
	s13 =	sand.u32 @!p0 $0x4000, s13  }
0x18: {  	[tilespmem:s13], [sflag:$0x1] =	stream.linear.gather @!p0 [hbm4b:s14+s15], $0x4000, $0x38;
	[tilespmem:$0x10000] =	vst v63  }
0x19: {  	p0 =	sge.u32 s31, s6  }
.Ltmp2:
0x1a: {  	_ = 	snop;
	(pc) =	sbr.rel @p0 .LBB1_9-.Ltmp2, $1  }
0x1b: {  	_ =	sdelay $0x3  }
0x1c: {  	s14 =	sand.u32 $0x4000, s9  }
0x1d: {  	_ =	swait.ge [sflag:s5], $0x4000;
	s15 =	sshll.u32 s11, $0xE;
	s16 =	simm.s32 $0x0  }
0x1e: {  	s13 =	sor.u32 $0x40, s14;
	[sflag:s5] =	ssyncset.done $0x0;
	s15 =	sand.u32 $0x4000, s15  }
0x1f: {  	s14 =	sor.u32 $0x8040, s14;
	[sflag:s5] =	ssyncadd.s32 $0xFFFFC000;
	s15 =	sor.u32 $0x8000, s15  }
.LBB1_3:
0x20: {  	s17 =	smov.u32 s14;
	s18 =	smov.u32 s13;
	s19 =	simm.s32 $0x0  }
.LBB1_4:
0x21: {  	v0 =	vmov s17;
	v2 =	vld [tilespmem:s18+$0x30]  }
0x22: {  	v4 =	vld [tilespmem:s18+$0xFFFFFFD0]  }
0x23: {  	v6 =	vld [tilespmem:s18+$0xFFFFFFE0]  }
0x24: {  	v7 =	vld [tilespmem:s18+$0xFFFFFFF0]  }
0x25: {  	s20 =	simm.s32 $0x0;
	v1 =	vld [tilespmem:s18+$0x0]  }
0x26: {  	v3 =	vld [tilespmem:s18+$0x10];
	[tilespmem:v0+s20+$0x30 ss:$0x1] =	vst.idx.msk $0xffff, v2  }
0x27: {  	v5 =	vld [tilespmem:s18+$0x20];
	[tilespmem:v0+s20+$0xFFFFFFD0 ss:$0x1] =	vst.idx.msk $0xffff, v4  }
0x28: {  	s21 =	sadd.s32 $0x80, s18;
	v2 =	vld [tilespmem:s18+$0xFFFFFFC0];
	[tilespmem:v0+s20+$0xFFFFFFE0 ss:$0x1] =	vst.idx.msk $0xffff, v6  }
0x29: {  	s22 =	simm.s32 $0x800;
	s23 =	simm.s32 $0x1000;
	v4 =	vld [tilespmem:s21+$0x30];
	[tilespmem:v0+s20+$0xFFFFFFF0 ss:$0x1] =	vst.idx.msk $0xffff, v7  }
.LBB1_5:
0x2a: {  	p0 =	sne.s32 s23, $0x3800;
	v6 =	vld [tilespmem:s21+$0xFFFFFFD0];
	[tilespmem:v0+s20+$0x0 ss:$0x1] =	vst.idx.msk $0xffff, v1  }
0x2b: {  	v7 =	vld [tilespmem:s21+$0xFFFFFFE0];
	[tilespmem:v0+s20+$0x10 ss:$0x1] =	vst.idx.msk $0xffff, v3  }
0x2c: {  	v8 =	vld [tilespmem:s21+$0xFFFFFFF0];
	[tilespmem:v0+s20+$0x20 ss:$0x1] =	vst.idx.msk $0xffff, v5  }
.Ltmp3:
0x2d: {  	v1 =	vld [tilespmem:s21+$0x0];
	[tilespmem:v0+s20+$0xFFFFFFC0 ss:$0x1] =	vst.idx.msk $0xffff, v2;
	s20 =	sshra.s32 s22, $0x2;
	s22 =	smov.u32 s23;
	(pc) =	sbr.rel @p0 .LBB1_5-.Ltmp3, $4  }
0x2e: {  	v3 =	vld [tilespmem:s21+$0x10];
	[tilespmem:v0+s20+$0x30 ss:$0x1] =	vst.idx.msk $0xffff, v4  }
0x2f: {  	[tilespmem:v0+s20+$0xFFFFFFD0 ss:$0x1] =	vst.idx.msk $0xffff, v6;
	v5 =	vld [tilespmem:s21+$0x20]  }
0x30: {  	v2 =	vld [tilespmem:s21+$0xFFFFFFC0];
	[tilespmem:v0+s20+$0xFFFFFFE0 ss:$0x1] =	vst.idx.msk $0xffff, v7;
	s21 =	sadd.s32 $0x80, s21  }
0x31: {  	s23 =	sadd.s32 $0x800, s23;
	v4 =	vld [tilespmem:s21+$0x30];
	[tilespmem:v0+s20+$0xFFFFFFF0 ss:$0x1] =	vst.idx.msk $0xffff, v8  }
0x32: {  	_ =	sdelay $0x3  }
0x33: {  	v6 =	vld [tilespmem:s21+$0xFFFFFFD0];
	[tilespmem:v0+s20+$0x0 ss:$0x1] =	vst.idx.msk $0xffff, v1  }
0x34: {  	v58 =	vld [tilespmem:s21+$0xFFFFFFE0];
	[tilespmem:v0+s20+$0x10 ss:$0x1] =	vst.idx.msk $0xffff, v3  }
0x35: {  	v59 =	vld [tilespmem:s21+$0xFFFFFFF0];
	[tilespmem:v0+s20+$0x20 ss:$0x1] =	vst.idx.msk $0xffff, v5  }
0x36: {  	s22 =	sshra.s32 s22, $0x2;
	v60 =	vld [tilespmem:s21+$0x0];
	[tilespmem:v0+s20+$0xFFFFFFC0 ss:$0x1] =	vst.idx.msk $0xffff, v2  }
0x37: {  	v61 =	vld [tilespmem:s21+$0x10];
	[tilespmem:v0+s22+$0x30 ss:$0x1] =	vst.idx.msk $0xffff, v4  }
0x38: {  	v62 =	vld [tilespmem:s21+$0x20];
	s19 =	sadd.s32 $0x1, s19;
	[tilespmem:v0+s22+$0xFFFFFFD0 ss:$0x1] =	vst.idx.msk $0xffff, v6  }
0x39: {  	v63 =	vld [tilespmem:s21+$0xFFFFFFC0];
	p0 =	sne.s32 s19, $0x4;
	[tilespmem:v0+s22+$0xFFFFFFE0 ss:$0x1] =	vst.idx.msk $0xffff, v58  }
.Ltmp4:
0x3a: {  	[tilespmem:v0+s22+$0xFFFFFFF0 ss:$0x1] =	vst.idx.msk $0xffff, v59;
	(pc) =	sbr.rel @p0 .LBB1_4-.Ltmp4, $4  }
0x3b: {  	[tilespmem:v0+s22+$0x0 ss:$0x1] =	vst.idx.msk $0xffff, v60  }
0x3c: {  	[tilespmem:v0+s22+$0x10 ss:$0x1] =	vst.idx.msk $0xffff, v61  }
0x3d: {  	[tilespmem:v0+s22+$0x20 ss:$0x1] =	vst.idx.msk $0xffff, v62  }
0x3e: {  	s18 =	sadd.s32 $0x400, s18;
	s17 =	sadd.s32 $0x80, s17;
	[tilespmem:v0+s22+$0xFFFFFFC0 ss:$0x1] =	vst.idx.msk $0xffff, v63  }
0x3f: {  	s16 =	sadd.s32 $0x1, s16  }
0x40: {  	p0 =	sne.s32 s16, $0x4  }
.Ltmp5:
0x41: {  	_ = 	snop;
	(pc) =	sbr.rel @p0 .LBB1_3-.Ltmp5, $2  }
0x42: {  	_ =	sdelay $0x2  }
0x43: {  	s13 =	sadd.s32 $0x1000, s13;
	s14 =	sadd.s32 $0x1000, s14  }
.Ltmp6:
0x44: {  	(pc) =	sbr.rel .LBB1_9-.Ltmp6, $4  }
0x45: {  	_ = 	snop  }
0x46: {  	s12 =	sshll.u32 s12, $0x9  }
0x47: {  	s12 =	sadd.s32 s4, s12  }
0x48: {  	[hbm4b:s12+s8] =	stream.linear.scatter [tilespmem:s15], [sflag:$0x2], $0x4000, $0x38;
	[tilespmem:$0x10000] =	vst v63  }
.LBB1_10:
0x49: {  	_ =	sfence.sel $0x180000  }
0x4a: {  	s2 =	simm.s32 $0x1;
	[bflag:$0x0] =	sbarrier.arrive $0xFFFF  }
0x4b: {  	s31 =	simm.s32 $0x2;
	[sflag:s2] =	ssyncpa.u1 $0x1  }
0x4c: {  	[sflag:s31] =	ssyncpa.u1 $0x1  }
0x4d: {  	p0 =	sne.s32 s0, $0x0;
	_ =	strace $0x9000004A  }
0x4e: {  	s0 =	sadd.s32 @!p0 $0x100000, s1;
	[bflag:$0x2] =	sbarrier.arrive $0xFFFF  }
0x4f: {  	[sflag:s0] =	ssyncadd.tile.s32 @!p0 $0x1;
	_ =	shalt  }
.Lfunc_end1:
_tile_overlayer_lowered:
.L_overlay_start_2:
0x50: {  	(tag) =	ssettag $0x2  }
0x51: {  	s0 =	rddreg [dreg:$0x0];
	s2 =	stileid.u32  }
0x52: {  	s1 =	rddreg [dreg:$0x1];
	p0 =	sne.s32 s2, $0x0  }
0x53: {  	s3 =	rddreg [dreg:$0x2];
	[bflag:$0x3] =	sbarrier.arrive $0xFFFF;
	s2 =	simm.s32 @!p0 $0x1C01  }
0x54: {  	[timem:s3], [sflag:s2] =	dma.local @!p0 [hbm:s0], s1  }
0x55: {  	s0 =	simm.s32 @!p0 $0x1  }
0x56: {  	_ =	swait.ge @!p0 [sflag:s0], s1  }
0x57: {  	s1 =	ssub.s32 @!p0 $0x0, s1;
	[sflag:s0] =	ssyncset.done @!p0 $0x0  }
0x58: {  	[sflag:s0] =	ssyncadd.s32 @!p0 s1  }
0x59: {  	[bflag:$0x3] =	sbarrier.arrive $0xFFFF  }
0x5a: {  	_ =	shalt  }

</sc_bundles>
